<compile_context>
chip_gen: v7x
topology: tpu7x:2x2x1
jax: 0.10.2.dev20260603
libtpu: 0.0.44.dev20260713+nightly
codegen_flags: <defaults>
</compile_context>

<pallas_src>
import functools

import jax
import jax.numpy as jnp
from jax import lax
from jax.experimental import pallas as pl
from jax.experimental.pallas import tpu as pltpu
from jax.experimental.pallas import tpu_sc as plsc

N_NODES = 10000
D_FEAT = 128
N_EDGES = 320000
HIDDEN = 128

NC = 2
NS = 16
NW = NC * NS
LANES = 16

CHUNK = 128
CHUNKS_PER_W = 80
EDGES_PER_W = CHUNK * CHUNKS_PER_W
E_PAD = EDGES_PER_W * NW
ACC_ROWS = 10240
ROWS_PER_SUB = ACC_ROWS // NS
ZCHUNKS = ROWS_PER_SUB // CHUNK
TRASH = N_NODES

_mesh = plsc.VectorSubcoreMesh(core_axis_name="c", subcore_axis_name="s")


def _fill(ref, value):
    rows, cols = ref.shape

    @pl.loop(0, rows)
    def _(i):
        @pl.loop(0, cols, step=LANES)
        def _(j):
            ref[i, pl.ds(j, LANES)] = jnp.full((LANES,), value, jnp.float32)



def _sc_degree(dst_hbm):

    @functools.partial(
        pl.kernel,
        out_type=jax.ShapeDtypeStruct((NC, ACC_ROWS, LANES), jnp.float32),
        mesh=_mesh,
        scratch_types=[
            pltpu.VMEM((CHUNKS_PER_W, CHUNK), jnp.int32),
            pltpu.VMEM((CHUNK, LANES), jnp.float32),
            pltpu.VMEM_SHARED((ACC_ROWS, LANES), jnp.float32),
        ],
    )
    def k(dst_h, out_h, dst_v, const_v, acc):
        c = lax.axis_index("c")
        s = lax.axis_index("s")
        wid = c * NS + s
        base = s * ROWS_PER_SUB

        pltpu.sync_copy(dst_h.at[wid, pl.ds(0, CHUNKS_PER_W)], dst_v)

        _fill(const_v, 0.0)

        @pl.loop(0, ZCHUNKS)
        def _(i):
            pltpu.sync_copy(const_v, acc.at[pl.ds(base + i * CHUNK, CHUNK)])

        _fill(const_v, 1.0)
        plsc.subcore_barrier()

        @pl.loop(0, CHUNKS_PER_W)
        def _(j):
            pltpu.sync_copy(const_v, acc.at[dst_v.at[j]], add=True)

        plsc.subcore_barrier()
        pltpu.sync_copy(acc.at[pl.ds(base, ROWS_PER_SUB)],
                        out_h.at[c, pl.ds(base, ROWS_PER_SUB)])

    return k(dst_hbm)


RB = 8
N_ROUNDS = CHUNKS_PER_W // RB
IDX_CHUNKS = (N_ROUNDS + 2) * RB


def _sc_segment_sum(g, src_hbm, dst_hbm):

    @functools.partial(
        pl.kernel,
        out_type=jax.ShapeDtypeStruct((NC, ACC_ROWS, HIDDEN), jnp.float32),
        mesh=_mesh,
        scratch_types=[pltpu.VMEM((RB, CHUNK), jnp.int32)] * 4
        + [pltpu.VMEM((CHUNK, HIDDEN), jnp.float32)] * 2
        + [pltpu.VMEM_SHARED((ACC_ROWS, HIDDEN), jnp.float32)]
        + [pltpu.SemaphoreType.DMA] * 6,
    )
    def k(g_h, src_h, dst_h, out_h,
          srcA, dstA, srcB, dstB, rows0, rows1, acc,
          gsem0, gsem1, ssem0, ssem1, isemA, isemB):
        rows = (rows0, rows1)
        gsem = (gsem0, gsem1)
        ssem = (ssem0, ssem1)
        c = lax.axis_index("c")
        s = lax.axis_index("s")
        wid = c * NS + s
        base = s * ROWS_PER_SUB

        def fire_idx(r, sv, dv, sem):
            pltpu.async_copy(src_h.at[wid, pl.ds(r * RB, RB)], sv, sem)
            pltpu.async_copy(dst_h.at[wid, pl.ds(r * RB, RB)], dv, sem)

        def wait_idx(sv, dv, sem):
            pltpu.make_async_copy(src_h.at[wid, pl.ds(0, RB)], sv, sem).wait()
            pltpu.make_async_copy(dst_h.at[wid, pl.ds(0, RB)], dv, sem).wait()

        def do_round(sv, dv):
            gc = [None] * RB
            sc = [None] * RB
            gc[0] = pltpu.async_copy(g_h.at[sv.at[0]], rows[0], gsem[0])
            for kk in range(RB):
                b = kk & 1
                nb = 1 - b
                if kk + 1 < RB:
                    if kk >= 1:
                        sc[kk - 1].wait()
                    gc[kk + 1] = pltpu.async_copy(
                        g_h.at[sv.at[kk + 1]], rows[nb], gsem[nb])
                gc[kk].wait()
                sc[kk] = pltpu.async_copy(
                    rows[b], acc.at[dv.at[kk]], ssem[b], add=True)
            sc[RB - 2].wait()
            sc[RB - 1].wait()

        fire_idx(0, srcA, dstA, isemA)
        fire_idx(1, srcB, dstB, isemB)

        _fill(rows0, 0.0)

        @pl.loop(0, ZCHUNKS)
        def _(i):
            pltpu.sync_copy(rows0, acc.at[pl.ds(base + i * CHUNK, CHUNK)])

        plsc.subcore_barrier()

        @pl.loop(0, N_ROUNDS // 2)
        def _(j):
            rA = 2 * j
            wait_idx(srcA, dstA, isemA)
            do_round(srcA, dstA)
            fire_idx(rA + 2, srcA, dstA, isemA)
            wait_idx(srcB, dstB, isemB)
            do_round(srcB, dstB)
            fire_idx(rA + 3, srcB, dstB, isemB)

        wait_idx(srcA, dstA, isemA)
        wait_idx(srcB, dstB, isemB)

        plsc.subcore_barrier()
        pltpu.sync_copy(acc.at[pl.ds(base, ROWS_PER_SUB)],
                        out_h.at[c, pl.ds(base, ROWS_PER_SUB)])

    return k(g, src_hbm, dst_hbm)



_ROWS_BLK = 1000
_GRID = N_NODES // _ROWS_BLK


def _tc_matmul(x, w):
    def body(x_ref, w_ref, o_ref):
        o_ref[...] = jnp.dot(x_ref[...], w_ref[...],
                             preferred_element_type=jnp.float32)

    return pl.pallas_call(
        body,
        grid=(_GRID,),
        in_specs=[
            pl.BlockSpec((_ROWS_BLK, D_FEAT), lambda i: (i, 0)),
            pl.BlockSpec((D_FEAT, HIDDEN), lambda i: (0, 0)),
        ],
        out_specs=pl.BlockSpec((_ROWS_BLK, HIDDEN), lambda i: (i, 0)),
        out_shape=jax.ShapeDtypeStruct((N_NODES, HIDDEN), jnp.float32),
    )(x, w)


def _dinv_from(deg_ref):
    deg = deg_ref[0][:, 0:1] + deg_ref[1][:, 0:1] + 1.0
    return lax.rsqrt(deg)


def _tc_scale(h, deg):
    def body(h_ref, deg_ref, o_ref):
        o_ref[...] = h_ref[...] * _dinv_from(deg_ref)

    return pl.pallas_call(
        body,
        grid=(_GRID,),
        in_specs=[
            pl.BlockSpec((_ROWS_BLK, HIDDEN), lambda i: (i, 0)),
            pl.BlockSpec((NC, _ROWS_BLK, LANES), lambda i: (0, i, 0)),
        ],
        out_specs=pl.BlockSpec((_ROWS_BLK, HIDDEN), lambda i: (i, 0)),
        out_shape=jax.ShapeDtypeStruct((N_NODES, HIDDEN), jnp.float32),
    )(h, deg)


def _tc_combine_matmul(s_parts, g, deg, b, w):
    def body(s_ref, g_ref, deg_ref, b_ref, w_ref, o_ref):
        dinv = _dinv_from(deg_ref)
        out = jnp.maximum(
            dinv * (s_ref[0] + s_ref[1] + g_ref[...]) + b_ref[...], 0.0)
        o_ref[...] = jnp.dot(out, w_ref[...],
                             preferred_element_type=jnp.float32) * dinv

    return pl.pallas_call(
        body,
        grid=(_GRID,),
        in_specs=[
            pl.BlockSpec((NC, _ROWS_BLK, HIDDEN), lambda i: (0, i, 0)),
            pl.BlockSpec((_ROWS_BLK, HIDDEN), lambda i: (i, 0)),
            pl.BlockSpec((NC, _ROWS_BLK, LANES), lambda i: (0, i, 0)),
            pl.BlockSpec((1, HIDDEN), lambda i: (0, 0)),
            pl.BlockSpec((HIDDEN, HIDDEN), lambda i: (0, 0)),
        ],
        out_specs=pl.BlockSpec((_ROWS_BLK, HIDDEN), lambda i: (i, 0)),
        out_shape=jax.ShapeDtypeStruct((N_NODES, HIDDEN), jnp.float32),
    )(s_parts, g, deg, b, w)


def _tc_combine(s_parts, g, deg, b):
    def body(s_ref, g_ref, deg_ref, b_ref, o_ref):
        dinv = _dinv_from(deg_ref)
        o_ref[...] = jnp.maximum(
            dinv * (s_ref[0] + s_ref[1] + g_ref[...]) + b_ref[...], 0.0)

    return pl.pallas_call(
        body,
        grid=(_GRID,),
        in_specs=[
            pl.BlockSpec((NC, _ROWS_BLK, HIDDEN), lambda i: (0, i, 0)),
            pl.BlockSpec((_ROWS_BLK, HIDDEN), lambda i: (i, 0)),
            pl.BlockSpec((NC, _ROWS_BLK, LANES), lambda i: (0, i, 0)),
            pl.BlockSpec((1, HIDDEN), lambda i: (0, 0)),
        ],
        out_specs=pl.BlockSpec((_ROWS_BLK, HIDDEN), lambda i: (i, 0)),
        out_shape=jax.ShapeDtypeStruct((N_NODES, HIDDEN), jnp.float32),
    )(s_parts, g, deg, b)



def kernel(x, edge_index, W1, b1, W2, b2):
    src = edge_index[0].astype(jnp.int32)
    dst = edge_index[1].astype(jnp.int32)

    pad = E_PAD - N_EDGES
    src_p = jnp.concatenate(
        [src, jnp.zeros((pad,), jnp.int32)]).reshape(NW, CHUNKS_PER_W, CHUNK)
    dst_p = jnp.concatenate(
        [dst, jnp.full((pad,), TRASH, jnp.int32)]).reshape(NW, CHUNKS_PER_W, CHUNK)
    dummy = jnp.zeros((NW, IDX_CHUNKS - CHUNKS_PER_W, CHUNK), jnp.int32)
    src_p = jnp.concatenate([src_p, dummy], axis=1)
    dst_p = jnp.concatenate([dst_p, dummy], axis=1)

    b1r = b1.reshape(1, HIDDEN)
    b2r = b2.reshape(1, HIDDEN)

    deg = _sc_degree(dst_p)
    h1 = _tc_matmul(x, W1)

    g1 = _tc_scale(h1, deg)
    s1 = _sc_segment_sum(g1, src_p, dst_p)
    g2 = _tc_combine_matmul(s1, g1, deg, b1r, W2)
    s2 = _sc_segment_sum(g2, src_p, dst_p)
    return _tc_combine(s2, g2, deg, b2r)

# --- scband reference (transcript-rebuilt; emitter-appended) ---
"""Pipeline reference for scband-contact-gnn-22136261444097 (READ-ONLY COPY).

The authoritative reference and input builder live on the scoring server;
editing this copy changes nothing except your own understanding.
"""

import jax, jax.numpy as jnp
import numpy as np

N_NODES = 10000
D_FEAT = 128
N_EDGES = 320000
HIDDEN = 128


def _glorot(key, shape):
    fan_in, fan_out = shape[0], shape[1]
    limit = np.sqrt(6.0 / (fan_in + fan_out))
    return jax.random.uniform(key, shape, dtype=jnp.float32, minval=-limit, maxval=limit)


def setup_inputs(seed: int = 0) -> dict:
    key = jax.random.key(seed)
    k1, k2, k3, k4 = jax.random.split(key, 4)
    x = jax.random.normal(k1, (N_NODES, D_FEAT), dtype=jnp.float32)
    edge_index = jax.random.randint(k2, (2, N_EDGES), 0, N_NODES, dtype=jnp.int64)
    W1 = _glorot(k3, (D_FEAT, HIDDEN))
    b1 = jnp.zeros((HIDDEN,), dtype=jnp.float32)
    W2 = _glorot(k4, (HIDDEN, HIDDEN))
    b2 = jnp.zeros((HIDDEN,), dtype=jnp.float32)
    return {"x": x, "edge_index": edge_index, "W1": W1, "b1": b1, "W2": W2, "b2": b2}


def _gcn_conv(x, src, dst, W, b, num_nodes):
    # GCNConv with self-loops and symmetric normalization (PyG default)
    loop = jnp.arange(num_nodes, dtype=src.dtype)
    src_sl = jnp.concatenate([src, loop])
    dst_sl = jnp.concatenate([dst, loop])
    ones = jnp.ones(src_sl.shape[0], dtype=x.dtype)
    deg = jax.ops.segment_sum(ones, dst_sl, num_segments=num_nodes)
    dinv = jnp.where(deg > 0, deg ** -0.5, 0.0)
    norm = dinv[src_sl] * dinv[dst_sl]
    h = x @ W
    msg = h[src_sl] * norm[:, None]
    out = jax.ops.segment_sum(msg, dst_sl, num_segments=num_nodes)
    return out + b


def reference(x, edge_index, W1, b1, W2, b2):
    # ContactGNN with message_passing='gcn', no encoders,
    # update_hidden_sizes_list=None -> act after each conv (act=inner_act=relu),
    # head_architecture=None -> return node embeddings.
    src = edge_index[0]
    dst = edge_index[1]
    h = _gcn_conv(x, src, dst, W1, b1, N_NODES)
    h = jax.nn.relu(h)
    h = _gcn_conv(h, src, dst, W2, b2, N_NODES)
    h = jax.nn.relu(h)
    return h

if __name__ == "__main__":
    import jax
    _d = setup_inputs()
    print(jax.jit(kernel)(*tuple(_d.values())))

</pallas_src>

<mosaic_0001>
#map = affine_map<(d0, d1) -> (0, 0)>
#map1 = affine_map<(d0, d1) -> (0, 0, 0)>
module attributes {stable_mosaic.version = 14 : i64} {
  func.func @k(%arg0: i32, %arg1: i32, %arg2: memref<10000x128xf32, #tpu.memory_space<hbm>>, %arg3: memref<32x96x128xi32, #tpu.memory_space<hbm>>, %arg4: memref<32x96x128xi32, #tpu.memory_space<hbm>>, %arg5: memref<2x10240x128xf32, #tpu.memory_space<hbm>>, %arg6: memref<8x128xi32, #tpu.memory_space<vmem>>, %arg7: memref<8x128xi32, #tpu.memory_space<vmem>>, %arg8: memref<8x128xi32, #tpu.memory_space<vmem>>, %arg9: memref<8x128xi32, #tpu.memory_space<vmem>>, %arg10: memref<128x128xf32, #tpu.memory_space<vmem>>, %arg11: memref<128x128xf32, #tpu.memory_space<vmem>>, %arg12: memref<10240x128xf32, #tpu.memory_space<vmem_shared>>, %arg13: memref<!tpu.dma_semaphore, #tpu.memory_space<semaphore_mem>>, %arg14: memref<!tpu.dma_semaphore, #tpu.memory_space<semaphore_mem>>, %arg15: memref<!tpu.dma_semaphore, #tpu.memory_space<semaphore_mem>>, %arg16: memref<!tpu.dma_semaphore, #tpu.memory_space<semaphore_mem>>, %arg17: memref<!tpu.dma_semaphore, #tpu.memory_space<semaphore_mem>>, %arg18: memref<!tpu.dma_semaphore, #tpu.memory_space<semaphore_mem>>) attributes {dimension_semantics = [#tpu.dimension_semantics<core_parallel>, #tpu.dimension_semantics<subcore_parallel>], iteration_bounds = array<i64: 2, 16>, scalar_prefetch = 0 : i64, scratch_operands = 13 : i64, tpu.core_type = #tpu.core_type<sc_vector_subcore>, window_params = [{transform_indices = #map}, {transform_indices = #map1}, {transform_indices = #map1}, {transform_indices = #map1}]} {
    %mul3A = arith.constant 16 : i32
    %mul3A_0 = arith.muli %arg0, %mul3A : i32
    %add3A = arith.addi %mul3A_0, %arg1 : i32
    %mul3A_1 = arith.constant 640 : i32
    %mul3A_2 = arith.muli %arg1, %mul3A_1 : i32
    %dma_start3A = arith.constant 0 : i32
    %dma_start3A_3 = arith.constant 0 : i32
    %dma_start3A_4 = tpu.memref_slice %arg3[%add3A, %dma_start3A, %dma_start3A_3] : memref<32x96x128xi32, #tpu.memory_space<hbm>> -> memref<1x8x128xi32, #tpu.memory_space<hbm>>
    %dma_start3A_5 = tpu.memref_squeeze %dma_start3A_4 : memref<1x8x128xi32, #tpu.memory_space<hbm>> -> memref<8x128xi32, #tpu.memory_space<hbm>>
    %dma_start3A_6 = arith.constant 0 : i32
    %dma_start3A_7 = arith.constant 0 : i32
    %dma_start3A_8 = tpu.memref_slice %arg3[%add3A, %dma_start3A_6, %dma_start3A_7] : memref<32x96x128xi32, #tpu.memory_space<hbm>> -> memref<1x8x128xi32, #tpu.memory_space<hbm>>
    %dma_start3A_9 = tpu.memref_squeeze %dma_start3A_8 : memref<1x8x128xi32, #tpu.memory_space<hbm>> -> memref<8x128xi32, #tpu.memory_space<hbm>>
    tpu.enqueue_dma source(%dma_start3A_9 : memref<8x128xi32, #tpu.memory_space<hbm>>) target(%arg6 : memref<8x128xi32, #tpu.memory_space<vmem>>) target_semaphore(%arg17 : memref<!tpu.dma_semaphore, #tpu.memory_space<semaphore_mem>>)
    %dma_start3A_10 = arith.constant 0 : i32
    %dma_start3A_11 = arith.constant 0 : i32
    %dma_start3A_12 = tpu.memref_slice %arg4[%add3A, %dma_start3A_10, %dma_start3A_11] : memref<32x96x128xi32, #tpu.memory_space<hbm>> -> memref<1x8x128xi32, #tpu.memory_space<hbm>>
    %dma_start3A_13 = tpu.memref_squeeze %dma_start3A_12 : memref<1x8x128xi32, #tpu.memory_space<hbm>> -> memref<8x128xi32, #tpu.memory_space<hbm>>
    %dma_start3A_14 = arith.constant 0 : i32
    %dma_start3A_15 = arith.constant 0 : i32
    %dma_start3A_16 = tpu.memref_slice %arg4[%add3A, %dma_start3A_14, %dma_start3A_15] : memref<32x96x128xi32, #tpu.memory_space<hbm>> -> memref<1x8x128xi32, #tpu.memory_space<hbm>>
    %dma_start3A_17 = tpu.memref_squeeze %dma_start3A_16 : memref<1x8x128xi32, #tpu.memory_space<hbm>> -> memref<8x128xi32, #tpu.memory_space<hbm>>
    tpu.enqueue_dma source(%dma_start3A_17 : memref<8x128xi32, #tpu.memory_space<hbm>>) target(%arg7 : memref<8x128xi32, #tpu.memory_space<vmem>>) target_semaphore(%arg17 : memref<!tpu.dma_semaphore, #tpu.memory_space<semaphore_mem>>)
    %dma_start3A_18 = arith.constant 8 : i32
    %dma_start3A_19 = arith.constant 0 : i32
    %dma_start3A_20 = tpu.memref_slice %arg3[%add3A, %dma_start3A_18, %dma_start3A_19] : memref<32x96x128xi32, #tpu.memory_space<hbm>> -> memref<1x8x128xi32, #tpu.memory_space<hbm>>
    %dma_start3A_21 = tpu.memref_squeeze %dma_start3A_20 : memref<1x8x128xi32, #tpu.memory_space<hbm>> -> memref<8x128xi32, #tpu.memory_space<hbm>>
    %dma_start3A_22 = arith.constant 8 : i32
    %dma_start3A_23 = arith.constant 0 : i32
    %dma_start3A_24 = tpu.memref_slice %arg3[%add3A, %dma_start3A_22, %dma_start3A_23] : memref<32x96x128xi32, #tpu.memory_space<hbm>> -> memref<1x8x128xi32, #tpu.memory_space<hbm>>
    %dma_start3A_25 = tpu.memref_squeeze %dma_start3A_24 : memref<1x8x128xi32, #tpu.memory_space<hbm>> -> memref<8x128xi32, #tpu.memory_space<hbm>>
    tpu.enqueue_dma source(%dma_start3A_25 : memref<8x128xi32, #tpu.memory_space<hbm>>) target(%arg8 : memref<8x128xi32, #tpu.memory_space<vmem>>) target_semaphore(%arg18 : memref<!tpu.dma_semaphore, #tpu.memory_space<semaphore_mem>>)
    %dma_start3A_26 = arith.constant 8 : i32
    %dma_start3A_27 = arith.constant 0 : i32
    %dma_start3A_28 = tpu.memref_slice %arg4[%add3A, %dma_start3A_26, %dma_start3A_27] : memref<32x96x128xi32, #tpu.memory_space<hbm>> -> memref<1x8x128xi32, #tpu.memory_space<hbm>>
    %dma_start3A_29 = tpu.memref_squeeze %dma_start3A_28 : memref<1x8x128xi32, #tpu.memory_space<hbm>> -> memref<8x128xi32, #tpu.memory_space<hbm>>
    %dma_start3A_30 = arith.constant 8 : i32
    %dma_start3A_31 = arith.constant 0 : i32
    %dma_start3A_32 = tpu.memref_slice %arg4[%add3A, %dma_start3A_30, %dma_start3A_31] : memref<32x96x128xi32, #tpu.memory_space<hbm>> -> memref<1x8x128xi32, #tpu.memory_space<hbm>>
    %dma_start3A_33 = tpu.memref_squeeze %dma_start3A_32 : memref<1x8x128xi32, #tpu.memory_space<hbm>> -> memref<8x128xi32, #tpu.memory_space<hbm>>
    tpu.enqueue_dma source(%dma_start3A_33 : memref<8x128xi32, #tpu.memory_space<hbm>>) target(%arg9 : memref<8x128xi32, #tpu.memory_space<vmem>>) target_semaphore(%arg18 : memref<!tpu.dma_semaphore, #tpu.memory_space<semaphore_mem>>)
    %scan3A = arith.constant 0 : i32
    %scan3A_34 = arith.constant 128 : i32
    %scan3A_35 = arith.addi %scan3A, %scan3A_34 : i32
    %scan3A_36 = arith.constant 1 : i32
    scf.for %scan3A_80 = %scan3A to %scan3A_35 step %scan3A_36  : i32 {
      %mul3A_81 = arith.constant 1 : i32
      %mul3A_82 = arith.muli %scan3A_80, %mul3A_81 : i32
      %add3A_83 = arith.constant 0 : i32
      %add3A_84 = arith.addi %add3A_83, %mul3A_82 : i32
      %scan3A_85 = arith.constant 0 : i32
      %scan3A_86 = arith.constant 8 : i32
      %scan3A_87 = arith.addi %scan3A_85, %scan3A_86 : i32
      %scan3A_88 = arith.constant 1 : i32
      scf.for %scan3A_90 = %scan3A_85 to %scan3A_87 step %scan3A_88  : i32 {
        %mul3A_91 = arith.constant 16 : i32
        %mul3A_92 = arith.muli %scan3A_90, %mul3A_91 : i32
        %add3A_93 = arith.constant 0 : i32
        %add3A_94 = arith.addi %add3A_93, %mul3A_92 : i32
        %broadcast_in_dim3A = arith.constant 0.000000e+00 : f32
        %broadcast_in_dim3A_95 = vector.broadcast %broadcast_in_dim3A : f32 to vector<16xf32>
        %swap3A = arith.index_cast %add3A_84 : i32 to index
        %swap3A_96 = arith.index_cast %add3A_94 : i32 to index
        %swap3A_97 = tpu.vector_load %arg10[%swap3A, %swap3A_96] {strides = array<i32>} : memref<128x128xf32, #tpu.memory_space<vmem>>, vector<1x16xf32>,
        %swap3A_98 = vector.shape_cast %swap3A_97 : vector<1x16xf32> to vector<16xf32>
        %swap3A_99 = vector.shape_cast %broadcast_in_dim3A_95 : vector<16xf32> to vector<1x16xf32>
        tpu.vector_store %arg10[%swap3A, %swap3A_96], %swap3A_99 {strides = array<i32>} : memref<128x128xf32, #tpu.memory_space<vmem>>, vector<1x16xf32>,
      }
      %scan3A_89 = arith.constant 8 : i32
    }
    %scan3A_37 = arith.constant 128 : i32
    %scan3A_38 = arith.constant 0 : i32
    %scan3A_39 = arith.constant 5 : i32
    %scan3A_40 = arith.addi %scan3A_38, %scan3A_39 : i32
    %scan3A_41 = arith.constant 1 : i32
    scf.for %scan3A_80 = %scan3A_38 to %scan3A_40 step %scan3A_41  : i32 {
      %mul3A_81 = arith.constant 1 : i32
      %mul3A_82 = arith.muli %scan3A_80, %mul3A_81 : i32
      %add3A_83 = arith.constant 0 : i32
      %add3A_84 = arith.addi %add3A_83, %mul3A_82 : i32
      %mul3A_85 = arith.constant 128 : i32
      %mul3A_86 = arith.muli %add3A_84, %mul3A_85 : i32
      %add3A_87 = arith.addi %mul3A_2, %mul3A_86 : i32
      "tpu.region"() ({
        %run_scoped3A = tpu.sem_alloc : memref<!tpu.dma_semaphore, #tpu.memory_space<semaphore_mem>>
        %dma_start3A_88 = arith.constant 0 : i32
        %dma_start3A_89 = tpu.memref_slice %arg12[%add3A_87, %dma_start3A_88] : memref<10240x128xf32, #tpu.memory_space<vmem_shared>> -> memref<128x128xf32, #tpu.memory_space<vmem_shared>>
        %dma_start3A_90 = arith.constant 0 : i32
        %dma_start3A_91 = tpu.memref_slice %arg12[%add3A_87, %dma_start3A_90] : memref<10240x128xf32, #tpu.memory_space<vmem_shared>> -> memref<128x128xf32, #tpu.memory_space<vmem_shared>>
        tpu.enqueue_dma source(%arg10 : memref<128x128xf32, #tpu.memory_space<vmem>>) target(%dma_start3A_91 : memref<128x128xf32, #tpu.memory_space<vmem_shared>>) target_semaphore(%run_scoped3A : memref<!tpu.dma_semaphore, #tpu.memory_space<semaphore_mem>>)
        %dma_wait3A_92 = arith.constant 0 : i32
        %dma_wait3A_93 = tpu.memref_slice %arg12[%add3A_87, %dma_wait3A_92] : memref<10240x128xf32, #tpu.memory_space<vmem_shared>> -> memref<128x128xf32, #tpu.memory_space<vmem_shared>>
        %dma_wait3A_94 = arith.constant 0 : i32
        %dma_wait3A_95 = tpu.memref_slice %arg12[%add3A_87, %dma_wait3A_94] : memref<10240x128xf32, #tpu.memory_space<vmem_shared>> -> memref<128x128xf32, #tpu.memory_space<vmem_shared>>
        tpu.wait_dma2 semaphore(%run_scoped3A : memref<!tpu.dma_semaphore, #tpu.memory_space<semaphore_mem>>) src(%arg10 : memref<128x128xf32, #tpu.memory_space<vmem>>) dst(%dma_wait3A_95 : memref<128x128xf32, #tpu.memory_space<vmem_shared>>)
        tpu.yield
      }) : () -> ()
    }
    %scan3A_42 = arith.constant 5 : i32
    %barrier3A = arith.constant 0 : index
    tpu.barrier barrier_id(%barrier3A)
    %scan3A_43 = arith.constant 0 : i32
    %scan3A_44 = arith.constant 5 : i32
    %scan3A_45 = arith.addi %scan3A_43, %scan3A_44 : i32
    %scan3A_46 = arith.constant 1 : i32
    scf.for %scan3A_80 = %scan3A_43 to %scan3A_45 step %scan3A_46  : i32 {
      %mul3A_81 = arith.constant 1 : i32
      %mul3A_82 = arith.muli %scan3A_80, %mul3A_81 : i32
      %add3A_83 = arith.constant 0 : i32
      %add3A_84 = arith.addi %add3A_83, %mul3A_82 : i32
      %mul3A_85 = arith.constant 2 : i32
      %mul3A_86 = arith.muli %mul3A_85, %add3A_84 : i32
      %dma_wait3A_87 = arith.constant 0 : i32
      %dma_wait3A_88 = arith.constant 0 : i32
      %dma_wait3A_89 = tpu.memref_slice %arg3[%add3A, %dma_wait3A_87, %dma_wait3A_88] : memref<32x96x128xi32, #tpu.memory_space<hbm>> -> memref<1x8x128xi32, #tpu.memory_space<hbm>>
      %dma_wait3A_90 = tpu.memref_squeeze %dma_wait3A_89 : memref<1x8x128xi32, #tpu.memory_space<hbm>> -> memref<8x128xi32, #tpu.memory_space<hbm>>
      %dma_wait3A_91 = arith.constant 0 : i32
      %dma_wait3A_92 = arith.constant 0 : i32
      %dma_wait3A_93 = tpu.memref_slice %arg3[%add3A, %dma_wait3A_91, %dma_wait3A_92] : memref<32x96x128xi32, #tpu.memory_space<hbm>> -> memref<1x8x128xi32, #tpu.memory_space<hbm>>
      %dma_wait3A_94 = tpu.memref_squeeze %dma_wait3A_93 : memref<1x8x128xi32, #tpu.memory_space<hbm>> -> memref<8x128xi32, #tpu.memory_space<hbm>>
      tpu.wait_dma2 semaphore(%arg17 : memref<!tpu.dma_semaphore, #tpu.memory_space<semaphore_mem>>) src(%dma_wait3A_94 : memref<8x128xi32, #tpu.memory_space<hbm>>) dst(%arg6 : memref<8x128xi32, #tpu.memory_space<vmem>>)
      %dma_wait3A_95 = arith.constant 0 : i32
      %dma_wait3A_96 = arith.constant 0 : i32
      %dma_wait3A_97 = tpu.memref_slice %arg4[%add3A, %dma_wait3A_95, %dma_wait3A_96] : memref<32x96x128xi32, #tpu.memory_space<hbm>> -> memref<1x8x128xi32, #tpu.memory_space<hbm>>
      %dma_wait3A_98 = tpu.memref_squeeze %dma_wait3A_97 : memref<1x8x128xi32, #tpu.memory_space<hbm>> -> memref<8x128xi32, #tpu.memory_space<hbm>>
      %dma_wait3A_99 = arith.constant 0 : i32
      %dma_wait3A_100 = arith.constant 0 : i32
      %dma_wait3A_101 = tpu.memref_slice %arg4[%add3A, %dma_wait3A_99, %dma_wait3A_100] : memref<32x96x128xi32, #tpu.memory_space<hbm>> -> memref<1x8x128xi32, #tpu.memory_space<hbm>>
      %dma_wait3A_102 = tpu.memref_squeeze %dma_wait3A_101 : memref<1x8x128xi32, #tpu.memory_space<hbm>> -> memref<8x128xi32, #tpu.memory_space<hbm>>
      tpu.wait_dma2 semaphore(%arg17 : memref<!tpu.dma_semaphore, #tpu.memory_space<semaphore_mem>>) src(%dma_wait3A_102 : memref<8x128xi32, #tpu.memory_space<hbm>>) dst(%arg7 : memref<8x128xi32, #tpu.memory_space<vmem>>)
      %dma_start3A_103 = arith.constant 0 : i32
      %dma_start3A_104 = arith.constant 0 : i32
      %dma_start3A_105 = tpu.memref_slice %arg6[%dma_start3A_103, %dma_start3A_104] : memref<8x128xi32, #tpu.memory_space<vmem>> -> memref<1x128xi32, #tpu.memory_space<vmem>>
      %dma_start3A_106 = tpu.memref_squeeze %dma_start3A_105 : memref<1x128xi32, #tpu.memory_space<vmem>> -> memref<128xi32, #tpu.memory_space<vmem>>
      %dma_start3A_107 = arith.constant 0 : i32
      %dma_start3A_108 = arith.constant 0 : i32
      %dma_start3A_109 = tpu.memref_slice %arg2[%dma_start3A_107, %dma_start3A_108] : memref<10000x128xf32, #tpu.memory_space<hbm>> -> memref<10000x128xf32, #tpu.memory_space<hbm>>
      tpu.enqueue_indirect_dma source(%dma_start3A_109 : memref<10000x128xf32, #tpu.memory_space<hbm>>) target(%arg10 : memref<128x128xf32, #tpu.memory_space<vmem>>) offsets(%dma_start3A_106 : memref<128xi32, #tpu.memory_space<vmem>>) semaphore(%arg13 : memref<!tpu.dma_semaphore, #tpu.memory_space<semaphore_mem>>)
      %dma_start3A_110 = arith.constant 1 : i32
      %dma_start3A_111 = arith.constant 0 : i32
      %dma_start3A_112 = tpu.memref_slice %arg6[%dma_start3A_110, %dma_start3A_111] : memref<8x128xi32, #tpu.memory_space<vmem>> -> memref<1x128xi32, #tpu.memory_space<vmem>>
      %dma_start3A_113 = tpu.memref_squeeze %dma_start3A_112 : memref<1x128xi32, #tpu.memory_space<vmem>> -> memref<128xi32, #tpu.memory_space<vmem>>
      %dma_start3A_114 = arith.constant 0 : i32
      %dma_start3A_115 = arith.constant 0 : i32
      %dma_start3A_116 = tpu.memref_slice %arg2[%dma_start3A_114, %dma_start3A_115] : memref<10000x128xf32, #tpu.memory_space<hbm>> -> memref<10000x128xf32, #tpu.memory_space<hbm>>
      tpu.enqueue_indirect_dma source(%dma_start3A_116 : memref<10000x128xf32, #tpu.memory_space<hbm>>) target(%arg11 : memref<128x128xf32, #tpu.memory_space<vmem>>) offsets(%dma_start3A_113 : memref<128xi32, #tpu.memory_space<vmem>>) semaphore(%arg14 : memref<!tpu.dma_semaphore, #tpu.memory_space<semaphore_mem>>)
      %dma_wait3A_117 = arith.constant 0 : i32
      %dma_wait3A_118 = arith.constant 0 : i32
      %dma_wait3A_119 = tpu.memref_slice %arg6[%dma_wait3A_117, %dma_wait3A_118] : memref<8x128xi32, #tpu.memory_space<vmem>> -> memref<1x128xi32, #tpu.memory_space<vmem>>
      %dma_wait3A_120 = tpu.memref_squeeze %dma_wait3A_119 : memref<1x128xi32, #tpu.memory_space<vmem>> -> memref<128xi32, #tpu.memory_space<vmem>>
      %dma_wait3A_121 = arith.constant 0 : i32
      %dma_wait3A_122 = arith.constant 0 : i32
      %dma_wait3A_123 = tpu.memref_slice %arg2[%dma_wait3A_121, %dma_wait3A_122] : memref<10000x128xf32, #tpu.memory_space<hbm>> -> memref<10000x128xf32, #tpu.memory_space<hbm>>
      tpu.wait_indirect_dma semaphore(%arg13 : memref<!tpu.dma_semaphore, #tpu.memory_space<semaphore_mem>>) src(%dma_wait3A_123 : memref<10000x128xf32, #tpu.memory_space<hbm>>) dst(%arg10 : memref<128x128xf32, #tpu.memory_space<vmem>>)
      %dma_start3A_124 = arith.constant 0 : i32
      %dma_start3A_125 = arith.constant 0 : i32
      %dma_start3A_126 = tpu.memref_slice %arg7[%dma_start3A_124, %dma_start3A_125] : memref<8x128xi32, #tpu.memory_space<vmem>> -> memref<1x128xi32, #tpu.memory_space<vmem>>
      %dma_start3A_127 = tpu.memref_squeeze %dma_start3A_126 : memref<1x128xi32, #tpu.memory_space<vmem>> -> memref<128xi32, #tpu.memory_space<vmem>>
      %dma_start3A_128 = arith.constant 0 : i32
      %dma_start3A_129 = arith.constant 0 : i32
      %dma_start3A_130 = tpu.memref_slice %arg12[%dma_start3A_128, %dma_start3A_129] : memref<10240x128xf32, #tpu.memory_space<vmem_shared>> -> memref<10240x128xf32, #tpu.memory_space<vmem_shared>>
      tpu.enqueue_indirect_dma source(%arg10 : memref<128x128xf32, #tpu.memory_space<vmem>>) target(%dma_start3A_130 : memref<10240x128xf32, #tpu.memory_space<vmem_shared>>) offsets(%dma_start3A_127 : memref<128xi32, #tpu.memory_space<vmem>>) semaphore(%arg15 : memref<!tpu.dma_semaphore, #tpu.memory_space<semaphore_mem>>) {add = true}
      %dma_wait3A_131 = arith.constant 0 : i32
      %dma_wait3A_132 = arith.constant 0 : i32
      %dma_wait3A_133 = tpu.memref_slice %arg7[%dma_wait3A_131, %dma_wait3A_132] : memref<8x128xi32, #tpu.memory_space<vmem>> -> memref<1x128xi32, #tpu.memory_space<vmem>>
      %dma_wait3A_134 = tpu.memref_squeeze %dma_wait3A_133 : memref<1x128xi32, #tpu.memory_space<vmem>> -> memref<128xi32, #tpu.memory_space<vmem>>
      %dma_wait3A_135 = arith.constant 0 : i32
      %dma_wait3A_136 = arith.constant 0 : i32
      %dma_wait3A_137 = tpu.memref_slice %arg12[%dma_wait3A_135, %dma_wait3A_136] : memref<10240x128xf32, #tpu.memory_space<vmem_shared>> -> memref<10240x128xf32, #tpu.memory_space<vmem_shared>>
      tpu.wait_indirect_dma semaphore(%arg15 : memref<!tpu.dma_semaphore, #tpu.memory_space<semaphore_mem>>) src(%arg10 : memref<128x128xf32, #tpu.memory_space<vmem>>) dst(%dma_wait3A_137 : memref<10240x128xf32, #tpu.memory_space<vmem_shared>>)
      %dma_start3A_138 = arith.constant 2 : i32
      %dma_start3A_139 = arith.constant 0 : i32
      %dma_start3A_140 = tpu.memref_slice %arg6[%dma_start3A_138, %dma_start3A_139] : memref<8x128xi32, #tpu.memory_space<vmem>> -> memref<1x128xi32, #tpu.memory_space<vmem>>
      %dma_start3A_141 = tpu.memref_squeeze %dma_start3A_140 : memref<1x128xi32, #tpu.memory_space<vmem>> -> memref<128xi32, #tpu.memory_space<vmem>>
      %dma_start3A_142 = arith.constant 0 : i32
      %dma_start3A_143 = arith.constant 0 : i32
      %dma_start3A_144 = tpu.memref_slice %arg2[%dma_start3A_142, %dma_start3A_143] : memref<10000x128xf32, #tpu.memory_space<hbm>> -> memref<10000x128xf32, #tpu.memory_space<hbm>>
      tpu.enqueue_indirect_dma source(%dma_start3A_144 : memref<10000x128xf32, #tpu.memory_space<hbm>>) target(%arg10 : memref<128x128xf32, #tpu.memory_space<vmem>>) offsets(%dma_start3A_141 : memref<128xi32, #tpu.memory_space<vmem>>) semaphore(%arg13 : memref<!tpu.dma_semaphore, #tpu.memory_space<semaphore_mem>>)
      %dma_wait3A_145 = arith.constant 1 : i32
      %dma_wait3A_146 = arith.constant 0 : i32
      %dma_wait3A_147 = tpu.memref_slice %arg6[%dma_wait3A_145, %dma_wait3A_146] : memref<8x128xi32, #tpu.memory_space<vmem>> -> memref<1x128xi32, #tpu.memory_space<vmem>>
      %dma_wait3A_148 = tpu.memref_squeeze %dma_wait3A_147 : memref<1x128xi32, #tpu.memory_space<vmem>> -> memref<128xi32, #tpu.memory_space<vmem>>
      %dma_wait3A_149 = arith.constant 0 : i32
      %dma_wait3A_150 = arith.constant 0 : i32
      %dma_wait3A_151 = tpu.memref_slice %arg2[%dma_wait3A_149, %dma_wait3A_150] : memref<10000x128xf32, #tpu.memory_space<hbm>> -> memref<10000x128xf32, #tpu.memory_space<hbm>>
      tpu.wait_indirect_dma semaphore(%arg14 : memref<!tpu.dma_semaphore, #tpu.memory_space<semaphore_mem>>) src(%dma_wait3A_151 : memref<10000x128xf32, #tpu.memory_space<hbm>>) dst(%arg11 : memref<128x128xf32, #tpu.memory_space<vmem>>)
      %dma_start3A_152 = arith.constant 1 : i32
      %dma_start3A_153 = arith.constant 0 : i32
      %dma_start3A_154 = tpu.memref_slice %arg7[%dma_start3A_152, %dma_start3A_153] : memref<8x128xi32, #tpu.memory_space<vmem>> -> memref<1x128xi32, #tpu.memory_space<vmem>>
      %dma_start3A_155 = tpu.memref_squeeze %dma_start3A_154 : memref<1x128xi32, #tpu.memory_space<vmem>> -> memref<128xi32, #tpu.memory_space<vmem>>
      %dma_start3A_156 = arith.constant 0 : i32
      %dma_start3A_157 = arith.constant 0 : i32
      %dma_start3A_158 = tpu.memref_slice %arg12[%dma_start3A_156, %dma_start3A_157] : memref<10240x128xf32, #tpu.memory_space<vmem_shared>> -> memref<10240x128xf32, #tpu.memory_space<vmem_shared>>
      tpu.enqueue_indirect_dma source(%arg11 : memref<128x128xf32, #tpu.memory_space<vmem>>) target(%dma_start3A_158 : memref<10240x128xf32, #tpu.memory_space<vmem_shared>>) offsets(%dma_start3A_155 : memref<128xi32, #tpu.memory_space<vmem>>) semaphore(%arg16 : memref<!tpu.dma_semaphore, #tpu.memory_space<semaphore_mem>>) {add = true}
      %dma_wait3A_159 = arith.constant 1 : i32
      %dma_wait3A_160 = arith.constant 0 : i32
      %dma_wait3A_161 = tpu.memref_slice %arg7[%dma_wait3A_159, %dma_wait3A_160] : memref<8x128xi32, #tpu.memory_space<vmem>> -> memref<1x128xi32, #tpu.memory_space<vmem>>
      %dma_wait3A_162 = tpu.memref_squeeze %dma_wait3A_161 : memref<1x128xi32, #tpu.memory_space<vmem>> -> memref<128xi32, #tpu.memory_space<vmem>>
      %dma_wait3A_163 = arith.constant 0 : i32
      %dma_wait3A_164 = arith.constant 0 : i32
      %dma_wait3A_165 = tpu.memref_slice %arg12[%dma_wait3A_163, %dma_wait3A_164] : memref<10240x128xf32, #tpu.memory_space<vmem_shared>> -> memref<10240x128xf32, #tpu.memory_space<vmem_shared>>
      tpu.wait_indirect_dma semaphore(%arg16 : memref<!tpu.dma_semaphore, #tpu.memory_space<semaphore_mem>>) src(%arg11 : memref<128x128xf32, #tpu.memory_space<vmem>>) dst(%dma_wait3A_165 : memref<10240x128xf32, #tpu.memory_space<vmem_shared>>)
      %dma_start3A_166 = arith.constant 3 : i32
      %dma_start3A_167 = arith.constant 0 : i32
      %dma_start3A_168 = tpu.memref_slice %arg6[%dma_start3A_166, %dma_start3A_167] : memref<8x128xi32, #tpu.memory_space<vmem>> -> memref<1x128xi32, #tpu.memory_space<vmem>>
      %dma_start3A_169 = tpu.memref_squeeze %dma_start3A_168 : memref<1x128xi32, #tpu.memory_space<vmem>> -> memref<128xi32, #tpu.memory_space<vmem>>
      %dma_start3A_170 = arith.constant 0 : i32
      %dma_start3A_171 = arith.constant 0 : i32
      %dma_start3A_172 = tpu.memref_slice %arg2[%dma_start3A_170, %dma_start3A_171] : memref<10000x128xf32, #tpu.memory_space<hbm>> -> memref<10000x128xf32, #tpu.memory_space<hbm>>
      tpu.enqueue_indirect_dma source(%dma_start3A_172 : memref<10000x128xf32, #tpu.memory_space<hbm>>) target(%arg11 : memref<128x128xf32, #tpu.memory_space<vmem>>) offsets(%dma_start3A_169 : memref<128xi32, #tpu.memory_space<vmem>>) semaphore(%arg14 : memref<!tpu.dma_semaphore, #tpu.memory_space<semaphore_mem>>)
      %dma_wait3A_173 = arith.constant 2 : i32
      %dma_wait3A_174 = arith.constant 0 : i32
      %dma_wait3A_175 = tpu.memref_slice %arg6[%dma_wait3A_173, %dma_wait3A_174] : memref<8x128xi32, #tpu.memory_space<vmem>> -> memref<1x128xi32, #tpu.memory_space<vmem>>
      %dma_wait3A_176 = tpu.memref_squeeze %dma_wait3A_175 : memref<1x128xi32, #tpu.memory_space<vmem>> -> memref<128xi32, #tpu.memory_space<vmem>>
      %dma_wait3A_177 = arith.constant 0 : i32
      %dma_wait3A_178 = arith.constant 0 : i32
      %dma_wait3A_179 = tpu.memref_slice %arg2[%dma_wait3A_177, %dma_wait3A_178] : memref<10000x128xf32, #tpu.memory_space<hbm>> -> memref<10000x128xf32, #tpu.memory_space<hbm>>
      tpu.wait_indirect_dma semaphore(%arg13 : memref<!tpu.dma_semaphore, #tpu.memory_space<semaphore_mem>>) src(%dma_wait3A_179 : memref<10000x128xf32, #tpu.memory_space<hbm>>) dst(%arg10 : memref<128x128xf32, #tpu.memory_space<vmem>>)
      %dma_start3A_180 = arith.constant 2 : i32
      %dma_start3A_181 = arith.constant 0 : i32
      %dma_start3A_182 = tpu.memref_slice %arg7[%dma_start3A_180, %dma_start3A_181] : memref<8x128xi32, #tpu.memory_space<vmem>> -> memref<1x128xi32, #tpu.memory_space<vmem>>
      %dma_start3A_183 = tpu.memref_squeeze %dma_start3A_182 : memref<1x128xi32, #tpu.memory_space<vmem>> -> memref<128xi32, #tpu.memory_space<vmem>>
      %dma_start3A_184 = arith.constant 0 : i32
      %dma_start3A_185 = arith.constant 0 : i32
      %dma_start3A_186 = tpu.memref_slice %arg12[%dma_start3A_184, %dma_start3A_185] : memref<10240x128xf32, #tpu.memory_space<vmem_shared>> -> memref<10240x128xf32, #tpu.memory_space<vmem_shared>>
      tpu.enqueue_indirect_dma source(%arg10 : memref<128x128xf32, #tpu.memory_space<vmem>>) target(%dma_start3A_186 : memref<10240x128xf32, #tpu.memory_space<vmem_shared>>) offsets(%dma_start3A_183 : memref<128xi32, #tpu.memory_space<vmem>>) semaphore(%arg15 : memref<!tpu.dma_semaphore, #tpu.memory_space<semaphore_mem>>) {add = true}
      %dma_wait3A_187 = arith.constant 2 : i32
      %dma_wait3A_188 = arith.constant 0 : i32
      %dma_wait3A_189 = tpu.memref_slice %arg7[%dma_wait3A_187, %dma_wait3A_188] : memref<8x128xi32, #tpu.memory_space<vmem>> -> memref<1x128xi32, #tpu.memory_space<vmem>>
      %dma_wait3A_190 = tpu.memref_squeeze %dma_wait3A_189 : memref<1x128xi32, #tpu.memory_space<vmem>> -> memref<128xi32, #tpu.memory_space<vmem>>
      %dma_wait3A_191 = arith.constant 0 : i32
      %dma_wait3A_192 = arith.constant 0 : i32
      %dma_wait3A_193 = tpu.memref_slice %arg12[%dma_wait3A_191, %dma_wait3A_192] : memref<10240x128xf32, #tpu.memory_space<vmem_shared>> -> memref<10240x128xf32, #tpu.memory_space<vmem_shared>>
      tpu.wait_indirect_dma semaphore(%arg15 : memref<!tpu.dma_semaphore, #tpu.memory_space<semaphore_mem>>) src(%arg10 : memref<128x128xf32, #tpu.memory_space<vmem>>) dst(%dma_wait3A_193 : memref<10240x128xf32, #tpu.memory_space<vmem_shared>>)
      %dma_start3A_194 = arith.constant 4 : i32
      %dma_start3A_195 = arith.constant 0 : i32
      %dma_start3A_196 = tpu.memref_slice %arg6[%dma_start3A_194, %dma_start3A_195] : memref<8x128xi32, #tpu.memory_space<vmem>> -> memref<1x128xi32, #tpu.memory_space<vmem>>
      %dma_start3A_197 = tpu.memref_squeeze %dma_start3A_196 : memref<1x128xi32, #tpu.memory_space<vmem>> -> memref<128xi32, #tpu.memory_space<vmem>>
      %dma_start3A_198 = arith.constant 0 : i32
      %dma_start3A_199 = arith.constant 0 : i32
      %dma_start3A_200 = tpu.memref_slice %arg2[%dma_start3A_198, %dma_start3A_199] : memref<10000x128xf32, #tpu.memory_space<hbm>> -> memref<10000x128xf32, #tpu.memory_space<hbm>>
      tpu.enqueue_indirect_dma source(%dma_start3A_200 : memref<10000x128xf32, #tpu.memory_space<hbm>>) target(%arg10 : memref<128x128xf32, #tpu.memory_space<vmem>>) offsets(%dma_start3A_197 : memref<128xi32, #tpu.memory_space<vmem>>) semaphore(%arg13 : memref<!tpu.dma_semaphore, #tpu.memory_space<semaphore_mem>>)
      %dma_wait3A_201 = arith.constant 3 : i32
      %dma_wait3A_202 = arith.constant 0 : i32
      %dma_wait3A_203 = tpu.memref_slice %arg6[%dma_wait3A_201, %dma_wait3A_202] : memref<8x128xi32, #tpu.memory_space<vmem>> -> memref<1x128xi32, #tpu.memory_space<vmem>>
      %dma_wait3A_204 = tpu.memref_squeeze %dma_wait3A_203 : memref<1x128xi32, #tpu.memory_space<vmem>> -> memref<128xi32, #tpu.memory_space<vmem>>
      %dma_wait3A_205 = arith.constant 0 : i32
      %dma_wait3A_206 = arith.constant 0 : i32
      %dma_wait3A_207 = tpu.memref_slice %arg2[%dma_wait3A_205, %dma_wait3A_206] : memref<10000x128xf32, #tpu.memory_space<hbm>> -> memref<10000x128xf32, #tpu.memory_space<hbm>>
      tpu.wait_indirect_dma semaphore(%arg14 : memref<!tpu.dma_semaphore, #tpu.memory_space<semaphore_mem>>) src(%dma_wait3A_207 : memref<10000x128xf32, #tpu.memory_space<hbm>>) dst(%arg11 : memref<128x128xf32, #tpu.memory_space<vmem>>)
      %dma_start3A_208 = arith.constant 3 : i32
      %dma_start3A_209 = arith.constant 0 : i32
      %dma_start3A_210 = tpu.memref_slice %arg7[%dma_start3A_208, %dma_start3A_209] : memref<8x128xi32, #tpu.memory_space<vmem>> -> memref<1x128xi32, #tpu.memory_space<vmem>>
      %dma_start3A_211 = tpu.memref_squeeze %dma_start3A_210 : memref<1x128xi32, #tpu.memory_space<vmem>> -> memref<128xi32, #tpu.memory_space<vmem>>
      %dma_start3A_212 = arith.constant 0 : i32
      %dma_start3A_213 = arith.constant 0 : i32
      %dma_start3A_214 = tpu.memref_slice %arg12[%dma_start3A_212, %dma_start3A_213] : memref<10240x128xf32, #tpu.memory_space<vmem_shared>> -> memref<10240x128xf32, #tpu.memory_space<vmem_shared>>
      tpu.enqueue_indirect_dma source(%arg11 : memref<128x128xf32, #tpu.memory_space<vmem>>) target(%dma_start3A_214 : memref<10240x128xf32, #tpu.memory_space<vmem_shared>>) offsets(%dma_start3A_211 : memref<128xi32, #tpu.memory_space<vmem>>) semaphore(%arg16 : memref<!tpu.dma_semaphore, #tpu.memory_space<semaphore_mem>>) {add = true}
      %dma_wait3A_215 = arith.constant 3 : i32
      %dma_wait3A_216 = arith.constant 0 : i32
      %dma_wait3A_217 = tpu.memref_slice %arg7[%dma_wait3A_215, %dma_wait3A_216] : memref<8x128xi32, #tpu.memory_space<vmem>> -> memref<1x128xi32, #tpu.memory_space<vmem>>
      %dma_wait3A_218 = tpu.memref_squeeze %dma_wait3A_217 : memref<1x128xi32, #tpu.memory_space<vmem>> -> memref<128xi32, #tpu.memory_space<vmem>>
      %dma_wait3A_219 = arith.constant 0 : i32
      %dma_wait3A_220 = arith.constant 0 : i32
      %dma_wait3A_221 = tpu.memref_slice %arg12[%dma_wait3A_219, %dma_wait3A_220] : memref<10240x128xf32, #tpu.memory_space<vmem_shared>> -> memref<10240x128xf32, #tpu.memory_space<vmem_shared>>
      tpu.wait_indirect_dma semaphore(%arg16 : memref<!tpu.dma_semaphore, #tpu.memory_space<semaphore_mem>>) src(%arg11 : memref<128x128xf32, #tpu.memory_space<vmem>>) dst(%dma_wait3A_221 : memref<10240x128xf32, #tpu.memory_space<vmem_shared>>)
      %dma_start3A_222 = arith.constant 5 : i32
      %dma_start3A_223 = arith.constant 0 : i32
      %dma_start3A_224 = tpu.memref_slice %arg6[%dma_start3A_222, %dma_start3A_223] : memref<8x128xi32, #tpu.memory_space<vmem>> -> memref<1x128xi32, #tpu.memory_space<vmem>>
      %dma_start3A_225 = tpu.memref_squeeze %dma_start3A_224 : memref<1x128xi32, #tpu.memory_space<vmem>> -> memref<128xi32, #tpu.memory_space<vmem>>
      %dma_start3A_226 = arith.constant 0 : i32
      %dma_start3A_227 = arith.constant 0 : i32
      %dma_start3A_228 = tpu.memref_slice %arg2[%dma_start3A_226, %dma_start3A_227] : memref<10000x128xf32, #tpu.memory_space<hbm>> -> memref<10000x128xf32, #tpu.memory_space<hbm>>
      tpu.enqueue_indirect_dma source(%dma_start3A_228 : memref<10000x128xf32, #tpu.memory_space<hbm>>) target(%arg11 : memref<128x128xf32, #tpu.memory_space<vmem>>) offsets(%dma_start3A_225 : memref<128xi32, #tpu.memory_space<vmem>>) semaphore(%arg14 : memref<!tpu.dma_semaphore, #tpu.memory_space<semaphore_mem>>)
      %dma_wait3A_229 = arith.constant 4 : i32
      %dma_wait3A_230 = arith.constant 0 : i32
      %dma_wait3A_231 = tpu.memref_slice %arg6[%dma_wait3A_229, %dma_wait3A_230] : memref<8x128xi32, #tpu.memory_space<vmem>> -> memref<1x128xi32, #tpu.memory_space<vmem>>
      %dma_wait3A_232 = tpu.memref_squeeze %dma_wait3A_231 : memref<1x128xi32, #tpu.memory_space<vmem>> -> memref<128xi32, #tpu.memory_space<vmem>>
      %dma_wait3A_233 = arith.constant 0 : i32
      %dma_wait3A_234 = arith.constant 0 : i32
      %dma_wait3A_235 = tpu.memref_slice %arg2[%dma_wait3A_233, %dma_wait3A_234] : memref<10000x128xf32, #tpu.memory_space<hbm>> -> memref<10000x128xf32, #tpu.memory_space<hbm>>
      tpu.wait_indirect_dma semaphore(%arg13 : memref<!tpu.dma_semaphore, #tpu.memory_space<semaphore_mem>>) src(%dma_wait3A_235 : memref<10000x128xf32, #tpu.memory_space<hbm>>) dst(%arg10 : memref<128x128xf32, #tpu.memory_space<vmem>>)
      %dma_start3A_236 = arith.constant 4 : i32
      %dma_start3A_237 = arith.constant 0 : i32
      %dma_start3A_238 = tpu.memref_slice %arg7[%dma_start3A_236, %dma_start3A_237] : memref<8x128xi32, #tpu.memory_space<vmem>> -> memref<1x128xi32, #tpu.memory_space<vmem>>
      %dma_start3A_239 = tpu.memref_squeeze %dma_start3A_238 : memref<1x128xi32, #tpu.memory_space<vmem>> -> memref<128xi32, #tpu.memory_space<vmem>>
      %dma_start3A_240 = arith.constant 0 : i32
      %dma_start3A_241 = arith.constant 0 : i32
      %dma_start3A_242 = tpu.memref_slice %arg12[%dma_start3A_240, %dma_start3A_241] : memref<10240x128xf32, #tpu.memory_space<vmem_shared>> -> memref<10240x128xf32, #tpu.memory_space<vmem_shared>>
      tpu.enqueue_indirect_dma source(%arg10 : memref<128x128xf32, #tpu.memory_space<vmem>>) target(%dma_start3A_242 : memref<10240x128xf32, #tpu.memory_space<vmem_shared>>) offsets(%dma_start3A_239 : memref<128xi32, #tpu.memory_space<vmem>>) semaphore(%arg15 : memref<!tpu.dma_semaphore, #tpu.memory_space<semaphore_mem>>) {add = true}
      %dma_wait3A_243 = arith.constant 4 : i32
      %dma_wait3A_244 = arith.constant 0 : i32
      %dma_wait3A_245 = tpu.memref_slice %arg7[%dma_wait3A_243, %dma_wait3A_244] : memref<8x128xi32, #tpu.memory_space<vmem>> -> memref<1x128xi32, #tpu.memory_space<vmem>>
      %dma_wait3A_246 = tpu.memref_squeeze %dma_wait3A_245 : memref<1x128xi32, #tpu.memory_space<vmem>> -> memref<128xi32, #tpu.memory_space<vmem>>
      %dma_wait3A_247 = arith.constant 0 : i32
      %dma_wait3A_248 = arith.constant 0 : i32
      %dma_wait3A_249 = tpu.memref_slice %arg12[%dma_wait3A_247, %dma_wait3A_248] : memref<10240x128xf32, #tpu.memory_space<vmem_shared>> -> memref<10240x128xf32, #tpu.memory_space<vmem_shared>>
      tpu.wait_indirect_dma semaphore(%arg15 : memref<!tpu.dma_semaphore, #tpu.memory_space<semaphore_mem>>) src(%arg10 : memref<128x128xf32, #tpu.memory_space<vmem>>) dst(%dma_wait3A_249 : memref<10240x128xf32, #tpu.memory_space<vmem_shared>>)
      %dma_start3A_250 = arith.constant 6 : i32
      %dma_start3A_251 = arith.constant 0 : i32
      %dma_start3A_252 = tpu.memref_slice %arg6[%dma_start3A_250, %dma_start3A_251] : memref<8x128xi32, #tpu.memory_space<vmem>> -> memref<1x128xi32, #tpu.memory_space<vmem>>
      %dma_start3A_253 = tpu.memref_squeeze %dma_start3A_252 : memref<1x128xi32, #tpu.memory_space<vmem>> -> memref<128xi32, #tpu.memory_space<vmem>>
      %dma_start3A_254 = arith.constant 0 : i32
      %dma_start3A_255 = arith.constant 0 : i32
      %dma_start3A_256 = tpu.memref_slice %arg2[%dma_start3A_254, %dma_start3A_255] : memref<10000x128xf32, #tpu.memory_space<hbm>> -> memref<10000x128xf32, #tpu.memory_space<hbm>>
      tpu.enqueue_indirect_dma source(%dma_start3A_256 : memref<10000x128xf32, #tpu.memory_space<hbm>>) target(%arg10 : memref<128x128xf32, #tpu.memory_space<vmem>>) offsets(%dma_start3A_253 : memref<128xi32, #tpu.memory_space<vmem>>) semaphore(%arg13 : memref<!tpu.dma_semaphore, #tpu.memory_space<semaphore_mem>>)
      %dma_wait3A_257 = arith.constant 5 : i32
      %dma_wait3A_258 = arith.constant 0 : i32
      %dma_wait3A_259 = tpu.memref_slice %arg6[%dma_wait3A_257, %dma_wait3A_258] : memref<8x128xi32, #tpu.memory_space<vmem>> -> memref<1x128xi32, #tpu.memory_space<vmem>>
      %dma_wait3A_260 = tpu.memref_squeeze %dma_wait3A_259 : memref<1x128xi32, #tpu.memory_space<vmem>> -> memref<128xi32, #tpu.memory_space<vmem>>
      %dma_wait3A_261 = arith.constant 0 : i32
      %dma_wait3A_262 = arith.constant 0 : i32
      %dma_wait3A_263 = tpu.memref_slice %arg2[%dma_wait3A_261, %dma_wait3A_262] : memref<10000x128xf32, #tpu.memory_space<hbm>> -> memref<10000x128xf32, #tpu.memory_space<hbm>>
      tpu.wait_indirect_dma semaphore(%arg14 : memref<!tpu.dma_semaphore, #tpu.memory_space<semaphore_mem>>) src(%dma_wait3A_263 : memref<10000x128xf32, #tpu.memory_space<hbm>>) dst(%arg11 : memref<128x128xf32, #tpu.memory_space<vmem>>)
      %dma_start3A_264 = arith.constant 5 : i32
      %dma_start3A_265 = arith.constant 0 : i32
      %dma_start3A_266 = tpu.memref_slice %arg7[%dma_start3A_264, %dma_start3A_265] : memref<8x128xi32, #tpu.memory_space<vmem>> -> memref<1x128xi32, #tpu.memory_space<vmem>>
      %dma_start3A_267 = tpu.memref_squeeze %dma_start3A_266 : memref<1x128xi32, #tpu.memory_space<vmem>> -> memref<128xi32, #tpu.memory_space<vmem>>
      %dma_start3A_268 = arith.constant 0 : i32
      %dma_start3A_269 = arith.constant 0 : i32
      %dma_start3A_270 = tpu.memref_slice %arg12[%dma_start3A_268, %dma_start3A_269] : memref<10240x128xf32, #tpu.memory_space<vmem_shared>> -> memref<10240x128xf32, #tpu.memory_space<vmem_shared>>
      tpu.enqueue_indirect_dma source(%arg11 : memref<128x128xf32, #tpu.memory_space<vmem>>) target(%dma_start3A_270 : memref<10240x128xf32, #tpu.memory_space<vmem_shared>>) offsets(%dma_start3A_267 : memref<128xi32, #tpu.memory_space<vmem>>) semaphore(%arg16 : memref<!tpu.dma_semaphore, #tpu.memory_space<semaphore_mem>>) {add = true}
      %dma_wait3A_271 = arith.constant 5 : i32
      %dma_wait3A_272 = arith.constant 0 : i32
      %dma_wait3A_273 = tpu.memref_slice %arg7[%dma_wait3A_271, %dma_wait3A_272] : memref<8x128xi32, #tpu.memory_space<vmem>> -> memref<1x128xi32, #tpu.memory_space<vmem>>
      %dma_wait3A_274 = tpu.memref_squeeze %dma_wait3A_273 : memref<1x128xi32, #tpu.memory_space<vmem>> -> memref<128xi32, #tpu.memory_space<vmem>>
      %dma_wait3A_275 = arith.constant 0 : i32
      %dma_wait3A_276 = arith.constant 0 : i32
      %dma_wait3A_277 = tpu.memref_slice %arg12[%dma_wait3A_275, %dma_wait3A_276] : memref<10240x128xf32, #tpu.memory_space<vmem_shared>> -> memref<10240x128xf32, #tpu.memory_space<vmem_shared>>
      tpu.wait_indirect_dma semaphore(%arg16 : memref<!tpu.dma_semaphore, #tpu.memory_space<semaphore_mem>>) src(%arg11 : memref<128x128xf32, #tpu.memory_space<vmem>>) dst(%dma_wait3A_277 : memref<10240x128xf32, #tpu.memory_space<vmem_shared>>)
      %dma_start3A_278 = arith.constant 7 : i32
      %dma_start3A_279 = arith.constant 0 : i32
      %dma_start3A_280 = tpu.memref_slice %arg6[%dma_start3A_278, %dma_start3A_279] : memref<8x128xi32, #tpu.memory_space<vmem>> -> memref<1x128xi32, #tpu.memory_space<vmem>>
      %dma_start3A_281 = tpu.memref_squeeze %dma_start3A_280 : memref<1x128xi32, #tpu.memory_space<vmem>> -> memref<128xi32, #tpu.memory_space<vmem>>
      %dma_start3A_282 = arith.constant 0 : i32
      %dma_start3A_283 = arith.constant 0 : i32
      %dma_start3A_284 = tpu.memref_slice %arg2[%dma_start3A_282, %dma_start3A_283] : memref<10000x128xf32, #tpu.memory_space<hbm>> -> memref<10000x128xf32, #tpu.memory_space<hbm>>
      tpu.enqueue_indirect_dma source(%dma_start3A_284 : memref<10000x128xf32, #tpu.memory_space<hbm>>) target(%arg11 : memref<128x128xf32, #tpu.memory_space<vmem>>) offsets(%dma_start3A_281 : memref<128xi32, #tpu.memory_space<vmem>>) semaphore(%arg14 : memref<!tpu.dma_semaphore, #tpu.memory_space<semaphore_mem>>)
      %dma_wait3A_285 = arith.constant 6 : i32
      %dma_wait3A_286 = arith.constant 0 : i32
      %dma_wait3A_287 = tpu.memref_slice %arg6[%dma_wait3A_285, %dma_wait3A_286] : memref<8x128xi32, #tpu.memory_space<vmem>> -> memref<1x128xi32, #tpu.memory_space<vmem>>
      %dma_wait3A_288 = tpu.memref_squeeze %dma_wait3A_287 : memref<1x128xi32, #tpu.memory_space<vmem>> -> memref<128xi32, #tpu.memory_space<vmem>>
      %dma_wait3A_289 = arith.constant 0 : i32
      %dma_wait3A_290 = arith.constant 0 : i32
      %dma_wait3A_291 = tpu.memref_slice %arg2[%dma_wait3A_289, %dma_wait3A_290] : memref<10000x128xf32, #tpu.memory_space<hbm>> -> memref<10000x128xf32, #tpu.memory_space<hbm>>
      tpu.wait_indirect_dma semaphore(%arg13 : memref<!tpu.dma_semaphore, #tpu.memory_space<semaphore_mem>>) src(%dma_wait3A_291 : memref<10000x128xf32, #tpu.memory_space<hbm>>) dst(%arg10 : memref<128x128xf32, #tpu.memory_space<vmem>>)
      %dma_start3A_292 = arith.constant 6 : i32
      %dma_start3A_293 = arith.constant 0 : i32
      %dma_start3A_294 = tpu.memref_slice %arg7[%dma_start3A_292, %dma_start3A_293] : memref<8x128xi32, #tpu.memory_space<vmem>> -> memref<1x128xi32, #tpu.memory_space<vmem>>
      %dma_start3A_295 = tpu.memref_squeeze %dma_start3A_294 : memref<1x128xi32, #tpu.memory_space<vmem>> -> memref<128xi32, #tpu.memory_space<vmem>>
      %dma_start3A_296 = arith.constant 0 : i32
      %dma_start3A_297 = arith.constant 0 : i32
      %dma_start3A_298 = tpu.memref_slice %arg12[%dma_start3A_296, %dma_start3A_297] : memref<10240x128xf32, #tpu.memory_space<vmem_shared>> -> memref<10240x128xf32, #tpu.memory_space<vmem_shared>>
      tpu.enqueue_indirect_dma source(%arg10 : memref<128x128xf32, #tpu.memory_space<vmem>>) target(%dma_start3A_298 : memref<10240x128xf32, #tpu.memory_space<vmem_shared>>) offsets(%dma_start3A_295 : memref<128xi32, #tpu.memory_space<vmem>>) semaphore(%arg15 : memref<!tpu.dma_semaphore, #tpu.memory_space<semaphore_mem>>) {add = true}
      %dma_wait3A_299 = arith.constant 7 : i32
      %dma_wait3A_300 = arith.constant 0 : i32
      %dma_wait3A_301 = tpu.memref_slice %arg6[%dma_wait3A_299, %dma_wait3A_300] : memref<8x128xi32, #tpu.memory_space<vmem>> -> memref<1x128xi32, #tpu.memory_space<vmem>>
      %dma_wait3A_302 = tpu.memref_squeeze %dma_wait3A_301 : memref<1x128xi32, #tpu.memory_space<vmem>> -> memref<128xi32, #tpu.memory_space<vmem>>
      %dma_wait3A_303 = arith.constant 0 : i32
      %dma_wait3A_304 = arith.constant 0 : i32
      %dma_wait3A_305 = tpu.memref_slice %arg2[%dma_wait3A_303, %dma_wait3A_304] : memref<10000x128xf32, #tpu.memory_space<hbm>> -> memref<10000x128xf32, #tpu.memory_space<hbm>>
      tpu.wait_indirect_dma semaphore(%arg14 : memref<!tpu.dma_semaphore, #tpu.memory_space<semaphore_mem>>) src(%dma_wait3A_305 : memref<10000x128xf32, #tpu.memory_space<hbm>>) dst(%arg11 : memref<128x128xf32, #tpu.memory_space<vmem>>)
      %dma_start3A_306 = arith.constant 7 : i32
      %dma_start3A_307 = arith.constant 0 : i32
      %dma_start3A_308 = tpu.memref_slice %arg7[%dma_start3A_306, %dma_start3A_307] : memref<8x128xi32, #tpu.memory_space<vmem>> -> memref<1x128xi32, #tpu.memory_space<vmem>>
      %dma_start3A_309 = tpu.memref_squeeze %dma_start3A_308 : memref<1x128xi32, #tpu.memory_space<vmem>> -> memref<128xi32, #tpu.memory_space<vmem>>
      %dma_start3A_310 = arith.constant 0 : i32
      %dma_start3A_311 = arith.constant 0 : i32
      %dma_start3A_312 = tpu.memref_slice %arg12[%dma_start3A_310, %dma_start3A_311] : memref<10240x128xf32, #tpu.memory_space<vmem_shared>> -> memref<10240x128xf32, #tpu.memory_space<vmem_shared>>
      tpu.enqueue_indirect_dma source(%arg11 : memref<128x128xf32, #tpu.memory_space<vmem>>) target(%dma_start3A_312 : memref<10240x128xf32, #tpu.memory_space<vmem_shared>>) offsets(%dma_start3A_309 : memref<128xi32, #tpu.memory_space<vmem>>) semaphore(%arg16 : memref<!tpu.dma_semaphore, #tpu.memory_space<semaphore_mem>>) {add = true}
      %dma_wait3A_313 = arith.constant 6 : i32
      %dma_wait3A_314 = arith.constant 0 : i32
      %dma_wait3A_315 = tpu.memref_slice %arg7[%dma_wait3A_313, %dma_wait3A_314] : memref<8x128xi32, #tpu.memory_space<vmem>> -> memref<1x128xi32, #tpu.memory_space<vmem>>
      %dma_wait3A_316 = tpu.memref_squeeze %dma_wait3A_315 : memref<1x128xi32, #tpu.memory_space<vmem>> -> memref<128xi32, #tpu.memory_space<vmem>>
      %dma_wait3A_317 = arith.constant 0 : i32
      %dma_wait3A_318 = arith.constant 0 : i32
      %dma_wait3A_319 = tpu.memref_slice %arg12[%dma_wait3A_317, %dma_wait3A_318] : memref<10240x128xf32, #tpu.memory_space<vmem_shared>> -> memref<10240x128xf32, #tpu.memory_space<vmem_shared>>
      tpu.wait_indirect_dma semaphore(%arg15 : memref<!tpu.dma_semaphore, #tpu.memory_space<semaphore_mem>>) src(%arg10 : memref<128x128xf32, #tpu.memory_space<vmem>>) dst(%dma_wait3A_319 : memref<10240x128xf32, #tpu.memory_space<vmem_shared>>)
      %dma_wait3A_320 = arith.constant 7 : i32
      %dma_wait3A_321 = arith.constant 0 : i32
      %dma_wait3A_322 = tpu.memref_slice %arg7[%dma_wait3A_320, %dma_wait3A_321] : memref<8x128xi32, #tpu.memory_space<vmem>> -> memref<1x128xi32, #tpu.memory_space<vmem>>
      %dma_wait3A_323 = tpu.memref_squeeze %dma_wait3A_322 : memref<1x128xi32, #tpu.memory_space<vmem>> -> memref<128xi32, #tpu.memory_space<vmem>>
      %dma_wait3A_324 = arith.constant 0 : i32
      %dma_wait3A_325 = arith.constant 0 : i32
      %dma_wait3A_326 = tpu.memref_slice %arg12[%dma_wait3A_324, %dma_wait3A_325] : memref<10240x128xf32, #tpu.memory_space<vmem_shared>> -> memref<10240x128xf32, #tpu.memory_space<vmem_shared>>
      tpu.wait_indirect_dma semaphore(%arg16 : memref<!tpu.dma_semaphore, #tpu.memory_space<semaphore_mem>>) src(%arg11 : memref<128x128xf32, #tpu.memory_space<vmem>>) dst(%dma_wait3A_326 : memref<10240x128xf32, #tpu.memory_space<vmem_shared>>)
      %add3A_327 = arith.constant 2 : i32
      %add3A_328 = arith.addi %mul3A_86, %add3A_327 : i32
      %mul3A_329 = arith.constant 8 : i32
      %mul3A_330 = arith.muli %add3A_328, %mul3A_329 : i32
      %dma_start3A_331 = arith.constant 0 : i32
      %dma_start3A_332 = tpu.memref_slice %arg3[%add3A, %mul3A_330, %dma_start3A_331] : memref<32x96x128xi32, #tpu.memory_space<hbm>> -> memref<1x8x128xi32, #tpu.memory_space<hbm>>
      %dma_start3A_333 = tpu.memref_squeeze %dma_start3A_332 : memref<1x8x128xi32, #tpu.memory_space<hbm>> -> memref<8x128xi32, #tpu.memory_space<hbm>>
      %dma_start3A_334 = arith.constant 0 : i32
      %dma_start3A_335 = tpu.memref_slice %arg3[%add3A, %mul3A_330, %dma_start3A_334] : memref<32x96x128xi32, #tpu.memory_space<hbm>> -> memref<1x8x128xi32, #tpu.memory_space<hbm>>
      %dma_start3A_336 = tpu.memref_squeeze %dma_start3A_335 : memref<1x8x128xi32, #tpu.memory_space<hbm>> -> memref<8x128xi32, #tpu.memory_space<hbm>>
      tpu.enqueue_dma source(%dma_start3A_336 : memref<8x128xi32, #tpu.memory_space<hbm>>) target(%arg6 : memref<8x128xi32, #tpu.memory_space<vmem>>) target_semaphore(%arg17 : memref<!tpu.dma_semaphore, #tpu.memory_space<semaphore_mem>>)
      %mul3A_337 = arith.constant 8 : i32
      %mul3A_338 = arith.muli %add3A_328, %mul3A_337 : i32
      %dma_start3A_339 = arith.constant 0 : i32
      %dma_start3A_340 = tpu.memref_slice %arg4[%add3A, %mul3A_338, %dma_start3A_339] : memref<32x96x128xi32, #tpu.memory_space<hbm>> -> memref<1x8x128xi32, #tpu.memory_space<hbm>>
      %dma_start3A_341 = tpu.memref_squeeze %dma_start3A_340 : memref<1x8x128xi32, #tpu.memory_space<hbm>> -> memref<8x128xi32, #tpu.memory_space<hbm>>
      %dma_start3A_342 = arith.constant 0 : i32
      %dma_start3A_343 = tpu.memref_slice %arg4[%add3A, %mul3A_338, %dma_start3A_342] : memref<32x96x128xi32, #tpu.memory_space<hbm>> -> memref<1x8x128xi32, #tpu.memory_space<hbm>>
      %dma_start3A_344 = tpu.memref_squeeze %dma_start3A_343 : memref<1x8x128xi32, #tpu.memory_space<hbm>> -> memref<8x128xi32, #tpu.memory_space<hbm>>
      tpu.enqueue_dma source(%dma_start3A_344 : memref<8x128xi32, #tpu.memory_space<hbm>>) target(%arg7 : memref<8x128xi32, #tpu.memory_space<vmem>>) target_semaphore(%arg17 : memref<!tpu.dma_semaphore, #tpu.memory_space<semaphore_mem>>)
      %dma_wait3A_345 = arith.constant 0 : i32
      %dma_wait3A_346 = arith.constant 0 : i32
      %dma_wait3A_347 = tpu.memref_slice %arg3[%add3A, %dma_wait3A_345, %dma_wait3A_346] : memref<32x96x128xi32, #tpu.memory_space<hbm>> -> memref<1x8x128xi32, #tpu.memory_space<hbm>>
      %dma_wait3A_348 = tpu.memref_squeeze %dma_wait3A_347 : memref<1x8x128xi32, #tpu.memory_space<hbm>> -> memref<8x128xi32, #tpu.memory_space<hbm>>
      %dma_wait3A_349 = arith.constant 0 : i32
      %dma_wait3A_350 = arith.constant 0 : i32
      %dma_wait3A_351 = tpu.memref_slice %arg3[%add3A, %dma_wait3A_349, %dma_wait3A_350] : memref<32x96x128xi32, #tpu.memory_space<hbm>> -> memref<1x8x128xi32, #tpu.memory_space<hbm>>
      %dma_wait3A_352 = tpu.memref_squeeze %dma_wait3A_351 : memref<1x8x128xi32, #tpu.memory_space<hbm>> -> memref<8x128xi32, #tpu.memory_space<hbm>>
      tpu.wait_dma2 semaphore(%arg18 : memref<!tpu.dma_semaphore, #tpu.memory_space<semaphore_mem>>) src(%dma_wait3A_352 : memref<8x128xi32, #tpu.memory_space<hbm>>) dst(%arg8 : memref<8x128xi32, #tpu.memory_space<vmem>>)
      %dma_wait3A_353 = arith.constant 0 : i32
      %dma_wait3A_354 = arith.constant 0 : i32
      %dma_wait3A_355 = tpu.memref_slice %arg4[%add3A, %dma_wait3A_353, %dma_wait3A_354] : memref<32x96x128xi32, #tpu.memory_space<hbm>> -> memref<1x8x128xi32, #tpu.memory_space<hbm>>
      %dma_wait3A_356 = tpu.memref_squeeze %dma_wait3A_355 : memref<1x8x128xi32, #tpu.memory_space<hbm>> -> memref<8x128xi32, #tpu.memory_space<hbm>>
      %dma_wait3A_357 = arith.constant 0 : i32
      %dma_wait3A_358 = arith.constant 0 : i32
      %dma_wait3A_359 = tpu.memref_slice %arg4[%add3A, %dma_wait3A_357, %dma_wait3A_358] : memref<32x96x128xi32, #tpu.memory_space<hbm>> -> memref<1x8x128xi32, #tpu.memory_space<hbm>>
      %dma_wait3A_360 = tpu.memref_squeeze %dma_wait3A_359 : memref<1x8x128xi32, #tpu.memory_space<hbm>> -> memref<8x128xi32, #tpu.memory_space<hbm>>
      tpu.wait_dma2 semaphore(%arg18 : memref<!tpu.dma_semaphore, #tpu.memory_space<semaphore_mem>>) src(%dma_wait3A_360 : memref<8x128xi32, #tpu.memory_space<hbm>>) dst(%arg9 : memref<8x128xi32, #tpu.memory_space<vmem>>)
      %dma_start3A_361 = arith.constant 0 : i32
      %dma_start3A_362 = arith.constant 0 : i32
      %dma_start3A_363 = tpu.memref_slice %arg8[%dma_start3A_361, %dma_start3A_362] : memref<8x128xi32, #tpu.memory_space<vmem>> -> memref<1x128xi32, #tpu.memory_space<vmem>>
      %dma_start3A_364 = tpu.memref_squeeze %dma_start3A_363 : memref<1x128xi32, #tpu.memory_space<vmem>> -> memref<128xi32, #tpu.memory_space<vmem>>
      %dma_start3A_365 = arith.constant 0 : i32
      %dma_start3A_366 = arith.constant 0 : i32
      %dma_start3A_367 = tpu.memref_slice %arg2[%dma_start3A_365, %dma_start3A_366] : memref<10000x128xf32, #tpu.memory_space<hbm>> -> memref<10000x128xf32, #tpu.memory_space<hbm>>
      tpu.enqueue_indirect_dma source(%dma_start3A_367 : memref<10000x128xf32, #tpu.memory_space<hbm>>) target(%arg10 : memref<128x128xf32, #tpu.memory_space<vmem>>) offsets(%dma_start3A_364 : memref<128xi32, #tpu.memory_space<vmem>>) semaphore(%arg13 : memref<!tpu.dma_semaphore, #tpu.memory_space<semaphore_mem>>)
      %dma_start3A_368 = arith.constant 1 : i32
      %dma_start3A_369 = arith.constant 0 : i32
      %dma_start3A_370 = tpu.memref_slice %arg8[%dma_start3A_368, %dma_start3A_369] : memref<8x128xi32, #tpu.memory_space<vmem>> -> memref<1x128xi32, #tpu.memory_space<vmem>>
      %dma_start3A_371 = tpu.memref_squeeze %dma_start3A_370 : memref<1x128xi32, #tpu.memory_space<vmem>> -> memref<128xi32, #tpu.memory_space<vmem>>
      %dma_start3A_372 = arith.constant 0 : i32
      %dma_start3A_373 = arith.constant 0 : i32
      %dma_start3A_374 = tpu.memref_slice %arg2[%dma_start3A_372, %dma_start3A_373] : memref<10000x128xf32, #tpu.memory_space<hbm>> -> memref<10000x128xf32, #tpu.memory_space<hbm>>
      tpu.enqueue_indirect_dma source(%dma_start3A_374 : memref<10000x128xf32, #tpu.memory_space<hbm>>) target(%arg11 : memref<128x128xf32, #tpu.memory_space<vmem>>) offsets(%dma_start3A_371 : memref<128xi32, #tpu.memory_space<vmem>>) semaphore(%arg14 : memref<!tpu.dma_semaphore, #tpu.memory_space<semaphore_mem>>)
      %dma_wait3A_375 = arith.constant 0 : i32
      %dma_wait3A_376 = arith.constant 0 : i32
      %dma_wait3A_377 = tpu.memref_slice %arg8[%dma_wait3A_375, %dma_wait3A_376] : memref<8x128xi32, #tpu.memory_space<vmem>> -> memref<1x128xi32, #tpu.memory_space<vmem>>
      %dma_wait3A_378 = tpu.memref_squeeze %dma_wait3A_377 : memref<1x128xi32, #tpu.memory_space<vmem>> -> memref<128xi32, #tpu.memory_space<vmem>>
      %dma_wait3A_379 = arith.constant 0 : i32
      %dma_wait3A_380 = arith.constant 0 : i32
      %dma_wait3A_381 = tpu.memref_slice %arg2[%dma_wait3A_379, %dma_wait3A_380] : memref<10000x128xf32, #tpu.memory_space<hbm>> -> memref<10000x128xf32, #tpu.memory_space<hbm>>
      tpu.wait_indirect_dma semaphore(%arg13 : memref<!tpu.dma_semaphore, #tpu.memory_space<semaphore_mem>>) src(%dma_wait3A_381 : memref<10000x128xf32, #tpu.memory_space<hbm>>) dst(%arg10 : memref<128x128xf32, #tpu.memory_space<vmem>>)
      %dma_start3A_382 = arith.constant 0 : i32
      %dma_start3A_383 = arith.constant 0 : i32
      %dma_start3A_384 = tpu.memref_slice %arg9[%dma_start3A_382, %dma_start3A_383] : memref<8x128xi32, #tpu.memory_space<vmem>> -> memref<1x128xi32, #tpu.memory_space<vmem>>
      %dma_start3A_385 = tpu.memref_squeeze %dma_start3A_384 : memref<1x128xi32, #tpu.memory_space<vmem>> -> memref<128xi32, #tpu.memory_space<vmem>>
      %dma_start3A_386 = arith.constant 0 : i32
      %dma_start3A_387 = arith.constant 0 : i32
      %dma_start3A_388 = tpu.memref_slice %arg12[%dma_start3A_386, %dma_start3A_387] : memref<10240x128xf32, #tpu.memory_space<vmem_shared>> -> memref<10240x128xf32, #tpu.memory_space<vmem_shared>>
      tpu.enqueue_indirect_dma source(%arg10 : memref<128x128xf32, #tpu.memory_space<vmem>>) target(%dma_start3A_388 : memref<10240x128xf32, #tpu.memory_space<vmem_shared>>) offsets(%dma_start3A_385 : memref<128xi32, #tpu.memory_space<vmem>>) semaphore(%arg15 : memref<!tpu.dma_semaphore, #tpu.memory_space<semaphore_mem>>) {add = true}
      %dma_wait3A_389 = arith.constant 0 : i32
      %dma_wait3A_390 = arith.constant 0 : i32
      %dma_wait3A_391 = tpu.memref_slice %arg9[%dma_wait3A_389, %dma_wait3A_390] : memref<8x128xi32, #tpu.memory_space<vmem>> -> memref<1x128xi32, #tpu.memory_space<vmem>>
      %dma_wait3A_392 = tpu.memref_squeeze %dma_wait3A_391 : memref<1x128xi32, #tpu.memory_space<vmem>> -> memref<128xi32, #tpu.memory_space<vmem>>
      %dma_wait3A_393 = arith.constant 0 : i32
      %dma_wait3A_394 = arith.constant 0 : i32
      %dma_wait3A_395 = tpu.memref_slice %arg12[%dma_wait3A_393, %dma_wait3A_394] : memref<10240x128xf32, #tpu.memory_space<vmem_shared>> -> memref<10240x128xf32, #tpu.memory_space<vmem_shared>>
      tpu.wait_indirect_dma semaphore(%arg15 : memref<!tpu.dma_semaphore, #tpu.memory_space<semaphore_mem>>) src(%arg10 : memref<128x128xf32, #tpu.memory_space<vmem>>) dst(%dma_wait3A_395 : memref<10240x128xf32, #tpu.memory_space<vmem_shared>>)
      %dma_start3A_396 = arith.constant 2 : i32
      %dma_start3A_397 = arith.constant 0 : i32
      %dma_start3A_398 = tpu.memref_slice %arg8[%dma_start3A_396, %dma_start3A_397] : memref<8x128xi32, #tpu.memory_space<vmem>> -> memref<1x128xi32, #tpu.memory_space<vmem>>
      %dma_start3A_399 = tpu.memref_squeeze %dma_start3A_398 : memref<1x128xi32, #tpu.memory_space<vmem>> -> memref<128xi32, #tpu.memory_space<vmem>>
      %dma_start3A_400 = arith.constant 0 : i32
      %dma_start3A_401 = arith.constant 0 : i32
      %dma_start3A_402 = tpu.memref_slice %arg2[%dma_start3A_400, %dma_start3A_401] : memref<10000x128xf32, #tpu.memory_space<hbm>> -> memref<10000x128xf32, #tpu.memory_space<hbm>>
      tpu.enqueue_indirect_dma source(%dma_start3A_402 : memref<10000x128xf32, #tpu.memory_space<hbm>>) target(%arg10 : memref<128x128xf32, #tpu.memory_space<vmem>>) offsets(%dma_start3A_399 : memref<128xi32, #tpu.memory_space<vmem>>) semaphore(%arg13 : memref<!tpu.dma_semaphore, #tpu.memory_space<semaphore_mem>>)
      %dma_wait3A_403 = arith.constant 1 : i32
      %dma_wait3A_404 = arith.constant 0 : i32
      %dma_wait3A_405 = tpu.memref_slice %arg8[%dma_wait3A_403, %dma_wait3A_404] : memref<8x128xi32, #tpu.memory_space<vmem>> -> memref<1x128xi32, #tpu.memory_space<vmem>>
      %dma_wait3A_406 = tpu.memref_squeeze %dma_wait3A_405 : memref<1x128xi32, #tpu.memory_space<vmem>> -> memref<128xi32, #tpu.memory_space<vmem>>
      %dma_wait3A_407 = arith.constant 0 : i32
      %dma_wait3A_408 = arith.constant 0 : i32
      %dma_wait3A_409 = tpu.memref_slice %arg2[%dma_wait3A_407, %dma_wait3A_408] : memref<10000x128xf32, #tpu.memory_space<hbm>> -> memref<10000x128xf32, #tpu.memory_space<hbm>>
      tpu.wait_indirect_dma semaphore(%arg14 : memref<!tpu.dma_semaphore, #tpu.memory_space<semaphore_mem>>) src(%dma_wait3A_409 : memref<10000x128xf32, #tpu.memory_space<hbm>>) dst(%arg11 : memref<128x128xf32, #tpu.memory_space<vmem>>)
      %dma_start3A_410 = arith.constant 1 : i32
      %dma_start3A_411 = arith.constant 0 : i32
      %dma_start3A_412 = tpu.memref_slice %arg9[%dma_start3A_410, %dma_start3A_411] : memref<8x128xi32, #tpu.memory_space<vmem>> -> memref<1x128xi32, #tpu.memory_space<vmem>>
      %dma_start3A_413 = tpu.memref_squeeze %dma_start3A_412 : memref<1x128xi32, #tpu.memory_space<vmem>> -> memref<128xi32, #tpu.memory_space<vmem>>
      %dma_start3A_414 = arith.constant 0 : i32
      %dma_start3A_415 = arith.constant 0 : i32
      %dma_start3A_416 = tpu.memref_slice %arg12[%dma_start3A_414, %dma_start3A_415] : memref<10240x128xf32, #tpu.memory_space<vmem_shared>> -> memref<10240x128xf32, #tpu.memory_space<vmem_shared>>
      tpu.enqueue_indirect_dma source(%arg11 : memref<128x128xf32, #tpu.memory_space<vmem>>) target(%dma_start3A_416 : memref<10240x128xf32, #tpu.memory_space<vmem_shared>>) offsets(%dma_start3A_413 : memref<128xi32, #tpu.memory_space<vmem>>) semaphore(%arg16 : memref<!tpu.dma_semaphore, #tpu.memory_space<semaphore_mem>>) {add = true}
      %dma_wait3A_417 = arith.constant 1 : i32
      %dma_wait3A_418 = arith.constant 0 : i32
      %dma_wait3A_419 = tpu.memref_slice %arg9[%dma_wait3A_417, %dma_wait3A_418] : memref<8x128xi32, #tpu.memory_space<vmem>> -> memref<1x128xi32, #tpu.memory_space<vmem>>
      %dma_wait3A_420 = tpu.memref_squeeze %dma_wait3A_419 : memref<1x128xi32, #tpu.memory_space<vmem>> -> memref<128xi32, #tpu.memory_space<vmem>>
      %dma_wait3A_421 = arith.constant 0 : i32
      %dma_wait3A_422 = arith.constant 0 : i32
      %dma_wait3A_423 = tpu.memref_slice %arg12[%dma_wait3A_421, %dma_wait3A_422] : memref<10240x128xf32, #tpu.memory_space<vmem_shared>> -> memref<10240x128xf32, #tpu.memory_space<vmem_shared>>
      tpu.wait_indirect_dma semaphore(%arg16 : memref<!tpu.dma_semaphore, #tpu.memory_space<semaphore_mem>>) src(%arg11 : memref<128x128xf32, #tpu.memory_space<vmem>>) dst(%dma_wait3A_423 : memref<10240x128xf32, #tpu.memory_space<vmem_shared>>)
      %dma_start3A_424 = arith.constant 3 : i32
      %dma_start3A_425 = arith.constant 0 : i32
      %dma_start3A_426 = tpu.memref_slice %arg8[%dma_start3A_424, %dma_start3A_425] : memref<8x128xi32, #tpu.memory_space<vmem>> -> memref<1x128xi32, #tpu.memory_space<vmem>>
      %dma_start3A_427 = tpu.memref_squeeze %dma_start3A_426 : memref<1x128xi32, #tpu.memory_space<vmem>> -> memref<128xi32, #tpu.memory_space<vmem>>
      %dma_start3A_428 = arith.constant 0 : i32
      %dma_start3A_429 = arith.constant 0 : i32
      %dma_start3A_430 = tpu.memref_slice %arg2[%dma_start3A_428, %dma_start3A_429] : memref<10000x128xf32, #tpu.memory_space<hbm>> -> memref<10000x128xf32, #tpu.memory_space<hbm>>
      tpu.enqueue_indirect_dma source(%dma_start3A_430 : memref<10000x128xf32, #tpu.memory_space<hbm>>) target(%arg11 : memref<128x128xf32, #tpu.memory_space<vmem>>) offsets(%dma_start3A_427 : memref<128xi32, #tpu.memory_space<vmem>>) semaphore(%arg14 : memref<!tpu.dma_semaphore, #tpu.memory_space<semaphore_mem>>)
      %dma_wait3A_431 = arith.constant 2 : i32
      %dma_wait3A_432 = arith.constant 0 : i32
      %dma_wait3A_433 = tpu.memref_slice %arg8[%dma_wait3A_431, %dma_wait3A_432] : memref<8x128xi32, #tpu.memory_space<vmem>> -> memref<1x128xi32, #tpu.memory_space<vmem>>
      %dma_wait3A_434 = tpu.memref_squeeze %dma_wait3A_433 : memref<1x128xi32, #tpu.memory_space<vmem>> -> memref<128xi32, #tpu.memory_space<vmem>>
      %dma_wait3A_435 = arith.constant 0 : i32
      %dma_wait3A_436 = arith.constant 0 : i32
      %dma_wait3A_437 = tpu.memref_slice %arg2[%dma_wait3A_435, %dma_wait3A_436] : memref<10000x128xf32, #tpu.memory_space<hbm>> -> memref<10000x128xf32, #tpu.memory_space<hbm>>
      tpu.wait_indirect_dma semaphore(%arg13 : memref<!tpu.dma_semaphore, #tpu.memory_space<semaphore_mem>>) src(%dma_wait3A_437 : memref<10000x128xf32, #tpu.memory_space<hbm>>) dst(%arg10 : memref<128x128xf32, #tpu.memory_space<vmem>>)
      %dma_start3A_438 = arith.constant 2 : i32
      %dma_start3A_439 = arith.constant 0 : i32
      %dma_start3A_440 = tpu.memref_slice %arg9[%dma_start3A_438, %dma_start3A_439] : memref<8x128xi32, #tpu.memory_space<vmem>> -> memref<1x128xi32, #tpu.memory_space<vmem>>
      %dma_start3A_441 = tpu.memref_squeeze %dma_start3A_440 : memref<1x128xi32, #tpu.memory_space<vmem>> -> memref<128xi32, #tpu.memory_space<vmem>>
      %dma_start3A_442 = arith.constant 0 : i32
      %dma_start3A_443 = arith.constant 0 : i32
      %dma_start3A_444 = tpu.memref_slice %arg12[%dma_start3A_442, %dma_start3A_443] : memref<10240x128xf32, #tpu.memory_space<vmem_shared>> -> memref<10240x128xf32, #tpu.memory_space<vmem_shared>>
      tpu.enqueue_indirect_dma source(%arg10 : memref<128x128xf32, #tpu.memory_space<vmem>>) target(%dma_start3A_444 : memref<10240x128xf32, #tpu.memory_space<vmem_shared>>) offsets(%dma_start3A_441 : memref<128xi32, #tpu.memory_space<vmem>>) semaphore(%arg15 : memref<!tpu.dma_semaphore, #tpu.memory_space<semaphore_mem>>) {add = true}
      %dma_wait3A_445 = arith.constant 2 : i32
      %dma_wait3A_446 = arith.constant 0 : i32
      %dma_wait3A_447 = tpu.memref_slice %arg9[%dma_wait3A_445, %dma_wait3A_446] : memref<8x128xi32, #tpu.memory_space<vmem>> -> memref<1x128xi32, #tpu.memory_space<vmem>>
      %dma_wait3A_448 = tpu.memref_squeeze %dma_wait3A_447 : memref<1x128xi32, #tpu.memory_space<vmem>> -> memref<128xi32, #tpu.memory_space<vmem>>
      %dma_wait3A_449 = arith.constant 0 : i32
      %dma_wait3A_450 = arith.constant 0 : i32
      %dma_wait3A_451 = tpu.memref_slice %arg12[%dma_wait3A_449, %dma_wait3A_450] : memref<10240x128xf32, #tpu.memory_space<vmem_shared>> -> memref<10240x128xf32, #tpu.memory_space<vmem_shared>>
      tpu.wait_indirect_dma semaphore(%arg15 : memref<!tpu.dma_semaphore, #tpu.memory_space<semaphore_mem>>) src(%arg10 : memref<128x128xf32, #tpu.memory_space<vmem>>) dst(%dma_wait3A_451 : memref<10240x128xf32, #tpu.memory_space<vmem_shared>>)
      %dma_start3A_452 = arith.constant 4 : i32
      %dma_start3A_453 = arith.constant 0 : i32
      %dma_start3A_454 = tpu.memref_slice %arg8[%dma_start3A_452, %dma_start3A_453] : memref<8x128xi32, #tpu.memory_space<vmem>> -> memref<1x128xi32, #tpu.memory_space<vmem>>
      %dma_start3A_455 = tpu.memref_squeeze %dma_start3A_454 : memref<1x128xi32, #tpu.memory_space<vmem>> -> memref<128xi32, #tpu.memory_space<vmem>>
      %dma_start3A_456 = arith.constant 0 : i32
      %dma_start3A_457 = arith.constant 0 : i32
      %dma_start3A_458 = tpu.memref_slice %arg2[%dma_start3A_456, %dma_start3A_457] : memref<10000x128xf32, #tpu.memory_space<hbm>> -> memref<10000x128xf32, #tpu.memory_space<hbm>>
      tpu.enqueue_indirect_dma source(%dma_start3A_458 : memref<10000x128xf32, #tpu.memory_space<hbm>>) target(%arg10 : memref<128x128xf32, #tpu.memory_space<vmem>>) offsets(%dma_start3A_455 : memref<128xi32, #tpu.memory_space<vmem>>) semaphore(%arg13 : memref<!tpu.dma_semaphore, #tpu.memory_space<semaphore_mem>>)
      %dma_wait3A_459 = arith.constant 3 : i32
      %dma_wait3A_460 = arith.constant 0 : i32
      %dma_wait3A_461 = tpu.memref_slice %arg8[%dma_wait3A_459, %dma_wait3A_460] : memref<8x128xi32, #tpu.memory_space<vmem>> -> memref<1x128xi32, #tpu.memory_space<vmem>>
      %dma_wait3A_462 = tpu.memref_squeeze %dma_wait3A_461 : memref<1x128xi32, #tpu.memory_space<vmem>> -> memref<128xi32, #tpu.memory_space<vmem>>
      %dma_wait3A_463 = arith.constant 0 : i32
      %dma_wait3A_464 = arith.constant 0 : i32
      %dma_wait3A_465 = tpu.memref_slice %arg2[%dma_wait3A_463, %dma_wait3A_464] : memref<10000x128xf32, #tpu.memory_space<hbm>> -> memref<10000x128xf32, #tpu.memory_space<hbm>>
      tpu.wait_indirect_dma semaphore(%arg14 : memref<!tpu.dma_semaphore, #tpu.memory_space<semaphore_mem>>) src(%dma_wait3A_465 : memref<10000x128xf32, #tpu.memory_space<hbm>>) dst(%arg11 : memref<128x128xf32, #tpu.memory_space<vmem>>)
      %dma_start3A_466 = arith.constant 3 : i32
      %dma_start3A_467 = arith.constant 0 : i32
      %dma_start3A_468 = tpu.memref_slice %arg9[%dma_start3A_466, %dma_start3A_467] : memref<8x128xi32, #tpu.memory_space<vmem>> -> memref<1x128xi32, #tpu.memory_space<vmem>>
      %dma_start3A_469 = tpu.memref_squeeze %dma_start3A_468 : memref<1x128xi32, #tpu.memory_space<vmem>> -> memref<128xi32, #tpu.memory_space<vmem>>
      %dma_start3A_470 = arith.constant 0 : i32
      %dma_start3A_471 = arith.constant 0 : i32
      %dma_start3A_472 = tpu.memref_slice %arg12[%dma_start3A_470, %dma_start3A_471] : memref<10240x128xf32, #tpu.memory_space<vmem_shared>> -> memref<10240x128xf32, #tpu.memory_space<vmem_shared>>
      tpu.enqueue_indirect_dma source(%arg11 : memref<128x128xf32, #tpu.memory_space<vmem>>) target(%dma_start3A_472 : memref<10240x128xf32, #tpu.memory_space<vmem_shared>>) offsets(%dma_start3A_469 : memref<128xi32, #tpu.memory_space<vmem>>) semaphore(%arg16 : memref<!tpu.dma_semaphore, #tpu.memory_space<semaphore_mem>>) {add = true}
      %dma_wait3A_473 = arith.constant 3 : i32
      %dma_wait3A_474 = arith.constant 0 : i32
      %dma_wait3A_475 = tpu.memref_slice %arg9[%dma_wait3A_473, %dma_wait3A_474] : memref<8x128xi32, #tpu.memory_space<vmem>> -> memref<1x128xi32, #tpu.memory_space<vmem>>
      %dma_wait3A_476 = tpu.memref_squeeze %dma_wait3A_475 : memref<1x128xi32, #tpu.memory_space<vmem>> -> memref<128xi32, #tpu.memory_space<vmem>>
      %dma_wait3A_477 = arith.constant 0 : i32
      %dma_wait3A_478 = arith.constant 0 : i32
      %dma_wait3A_479 = tpu.memref_slice %arg12[%dma_wait3A_477, %dma_wait3A_478] : memref<10240x128xf32, #tpu.memory_space<vmem_shared>> -> memref<10240x128xf32, #tpu.memory_space<vmem_shared>>
      tpu.wait_indirect_dma semaphore(%arg16 : memref<!tpu.dma_semaphore, #tpu.memory_space<semaphore_mem>>) src(%arg11 : memref<128x128xf32, #tpu.memory_space<vmem>>) dst(%dma_wait3A_479 : memref<10240x128xf32, #tpu.memory_space<vmem_shared>>)
      %dma_start3A_480 = arith.constant 5 : i32
      %dma_start3A_481 = arith.constant 0 : i32
      %dma_start3A_482 = tpu.memref_slice %arg8[%dma_start3A_480, %dma_start3A_481] : memref<8x128xi32, #tpu.memory_space<vmem>> -> memref<1x128xi32, #tpu.memory_space<vmem>>
      %dma_start3A_483 = tpu.memref_squeeze %dma_start3A_482 : memref<1x128xi32, #tpu.memory_space<vmem>> -> memref<128xi32, #tpu.memory_space<vmem>>
      %dma_start3A_484 = arith.constant 0 : i32
      %dma_start3A_485 = arith.constant 0 : i32
      %dma_start3A_486 = tpu.memref_slice %arg2[%dma_start3A_484, %dma_start3A_485] : memref<10000x128xf32, #tpu.memory_space<hbm>> -> memref<10000x128xf32, #tpu.memory_space<hbm>>
      tpu.enqueue_indirect_dma source(%dma_start3A_486 : memref<10000x128xf32, #tpu.memory_space<hbm>>) target(%arg11 : memref<128x128xf32, #tpu.memory_space<vmem>>) offsets(%dma_start3A_483 : memref<128xi32, #tpu.memory_space<vmem>>) semaphore(%arg14 : memref<!tpu.dma_semaphore, #tpu.memory_space<semaphore_mem>>)
      %dma_wait3A_487 = arith.constant 4 : i32
      %dma_wait3A_488 = arith.constant 0 : i32
      %dma_wait3A_489 = tpu.memref_slice %arg8[%dma_wait3A_487, %dma_wait3A_488] : memref<8x128xi32, #tpu.memory_space<vmem>> -> memref<1x128xi32, #tpu.memory_space<vmem>>
      %dma_wait3A_490 = tpu.memref_squeeze %dma_wait3A_489 : memref<1x128xi32, #tpu.memory_space<vmem>> -> memref<128xi32, #tpu.memory_space<vmem>>
      %dma_wait3A_491 = arith.constant 0 : i32
      %dma_wait3A_492 = arith.constant 0 : i32
      %dma_wait3A_493 = tpu.memref_slice %arg2[%dma_wait3A_491, %dma_wait3A_492] : memref<10000x128xf32, #tpu.memory_space<hbm>> -> memref<10000x128xf32, #tpu.memory_space<hbm>>
      tpu.wait_indirect_dma semaphore(%arg13 : memref<!tpu.dma_semaphore, #tpu.memory_space<semaphore_mem>>) src(%dma_wait3A_493 : memref<10000x128xf32, #tpu.memory_space<hbm>>) dst(%arg10 : memref<128x128xf32, #tpu.memory_space<vmem>>)
      %dma_start3A_494 = arith.constant 4 : i32
      %dma_start3A_495 = arith.constant 0 : i32
      %dma_start3A_496 = tpu.memref_slice %arg9[%dma_start3A_494, %dma_start3A_495] : memref<8x128xi32, #tpu.memory_space<vmem>> -> memref<1x128xi32, #tpu.memory_space<vmem>>
      %dma_start3A_497 = tpu.memref_squeeze %dma_start3A_496 : memref<1x128xi32, #tpu.memory_space<vmem>> -> memref<128xi32, #tpu.memory_space<vmem>>
      %dma_start3A_498 = arith.constant 0 : i32
      %dma_start3A_499 = arith.constant 0 : i32
      %dma_start3A_500 = tpu.memref_slice %arg12[%dma_start3A_498, %dma_start3A_499] : memref<10240x128xf32, #tpu.memory_space<vmem_shared>> -> memref<10240x128xf32, #tpu.memory_space<vmem_shared>>
      tpu.enqueue_indirect_dma source(%arg10 : memref<128x128xf32, #tpu.memory_space<vmem>>) target(%dma_start3A_500 : memref<10240x128xf32, #tpu.memory_space<vmem_shared>>) offsets(%dma_start3A_497 : memref<128xi32, #tpu.memory_space<vmem>>) semaphore(%arg15 : memref<!tpu.dma_semaphore, #tpu.memory_space<semaphore_mem>>) {add = true}
      %dma_wait3A_501 = arith.constant 4 : i32
      %dma_wait3A_502 = arith.constant 0 : i32
      %dma_wait3A_503 = tpu.memref_slice %arg9[%dma_wait3A_501, %dma_wait3A_502] : memref<8x128xi32, #tpu.memory_space<vmem>> -> memref<1x128xi32, #tpu.memory_space<vmem>>
      %dma_wait3A_504 = tpu.memref_squeeze %dma_wait3A_503 : memref<1x128xi32, #tpu.memory_space<vmem>> -> memref<128xi32, #tpu.memory_space<vmem>>
      %dma_wait3A_505 = arith.constant 0 : i32
      %dma_wait3A_506 = arith.constant 0 : i32
      %dma_wait3A_507 = tpu.memref_slice %arg12[%dma_wait3A_505, %dma_wait3A_506] : memref<10240x128xf32, #tpu.memory_space<vmem_shared>> -> memref<10240x128xf32, #tpu.memory_space<vmem_shared>>
      tpu.wait_indirect_dma semaphore(%arg15 : memref<!tpu.dma_semaphore, #tpu.memory_space<semaphore_mem>>) src(%arg10 : memref<128x128xf32, #tpu.memory_space<vmem>>) dst(%dma_wait3A_507 : memref<10240x128xf32, #tpu.memory_space<vmem_shared>>)
      %dma_start3A_508 = arith.constant 6 : i32
      %dma_start3A_509 = arith.constant 0 : i32
      %dma_start3A_510 = tpu.memref_slice %arg8[%dma_start3A_508, %dma_start3A_509] : memref<8x128xi32, #tpu.memory_space<vmem>> -> memref<1x128xi32, #tpu.memory_space<vmem>>
      %dma_start3A_511 = tpu.memref_squeeze %dma_start3A_510 : memref<1x128xi32, #tpu.memory_space<vmem>> -> memref<128xi32, #tpu.memory_space<vmem>>
      %dma_start3A_512 = arith.constant 0 : i32
      %dma_start3A_513 = arith.constant 0 : i32
      %dma_start3A_514 = tpu.memref_slice %arg2[%dma_start3A_512, %dma_start3A_513] : memref<10000x128xf32, #tpu.memory_space<hbm>> -> memref<10000x128xf32, #tpu.memory_space<hbm>>
      tpu.enqueue_indirect_dma source(%dma_start3A_514 : memref<10000x128xf32, #tpu.memory_space<hbm>>) target(%arg10 : memref<128x128xf32, #tpu.memory_space<vmem>>) offsets(%dma_start3A_511 : memref<128xi32, #tpu.memory_space<vmem>>) semaphore(%arg13 : memref<!tpu.dma_semaphore, #tpu.memory_space<semaphore_mem>>)
      %dma_wait3A_515 = arith.constant 5 : i32
      %dma_wait3A_516 = arith.constant 0 : i32
      %dma_wait3A_517 = tpu.memref_slice %arg8[%dma_wait3A_515, %dma_wait3A_516] : memref<8x128xi32, #tpu.memory_space<vmem>> -> memref<1x128xi32, #tpu.memory_space<vmem>>
      %dma_wait3A_518 = tpu.memref_squeeze %dma_wait3A_517 : memref<1x128xi32, #tpu.memory_space<vmem>> -> memref<128xi32, #tpu.memory_space<vmem>>
      %dma_wait3A_519 = arith.constant 0 : i32
      %dma_wait3A_520 = arith.constant 0 : i32
      %dma_wait3A_521 = tpu.memref_slice %arg2[%dma_wait3A_519, %dma_wait3A_520] : memref<10000x128xf32, #tpu.memory_space<hbm>> -> memref<10000x128xf32, #tpu.memory_space<hbm>>
      tpu.wait_indirect_dma semaphore(%arg14 : memref<!tpu.dma_semaphore, #tpu.memory_space<semaphore_mem>>) src(%dma_wait3A_521 : memref<10000x128xf32, #tpu.memory_space<hbm>>) dst(%arg11 : memref<128x128xf32, #tpu.memory_space<vmem>>)
      %dma_start3A_522 = arith.constant 5 : i32
      %dma_start3A_523 = arith.constant 0 : i32
      %dma_start3A_524 = tpu.memref_slice %arg9[%dma_start3A_522, %dma_start3A_523] : memref<8x128xi32, #tpu.memory_space<vmem>> -> memref<1x128xi32, #tpu.memory_space<vmem>>
      %dma_start3A_525 = tpu.memref_squeeze %dma_start3A_524 : memref<1x128xi32, #tpu.memory_space<vmem>> -> memref<128xi32, #tpu.memory_space<vmem>>
      %dma_start3A_526 = arith.constant 0 : i32
      %dma_start3A_527 = arith.constant 0 : i32
      %dma_start3A_528 = tpu.memref_slice %arg12[%dma_start3A_526, %dma_start3A_527] : memref<10240x128xf32, #tpu.memory_space<vmem_shared>> -> memref<10240x128xf32, #tpu.memory_space<vmem_shared>>
      tpu.enqueue_indirect_dma source(%arg11 : memref<128x128xf32, #tpu.memory_space<vmem>>) target(%dma_start3A_528 : memref<10240x128xf32, #tpu.memory_space<vmem_shared>>) offsets(%dma_start3A_525 : memref<128xi32, #tpu.memory_space<vmem>>) semaphore(%arg16 : memref<!tpu.dma_semaphore, #tpu.memory_space<semaphore_mem>>) {add = true}
      %dma_wait3A_529 = arith.constant 5 : i32
      %dma_wait3A_530 = arith.constant 0 : i32
      %dma_wait3A_531 = tpu.memref_slice %arg9[%dma_wait3A_529, %dma_wait3A_530] : memref<8x128xi32, #tpu.memory_space<vmem>> -> memref<1x128xi32, #tpu.memory_space<vmem>>
      %dma_wait3A_532 = tpu.memref_squeeze %dma_wait3A_531 : memref<1x128xi32, #tpu.memory_space<vmem>> -> memref<128xi32, #tpu.memory_space<vmem>>
      %dma_wait3A_533 = arith.constant 0 : i32
      %dma_wait3A_534 = arith.constant 0 : i32
      %dma_wait3A_535 = tpu.memref_slice %arg12[%dma_wait3A_533, %dma_wait3A_534] : memref<10240x128xf32, #tpu.memory_space<vmem_shared>> -> memref<10240x128xf32, #tpu.memory_space<vmem_shared>>
      tpu.wait_indirect_dma semaphore(%arg16 : memref<!tpu.dma_semaphore, #tpu.memory_space<semaphore_mem>>) src(%arg11 : memref<128x128xf32, #tpu.memory_space<vmem>>) dst(%dma_wait3A_535 : memref<10240x128xf32, #tpu.memory_space<vmem_shared>>)
      %dma_start3A_536 = arith.constant 7 : i32
      %dma_start3A_537 = arith.constant 0 : i32
      %dma_start3A_538 = tpu.memref_slice %arg8[%dma_start3A_536, %dma_start3A_537] : memref<8x128xi32, #tpu.memory_space<vmem>> -> memref<1x128xi32, #tpu.memory_space<vmem>>
      %dma_start3A_539 = tpu.memref_squeeze %dma_start3A_538 : memref<1x128xi32, #tpu.memory_space<vmem>> -> memref<128xi32, #tpu.memory_space<vmem>>
      %dma_start3A_540 = arith.constant 0 : i32
      %dma_start3A_541 = arith.constant 0 : i32
      %dma_start3A_542 = tpu.memref_slice %arg2[%dma_start3A_540, %dma_start3A_541] : memref<10000x128xf32, #tpu.memory_space<hbm>> -> memref<10000x128xf32, #tpu.memory_space<hbm>>
      tpu.enqueue_indirect_dma source(%dma_start3A_542 : memref<10000x128xf32, #tpu.memory_space<hbm>>) target(%arg11 : memref<128x128xf32, #tpu.memory_space<vmem>>) offsets(%dma_start3A_539 : memref<128xi32, #tpu.memory_space<vmem>>) semaphore(%arg14 : memref<!tpu.dma_semaphore, #tpu.memory_space<semaphore_mem>>)
      %dma_wait3A_543 = arith.constant 6 : i32
      %dma_wait3A_544 = arith.constant 0 : i32
      %dma_wait3A_545 = tpu.memref_slice %arg8[%dma_wait3A_543, %dma_wait3A_544] : memref<8x128xi32, #tpu.memory_space<vmem>> -> memref<1x128xi32, #tpu.memory_space<vmem>>
      %dma_wait3A_546 = tpu.memref_squeeze %dma_wait3A_545 : memref<1x128xi32, #tpu.memory_space<vmem>> -> memref<128xi32, #tpu.memory_space<vmem>>
      %dma_wait3A_547 = arith.constant 0 : i32
      %dma_wait3A_548 = arith.constant 0 : i32
      %dma_wait3A_549 = tpu.memref_slice %arg2[%dma_wait3A_547, %dma_wait3A_548] : memref<10000x128xf32, #tpu.memory_space<hbm>> -> memref<10000x128xf32, #tpu.memory_space<hbm>>
      tpu.wait_indirect_dma semaphore(%arg13 : memref<!tpu.dma_semaphore, #tpu.memory_space<semaphore_mem>>) src(%dma_wait3A_549 : memref<10000x128xf32, #tpu.memory_space<hbm>>) dst(%arg10 : memref<128x128xf32, #tpu.memory_space<vmem>>)
      %dma_start3A_550 = arith.constant 6 : i32
      %dma_start3A_551 = arith.constant 0 : i32
      %dma_start3A_552 = tpu.memref_slice %arg9[%dma_start3A_550, %dma_start3A_551] : memref<8x128xi32, #tpu.memory_space<vmem>> -> memref<1x128xi32, #tpu.memory_space<vmem>>
      %dma_start3A_553 = tpu.memref_squeeze %dma_start3A_552 : memref<1x128xi32, #tpu.memory_space<vmem>> -> memref<128xi32, #tpu.memory_space<vmem>>
      %dma_start3A_554 = arith.constant 0 : i32
      %dma_start3A_555 = arith.constant 0 : i32
      %dma_start3A_556 = tpu.memref_slice %arg12[%dma_start3A_554, %dma_start3A_555] : memref<10240x128xf32, #tpu.memory_space<vmem_shared>> -> memref<10240x128xf32, #tpu.memory_space<vmem_shared>>
      tpu.enqueue_indirect_dma source(%arg10 : memref<128x128xf32, #tpu.memory_space<vmem>>) target(%dma_start3A_556 : memref<10240x128xf32, #tpu.memory_space<vmem_shared>>) offsets(%dma_start3A_553 : memref<128xi32, #tpu.memory_space<vmem>>) semaphore(%arg15 : memref<!tpu.dma_semaphore, #tpu.memory_space<semaphore_mem>>) {add = true}
      %dma_wait3A_557 = arith.constant 7 : i32
      %dma_wait3A_558 = arith.constant 0 : i32
      %dma_wait3A_559 = tpu.memref_slice %arg8[%dma_wait3A_557, %dma_wait3A_558] : memref<8x128xi32, #tpu.memory_space<vmem>> -> memref<1x128xi32, #tpu.memory_space<vmem>>
      %dma_wait3A_560 = tpu.memref_squeeze %dma_wait3A_559 : memref<1x128xi32, #tpu.memory_space<vmem>> -> memref<128xi32, #tpu.memory_space<vmem>>
      %dma_wait3A_561 = arith.constant 0 : i32
      %dma_wait3A_562 = arith.constant 0 : i32
      %dma_wait3A_563 = tpu.memref_slice %arg2[%dma_wait3A_561, %dma_wait3A_562] : memref<10000x128xf32, #tpu.memory_space<hbm>> -> memref<10000x128xf32, #tpu.memory_space<hbm>>
      tpu.wait_indirect_dma semaphore(%arg14 : memref<!tpu.dma_semaphore, #tpu.memory_space<semaphore_mem>>) src(%dma_wait3A_563 : memref<10000x128xf32, #tpu.memory_space<hbm>>) dst(%arg11 : memref<128x128xf32, #tpu.memory_space<vmem>>)
      %dma_start3A_564 = arith.constant 7 : i32
      %dma_start3A_565 = arith.constant 0 : i32
      %dma_start3A_566 = tpu.memref_slice %arg9[%dma_start3A_564, %dma_start3A_565] : memref<8x128xi32, #tpu.memory_space<vmem>> -> memref<1x128xi32, #tpu.memory_space<vmem>>
      %dma_start3A_567 = tpu.memref_squeeze %dma_start3A_566 : memref<1x128xi32, #tpu.memory_space<vmem>> -> memref<128xi32, #tpu.memory_space<vmem>>
      %dma_start3A_568 = arith.constant 0 : i32
      %dma_start3A_569 = arith.constant 0 : i32
      %dma_start3A_570 = tpu.memref_slice %arg12[%dma_start3A_568, %dma_start3A_569] : memref<10240x128xf32, #tpu.memory_space<vmem_shared>> -> memref<10240x128xf32, #tpu.memory_space<vmem_shared>>
      tpu.enqueue_indirect_dma source(%arg11 : memref<128x128xf32, #tpu.memory_space<vmem>>) target(%dma_start3A_570 : memref<10240x128xf32, #tpu.memory_space<vmem_shared>>) offsets(%dma_start3A_567 : memref<128xi32, #tpu.memory_space<vmem>>) semaphore(%arg16 : memref<!tpu.dma_semaphore, #tpu.memory_space<semaphore_mem>>) {add = true}
      %dma_wait3A_571 = arith.constant 6 : i32
      %dma_wait3A_572 = arith.constant 0 : i32
      %dma_wait3A_573 = tpu.memref_slice %arg9[%dma_wait3A_571, %dma_wait3A_572] : memref<8x128xi32, #tpu.memory_space<vmem>> -> memref<1x128xi32, #tpu.memory_space<vmem>>
      %dma_wait3A_574 = tpu.memref_squeeze %dma_wait3A_573 : memref<1x128xi32, #tpu.memory_space<vmem>> -> memref<128xi32, #tpu.memory_space<vmem>>
      %dma_wait3A_575 = arith.constant 0 : i32
      %dma_wait3A_576 = arith.constant 0 : i32
      %dma_wait3A_577 = tpu.memref_slice %arg12[%dma_wait3A_575, %dma_wait3A_576] : memref<10240x128xf32, #tpu.memory_space<vmem_shared>> -> memref<10240x128xf32, #tpu.memory_space<vmem_shared>>
      tpu.wait_indirect_dma semaphore(%arg15 : memref<!tpu.dma_semaphore, #tpu.memory_space<semaphore_mem>>) src(%arg10 : memref<128x128xf32, #tpu.memory_space<vmem>>) dst(%dma_wait3A_577 : memref<10240x128xf32, #tpu.memory_space<vmem_shared>>)
      %dma_wait3A_578 = arith.constant 7 : i32
      %dma_wait3A_579 = arith.constant 0 : i32
      %dma_wait3A_580 = tpu.memref_slice %arg9[%dma_wait3A_578, %dma_wait3A_579] : memref<8x128xi32, #tpu.memory_space<vmem>> -> memref<1x128xi32, #tpu.memory_space<vmem>>
      %dma_wait3A_581 = tpu.memref_squeeze %dma_wait3A_580 : memref<1x128xi32, #tpu.memory_space<vmem>> -> memref<128xi32, #tpu.memory_space<vmem>>
      %dma_wait3A_582 = arith.constant 0 : i32
      %dma_wait3A_583 = arith.constant 0 : i32
      %dma_wait3A_584 = tpu.memref_slice %arg12[%dma_wait3A_582, %dma_wait3A_583] : memref<10240x128xf32, #tpu.memory_space<vmem_shared>> -> memref<10240x128xf32, #tpu.memory_space<vmem_shared>>
      tpu.wait_indirect_dma semaphore(%arg16 : memref<!tpu.dma_semaphore, #tpu.memory_space<semaphore_mem>>) src(%arg11 : memref<128x128xf32, #tpu.memory_space<vmem>>) dst(%dma_wait3A_584 : memref<10240x128xf32, #tpu.memory_space<vmem_shared>>)
      %add3A_585 = arith.constant 3 : i32
      %add3A_586 = arith.addi %mul3A_86, %add3A_585 : i32
      %mul3A_587 = arith.constant 8 : i32
      %mul3A_588 = arith.muli %add3A_586, %mul3A_587 : i32
      %dma_start3A_589 = arith.constant 0 : i32
      %dma_start3A_590 = tpu.memref_slice %arg3[%add3A, %mul3A_588, %dma_start3A_589] : memref<32x96x128xi32, #tpu.memory_space<hbm>> -> memref<1x8x128xi32, #tpu.memory_space<hbm>>
      %dma_start3A_591 = tpu.memref_squeeze %dma_start3A_590 : memref<1x8x128xi32, #tpu.memory_space<hbm>> -> memref<8x128xi32, #tpu.memory_space<hbm>>
      %dma_start3A_592 = arith.constant 0 : i32
      %dma_start3A_593 = tpu.memref_slice %arg3[%add3A, %mul3A_588, %dma_start3A_592] : memref<32x96x128xi32, #tpu.memory_space<hbm>> -> memref<1x8x128xi32, #tpu.memory_space<hbm>>
      %dma_start3A_594 = tpu.memref_squeeze %dma_start3A_593 : memref<1x8x128xi32, #tpu.memory_space<hbm>> -> memref<8x128xi32, #tpu.memory_space<hbm>>
      tpu.enqueue_dma source(%dma_start3A_594 : memref<8x128xi32, #tpu.memory_space<hbm>>) target(%arg8 : memref<8x128xi32, #tpu.memory_space<vmem>>) target_semaphore(%arg18 : memref<!tpu.dma_semaphore, #tpu.memory_space<semaphore_mem>>)
      %mul3A_595 = arith.constant 8 : i32
      %mul3A_596 = arith.muli %add3A_586, %mul3A_595 : i32
      %dma_start3A_597 = arith.constant 0 : i32
      %dma_start3A_598 = tpu.memref_slice %arg4[%add3A, %mul3A_596, %dma_start3A_597] : memref<32x96x128xi32, #tpu.memory_space<hbm>> -> memref<1x8x128xi32, #tpu.memory_space<hbm>>
      %dma_start3A_599 = tpu.memref_squeeze %dma_start3A_598 : memref<1x8x128xi32, #tpu.memory_space<hbm>> -> memref<8x128xi32, #tpu.memory_space<hbm>>
      %dma_start3A_600 = arith.constant 0 : i32
      %dma_start3A_601 = tpu.memref_slice %arg4[%add3A, %mul3A_596, %dma_start3A_600] : memref<32x96x128xi32, #tpu.memory_space<hbm>> -> memref<1x8x128xi32, #tpu.memory_space<hbm>>
      %dma_start3A_602 = tpu.memref_squeeze %dma_start3A_601 : memref<1x8x128xi32, #tpu.memory_space<hbm>> -> memref<8x128xi32, #tpu.memory_space<hbm>>
      tpu.enqueue_dma source(%dma_start3A_602 : memref<8x128xi32, #tpu.memory_space<hbm>>) target(%arg9 : memref<8x128xi32, #tpu.memory_space<vmem>>) target_semaphore(%arg18 : memref<!tpu.dma_semaphore, #tpu.memory_space<semaphore_mem>>)
    }
    %scan3A_47 = arith.constant 5 : i32
    %dma_wait3A = arith.constant 0 : i32
    %dma_wait3A_48 = arith.constant 0 : i32
    %dma_wait3A_49 = tpu.memref_slice %arg3[%add3A, %dma_wait3A, %dma_wait3A_48] : memref<32x96x128xi32, #tpu.memory_space<hbm>> -> memref<1x8x128xi32, #tpu.memory_space<hbm>>
    %dma_wait3A_50 = tpu.memref_squeeze %dma_wait3A_49 : memref<1x8x128xi32, #tpu.memory_space<hbm>> -> memref<8x128xi32, #tpu.memory_space<hbm>>
    %dma_wait3A_51 = arith.constant 0 : i32
    %dma_wait3A_52 = arith.constant 0 : i32
    %dma_wait3A_53 = tpu.memref_slice %arg3[%add3A, %dma_wait3A_51, %dma_wait3A_52] : memref<32x96x128xi32, #tpu.memory_space<hbm>> -> memref<1x8x128xi32, #tpu.memory_space<hbm>>
    %dma_wait3A_54 = tpu.memref_squeeze %dma_wait3A_53 : memref<1x8x128xi32, #tpu.memory_space<hbm>> -> memref<8x128xi32, #tpu.memory_space<hbm>>
    tpu.wait_dma2 semaphore(%arg17 : memref<!tpu.dma_semaphore, #tpu.memory_space<semaphore_mem>>) src(%dma_wait3A_54 : memref<8x128xi32, #tpu.memory_space<hbm>>) dst(%arg6 : memref<8x128xi32, #tpu.memory_space<vmem>>)
    %dma_wait3A_55 = arith.constant 0 : i32
    %dma_wait3A_56 = arith.constant 0 : i32
    %dma_wait3A_57 = tpu.memref_slice %arg4[%add3A, %dma_wait3A_55, %dma_wait3A_56] : memref<32x96x128xi32, #tpu.memory_space<hbm>> -> memref<1x8x128xi32, #tpu.memory_space<hbm>>
    %dma_wait3A_58 = tpu.memref_squeeze %dma_wait3A_57 : memref<1x8x128xi32, #tpu.memory_space<hbm>> -> memref<8x128xi32, #tpu.memory_space<hbm>>
    %dma_wait3A_59 = arith.constant 0 : i32
    %dma_wait3A_60 = arith.constant 0 : i32
    %dma_wait3A_61 = tpu.memref_slice %arg4[%add3A, %dma_wait3A_59, %dma_wait3A_60] : memref<32x96x128xi32, #tpu.memory_space<hbm>> -> memref<1x8x128xi32, #tpu.memory_space<hbm>>
    %dma_wait3A_62 = tpu.memref_squeeze %dma_wait3A_61 : memref<1x8x128xi32, #tpu.memory_space<hbm>> -> memref<8x128xi32, #tpu.memory_space<hbm>>
    tpu.wait_dma2 semaphore(%arg17 : memref<!tpu.dma_semaphore, #tpu.memory_space<semaphore_mem>>) src(%dma_wait3A_62 : memref<8x128xi32, #tpu.memory_space<hbm>>) dst(%arg7 : memref<8x128xi32, #tpu.memory_space<vmem>>)
    %dma_wait3A_63 = arith.constant 0 : i32
    %dma_wait3A_64 = arith.constant 0 : i32
    %dma_wait3A_65 = tpu.memref_slice %arg3[%add3A, %dma_wait3A_63, %dma_wait3A_64] : memref<32x96x128xi32, #tpu.memory_space<hbm>> -> memref<1x8x128xi32, #tpu.memory_space<hbm>>
    %dma_wait3A_66 = tpu.memref_squeeze %dma_wait3A_65 : memref<1x8x128xi32, #tpu.memory_space<hbm>> -> memref<8x128xi32, #tpu.memory_space<hbm>>
    %dma_wait3A_67 = arith.constant 0 : i32
    %dma_wait3A_68 = arith.constant 0 : i32
    %dma_wait3A_69 = tpu.memref_slice %arg3[%add3A, %dma_wait3A_67, %dma_wait3A_68] : memref<32x96x128xi32, #tpu.memory_space<hbm>> -> memref<1x8x128xi32, #tpu.memory_space<hbm>>
    %dma_wait3A_70 = tpu.memref_squeeze %dma_wait3A_69 : memref<1x8x128xi32, #tpu.memory_space<hbm>> -> memref<8x128xi32, #tpu.memory_space<hbm>>
    tpu.wait_dma2 semaphore(%arg18 : memref<!tpu.dma_semaphore, #tpu.memory_space<semaphore_mem>>) src(%dma_wait3A_70 : memref<8x128xi32, #tpu.memory_space<hbm>>) dst(%arg8 : memref<8x128xi32, #tpu.memory_space<vmem>>)
    %dma_wait3A_71 = arith.constant 0 : i32
    %dma_wait3A_72 = arith.constant 0 : i32
    %dma_wait3A_73 = tpu.memref_slice %arg4[%add3A, %dma_wait3A_71, %dma_wait3A_72] : memref<32x96x128xi32, #tpu.memory_space<hbm>> -> memref<1x8x128xi32, #tpu.memory_space<hbm>>
    %dma_wait3A_74 = tpu.memref_squeeze %dma_wait3A_73 : memref<1x8x128xi32, #tpu.memory_space<hbm>> -> memref<8x128xi32, #tpu.memory_space<hbm>>
    %dma_wait3A_75 = arith.constant 0 : i32
    %dma_wait3A_76 = arith.constant 0 : i32
    %dma_wait3A_77 = tpu.memref_slice %arg4[%add3A, %dma_wait3A_75, %dma_wait3A_76] : memref<32x96x128xi32, #tpu.memory_space<hbm>> -> memref<1x8x128xi32, #tpu.memory_space<hbm>>
    %dma_wait3A_78 = tpu.memref_squeeze %dma_wait3A_77 : memref<1x8x128xi32, #tpu.memory_space<hbm>> -> memref<8x128xi32, #tpu.memory_space<hbm>>
    tpu.wait_dma2 semaphore(%arg18 : memref<!tpu.dma_semaphore, #tpu.memory_space<semaphore_mem>>) src(%dma_wait3A_78 : memref<8x128xi32, #tpu.memory_space<hbm>>) dst(%arg9 : memref<8x128xi32, #tpu.memory_space<vmem>>)
    %barrier3A_79 = arith.constant 0 : index
    tpu.barrier barrier_id(%barrier3A_79)
    "tpu.region"() ({
      %run_scoped3A = tpu.sem_alloc : memref<!tpu.dma_semaphore, #tpu.memory_space<semaphore_mem>>
      %dma_start3A_80 = arith.constant 0 : i32
      %dma_start3A_81 = tpu.memref_slice %arg5[%arg0, %mul3A_2, %dma_start3A_80] : memref<2x10240x128xf32, #tpu.memory_space<hbm>> -> memref<1x640x128xf32, #tpu.memory_space<hbm>>
      %dma_start3A_82 = tpu.memref_squeeze %dma_start3A_81 : memref<1x640x128xf32, #tpu.memory_space<hbm>> -> memref<640x128xf32, #tpu.memory_space<hbm>>
      %dma_start3A_83 = arith.constant 0 : i32
      %dma_start3A_84 = tpu.memref_slice %arg12[%mul3A_2, %dma_start3A_83] : memref<10240x128xf32, #tpu.memory_space<vmem_shared>> -> memref<640x128xf32, #tpu.memory_space<vmem_shared>>
      tpu.enqueue_dma source(%dma_start3A_84 : memref<640x128xf32, #tpu.memory_space<vmem_shared>>) target(%dma_start3A_82 : memref<640x128xf32, #tpu.memory_space<hbm>>) target_semaphore(%run_scoped3A : memref<!tpu.dma_semaphore, #tpu.memory_space<semaphore_mem>>)
      %dma_wait3A_85 = arith.constant 0 : i32
      %dma_wait3A_86 = tpu.memref_slice %arg5[%arg0, %mul3A_2, %dma_wait3A_85] : memref<2x10240x128xf32, #tpu.memory_space<hbm>> -> memref<1x640x128xf32, #tpu.memory_space<hbm>>
      %dma_wait3A_87 = tpu.memref_squeeze %dma_wait3A_86 : memref<1x640x128xf32, #tpu.memory_space<hbm>> -> memref<640x128xf32, #tpu.memory_space<hbm>>
      %dma_wait3A_88 = arith.constant 0 : i32
      %dma_wait3A_89 = tpu.memref_slice %arg12[%mul3A_2, %dma_wait3A_88] : memref<10240x128xf32, #tpu.memory_space<vmem_shared>> -> memref<640x128xf32, #tpu.memory_space<vmem_shared>>
      tpu.wait_dma2 semaphore(%run_scoped3A : memref<!tpu.dma_semaphore, #tpu.memory_space<semaphore_mem>>) src(%dma_wait3A_89 : memref<640x128xf32, #tpu.memory_space<vmem_shared>>) dst(%dma_wait3A_87 : memref<640x128xf32, #tpu.memory_space<hbm>>)
      tpu.yield
    }) : () -> ()
    return
  }
}

#map = affine_map<(d0, d1) -> (0, 0, 0)>
module attributes {stable_mosaic.version = 14 : i64} {
  func.func @k(%arg0: i32, %arg1: i32, %arg2: memref<32x96x128xi32, #tpu.memory_space<hbm>>, %arg3: memref<2x10240x16xf32, #tpu.memory_space<hbm>>, %arg4: memref<80x128xi32, #tpu.memory_space<vmem>>, %arg5: memref<128x16xf32, #tpu.memory_space<vmem>>, %arg6: memref<10240x16xf32, #tpu.memory_space<vmem_shared>>) attributes {dimension_semantics = [#tpu.dimension_semantics<core_parallel>, #tpu.dimension_semantics<subcore_parallel>], iteration_bounds = array<i64: 2, 16>, scalar_prefetch = 0 : i64, scratch_operands = 3 : i64, tpu.core_type = #tpu.core_type<sc_vector_subcore>, window_params = [{transform_indices = #map}, {transform_indices = #map}]} {
    %mul3A = arith.constant 16 : i32
    %mul3A_0 = arith.muli %arg0, %mul3A : i32
    %add3A = arith.addi %mul3A_0, %arg1 : i32
    %mul3A_1 = arith.constant 640 : i32
    %mul3A_2 = arith.muli %arg1, %mul3A_1 : i32
    "tpu.region"() ({
      %run_scoped3A = tpu.sem_alloc : memref<!tpu.dma_semaphore, #tpu.memory_space<semaphore_mem>>
      %dma_start3A = arith.constant 0 : i32
      %dma_start3A_23 = arith.constant 0 : i32
      %dma_start3A_24 = tpu.memref_slice %arg2[%add3A, %dma_start3A, %dma_start3A_23] : memref<32x96x128xi32, #tpu.memory_space<hbm>> -> memref<1x80x128xi32, #tpu.memory_space<hbm>>
      %dma_start3A_25 = tpu.memref_squeeze %dma_start3A_24 : memref<1x80x128xi32, #tpu.memory_space<hbm>> -> memref<80x128xi32, #tpu.memory_space<hbm>>
      %dma_start3A_26 = arith.constant 0 : i32
      %dma_start3A_27 = arith.constant 0 : i32
      %dma_start3A_28 = tpu.memref_slice %arg2[%add3A, %dma_start3A_26, %dma_start3A_27] : memref<32x96x128xi32, #tpu.memory_space<hbm>> -> memref<1x80x128xi32, #tpu.memory_space<hbm>>
      %dma_start3A_29 = tpu.memref_squeeze %dma_start3A_28 : memref<1x80x128xi32, #tpu.memory_space<hbm>> -> memref<80x128xi32, #tpu.memory_space<hbm>>
      tpu.enqueue_dma source(%dma_start3A_29 : memref<80x128xi32, #tpu.memory_space<hbm>>) target(%arg4 : memref<80x128xi32, #tpu.memory_space<vmem>>) target_semaphore(%run_scoped3A : memref<!tpu.dma_semaphore, #tpu.memory_space<semaphore_mem>>)
      %dma_wait3A = arith.constant 0 : i32
      %dma_wait3A_30 = arith.constant 0 : i32
      %dma_wait3A_31 = tpu.memref_slice %arg2[%add3A, %dma_wait3A, %dma_wait3A_30] : memref<32x96x128xi32, #tpu.memory_space<hbm>> -> memref<1x80x128xi32, #tpu.memory_space<hbm>>
      %dma_wait3A_32 = tpu.memref_squeeze %dma_wait3A_31 : memref<1x80x128xi32, #tpu.memory_space<hbm>> -> memref<80x128xi32, #tpu.memory_space<hbm>>
      %dma_wait3A_33 = arith.constant 0 : i32
      %dma_wait3A_34 = arith.constant 0 : i32
      %dma_wait3A_35 = tpu.memref_slice %arg2[%add3A, %dma_wait3A_33, %dma_wait3A_34] : memref<32x96x128xi32, #tpu.memory_space<hbm>> -> memref<1x80x128xi32, #tpu.memory_space<hbm>>
      %dma_wait3A_36 = tpu.memref_squeeze %dma_wait3A_35 : memref<1x80x128xi32, #tpu.memory_space<hbm>> -> memref<80x128xi32, #tpu.memory_space<hbm>>
      tpu.wait_dma2 semaphore(%run_scoped3A : memref<!tpu.dma_semaphore, #tpu.memory_space<semaphore_mem>>) src(%dma_wait3A_36 : memref<80x128xi32, #tpu.memory_space<hbm>>) dst(%arg4 : memref<80x128xi32, #tpu.memory_space<vmem>>)
      tpu.yield
    }) : () -> ()
    %scan3A = arith.constant 0 : i32
    %scan3A_3 = arith.constant 128 : i32
    %scan3A_4 = arith.addi %scan3A, %scan3A_3 : i32
    %scan3A_5 = arith.constant 1 : i32
    scf.for %scan3A_23 = %scan3A to %scan3A_4 step %scan3A_5  : i32 {
      %mul3A_24 = arith.constant 1 : i32
      %mul3A_25 = arith.muli %scan3A_23, %mul3A_24 : i32
      %add3A_26 = arith.constant 0 : i32
      %add3A_27 = arith.addi %add3A_26, %mul3A_25 : i32
      %scan3A_28 = arith.constant 0 : i32
      %mul3A_29 = arith.constant 16 : i32
      %mul3A_30 = arith.muli %scan3A_28, %mul3A_29 : i32
      %add3A_31 = arith.constant 0 : i32
      %add3A_32 = arith.addi %add3A_31, %mul3A_30 : i32
      %broadcast_in_dim3A = arith.constant 0.000000e+00 : f32
      %broadcast_in_dim3A_33 = vector.broadcast %broadcast_in_dim3A : f32 to vector<16xf32>
      %swap3A = arith.index_cast %add3A_27 : i32 to index
      %swap3A_34 = arith.index_cast %add3A_32 : i32 to index
      %swap3A_35 = tpu.vector_load %arg5[%swap3A, %swap3A_34] {strides = array<i32>} : memref<128x16xf32, #tpu.memory_space<vmem>>, vector<1x16xf32>,
      %swap3A_36 = vector.shape_cast %swap3A_35 : vector<1x16xf32> to vector<16xf32>
      %swap3A_37 = vector.shape_cast %broadcast_in_dim3A_33 : vector<16xf32> to vector<1x16xf32>
      tpu.vector_store %arg5[%swap3A, %swap3A_34], %swap3A_37 {strides = array<i32>} : memref<128x16xf32, #tpu.memory_space<vmem>>, vector<1x16xf32>,
      %scan3A_38 = arith.constant 1 : i32
    }
    %scan3A_6 = arith.constant 128 : i32
    %scan3A_7 = arith.constant 0 : i32
    %scan3A_8 = arith.constant 5 : i32
    %scan3A_9 = arith.addi %scan3A_7, %scan3A_8 : i32
    %scan3A_10 = arith.constant 1 : i32
    scf.for %scan3A_23 = %scan3A_7 to %scan3A_9 step %scan3A_10  : i32 {
      %mul3A_24 = arith.constant 1 : i32
      %mul3A_25 = arith.muli %scan3A_23, %mul3A_24 : i32
      %add3A_26 = arith.constant 0 : i32
      %add3A_27 = arith.addi %add3A_26, %mul3A_25 : i32
      %mul3A_28 = arith.constant 128 : i32
      %mul3A_29 = arith.muli %add3A_27, %mul3A_28 : i32
      %add3A_30 = arith.addi %mul3A_2, %mul3A_29 : i32
      "tpu.region"() ({
        %run_scoped3A = tpu.sem_alloc : memref<!tpu.dma_semaphore, #tpu.memory_space<semaphore_mem>>
        %dma_start3A = arith.constant 0 : i32
        %dma_start3A_31 = tpu.memref_slice %arg6[%add3A_30, %dma_start3A] : memref<10240x16xf32, #tpu.memory_space<vmem_shared>> -> memref<128x16xf32, #tpu.memory_space<vmem_shared>>
        %dma_start3A_32 = arith.constant 0 : i32
        %dma_start3A_33 = tpu.memref_slice %arg6[%add3A_30, %dma_start3A_32] : memref<10240x16xf32, #tpu.memory_space<vmem_shared>> -> memref<128x16xf32, #tpu.memory_space<vmem_shared>>
        tpu.enqueue_dma source(%arg5 : memref<128x16xf32, #tpu.memory_space<vmem>>) target(%dma_start3A_33 : memref<128x16xf32, #tpu.memory_space<vmem_shared>>) target_semaphore(%run_scoped3A : memref<!tpu.dma_semaphore, #tpu.memory_space<semaphore_mem>>)
        %dma_wait3A = arith.constant 0 : i32
        %dma_wait3A_34 = tpu.memref_slice %arg6[%add3A_30, %dma_wait3A] : memref<10240x16xf32, #tpu.memory_space<vmem_shared>> -> memref<128x16xf32, #tpu.memory_space<vmem_shared>>
        %dma_wait3A_35 = arith.constant 0 : i32
        %dma_wait3A_36 = tpu.memref_slice %arg6[%add3A_30, %dma_wait3A_35] : memref<10240x16xf32, #tpu.memory_space<vmem_shared>> -> memref<128x16xf32, #tpu.memory_space<vmem_shared>>
        tpu.wait_dma2 semaphore(%run_scoped3A : memref<!tpu.dma_semaphore, #tpu.memory_space<semaphore_mem>>) src(%arg5 : memref<128x16xf32, #tpu.memory_space<vmem>>) dst(%dma_wait3A_36 : memref<128x16xf32, #tpu.memory_space<vmem_shared>>)
        tpu.yield
      }) : () -> ()
    }
    %scan3A_11 = arith.constant 5 : i32
    %scan3A_12 = arith.constant 0 : i32
    %scan3A_13 = arith.constant 128 : i32
    %scan3A_14 = arith.addi %scan3A_12, %scan3A_13 : i32
    %scan3A_15 = arith.constant 1 : i32
    scf.for %scan3A_23 = %scan3A_12 to %scan3A_14 step %scan3A_15  : i32 {
      %mul3A_24 = arith.constant 1 : i32
      %mul3A_25 = arith.muli %scan3A_23, %mul3A_24 : i32
      %add3A_26 = arith.constant 0 : i32
      %add3A_27 = arith.addi %add3A_26, %mul3A_25 : i32
      %scan3A_28 = arith.constant 0 : i32
      %mul3A_29 = arith.constant 16 : i32
      %mul3A_30 = arith.muli %scan3A_28, %mul3A_29 : i32
      %add3A_31 = arith.constant 0 : i32
      %add3A_32 = arith.addi %add3A_31, %mul3A_30 : i32
      %broadcast_in_dim3A = arith.constant 1.000000e+00 : f32
      %broadcast_in_dim3A_33 = vector.broadcast %broadcast_in_dim3A : f32 to vector<16xf32>
      %swap3A = arith.index_cast %add3A_27 : i32 to index
      %swap3A_34 = arith.index_cast %add3A_32 : i32 to index
      %swap3A_35 = tpu.vector_load %arg5[%swap3A, %swap3A_34] {strides = array<i32>} : memref<128x16xf32, #tpu.memory_space<vmem>>, vector<1x16xf32>,
      %swap3A_36 = vector.shape_cast %swap3A_35 : vector<1x16xf32> to vector<16xf32>
      %swap3A_37 = vector.shape_cast %broadcast_in_dim3A_33 : vector<16xf32> to vector<1x16xf32>
      tpu.vector_store %arg5[%swap3A, %swap3A_34], %swap3A_37 {strides = array<i32>} : memref<128x16xf32, #tpu.memory_space<vmem>>, vector<1x16xf32>,
      %scan3A_38 = arith.constant 1 : i32
    }
    %scan3A_16 = arith.constant 128 : i32
    %barrier3A = arith.constant 0 : index
    tpu.barrier barrier_id(%barrier3A)
    %scan3A_17 = arith.constant 0 : i32
    %scan3A_18 = arith.constant 80 : i32
    %scan3A_19 = arith.addi %scan3A_17, %scan3A_18 : i32
    %scan3A_20 = arith.constant 1 : i32
    scf.for %scan3A_23 = %scan3A_17 to %scan3A_19 step %scan3A_20  : i32 {
      %mul3A_24 = arith.constant 1 : i32
      %mul3A_25 = arith.muli %scan3A_23, %mul3A_24 : i32
      %add3A_26 = arith.constant 0 : i32
      %add3A_27 = arith.addi %add3A_26, %mul3A_25 : i32
      "tpu.region"() ({
        %run_scoped3A = tpu.sem_alloc : memref<!tpu.dma_semaphore, #tpu.memory_space<semaphore_mem>>
        %dma_start3A = arith.constant 0 : i32
        %dma_start3A_28 = tpu.memref_slice %arg4[%add3A_27, %dma_start3A] : memref<80x128xi32, #tpu.memory_space<vmem>> -> memref<1x128xi32, #tpu.memory_space<vmem>>
        %dma_start3A_29 = tpu.memref_squeeze %dma_start3A_28 : memref<1x128xi32, #tpu.memory_space<vmem>> -> memref<128xi32, #tpu.memory_space<vmem>>
        %dma_start3A_30 = arith.constant 0 : i32
        %dma_start3A_31 = arith.constant 0 : i32
        %dma_start3A_32 = tpu.memref_slice %arg6[%dma_start3A_30, %dma_start3A_31] : memref<10240x16xf32, #tpu.memory_space<vmem_shared>> -> memref<10240x16xf32, #tpu.memory_space<vmem_shared>>
        tpu.enqueue_indirect_dma source(%arg5 : memref<128x16xf32, #tpu.memory_space<vmem>>) target(%dma_start3A_32 : memref<10240x16xf32, #tpu.memory_space<vmem_shared>>) offsets(%dma_start3A_29 : memref<128xi32, #tpu.memory_space<vmem>>) semaphore(%run_scoped3A : memref<!tpu.dma_semaphore, #tpu.memory_space<semaphore_mem>>) {add = true}
        %dma_wait3A = arith.constant 0 : i32
        %dma_wait3A_33 = tpu.memref_slice %arg4[%add3A_27, %dma_wait3A] : memref<80x128xi32, #tpu.memory_space<vmem>> -> memref<1x128xi32, #tpu.memory_space<vmem>>
        %dma_wait3A_34 = tpu.memref_squeeze %dma_wait3A_33 : memref<1x128xi32, #tpu.memory_space<vmem>> -> memref<128xi32, #tpu.memory_space<vmem>>
        %dma_wait3A_35 = arith.constant 0 : i32
        %dma_wait3A_36 = arith.constant 0 : i32
        %dma_wait3A_37 = tpu.memref_slice %arg6[%dma_wait3A_35, %dma_wait3A_36] : memref<10240x16xf32, #tpu.memory_space<vmem_shared>> -> memref<10240x16xf32, #tpu.memory_space<vmem_shared>>
        tpu.wait_indirect_dma semaphore(%run_scoped3A : memref<!tpu.dma_semaphore, #tpu.memory_space<semaphore_mem>>) src(%arg5 : memref<128x16xf32, #tpu.memory_space<vmem>>) dst(%dma_wait3A_37 : memref<10240x16xf32, #tpu.memory_space<vmem_shared>>)
        tpu.yield
      }) : () -> ()
    }
    %scan3A_21 = arith.constant 80 : i32
    %barrier3A_22 = arith.constant 0 : index
    tpu.barrier barrier_id(%barrier3A_22)
    "tpu.region"() ({
      %run_scoped3A = tpu.sem_alloc : memref<!tpu.dma_semaphore, #tpu.memory_space<semaphore_mem>>
      %dma_start3A = arith.constant 0 : i32
      %dma_start3A_23 = tpu.memref_slice %arg3[%arg0, %mul3A_2, %dma_start3A] : memref<2x10240x16xf32, #tpu.memory_space<hbm>> -> memref<1x640x16xf32, #tpu.memory_space<hbm>>
      %dma_start3A_24 = tpu.memref_squeeze %dma_start3A_23 : memref<1x640x16xf32, #tpu.memory_space<hbm>> -> memref<640x16xf32, #tpu.memory_space<hbm>>
      %dma_start3A_25 = arith.constant 0 : i32
      %dma_start3A_26 = tpu.memref_slice %arg6[%mul3A_2, %dma_start3A_25] : memref<10240x16xf32, #tpu.memory_space<vmem_shared>> -> memref<640x16xf32, #tpu.memory_space<vmem_shared>>
      tpu.enqueue_dma source(%dma_start3A_26 : memref<640x16xf32, #tpu.memory_space<vmem_shared>>) target(%dma_start3A_24 : memref<640x16xf32, #tpu.memory_space<hbm>>) target_semaphore(%run_scoped3A : memref<!tpu.dma_semaphore, #tpu.memory_space<semaphore_mem>>)
      %dma_wait3A = arith.constant 0 : i32
      %dma_wait3A_27 = tpu.memref_slice %arg3[%arg0, %mul3A_2, %dma_wait3A] : memref<2x10240x16xf32, #tpu.memory_space<hbm>> -> memref<1x640x16xf32, #tpu.memory_space<hbm>>
      %dma_wait3A_28 = tpu.memref_squeeze %dma_wait3A_27 : memref<1x640x16xf32, #tpu.memory_space<hbm>> -> memref<640x16xf32, #tpu.memory_space<hbm>>
      %dma_wait3A_29 = arith.constant 0 : i32
      %dma_wait3A_30 = tpu.memref_slice %arg6[%mul3A_2, %dma_wait3A_29] : memref<10240x16xf32, #tpu.memory_space<vmem_shared>> -> memref<640x16xf32, #tpu.memory_space<vmem_shared>>
      tpu.wait_dma2 semaphore(%run_scoped3A : memref<!tpu.dma_semaphore, #tpu.memory_space<semaphore_mem>>) src(%dma_wait3A_30 : memref<640x16xf32, #tpu.memory_space<vmem_shared>>) dst(%dma_wait3A_28 : memref<640x16xf32, #tpu.memory_space<hbm>>)
      tpu.yield
    }) : () -> ()
    return
  }
}

#map = affine_map<(d0, d1) -> (0, 0)>
#map1 = affine_map<(d0, d1) -> (0, 0, 0)>
module attributes {stable_mosaic.version = 14 : i64} {
  func.func @k(%arg0: i32, %arg1: i32, %arg2: memref<10000x128xf32, #tpu.memory_space<hbm>>, %arg3: memref<32x96x128xi32, #tpu.memory_space<hbm>>, %arg4: memref<32x96x128xi32, #tpu.memory_space<hbm>>, %arg5: memref<2x10240x128xf32, #tpu.memory_space<hbm>>, %arg6: memref<8x128xi32, #tpu.memory_space<vmem>>, %arg7: memref<8x128xi32, #tpu.memory_space<vmem>>, %arg8: memref<8x128xi32, #tpu.memory_space<vmem>>, %arg9: memref<8x128xi32, #tpu.memory_space<vmem>>, %arg10: memref<128x128xf32, #tpu.memory_space<vmem>>, %arg11: memref<128x128xf32, #tpu.memory_space<vmem>>, %arg12: memref<10240x128xf32, #tpu.memory_space<vmem_shared>>, %arg13: memref<!tpu.dma_semaphore, #tpu.memory_space<semaphore_mem>>, %arg14: memref<!tpu.dma_semaphore, #tpu.memory_space<semaphore_mem>>, %arg15: memref<!tpu.dma_semaphore, #tpu.memory_space<semaphore_mem>>, %arg16: memref<!tpu.dma_semaphore, #tpu.memory_space<semaphore_mem>>, %arg17: memref<!tpu.dma_semaphore, #tpu.memory_space<semaphore_mem>>, %arg18: memref<!tpu.dma_semaphore, #tpu.memory_space<semaphore_mem>>) attributes {dimension_semantics = [#tpu.dimension_semantics<core_parallel>, #tpu.dimension_semantics<subcore_parallel>], iteration_bounds = array<i64: 2, 16>, scalar_prefetch = 0 : i64, scratch_operands = 13 : i64, tpu.core_type = #tpu.core_type<sc_vector_subcore>, window_params = [{transform_indices = #map}, {transform_indices = #map1}, {transform_indices = #map1}, {transform_indices = #map1}]} {
    %mul3A = arith.constant 16 : i32
    %mul3A_0 = arith.muli %arg0, %mul3A : i32
    %add3A = arith.addi %mul3A_0, %arg1 : i32
    %mul3A_1 = arith.constant 640 : i32
    %mul3A_2 = arith.muli %arg1, %mul3A_1 : i32
    %dma_start3A = arith.constant 0 : i32
    %dma_start3A_3 = arith.constant 0 : i32
    %dma_start3A_4 = tpu.memref_slice %arg3[%add3A, %dma_start3A, %dma_start3A_3] : memref<32x96x128xi32, #tpu.memory_space<hbm>> -> memref<1x8x128xi32, #tpu.memory_space<hbm>>
    %dma_start3A_5 = tpu.memref_squeeze %dma_start3A_4 : memref<1x8x128xi32, #tpu.memory_space<hbm>> -> memref<8x128xi32, #tpu.memory_space<hbm>>
    %dma_start3A_6 = arith.constant 0 : i32
    %dma_start3A_7 = arith.constant 0 : i32
    %dma_start3A_8 = tpu.memref_slice %arg3[%add3A, %dma_start3A_6, %dma_start3A_7] : memref<32x96x128xi32, #tpu.memory_space<hbm>> -> memref<1x8x128xi32, #tpu.memory_space<hbm>>
    %dma_start3A_9 = tpu.memref_squeeze %dma_start3A_8 : memref<1x8x128xi32, #tpu.memory_space<hbm>> -> memref<8x128xi32, #tpu.memory_space<hbm>>
    tpu.enqueue_dma source(%dma_start3A_9 : memref<8x128xi32, #tpu.memory_space<hbm>>) target(%arg6 : memref<8x128xi32, #tpu.memory_space<vmem>>) target_semaphore(%arg17 : memref<!tpu.dma_semaphore, #tpu.memory_space<semaphore_mem>>)
    %dma_start3A_10 = arith.constant 0 : i32
    %dma_start3A_11 = arith.constant 0 : i32
    %dma_start3A_12 = tpu.memref_slice %arg4[%add3A, %dma_start3A_10, %dma_start3A_11] : memref<32x96x128xi32, #tpu.memory_space<hbm>> -> memref<1x8x128xi32, #tpu.memory_space<hbm>>
    %dma_start3A_13 = tpu.memref_squeeze %dma_start3A_12 : memref<1x8x128xi32, #tpu.memory_space<hbm>> -> memref<8x128xi32, #tpu.memory_space<hbm>>
    %dma_start3A_14 = arith.constant 0 : i32
    %dma_start3A_15 = arith.constant 0 : i32
    %dma_start3A_16 = tpu.memref_slice %arg4[%add3A, %dma_start3A_14, %dma_start3A_15] : memref<32x96x128xi32, #tpu.memory_space<hbm>> -> memref<1x8x128xi32, #tpu.memory_space<hbm>>
    %dma_start3A_17 = tpu.memref_squeeze %dma_start3A_16 : memref<1x8x128xi32, #tpu.memory_space<hbm>> -> memref<8x128xi32, #tpu.memory_space<hbm>>
    tpu.enqueue_dma source(%dma_start3A_17 : memref<8x128xi32, #tpu.memory_space<hbm>>) target(%arg7 : memref<8x128xi32, #tpu.memory_space<vmem>>) target_semaphore(%arg17 : memref<!tpu.dma_semaphore, #tpu.memory_space<semaphore_mem>>)
    %dma_start3A_18 = arith.constant 8 : i32
    %dma_start3A_19 = arith.constant 0 : i32
    %dma_start3A_20 = tpu.memref_slice %arg3[%add3A, %dma_start3A_18, %dma_start3A_19] : memref<32x96x128xi32, #tpu.memory_space<hbm>> -> memref<1x8x128xi32, #tpu.memory_space<hbm>>
    %dma_start3A_21 = tpu.memref_squeeze %dma_start3A_20 : memref<1x8x128xi32, #tpu.memory_space<hbm>> -> memref<8x128xi32, #tpu.memory_space<hbm>>
    %dma_start3A_22 = arith.constant 8 : i32
    %dma_start3A_23 = arith.constant 0 : i32
    %dma_start3A_24 = tpu.memref_slice %arg3[%add3A, %dma_start3A_22, %dma_start3A_23] : memref<32x96x128xi32, #tpu.memory_space<hbm>> -> memref<1x8x128xi32, #tpu.memory_space<hbm>>
    %dma_start3A_25 = tpu.memref_squeeze %dma_start3A_24 : memref<1x8x128xi32, #tpu.memory_space<hbm>> -> memref<8x128xi32, #tpu.memory_space<hbm>>
    tpu.enqueue_dma source(%dma_start3A_25 : memref<8x128xi32, #tpu.memory_space<hbm>>) target(%arg8 : memref<8x128xi32, #tpu.memory_space<vmem>>) target_semaphore(%arg18 : memref<!tpu.dma_semaphore, #tpu.memory_space<semaphore_mem>>)
    %dma_start3A_26 = arith.constant 8 : i32
    %dma_start3A_27 = arith.constant 0 : i32
    %dma_start3A_28 = tpu.memref_slice %arg4[%add3A, %dma_start3A_26, %dma_start3A_27] : memref<32x96x128xi32, #tpu.memory_space<hbm>> -> memref<1x8x128xi32, #tpu.memory_space<hbm>>
    %dma_start3A_29 = tpu.memref_squeeze %dma_start3A_28 : memref<1x8x128xi32, #tpu.memory_space<hbm>> -> memref<8x128xi32, #tpu.memory_space<hbm>>
    %dma_start3A_30 = arith.constant 8 : i32
    %dma_start3A_31 = arith.constant 0 : i32
    %dma_start3A_32 = tpu.memref_slice %arg4[%add3A, %dma_start3A_30, %dma_start3A_31] : memref<32x96x128xi32, #tpu.memory_space<hbm>> -> memref<1x8x128xi32, #tpu.memory_space<hbm>>
    %dma_start3A_33 = tpu.memref_squeeze %dma_start3A_32 : memref<1x8x128xi32, #tpu.memory_space<hbm>> -> memref<8x128xi32, #tpu.memory_space<hbm>>
    tpu.enqueue_dma source(%dma_start3A_33 : memref<8x128xi32, #tpu.memory_space<hbm>>) target(%arg9 : memref<8x128xi32, #tpu.memory_space<vmem>>) target_semaphore(%arg18 : memref<!tpu.dma_semaphore, #tpu.memory_space<semaphore_mem>>)
    %scan3A = arith.constant 0 : i32
    %scan3A_34 = arith.constant 128 : i32
    %scan3A_35 = arith.addi %scan3A, %scan3A_34 : i32
    %scan3A_36 = arith.constant 1 : i32
    scf.for %scan3A_80 = %scan3A to %scan3A_35 step %scan3A_36  : i32 {
      %mul3A_81 = arith.constant 1 : i32
      %mul3A_82 = arith.muli %scan3A_80, %mul3A_81 : i32
      %add3A_83 = arith.constant 0 : i32
      %add3A_84 = arith.addi %add3A_83, %mul3A_82 : i32
      %scan3A_85 = arith.constant 0 : i32
      %scan3A_86 = arith.constant 8 : i32
      %scan3A_87 = arith.addi %scan3A_85, %scan3A_86 : i32
      %scan3A_88 = arith.constant 1 : i32
      scf.for %scan3A_90 = %scan3A_85 to %scan3A_87 step %scan3A_88  : i32 {
        %mul3A_91 = arith.constant 16 : i32
        %mul3A_92 = arith.muli %scan3A_90, %mul3A_91 : i32
        %add3A_93 = arith.constant 0 : i32
        %add3A_94 = arith.addi %add3A_93, %mul3A_92 : i32
        %broadcast_in_dim3A = arith.constant 0.000000e+00 : f32
        %broadcast_in_dim3A_95 = vector.broadcast %broadcast_in_dim3A : f32 to vector<16xf32>
        %swap3A = arith.index_cast %add3A_84 : i32 to index
        %swap3A_96 = arith.index_cast %add3A_94 : i32 to index
        %swap3A_97 = tpu.vector_load %arg10[%swap3A, %swap3A_96] {strides = array<i32>} : memref<128x128xf32, #tpu.memory_space<vmem>>, vector<1x16xf32>,
        %swap3A_98 = vector.shape_cast %swap3A_97 : vector<1x16xf32> to vector<16xf32>
        %swap3A_99 = vector.shape_cast %broadcast_in_dim3A_95 : vector<16xf32> to vector<1x16xf32>
        tpu.vector_store %arg10[%swap3A, %swap3A_96], %swap3A_99 {strides = array<i32>} : memref<128x128xf32, #tpu.memory_space<vmem>>, vector<1x16xf32>,
      }
      %scan3A_89 = arith.constant 8 : i32
    }
    %scan3A_37 = arith.constant 128 : i32
    %scan3A_38 = arith.constant 0 : i32
    %scan3A_39 = arith.constant 5 : i32
    %scan3A_40 = arith.addi %scan3A_38, %scan3A_39 : i32
    %scan3A_41 = arith.constant 1 : i32
    scf.for %scan3A_80 = %scan3A_38 to %scan3A_40 step %scan3A_41  : i32 {
      %mul3A_81 = arith.constant 1 : i32
      %mul3A_82 = arith.muli %scan3A_80, %mul3A_81 : i32
      %add3A_83 = arith.constant 0 : i32
      %add3A_84 = arith.addi %add3A_83, %mul3A_82 : i32
      %mul3A_85 = arith.constant 128 : i32
      %mul3A_86 = arith.muli %add3A_84, %mul3A_85 : i32
      %add3A_87 = arith.addi %mul3A_2, %mul3A_86 : i32
      "tpu.region"() ({
        %run_scoped3A = tpu.sem_alloc : memref<!tpu.dma_semaphore, #tpu.memory_space<semaphore_mem>>
        %dma_start3A_88 = arith.constant 0 : i32
        %dma_start3A_89 = tpu.memref_slice %arg12[%add3A_87, %dma_start3A_88] : memref<10240x128xf32, #tpu.memory_space<vmem_shared>> -> memref<128x128xf32, #tpu.memory_space<vmem_shared>>
        %dma_start3A_90 = arith.constant 0 : i32
        %dma_start3A_91 = tpu.memref_slice %arg12[%add3A_87, %dma_start3A_90] : memref<10240x128xf32, #tpu.memory_space<vmem_shared>> -> memref<128x128xf32, #tpu.memory_space<vmem_shared>>
        tpu.enqueue_dma source(%arg10 : memref<128x128xf32, #tpu.memory_space<vmem>>) target(%dma_start3A_91 : memref<128x128xf32, #tpu.memory_space<vmem_shared>>) target_semaphore(%run_scoped3A : memref<!tpu.dma_semaphore, #tpu.memory_space<semaphore_mem>>)
        %dma_wait3A_92 = arith.constant 0 : i32
        %dma_wait3A_93 = tpu.memref_slice %arg12[%add3A_87, %dma_wait3A_92] : memref<10240x128xf32, #tpu.memory_space<vmem_shared>> -> memref<128x128xf32, #tpu.memory_space<vmem_shared>>
        %dma_wait3A_94 = arith.constant 0 : i32
        %dma_wait3A_95 = tpu.memref_slice %arg12[%add3A_87, %dma_wait3A_94] : memref<10240x128xf32, #tpu.memory_space<vmem_shared>> -> memref<128x128xf32, #tpu.memory_space<vmem_shared>>
        tpu.wait_dma2 semaphore(%run_scoped3A : memref<!tpu.dma_semaphore, #tpu.memory_space<semaphore_mem>>) src(%arg10 : memref<128x128xf32, #tpu.memory_space<vmem>>) dst(%dma_wait3A_95 : memref<128x128xf32, #tpu.memory_space<vmem_shared>>)
        tpu.yield
      }) : () -> ()
    }
    %scan3A_42 = arith.constant 5 : i32
    %barrier3A = arith.constant 0 : index
    tpu.barrier barrier_id(%barrier3A)
    %scan3A_43 = arith.constant 0 : i32
    %scan3A_44 = arith.constant 5 : i32
    %scan3A_45 = arith.addi %scan3A_43, %scan3A_44 : i32
    %scan3A_46 = arith.constant 1 : i32
    scf.for %scan3A_80 = %scan3A_43 to %scan3A_45 step %scan3A_46  : i32 {
      %mul3A_81 = arith.constant 1 : i32
      %mul3A_82 = arith.muli %scan3A_80, %mul3A_81 : i32
      %add3A_83 = arith.constant 0 : i32
      %add3A_84 = arith.addi %add3A_83, %mul3A_82 : i32
      %mul3A_85 = arith.constant 2 : i32
      %mul3A_86 = arith.muli %mul3A_85, %add3A_84 : i32
      %dma_wait3A_87 = arith.constant 0 : i32
      %dma_wait3A_88 = arith.constant 0 : i32
      %dma_wait3A_89 = tpu.memref_slice %arg3[%add3A, %dma_wait3A_87, %dma_wait3A_88] : memref<32x96x128xi32, #tpu.memory_space<hbm>> -> memref<1x8x128xi32, #tpu.memory_space<hbm>>
      %dma_wait3A_90 = tpu.memref_squeeze %dma_wait3A_89 : memref<1x8x128xi32, #tpu.memory_space<hbm>> -> memref<8x128xi32, #tpu.memory_space<hbm>>
      %dma_wait3A_91 = arith.constant 0 : i32
      %dma_wait3A_92 = arith.constant 0 : i32
      %dma_wait3A_93 = tpu.memref_slice %arg3[%add3A, %dma_wait3A_91, %dma_wait3A_92] : memref<32x96x128xi32, #tpu.memory_space<hbm>> -> memref<1x8x128xi32, #tpu.memory_space<hbm>>
      %dma_wait3A_94 = tpu.memref_squeeze %dma_wait3A_93 : memref<1x8x128xi32, #tpu.memory_space<hbm>> -> memref<8x128xi32, #tpu.memory_space<hbm>>
      tpu.wait_dma2 semaphore(%arg17 : memref<!tpu.dma_semaphore, #tpu.memory_space<semaphore_mem>>) src(%dma_wait3A_94 : memref<8x128xi32, #tpu.memory_space<hbm>>) dst(%arg6 : memref<8x128xi32, #tpu.memory_space<vmem>>)
      %dma_wait3A_95 = arith.constant 0 : i32
      %dma_wait3A_96 = arith.constant 0 : i32
      %dma_wait3A_97 = tpu.memref_slice %arg4[%add3A, %dma_wait3A_95, %dma_wait3A_96] : memref<32x96x128xi32, #tpu.memory_space<hbm>> -> memref<1x8x128xi32, #tpu.memory_space<hbm>>
      %dma_wait3A_98 = tpu.memref_squeeze %dma_wait3A_97 : memref<1x8x128xi32, #tpu.memory_space<hbm>> -> memref<8x128xi32, #tpu.memory_space<hbm>>
      %dma_wait3A_99 = arith.constant 0 : i32
      %dma_wait3A_100 = arith.constant 0 : i32
      %dma_wait3A_101 = tpu.memref_slice %arg4[%add3A, %dma_wait3A_99, %dma_wait3A_100] : memref<32x96x128xi32, #tpu.memory_space<hbm>> -> memref<1x8x128xi32, #tpu.memory_space<hbm>>
      %dma_wait3A_102 = tpu.memref_squeeze %dma_wait3A_101 : memref<1x8x128xi32, #tpu.memory_space<hbm>> -> memref<8x128xi32, #tpu.memory_space<hbm>>
      tpu.wait_dma2 semaphore(%arg17 : memref<!tpu.dma_semaphore, #tpu.memory_space<semaphore_mem>>) src(%dma_wait3A_102 : memref<8x128xi32, #tpu.memory_space<hbm>>) dst(%arg7 : memref<8x128xi32, #tpu.memory_space<vmem>>)
      %dma_start3A_103 = arith.constant 0 : i32
      %dma_start3A_104 = arith.constant 0 : i32
      %dma_start3A_105 = tpu.memref_slice %arg6[%dma_start3A_103, %dma_start3A_104] : memref<8x128xi32, #tpu.memory_space<vmem>> -> memref<1x128xi32, #tpu.memory_space<vmem>>
      %dma_start3A_106 = tpu.memref_squeeze %dma_start3A_105 : memref<1x128xi32, #tpu.memory_space<vmem>> -> memref<128xi32, #tpu.memory_space<vmem>>
      %dma_start3A_107 = arith.constant 0 : i32
      %dma_start3A_108 = arith.constant 0 : i32
      %dma_start3A_109 = tpu.memref_slice %arg2[%dma_start3A_107, %dma_start3A_108] : memref<10000x128xf32, #tpu.memory_space<hbm>> -> memref<10000x128xf32, #tpu.memory_space<hbm>>
      tpu.enqueue_indirect_dma source(%dma_start3A_109 : memref<10000x128xf32, #tpu.memory_space<hbm>>) target(%arg10 : memref<128x128xf32, #tpu.memory_space<vmem>>) offsets(%dma_start3A_106 : memref<128xi32, #tpu.memory_space<vmem>>) semaphore(%arg13 : memref<!tpu.dma_semaphore, #tpu.memory_space<semaphore_mem>>)
      %dma_start3A_110 = arith.constant 1 : i32
      %dma_start3A_111 = arith.constant 0 : i32
      %dma_start3A_112 = tpu.memref_slice %arg6[%dma_start3A_110, %dma_start3A_111] : memref<8x128xi32, #tpu.memory_space<vmem>> -> memref<1x128xi32, #tpu.memory_space<vmem>>
      %dma_start3A_113 = tpu.memref_squeeze %dma_start3A_112 : memref<1x128xi32, #tpu.memory_space<vmem>> -> memref<128xi32, #tpu.memory_space<vmem>>
      %dma_start3A_114 = arith.constant 0 : i32
      %dma_start3A_115 = arith.constant 0 : i32
      %dma_start3A_116 = tpu.memref_slice %arg2[%dma_start3A_114, %dma_start3A_115] : memref<10000x128xf32, #tpu.memory_space<hbm>> -> memref<10000x128xf32, #tpu.memory_space<hbm>>
      tpu.enqueue_indirect_dma source(%dma_start3A_116 : memref<10000x128xf32, #tpu.memory_space<hbm>>) target(%arg11 : memref<128x128xf32, #tpu.memory_space<vmem>>) offsets(%dma_start3A_113 : memref<128xi32, #tpu.memory_space<vmem>>) semaphore(%arg14 : memref<!tpu.dma_semaphore, #tpu.memory_space<semaphore_mem>>)
      %dma_wait3A_117 = arith.constant 0 : i32
      %dma_wait3A_118 = arith.constant 0 : i32
      %dma_wait3A_119 = tpu.memref_slice %arg6[%dma_wait3A_117, %dma_wait3A_118] : memref<8x128xi32, #tpu.memory_space<vmem>> -> memref<1x128xi32, #tpu.memory_space<vmem>>
      %dma_wait3A_120 = tpu.memref_squeeze %dma_wait3A_119 : memref<1x128xi32, #tpu.memory_space<vmem>> -> memref<128xi32, #tpu.memory_space<vmem>>
      %dma_wait3A_121 = arith.constant 0 : i32
      %dma_wait3A_122 = arith.constant 0 : i32
      %dma_wait3A_123 = tpu.memref_slice %arg2[%dma_wait3A_121, %dma_wait3A_122] : memref<10000x128xf32, #tpu.memory_space<hbm>> -> memref<10000x128xf32, #tpu.memory_space<hbm>>
      tpu.wait_indirect_dma semaphore(%arg13 : memref<!tpu.dma_semaphore, #tpu.memory_space<semaphore_mem>>) src(%dma_wait3A_123 : memref<10000x128xf32, #tpu.memory_space<hbm>>) dst(%arg10 : memref<128x128xf32, #tpu.memory_space<vmem>>)
      %dma_start3A_124 = arith.constant 0 : i32
      %dma_start3A_125 = arith.constant 0 : i32
      %dma_start3A_126 = tpu.memref_slice %arg7[%dma_start3A_124, %dma_start3A_125] : memref<8x128xi32, #tpu.memory_space<vmem>> -> memref<1x128xi32, #tpu.memory_space<vmem>>
      %dma_start3A_127 = tpu.memref_squeeze %dma_start3A_126 : memref<1x128xi32, #tpu.memory_space<vmem>> -> memref<128xi32, #tpu.memory_space<vmem>>
      %dma_start3A_128 = arith.constant 0 : i32
      %dma_start3A_129 = arith.constant 0 : i32
      %dma_start3A_130 = tpu.memref_slice %arg12[%dma_start3A_128, %dma_start3A_129] : memref<10240x128xf32, #tpu.memory_space<vmem_shared>> -> memref<10240x128xf32, #tpu.memory_space<vmem_shared>>
      tpu.enqueue_indirect_dma source(%arg10 : memref<128x128xf32, #tpu.memory_space<vmem>>) target(%dma_start3A_130 : memref<10240x128xf32, #tpu.memory_space<vmem_shared>>) offsets(%dma_start3A_127 : memref<128xi32, #tpu.memory_space<vmem>>) semaphore(%arg15 : memref<!tpu.dma_semaphore, #tpu.memory_space<semaphore_mem>>) {add = true}
      %dma_wait3A_131 = arith.constant 0 : i32
      %dma_wait3A_132 = arith.constant 0 : i32
      %dma_wait3A_133 = tpu.memref_slice %arg7[%dma_wait3A_131, %dma_wait3A_132] : memref<8x128xi32, #tpu.memory_space<vmem>> -> memref<1x128xi32, #tpu.memory_space<vmem>>
      %dma_wait3A_134 = tpu.memref_squeeze %dma_wait3A_133 : memref<1x128xi32, #tpu.memory_space<vmem>> -> memref<128xi32, #tpu.memory_space<vmem>>
      %dma_wait3A_135 = arith.constant 0 : i32
      %dma_wait3A_136 = arith.constant 0 : i32
      %dma_wait3A_137 = tpu.memref_slice %arg12[%dma_wait3A_135, %dma_wait3A_136] : memref<10240x128xf32, #tpu.memory_space<vmem_shared>> -> memref<10240x128xf32, #tpu.memory_space<vmem_shared>>
      tpu.wait_indirect_dma semaphore(%arg15 : memref<!tpu.dma_semaphore, #tpu.memory_space<semaphore_mem>>) src(%arg10 : memref<128x128xf32, #tpu.memory_space<vmem>>) dst(%dma_wait3A_137 : memref<10240x128xf32, #tpu.memory_space<vmem_shared>>)
      %dma_start3A_138 = arith.constant 2 : i32
      %dma_start3A_139 = arith.constant 0 : i32
      %dma_start3A_140 = tpu.memref_slice %arg6[%dma_start3A_138, %dma_start3A_139] : memref<8x128xi32, #tpu.memory_space<vmem>> -> memref<1x128xi32, #tpu.memory_space<vmem>>
      %dma_start3A_141 = tpu.memref_squeeze %dma_start3A_140 : memref<1x128xi32, #tpu.memory_space<vmem>> -> memref<128xi32, #tpu.memory_space<vmem>>
      %dma_start3A_142 = arith.constant 0 : i32
      %dma_start3A_143 = arith.constant 0 : i32
      %dma_start3A_144 = tpu.memref_slice %arg2[%dma_start3A_142, %dma_start3A_143] : memref<10000x128xf32, #tpu.memory_space<hbm>> -> memref<10000x128xf32, #tpu.memory_space<hbm>>
      tpu.enqueue_indirect_dma source(%dma_start3A_144 : memref<10000x128xf32, #tpu.memory_space<hbm>>) target(%arg10 : memref<128x128xf32, #tpu.memory_space<vmem>>) offsets(%dma_start3A_141 : memref<128xi32, #tpu.memory_space<vmem>>) semaphore(%arg13 : memref<!tpu.dma_semaphore, #tpu.memory_space<semaphore_mem>>)
      %dma_wait3A_145 = arith.constant 1 : i32
      %dma_wait3A_146 = arith.constant 0 : i32
      %dma_wait3A_147 = tpu.memref_slice %arg6[%dma_wait3A_145, %dma_wait3A_146] : memref<8x128xi32, #tpu.memory_space<vmem>> -> memref<1x128xi32, #tpu.memory_space<vmem>>
      %dma_wait3A_148 = tpu.memref_squeeze %dma_wait3A_147 : memref<1x128xi32, #tpu.memory_space<vmem>> -> memref<128xi32, #tpu.memory_space<vmem>>
      %dma_wait3A_149 = arith.constant 0 : i32
      %dma_wait3A_150 = arith.constant 0 : i32
      %dma_wait3A_151 = tpu.memref_slice %arg2[%dma_wait3A_149, %dma_wait3A_150] : memref<10000x128xf32, #tpu.memory_space<hbm>> -> memref<10000x128xf32, #tpu.memory_space<hbm>>
      tpu.wait_indirect_dma semaphore(%arg14 : memref<!tpu.dma_semaphore, #tpu.memory_space<semaphore_mem>>) src(%dma_wait3A_151 : memref<10000x128xf32, #tpu.memory_space<hbm>>) dst(%arg11 : memref<128x128xf32, #tpu.memory_space<vmem>>)
      %dma_start3A_152 = arith.constant 1 : i32
      %dma_start3A_153 = arith.constant 0 : i32
      %dma_start3A_154 = tpu.memref_slice %arg7[%dma_start3A_152, %dma_start3A_153] : memref<8x128xi32, #tpu.memory_space<vmem>> -> memref<1x128xi32, #tpu.memory_space<vmem>>
      %dma_start3A_155 = tpu.memref_squeeze %dma_start3A_154 : memref<1x128xi32, #tpu.memory_space<vmem>> -> memref<128xi32, #tpu.memory_space<vmem>>
      %dma_start3A_156 = arith.constant 0 : i32
      %dma_start3A_157 = arith.constant 0 : i32
      %dma_start3A_158 = tpu.memref_slice %arg12[%dma_start3A_156, %dma_start3A_157] : memref<10240x128xf32, #tpu.memory_space<vmem_shared>> -> memref<10240x128xf32, #tpu.memory_space<vmem_shared>>
      tpu.enqueue_indirect_dma source(%arg11 : memref<128x128xf32, #tpu.memory_space<vmem>>) target(%dma_start3A_158 : memref<10240x128xf32, #tpu.memory_space<vmem_shared>>) offsets(%dma_start3A_155 : memref<128xi32, #tpu.memory_space<vmem>>) semaphore(%arg16 : memref<!tpu.dma_semaphore, #tpu.memory_space<semaphore_mem>>) {add = true}
      %dma_wait3A_159 = arith.constant 1 : i32
      %dma_wait3A_160 = arith.constant 0 : i32
      %dma_wait3A_161 = tpu.memref_slice %arg7[%dma_wait3A_159, %dma_wait3A_160] : memref<8x128xi32, #tpu.memory_space<vmem>> -> memref<1x128xi32, #tpu.memory_space<vmem>>
      %dma_wait3A_162 = tpu.memref_squeeze %dma_wait3A_161 : memref<1x128xi32, #tpu.memory_space<vmem>> -> memref<128xi32, #tpu.memory_space<vmem>>
      %dma_wait3A_163 = arith.constant 0 : i32
      %dma_wait3A_164 = arith.constant 0 : i32
      %dma_wait3A_165 = tpu.memref_slice %arg12[%dma_wait3A_163, %dma_wait3A_164] : memref<10240x128xf32, #tpu.memory_space<vmem_shared>> -> memref<10240x128xf32, #tpu.memory_space<vmem_shared>>
      tpu.wait_indirect_dma semaphore(%arg16 : memref<!tpu.dma_semaphore, #tpu.memory_space<semaphore_mem>>) src(%arg11 : memref<128x128xf32, #tpu.memory_space<vmem>>) dst(%dma_wait3A_165 : memref<10240x128xf32, #tpu.memory_space<vmem_shared>>)
      %dma_start3A_166 = arith.constant 3 : i32
      %dma_start3A_167 = arith.constant 0 : i32
      %dma_start3A_168 = tpu.memref_slice %arg6[%dma_start3A_166, %dma_start3A_167] : memref<8x128xi32, #tpu.memory_space<vmem>> -> memref<1x128xi32, #tpu.memory_space<vmem>>
      %dma_start3A_169 = tpu.memref_squeeze %dma_start3A_168 : memref<1x128xi32, #tpu.memory_space<vmem>> -> memref<128xi32, #tpu.memory_space<vmem>>
      %dma_start3A_170 = arith.constant 0 : i32
      %dma_start3A_171 = arith.constant 0 : i32
      %dma_start3A_172 = tpu.memref_slice %arg2[%dma_start3A_170, %dma_start3A_171] : memref<10000x128xf32, #tpu.memory_space<hbm>> -> memref<10000x128xf32, #tpu.memory_space<hbm>>
      tpu.enqueue_indirect_dma source(%dma_start3A_172 : memref<10000x128xf32, #tpu.memory_space<hbm>>) target(%arg11 : memref<128x128xf32, #tpu.memory_space<vmem>>) offsets(%dma_start3A_169 : memref<128xi32, #tpu.memory_space<vmem>>) semaphore(%arg14 : memref<!tpu.dma_semaphore, #tpu.memory_space<semaphore_mem>>)
      %dma_wait3A_173 = arith.constant 2 : i32
      %dma_wait3A_174 = arith.constant 0 : i32
      %dma_wait3A_175 = tpu.memref_slice %arg6[%dma_wait3A_173, %dma_wait3A_174] : memref<8x128xi32, #tpu.memory_space<vmem>> -> memref<1x128xi32, #tpu.memory_space<vmem>>
      %dma_wait3A_176 = tpu.memref_squeeze %dma_wait3A_175 : memref<1x128xi32, #tpu.memory_space<vmem>> -> memref<128xi32, #tpu.memory_space<vmem>>
      %dma_wait3A_177 = arith.constant 0 : i32
      %dma_wait3A_178 = arith.constant 0 : i32
      %dma_wait3A_179 = tpu.memref_slice %arg2[%dma_wait3A_177, %dma_wait3A_178] : memref<10000x128xf32, #tpu.memory_space<hbm>> -> memref<10000x128xf32, #tpu.memory_space<hbm>>
      tpu.wait_indirect_dma semaphore(%arg13 : memref<!tpu.dma_semaphore, #tpu.memory_space<semaphore_mem>>) src(%dma_wait3A_179 : memref<10000x128xf32, #tpu.memory_space<hbm>>) dst(%arg10 : memref<128x128xf32, #tpu.memory_space<vmem>>)
      %dma_start3A_180 = arith.constant 2 : i32
      %dma_start3A_181 = arith.constant 0 : i32
      %dma_start3A_182 = tpu.memref_slice %arg7[%dma_start3A_180, %dma_start3A_181] : memref<8x128xi32, #tpu.memory_space<vmem>> -> memref<1x128xi32, #tpu.memory_space<vmem>>
      %dma_start3A_183 = tpu.memref_squeeze %dma_start3A_182 : memref<1x128xi32, #tpu.memory_space<vmem>> -> memref<128xi32, #tpu.memory_space<vmem>>
      %dma_start3A_184 = arith.constant 0 : i32
      %dma_start3A_185 = arith.constant 0 : i32
      %dma_start3A_186 = tpu.memref_slice %arg12[%dma_start3A_184, %dma_start3A_185] : memref<10240x128xf32, #tpu.memory_space<vmem_shared>> -> memref<10240x128xf32, #tpu.memory_space<vmem_shared>>
      tpu.enqueue_indirect_dma source(%arg10 : memref<128x128xf32, #tpu.memory_space<vmem>>) target(%dma_start3A_186 : memref<10240x128xf32, #tpu.memory_space<vmem_shared>>) offsets(%dma_start3A_183 : memref<128xi32, #tpu.memory_space<vmem>>) semaphore(%arg15 : memref<!tpu.dma_semaphore, #tpu.memory_space<semaphore_mem>>) {add = true}
      %dma_wait3A_187 = arith.constant 2 : i32
      %dma_wait3A_188 = arith.constant 0 : i32
      %dma_wait3A_189 = tpu.memref_slice %arg7[%dma_wait3A_187, %dma_wait3A_188] : memref<8x128xi32, #tpu.memory_space<vmem>> -> memref<1x128xi32, #tpu.memory_space<vmem>>
      %dma_wait3A_190 = tpu.memref_squeeze %dma_wait3A_189 : memref<1x128xi32, #tpu.memory_space<vmem>> -> memref<128xi32, #tpu.memory_space<vmem>>
      %dma_wait3A_191 = arith.constant 0 : i32
      %dma_wait3A_192 = arith.constant 0 : i32
      %dma_wait3A_193 = tpu.memref_slice %arg12[%dma_wait3A_191, %dma_wait3A_192] : memref<10240x128xf32, #tpu.memory_space<vmem_shared>> -> memref<10240x128xf32, #tpu.memory_space<vmem_shared>>
      tpu.wait_indirect_dma semaphore(%arg15 : memref<!tpu.dma_semaphore, #tpu.memory_space<semaphore_mem>>) src(%arg10 : memref<128x128xf32, #tpu.memory_space<vmem>>) dst(%dma_wait3A_193 : memref<10240x128xf32, #tpu.memory_space<vmem_shared>>)
      %dma_start3A_194 = arith.constant 4 : i32
      %dma_start3A_195 = arith.constant 0 : i32
      %dma_start3A_196 = tpu.memref_slice %arg6[%dma_start3A_194, %dma_start3A_195] : memref<8x128xi32, #tpu.memory_space<vmem>> -> memref<1x128xi32, #tpu.memory_space<vmem>>
      %dma_start3A_197 = tpu.memref_squeeze %dma_start3A_196 : memref<1x128xi32, #tpu.memory_space<vmem>> -> memref<128xi32, #tpu.memory_space<vmem>>
      %dma_start3A_198 = arith.constant 0 : i32
      %dma_start3A_199 = arith.constant 0 : i32
      %dma_start3A_200 = tpu.memref_slice %arg2[%dma_start3A_198, %dma_start3A_199] : memref<10000x128xf32, #tpu.memory_space<hbm>> -> memref<10000x128xf32, #tpu.memory_space<hbm>>
      tpu.enqueue_indirect_dma source(%dma_start3A_200 : memref<10000x128xf32, #tpu.memory_space<hbm>>) target(%arg10 : memref<128x128xf32, #tpu.memory_space<vmem>>) offsets(%dma_start3A_197 : memref<128xi32, #tpu.memory_space<vmem>>) semaphore(%arg13 : memref<!tpu.dma_semaphore, #tpu.memory_space<semaphore_mem>>)
      %dma_wait3A_201 = arith.constant 3 : i32
      %dma_wait3A_202 = arith.constant 0 : i32
      %dma_wait3A_203 = tpu.memref_slice %arg6[%dma_wait3A_201, %dma_wait3A_202] : memref<8x128xi32, #tpu.memory_space<vmem>> -> memref<1x128xi32, #tpu.memory_space<vmem>>
      %dma_wait3A_204 = tpu.memref_squeeze %dma_wait3A_203 : memref<1x128xi32, #tpu.memory_space<vmem>> -> memref<128xi32, #tpu.memory_space<vmem>>
      %dma_wait3A_205 = arith.constant 0 : i32
      %dma_wait3A_206 = arith.constant 0 : i32
      %dma_wait3A_207 = tpu.memref_slice %arg2[%dma_wait3A_205, %dma_wait3A_206] : memref<10000x128xf32, #tpu.memory_space<hbm>> -> memref<10000x128xf32, #tpu.memory_space<hbm>>
      tpu.wait_indirect_dma semaphore(%arg14 : memref<!tpu.dma_semaphore, #tpu.memory_space<semaphore_mem>>) src(%dma_wait3A_207 : memref<10000x128xf32, #tpu.memory_space<hbm>>) dst(%arg11 : memref<128x128xf32, #tpu.memory_space<vmem>>)
      %dma_start3A_208 = arith.constant 3 : i32
      %dma_start3A_209 = arith.constant 0 : i32
      %dma_start3A_210 = tpu.memref_slice %arg7[%dma_start3A_208, %dma_start3A_209] : memref<8x128xi32, #tpu.memory_space<vmem>> -> memref<1x128xi32, #tpu.memory_space<vmem>>
      %dma_start3A_211 = tpu.memref_squeeze %dma_start3A_210 : memref<1x128xi32, #tpu.memory_space<vmem>> -> memref<128xi32, #tpu.memory_space<vmem>>
      %dma_start3A_212 = arith.constant 0 : i32
      %dma_start3A_213 = arith.constant 0 : i32
      %dma_start3A_214 = tpu.memref_slice %arg12[%dma_start3A_212, %dma_start3A_213] : memref<10240x128xf32, #tpu.memory_space<vmem_shared>> -> memref<10240x128xf32, #tpu.memory_space<vmem_shared>>
      tpu.enqueue_indirect_dma source(%arg11 : memref<128x128xf32, #tpu.memory_space<vmem>>) target(%dma_start3A_214 : memref<10240x128xf32, #tpu.memory_space<vmem_shared>>) offsets(%dma_start3A_211 : memref<128xi32, #tpu.memory_space<vmem>>) semaphore(%arg16 : memref<!tpu.dma_semaphore, #tpu.memory_space<semaphore_mem>>) {add = true}
      %dma_wait3A_215 = arith.constant 3 : i32
      %dma_wait3A_216 = arith.constant 0 : i32
      %dma_wait3A_217 = tpu.memref_slice %arg7[%dma_wait3A_215, %dma_wait3A_216] : memref<8x128xi32, #tpu.memory_space<vmem>> -> memref<1x128xi32, #tpu.memory_space<vmem>>
      %dma_wait3A_218 = tpu.memref_squeeze %dma_wait3A_217 : memref<1x128xi32, #tpu.memory_space<vmem>> -> memref<128xi32, #tpu.memory_space<vmem>>
      %dma_wait3A_219 = arith.constant 0 : i32
      %dma_wait3A_220 = arith.constant 0 : i32
      %dma_wait3A_221 = tpu.memref_slice %arg12[%dma_wait3A_219, %dma_wait3A_220] : memref<10240x128xf32, #tpu.memory_space<vmem_shared>> -> memref<10240x128xf32, #tpu.memory_space<vmem_shared>>
      tpu.wait_indirect_dma semaphore(%arg16 : memref<!tpu.dma_semaphore, #tpu.memory_space<semaphore_mem>>) src(%arg11 : memref<128x128xf32, #tpu.memory_space<vmem>>) dst(%dma_wait3A_221 : memref<10240x128xf32, #tpu.memory_space<vmem_shared>>)
      %dma_start3A_222 = arith.constant 5 : i32
      %dma_start3A_223 = arith.constant 0 : i32
      %dma_start3A_224 = tpu.memref_slice %arg6[%dma_start3A_222, %dma_start3A_223] : memref<8x128xi32, #tpu.memory_space<vmem>> -> memref<1x128xi32, #tpu.memory_space<vmem>>
      %dma_start3A_225 = tpu.memref_squeeze %dma_start3A_224 : memref<1x128xi32, #tpu.memory_space<vmem>> -> memref<128xi32, #tpu.memory_space<vmem>>
      %dma_start3A_226 = arith.constant 0 : i32
      %dma_start3A_227 = arith.constant 0 : i32
      %dma_start3A_228 = tpu.memref_slice %arg2[%dma_start3A_226, %dma_start3A_227] : memref<10000x128xf32, #tpu.memory_space<hbm>> -> memref<10000x128xf32, #tpu.memory_space<hbm>>
      tpu.enqueue_indirect_dma source(%dma_start3A_228 : memref<10000x128xf32, #tpu.memory_space<hbm>>) target(%arg11 : memref<128x128xf32, #tpu.memory_space<vmem>>) offsets(%dma_start3A_225 : memref<128xi32, #tpu.memory_space<vmem>>) semaphore(%arg14 : memref<!tpu.dma_semaphore, #tpu.memory_space<semaphore_mem>>)
      %dma_wait3A_229 = arith.constant 4 : i32
      %dma_wait3A_230 = arith.constant 0 : i32
      %dma_wait3A_231 = tpu.memref_slice %arg6[%dma_wait3A_229, %dma_wait3A_230] : memref<8x128xi32, #tpu.memory_space<vmem>> -> memref<1x128xi32, #tpu.memory_space<vmem>>
      %dma_wait3A_232 = tpu.memref_squeeze %dma_wait3A_231 : memref<1x128xi32, #tpu.memory_space<vmem>> -> memref<128xi32, #tpu.memory_space<vmem>>
      %dma_wait3A_233 = arith.constant 0 : i32
      %dma_wait3A_234 = arith.constant 0 : i32
      %dma_wait3A_235 = tpu.memref_slice %arg2[%dma_wait3A_233, %dma_wait3A_234] : memref<10000x128xf32, #tpu.memory_space<hbm>> -> memref<10000x128xf32, #tpu.memory_space<hbm>>
      tpu.wait_indirect_dma semaphore(%arg13 : memref<!tpu.dma_semaphore, #tpu.memory_space<semaphore_mem>>) src(%dma_wait3A_235 : memref<10000x128xf32, #tpu.memory_space<hbm>>) dst(%arg10 : memref<128x128xf32, #tpu.memory_space<vmem>>)
      %dma_start3A_236 = arith.constant 4 : i32
      %dma_start3A_237 = arith.constant 0 : i32
      %dma_start3A_238 = tpu.memref_slice %arg7[%dma_start3A_236, %dma_start3A_237] : memref<8x128xi32, #tpu.memory_space<vmem>> -> memref<1x128xi32, #tpu.memory_space<vmem>>
      %dma_start3A_239 = tpu.memref_squeeze %dma_start3A_238 : memref<1x128xi32, #tpu.memory_space<vmem>> -> memref<128xi32, #tpu.memory_space<vmem>>
      %dma_start3A_240 = arith.constant 0 : i32
      %dma_start3A_241 = arith.constant 0 : i32
      %dma_start3A_242 = tpu.memref_slice %arg12[%dma_start3A_240, %dma_start3A_241] : memref<10240x128xf32, #tpu.memory_space<vmem_shared>> -> memref<10240x128xf32, #tpu.memory_space<vmem_shared>>
      tpu.enqueue_indirect_dma source(%arg10 : memref<128x128xf32, #tpu.memory_space<vmem>>) target(%dma_start3A_242 : memref<10240x128xf32, #tpu.memory_space<vmem_shared>>) offsets(%dma_start3A_239 : memref<128xi32, #tpu.memory_space<vmem>>) semaphore(%arg15 : memref<!tpu.dma_semaphore, #tpu.memory_space<semaphore_mem>>) {add = true}
      %dma_wait3A_243 = arith.constant 4 : i32
      %dma_wait3A_244 = arith.constant 0 : i32
      %dma_wait3A_245 = tpu.memref_slice %arg7[%dma_wait3A_243, %dma_wait3A_244] : memref<8x128xi32, #tpu.memory_space<vmem>> -> memref<1x128xi32, #tpu.memory_space<vmem>>
      %dma_wait3A_246 = tpu.memref_squeeze %dma_wait3A_245 : memref<1x128xi32, #tpu.memory_space<vmem>> -> memref<128xi32, #tpu.memory_space<vmem>>
      %dma_wait3A_247 = arith.constant 0 : i32
      %dma_wait3A_248 = arith.constant 0 : i32
      %dma_wait3A_249 = tpu.memref_slice %arg12[%dma_wait3A_247, %dma_wait3A_248] : memref<10240x128xf32, #tpu.memory_space<vmem_shared>> -> memref<10240x128xf32, #tpu.memory_space<vmem_shared>>
      tpu.wait_indirect_dma semaphore(%arg15 : memref<!tpu.dma_semaphore, #tpu.memory_space<semaphore_mem>>) src(%arg10 : memref<128x128xf32, #tpu.memory_space<vmem>>) dst(%dma_wait3A_249 : memref<10240x128xf32, #tpu.memory_space<vmem_shared>>)
      %dma_start3A_250 = arith.constant 6 : i32
      %dma_start3A_251 = arith.constant 0 : i32
      %dma_start3A_252 = tpu.memref_slice %arg6[%dma_start3A_250, %dma_start3A_251] : memref<8x128xi32, #tpu.memory_space<vmem>> -> memref<1x128xi32, #tpu.memory_space<vmem>>
      %dma_start3A_253 = tpu.memref_squeeze %dma_start3A_252 : memref<1x128xi32, #tpu.memory_space<vmem>> -> memref<128xi32, #tpu.memory_space<vmem>>
      %dma_start3A_254 = arith.constant 0 : i32
      %dma_start3A_255 = arith.constant 0 : i32
      %dma_start3A_256 = tpu.memref_slice %arg2[%dma_start3A_254, %dma_start3A_255] : memref<10000x128xf32, #tpu.memory_space<hbm>> -> memref<10000x128xf32, #tpu.memory_space<hbm>>
      tpu.enqueue_indirect_dma source(%dma_start3A_256 : memref<10000x128xf32, #tpu.memory_space<hbm>>) target(%arg10 : memref<128x128xf32, #tpu.memory_space<vmem>>) offsets(%dma_start3A_253 : memref<128xi32, #tpu.memory_space<vmem>>) semaphore(%arg13 : memref<!tpu.dma_semaphore, #tpu.memory_space<semaphore_mem>>)
      %dma_wait3A_257 = arith.constant 5 : i32
      %dma_wait3A_258 = arith.constant 0 : i32
      %dma_wait3A_259 = tpu.memref_slice %arg6[%dma_wait3A_257, %dma_wait3A_258] : memref<8x128xi32, #tpu.memory_space<vmem>> -> memref<1x128xi32, #tpu.memory_space<vmem>>
      %dma_wait3A_260 = tpu.memref_squeeze %dma_wait3A_259 : memref<1x128xi32, #tpu.memory_space<vmem>> -> memref<128xi32, #tpu.memory_space<vmem>>
      %dma_wait3A_261 = arith.constant 0 : i32
      %dma_wait3A_262 = arith.constant 0 : i32
      %dma_wait3A_263 = tpu.memref_slice %arg2[%dma_wait3A_261, %dma_wait3A_262] : memref<10000x128xf32, #tpu.memory_space<hbm>> -> memref<10000x128xf32, #tpu.memory_space<hbm>>
      tpu.wait_indirect_dma semaphore(%arg14 : memref<!tpu.dma_semaphore, #tpu.memory_space<semaphore_mem>>) src(%dma_wait3A_263 : memref<10000x128xf32, #tpu.memory_space<hbm>>) dst(%arg11 : memref<128x128xf32, #tpu.memory_space<vmem>>)
      %dma_start3A_264 = arith.constant 5 : i32
      %dma_start3A_265 = arith.constant 0 : i32
      %dma_start3A_266 = tpu.memref_slice %arg7[%dma_start3A_264, %dma_start3A_265] : memref<8x128xi32, #tpu.memory_space<vmem>> -> memref<1x128xi32, #tpu.memory_space<vmem>>
      %dma_start3A_267 = tpu.memref_squeeze %dma_start3A_266 : memref<1x128xi32, #tpu.memory_space<vmem>> -> memref<128xi32, #tpu.memory_space<vmem>>
      %dma_start3A_268 = arith.constant 0 : i32
      %dma_start3A_269 = arith.constant 0 : i32
      %dma_start3A_270 = tpu.memref_slice %arg12[%dma_start3A_268, %dma_start3A_269] : memref<10240x128xf32, #tpu.memory_space<vmem_shared>> -> memref<10240x128xf32, #tpu.memory_space<vmem_shared>>
      tpu.enqueue_indirect_dma source(%arg11 : memref<128x128xf32, #tpu.memory_space<vmem>>) target(%dma_start3A_270 : memref<10240x128xf32, #tpu.memory_space<vmem_shared>>) offsets(%dma_start3A_267 : memref<128xi32, #tpu.memory_space<vmem>>) semaphore(%arg16 : memref<!tpu.dma_semaphore, #tpu.memory_space<semaphore_mem>>) {add = true}
      %dma_wait3A_271 = arith.constant 5 : i32
      %dma_wait3A_272 = arith.constant 0 : i32
      %dma_wait3A_273 = tpu.memref_slice %arg7[%dma_wait3A_271, %dma_wait3A_272] : memref<8x128xi32, #tpu.memory_space<vmem>> -> memref<1x128xi32, #tpu.memory_space<vmem>>
      %dma_wait3A_274 = tpu.memref_squeeze %dma_wait3A_273 : memref<1x128xi32, #tpu.memory_space<vmem>> -> memref<128xi32, #tpu.memory_space<vmem>>
      %dma_wait3A_275 = arith.constant 0 : i32
      %dma_wait3A_276 = arith.constant 0 : i32
      %dma_wait3A_277 = tpu.memref_slice %arg12[%dma_wait3A_275, %dma_wait3A_276] : memref<10240x128xf32, #tpu.memory_space<vmem_shared>> -> memref<10240x128xf32, #tpu.memory_space<vmem_shared>>
      tpu.wait_indirect_dma semaphore(%arg16 : memref<!tpu.dma_semaphore, #tpu.memory_space<semaphore_mem>>) src(%arg11 : memref<128x128xf32, #tpu.memory_space<vmem>>) dst(%dma_wait3A_277 : memref<10240x128xf32, #tpu.memory_space<vmem_shared>>)
      %dma_start3A_278 = arith.constant 7 : i32
      %dma_start3A_279 = arith.constant 0 : i32
      %dma_start3A_280 = tpu.memref_slice %arg6[%dma_start3A_278, %dma_start3A_279] : memref<8x128xi32, #tpu.memory_space<vmem>> -> memref<1x128xi32, #tpu.memory_space<vmem>>
      %dma_start3A_281 = tpu.memref_squeeze %dma_start3A_280 : memref<1x128xi32, #tpu.memory_space<vmem>> -> memref<128xi32, #tpu.memory_space<vmem>>
      %dma_start3A_282 = arith.constant 0 : i32
      %dma_start3A_283 = arith.constant 0 : i32
      %dma_start3A_284 = tpu.memref_slice %arg2[%dma_start3A_282, %dma_start3A_283] : memref<10000x128xf32, #tpu.memory_space<hbm>> -> memref<10000x128xf32, #tpu.memory_space<hbm>>
      tpu.enqueue_indirect_dma source(%dma_start3A_284 : memref<10000x128xf32, #tpu.memory_space<hbm>>) target(%arg11 : memref<128x128xf32, #tpu.memory_space<vmem>>) offsets(%dma_start3A_281 : memref<128xi32, #tpu.memory_space<vmem>>) semaphore(%arg14 : memref<!tpu.dma_semaphore, #tpu.memory_space<semaphore_mem>>)
      %dma_wait3A_285 = arith.constant 6 : i32
      %dma_wait3A_286 = arith.constant 0 : i32
      %dma_wait3A_287 = tpu.memref_slice %arg6[%dma_wait3A_285, %dma_wait3A_286] : memref<8x128xi32, #tpu.memory_space<vmem>> -> memref<1x128xi32, #tpu.memory_space<vmem>>
      %dma_wait3A_288 = tpu.memref_squeeze %dma_wait3A_287 : memref<1x128xi32, #tpu.memory_space<vmem>> -> memref<128xi32, #tpu.memory_space<vmem>>
      %dma_wait3A_289 = arith.constant 0 : i32
      %dma_wait3A_290 = arith.constant 0 : i32
      %dma_wait3A_291 = tpu.memref_slice %arg2[%dma_wait3A_289, %dma_wait3A_290] : memref<10000x128xf32, #tpu.memory_space<hbm>> -> memref<10000x128xf32, #tpu.memory_space<hbm>>
      tpu.wait_indirect_dma semaphore(%arg13 : memref<!tpu.dma_semaphore, #tpu.memory_space<semaphore_mem>>) src(%dma_wait3A_291 : memref<10000x128xf32, #tpu.memory_space<hbm>>) dst(%arg10 : memref<128x128xf32, #tpu.memory_space<vmem>>)
      %dma_start3A_292 = arith.constant 6 : i32
      %dma_start3A_293 = arith.constant 0 : i32
      %dma_start3A_294 = tpu.memref_slice %arg7[%dma_start3A_292, %dma_start3A_293] : memref<8x128xi32, #tpu.memory_space<vmem>> -> memref<1x128xi32, #tpu.memory_space<vmem>>
      %dma_start3A_295 = tpu.memref_squeeze %dma_start3A_294 : memref<1x128xi32, #tpu.memory_space<vmem>> -> memref<128xi32, #tpu.memory_space<vmem>>
      %dma_start3A_296 = arith.constant 0 : i32
      %dma_start3A_297 = arith.constant 0 : i32
      %dma_start3A_298 = tpu.memref_slice %arg12[%dma_start3A_296, %dma_start3A_297] : memref<10240x128xf32, #tpu.memory_space<vmem_shared>> -> memref<10240x128xf32, #tpu.memory_space<vmem_shared>>
      tpu.enqueue_indirect_dma source(%arg10 : memref<128x128xf32, #tpu.memory_space<vmem>>) target(%dma_start3A_298 : memref<10240x128xf32, #tpu.memory_space<vmem_shared>>) offsets(%dma_start3A_295 : memref<128xi32, #tpu.memory_space<vmem>>) semaphore(%arg15 : memref<!tpu.dma_semaphore, #tpu.memory_space<semaphore_mem>>) {add = true}
      %dma_wait3A_299 = arith.constant 7 : i32
      %dma_wait3A_300 = arith.constant 0 : i32
      %dma_wait3A_301 = tpu.memref_slice %arg6[%dma_wait3A_299, %dma_wait3A_300] : memref<8x128xi32, #tpu.memory_space<vmem>> -> memref<1x128xi32, #tpu.memory_space<vmem>>
      %dma_wait3A_302 = tpu.memref_squeeze %dma_wait3A_301 : memref<1x128xi32, #tpu.memory_space<vmem>> -> memref<128xi32, #tpu.memory_space<vmem>>
      %dma_wait3A_303 = arith.constant 0 : i32
      %dma_wait3A_304 = arith.constant 0 : i32
      %dma_wait3A_305 = tpu.memref_slice %arg2[%dma_wait3A_303, %dma_wait3A_304] : memref<10000x128xf32, #tpu.memory_space<hbm>> -> memref<10000x128xf32, #tpu.memory_space<hbm>>
      tpu.wait_indirect_dma semaphore(%arg14 : memref<!tpu.dma_semaphore, #tpu.memory_space<semaphore_mem>>) src(%dma_wait3A_305 : memref<10000x128xf32, #tpu.memory_space<hbm>>) dst(%arg11 : memref<128x128xf32, #tpu.memory_space<vmem>>)
      %dma_start3A_306 = arith.constant 7 : i32
      %dma_start3A_307 = arith.constant 0 : i32
      %dma_start3A_308 = tpu.memref_slice %arg7[%dma_start3A_306, %dma_start3A_307] : memref<8x128xi32, #tpu.memory_space<vmem>> -> memref<1x128xi32, #tpu.memory_space<vmem>>
      %dma_start3A_309 = tpu.memref_squeeze %dma_start3A_308 : memref<1x128xi32, #tpu.memory_space<vmem>> -> memref<128xi32, #tpu.memory_space<vmem>>
      %dma_start3A_310 = arith.constant 0 : i32
      %dma_start3A_311 = arith.constant 0 : i32
      %dma_start3A_312 = tpu.memref_slice %arg12[%dma_start3A_310, %dma_start3A_311] : memref<10240x128xf32, #tpu.memory_space<vmem_shared>> -> memref<10240x128xf32, #tpu.memory_space<vmem_shared>>
      tpu.enqueue_indirect_dma source(%arg11 : memref<128x128xf32, #tpu.memory_space<vmem>>) target(%dma_start3A_312 : memref<10240x128xf32, #tpu.memory_space<vmem_shared>>) offsets(%dma_start3A_309 : memref<128xi32, #tpu.memory_space<vmem>>) semaphore(%arg16 : memref<!tpu.dma_semaphore, #tpu.memory_space<semaphore_mem>>) {add = true}
      %dma_wait3A_313 = arith.constant 6 : i32
      %dma_wait3A_314 = arith.constant 0 : i32
      %dma_wait3A_315 = tpu.memref_slice %arg7[%dma_wait3A_313, %dma_wait3A_314] : memref<8x128xi32, #tpu.memory_space<vmem>> -> memref<1x128xi32, #tpu.memory_space<vmem>>
      %dma_wait3A_316 = tpu.memref_squeeze %dma_wait3A_315 : memref<1x128xi32, #tpu.memory_space<vmem>> -> memref<128xi32, #tpu.memory_space<vmem>>
      %dma_wait3A_317 = arith.constant 0 : i32
      %dma_wait3A_318 = arith.constant 0 : i32
      %dma_wait3A_319 = tpu.memref_slice %arg12[%dma_wait3A_317, %dma_wait3A_318] : memref<10240x128xf32, #tpu.memory_space<vmem_shared>> -> memref<10240x128xf32, #tpu.memory_space<vmem_shared>>
      tpu.wait_indirect_dma semaphore(%arg15 : memref<!tpu.dma_semaphore, #tpu.memory_space<semaphore_mem>>) src(%arg10 : memref<128x128xf32, #tpu.memory_space<vmem>>) dst(%dma_wait3A_319 : memref<10240x128xf32, #tpu.memory_space<vmem_shared>>)
      %dma_wait3A_320 = arith.constant 7 : i32
      %dma_wait3A_321 = arith.constant 0 : i32
      %dma_wait3A_322 = tpu.memref_slice %arg7[%dma_wait3A_320, %dma_wait3A_321] : memref<8x128xi32, #tpu.memory_space<vmem>> -> memref<1x128xi32, #tpu.memory_space<vmem>>
      %dma_wait3A_323 = tpu.memref_squeeze %dma_wait3A_322 : memref<1x128xi32, #tpu.memory_space<vmem>> -> memref<128xi32, #tpu.memory_space<vmem>>
      %dma_wait3A_324 = arith.constant 0 : i32
      %dma_wait3A_325 = arith.constant 0 : i32
      %dma_wait3A_326 = tpu.memref_slice %arg12[%dma_wait3A_324, %dma_wait3A_325] : memref<10240x128xf32, #tpu.memory_space<vmem_shared>> -> memref<10240x128xf32, #tpu.memory_space<vmem_shared>>
      tpu.wait_indirect_dma semaphore(%arg16 : memref<!tpu.dma_semaphore, #tpu.memory_space<semaphore_mem>>) src(%arg11 : memref<128x128xf32, #tpu.memory_space<vmem>>) dst(%dma_wait3A_326 : memref<10240x128xf32, #tpu.memory_space<vmem_shared>>)
      %add3A_327 = arith.constant 2 : i32
      %add3A_328 = arith.addi %mul3A_86, %add3A_327 : i32
      %mul3A_329 = arith.constant 8 : i32
      %mul3A_330 = arith.muli %add3A_328, %mul3A_329 : i32
      %dma_start3A_331 = arith.constant 0 : i32
      %dma_start3A_332 = tpu.memref_slice %arg3[%add3A, %mul3A_330, %dma_start3A_331] : memref<32x96x128xi32, #tpu.memory_space<hbm>> -> memref<1x8x128xi32, #tpu.memory_space<hbm>>
      %dma_start3A_333 = tpu.memref_squeeze %dma_start3A_332 : memref<1x8x128xi32, #tpu.memory_space<hbm>> -> memref<8x128xi32, #tpu.memory_space<hbm>>
      %dma_start3A_334 = arith.constant 0 : i32
      %dma_start3A_335 = tpu.memref_slice %arg3[%add3A, %mul3A_330, %dma_start3A_334] : memref<32x96x128xi32, #tpu.memory_space<hbm>> -> memref<1x8x128xi32, #tpu.memory_space<hbm>>
      %dma_start3A_336 = tpu.memref_squeeze %dma_start3A_335 : memref<1x8x128xi32, #tpu.memory_space<hbm>> -> memref<8x128xi32, #tpu.memory_space<hbm>>
      tpu.enqueue_dma source(%dma_start3A_336 : memref<8x128xi32, #tpu.memory_space<hbm>>) target(%arg6 : memref<8x128xi32, #tpu.memory_space<vmem>>) target_semaphore(%arg17 : memref<!tpu.dma_semaphore, #tpu.memory_space<semaphore_mem>>)
      %mul3A_337 = arith.constant 8 : i32
      %mul3A_338 = arith.muli %add3A_328, %mul3A_337 : i32
      %dma_start3A_339 = arith.constant 0 : i32
      %dma_start3A_340 = tpu.memref_slice %arg4[%add3A, %mul3A_338, %dma_start3A_339] : memref<32x96x128xi32, #tpu.memory_space<hbm>> -> memref<1x8x128xi32, #tpu.memory_space<hbm>>
      %dma_start3A_341 = tpu.memref_squeeze %dma_start3A_340 : memref<1x8x128xi32, #tpu.memory_space<hbm>> -> memref<8x128xi32, #tpu.memory_space<hbm>>
      %dma_start3A_342 = arith.constant 0 : i32
      %dma_start3A_343 = tpu.memref_slice %arg4[%add3A, %mul3A_338, %dma_start3A_342] : memref<32x96x128xi32, #tpu.memory_space<hbm>> -> memref<1x8x128xi32, #tpu.memory_space<hbm>>
      %dma_start3A_344 = tpu.memref_squeeze %dma_start3A_343 : memref<1x8x128xi32, #tpu.memory_space<hbm>> -> memref<8x128xi32, #tpu.memory_space<hbm>>
      tpu.enqueue_dma source(%dma_start3A_344 : memref<8x128xi32, #tpu.memory_space<hbm>>) target(%arg7 : memref<8x128xi32, #tpu.memory_space<vmem>>) target_semaphore(%arg17 : memref<!tpu.dma_semaphore, #tpu.memory_space<semaphore_mem>>)
      %dma_wait3A_345 = arith.constant 0 : i32
      %dma_wait3A_346 = arith.constant 0 : i32
      %dma_wait3A_347 = tpu.memref_slice %arg3[%add3A, %dma_wait3A_345, %dma_wait3A_346] : memref<32x96x128xi32, #tpu.memory_space<hbm>> -> memref<1x8x128xi32, #tpu.memory_space<hbm>>
      %dma_wait3A_348 = tpu.memref_squeeze %dma_wait3A_347 : memref<1x8x128xi32, #tpu.memory_space<hbm>> -> memref<8x128xi32, #tpu.memory_space<hbm>>
      %dma_wait3A_349 = arith.constant 0 : i32
      %dma_wait3A_350 = arith.constant 0 : i32
      %dma_wait3A_351 = tpu.memref_slice %arg3[%add3A, %dma_wait3A_349, %dma_wait3A_350] : memref<32x96x128xi32, #tpu.memory_space<hbm>> -> memref<1x8x128xi32, #tpu.memory_space<hbm>>
      %dma_wait3A_352 = tpu.memref_squeeze %dma_wait3A_351 : memref<1x8x128xi32, #tpu.memory_space<hbm>> -> memref<8x128xi32, #tpu.memory_space<hbm>>
      tpu.wait_dma2 semaphore(%arg18 : memref<!tpu.dma_semaphore, #tpu.memory_space<semaphore_mem>>) src(%dma_wait3A_352 : memref<8x128xi32, #tpu.memory_space<hbm>>) dst(%arg8 : memref<8x128xi32, #tpu.memory_space<vmem>>)
      %dma_wait3A_353 = arith.constant 0 : i32
      %dma_wait3A_354 = arith.constant 0 : i32
      %dma_wait3A_355 = tpu.memref_slice %arg4[%add3A, %dma_wait3A_353, %dma_wait3A_354] : memref<32x96x128xi32, #tpu.memory_space<hbm>> -> memref<1x8x128xi32, #tpu.memory_space<hbm>>
      %dma_wait3A_356 = tpu.memref_squeeze %dma_wait3A_355 : memref<1x8x128xi32, #tpu.memory_space<hbm>> -> memref<8x128xi32, #tpu.memory_space<hbm>>
      %dma_wait3A_357 = arith.constant 0 : i32
      %dma_wait3A_358 = arith.constant 0 : i32
      %dma_wait3A_359 = tpu.memref_slice %arg4[%add3A, %dma_wait3A_357, %dma_wait3A_358] : memref<32x96x128xi32, #tpu.memory_space<hbm>> -> memref<1x8x128xi32, #tpu.memory_space<hbm>>
      %dma_wait3A_360 = tpu.memref_squeeze %dma_wait3A_359 : memref<1x8x128xi32, #tpu.memory_space<hbm>> -> memref<8x128xi32, #tpu.memory_space<hbm>>
      tpu.wait_dma2 semaphore(%arg18 : memref<!tpu.dma_semaphore, #tpu.memory_space<semaphore_mem>>) src(%dma_wait3A_360 : memref<8x128xi32, #tpu.memory_space<hbm>>) dst(%arg9 : memref<8x128xi32, #tpu.memory_space<vmem>>)
      %dma_start3A_361 = arith.constant 0 : i32
      %dma_start3A_362 = arith.constant 0 : i32
      %dma_start3A_363 = tpu.memref_slice %arg8[%dma_start3A_361, %dma_start3A_362] : memref<8x128xi32, #tpu.memory_space<vmem>> -> memref<1x128xi32, #tpu.memory_space<vmem>>
      %dma_start3A_364 = tpu.memref_squeeze %dma_start3A_363 : memref<1x128xi32, #tpu.memory_space<vmem>> -> memref<128xi32, #tpu.memory_space<vmem>>
      %dma_start3A_365 = arith.constant 0 : i32
      %dma_start3A_366 = arith.constant 0 : i32
      %dma_start3A_367 = tpu.memref_slice %arg2[%dma_start3A_365, %dma_start3A_366] : memref<10000x128xf32, #tpu.memory_space<hbm>> -> memref<10000x128xf32, #tpu.memory_space<hbm>>
      tpu.enqueue_indirect_dma source(%dma_start3A_367 : memref<10000x128xf32, #tpu.memory_space<hbm>>) target(%arg10 : memref<128x128xf32, #tpu.memory_space<vmem>>) offsets(%dma_start3A_364 : memref<128xi32, #tpu.memory_space<vmem>>) semaphore(%arg13 : memref<!tpu.dma_semaphore, #tpu.memory_space<semaphore_mem>>)
      %dma_start3A_368 = arith.constant 1 : i32
      %dma_start3A_369 = arith.constant 0 : i32
      %dma_start3A_370 = tpu.memref_slice %arg8[%dma_start3A_368, %dma_start3A_369] : memref<8x128xi32, #tpu.memory_space<vmem>> -> memref<1x128xi32, #tpu.memory_space<vmem>>
      %dma_start3A_371 = tpu.memref_squeeze %dma_start3A_370 : memref<1x128xi32, #tpu.memory_space<vmem>> -> memref<128xi32, #tpu.memory_space<vmem>>
      %dma_start3A_372 = arith.constant 0 : i32
      %dma_start3A_373 = arith.constant 0 : i32
      %dma_start3A_374 = tpu.memref_slice %arg2[%dma_start3A_372, %dma_start3A_373] : memref<10000x128xf32, #tpu.memory_space<hbm>> -> memref<10000x128xf32, #tpu.memory_space<hbm>>
      tpu.enqueue_indirect_dma source(%dma_start3A_374 : memref<10000x128xf32, #tpu.memory_space<hbm>>) target(%arg11 : memref<128x128xf32, #tpu.memory_space<vmem>>) offsets(%dma_start3A_371 : memref<128xi32, #tpu.memory_space<vmem>>) semaphore(%arg14 : memref<!tpu.dma_semaphore, #tpu.memory_space<semaphore_mem>>)
      %dma_wait3A_375 = arith.constant 0 : i32
      %dma_wait3A_376 = arith.constant 0 : i32
      %dma_wait3A_377 = tpu.memref_slice %arg8[%dma_wait3A_375, %dma_wait3A_376] : memref<8x128xi32, #tpu.memory_space<vmem>> -> memref<1x128xi32, #tpu.memory_space<vmem>>
      %dma_wait3A_378 = tpu.memref_squeeze %dma_wait3A_377 : memref<1x128xi32, #tpu.memory_space<vmem>> -> memref<128xi32, #tpu.memory_space<vmem>>
      %dma_wait3A_379 = arith.constant 0 : i32
      %dma_wait3A_380 = arith.constant 0 : i32
      %dma_wait3A_381 = tpu.memref_slice %arg2[%dma_wait3A_379, %dma_wait3A_380] : memref<10000x128xf32, #tpu.memory_space<hbm>> -> memref<10000x128xf32, #tpu.memory_space<hbm>>
      tpu.wait_indirect_dma semaphore(%arg13 : memref<!tpu.dma_semaphore, #tpu.memory_space<semaphore_mem>>) src(%dma_wait3A_381 : memref<10000x128xf32, #tpu.memory_space<hbm>>) dst(%arg10 : memref<128x128xf32, #tpu.memory_space<vmem>>)
      %dma_start3A_382 = arith.constant 0 : i32
      %dma_start3A_383 = arith.constant 0 : i32
      %dma_start3A_384 = tpu.memref_slice %arg9[%dma_start3A_382, %dma_start3A_383] : memref<8x128xi32, #tpu.memory_space<vmem>> -> memref<1x128xi32, #tpu.memory_space<vmem>>
      %dma_start3A_385 = tpu.memref_squeeze %dma_start3A_384 : memref<1x128xi32, #tpu.memory_space<vmem>> -> memref<128xi32, #tpu.memory_space<vmem>>
      %dma_start3A_386 = arith.constant 0 : i32
      %dma_start3A_387 = arith.constant 0 : i32
      %dma_start3A_388 = tpu.memref_slice %arg12[%dma_start3A_386, %dma_start3A_387] : memref<10240x128xf32, #tpu.memory_space<vmem_shared>> -> memref<10240x128xf32, #tpu.memory_space<vmem_shared>>
      tpu.enqueue_indirect_dma source(%arg10 : memref<128x128xf32, #tpu.memory_space<vmem>>) target(%dma_start3A_388 : memref<10240x128xf32, #tpu.memory_space<vmem_shared>>) offsets(%dma_start3A_385 : memref<128xi32, #tpu.memory_space<vmem>>) semaphore(%arg15 : memref<!tpu.dma_semaphore, #tpu.memory_space<semaphore_mem>>) {add = true}
      %dma_wait3A_389 = arith.constant 0 : i32
      %dma_wait3A_390 = arith.constant 0 : i32
      %dma_wait3A_391 = tpu.memref_slice %arg9[%dma_wait3A_389, %dma_wait3A_390] : memref<8x128xi32, #tpu.memory_space<vmem>> -> memref<1x128xi32, #tpu.memory_space<vmem>>
      %dma_wait3A_392 = tpu.memref_squeeze %dma_wait3A_391 : memref<1x128xi32, #tpu.memory_space<vmem>> -> memref<128xi32, #tpu.memory_space<vmem>>
      %dma_wait3A_393 = arith.constant 0 : i32
      %dma_wait3A_394 = arith.constant 0 : i32
      %dma_wait3A_395 = tpu.memref_slice %arg12[%dma_wait3A_393, %dma_wait3A_394] : memref<10240x128xf32, #tpu.memory_space<vmem_shared>> -> memref<10240x128xf32, #tpu.memory_space<vmem_shared>>
      tpu.wait_indirect_dma semaphore(%arg15 : memref<!tpu.dma_semaphore, #tpu.memory_space<semaphore_mem>>) src(%arg10 : memref<128x128xf32, #tpu.memory_space<vmem>>) dst(%dma_wait3A_395 : memref<10240x128xf32, #tpu.memory_space<vmem_shared>>)
      %dma_start3A_396 = arith.constant 2 : i32
      %dma_start3A_397 = arith.constant 0 : i32
      %dma_start3A_398 = tpu.memref_slice %arg8[%dma_start3A_396, %dma_start3A_397] : memref<8x128xi32, #tpu.memory_space<vmem>> -> memref<1x128xi32, #tpu.memory_space<vmem>>
      %dma_start3A_399 = tpu.memref_squeeze %dma_start3A_398 : memref<1x128xi32, #tpu.memory_space<vmem>> -> memref<128xi32, #tpu.memory_space<vmem>>
      %dma_start3A_400 = arith.constant 0 : i32
      %dma_start3A_401 = arith.constant 0 : i32
      %dma_start3A_402 = tpu.memref_slice %arg2[%dma_start3A_400, %dma_start3A_401] : memref<10000x128xf32, #tpu.memory_space<hbm>> -> memref<10000x128xf32, #tpu.memory_space<hbm>>
      tpu.enqueue_indirect_dma source(%dma_start3A_402 : memref<10000x128xf32, #tpu.memory_space<hbm>>) target(%arg10 : memref<128x128xf32, #tpu.memory_space<vmem>>) offsets(%dma_start3A_399 : memref<128xi32, #tpu.memory_space<vmem>>) semaphore(%arg13 : memref<!tpu.dma_semaphore, #tpu.memory_space<semaphore_mem>>)
      %dma_wait3A_403 = arith.constant 1 : i32
      %dma_wait3A_404 = arith.constant 0 : i32
      %dma_wait3A_405 = tpu.memref_slice %arg8[%dma_wait3A_403, %dma_wait3A_404] : memref<8x128xi32, #tpu.memory_space<vmem>> -> memref<1x128xi32, #tpu.memory_space<vmem>>
      %dma_wait3A_406 = tpu.memref_squeeze %dma_wait3A_405 : memref<1x128xi32, #tpu.memory_space<vmem>> -> memref<128xi32, #tpu.memory_space<vmem>>
      %dma_wait3A_407 = arith.constant 0 : i32
      %dma_wait3A_408 = arith.constant 0 : i32
      %dma_wait3A_409 = tpu.memref_slice %arg2[%dma_wait3A_407, %dma_wait3A_408] : memref<10000x128xf32, #tpu.memory_space<hbm>> -> memref<10000x128xf32, #tpu.memory_space<hbm>>
      tpu.wait_indirect_dma semaphore(%arg14 : memref<!tpu.dma_semaphore, #tpu.memory_space<semaphore_mem>>) src(%dma_wait3A_409 : memref<10000x128xf32, #tpu.memory_space<hbm>>) dst(%arg11 : memref<128x128xf32, #tpu.memory_space<vmem>>)
      %dma_start3A_410 = arith.constant 1 : i32
      %dma_start3A_411 = arith.constant 0 : i32
      %dma_start3A_412 = tpu.memref_slice %arg9[%dma_start3A_410, %dma_start3A_411] : memref<8x128xi32, #tpu.memory_space<vmem>> -> memref<1x128xi32, #tpu.memory_space<vmem>>
      %dma_start3A_413 = tpu.memref_squeeze %dma_start3A_412 : memref<1x128xi32, #tpu.memory_space<vmem>> -> memref<128xi32, #tpu.memory_space<vmem>>
      %dma_start3A_414 = arith.constant 0 : i32
      %dma_start3A_415 = arith.constant 0 : i32
      %dma_start3A_416 = tpu.memref_slice %arg12[%dma_start3A_414, %dma_start3A_415] : memref<10240x128xf32, #tpu.memory_space<vmem_shared>> -> memref<10240x128xf32, #tpu.memory_space<vmem_shared>>
      tpu.enqueue_indirect_dma source(%arg11 : memref<128x128xf32, #tpu.memory_space<vmem>>) target(%dma_start3A_416 : memref<10240x128xf32, #tpu.memory_space<vmem_shared>>) offsets(%dma_start3A_413 : memref<128xi32, #tpu.memory_space<vmem>>) semaphore(%arg16 : memref<!tpu.dma_semaphore, #tpu.memory_space<semaphore_mem>>) {add = true}
      %dma_wait3A_417 = arith.constant 1 : i32
      %dma_wait3A_418 = arith.constant 0 : i32
      %dma_wait3A_419 = tpu.memref_slice %arg9[%dma_wait3A_417, %dma_wait3A_418] : memref<8x128xi32, #tpu.memory_space<vmem>> -> memref<1x128xi32, #tpu.memory_space<vmem>>
      %dma_wait3A_420 = tpu.memref_squeeze %dma_wait3A_419 : memref<1x128xi32, #tpu.memory_space<vmem>> -> memref<128xi32, #tpu.memory_space<vmem>>
      %dma_wait3A_421 = arith.constant 0 : i32
      %dma_wait3A_422 = arith.constant 0 : i32
      %dma_wait3A_423 = tpu.memref_slice %arg12[%dma_wait3A_421, %dma_wait3A_422] : memref<10240x128xf32, #tpu.memory_space<vmem_shared>> -> memref<10240x128xf32, #tpu.memory_space<vmem_shared>>
      tpu.wait_indirect_dma semaphore(%arg16 : memref<!tpu.dma_semaphore, #tpu.memory_space<semaphore_mem>>) src(%arg11 : memref<128x128xf32, #tpu.memory_space<vmem>>) dst(%dma_wait3A_423 : memref<10240x128xf32, #tpu.memory_space<vmem_shared>>)
      %dma_start3A_424 = arith.constant 3 : i32
      %dma_start3A_425 = arith.constant 0 : i32
      %dma_start3A_426 = tpu.memref_slice %arg8[%dma_start3A_424, %dma_start3A_425] : memref<8x128xi32, #tpu.memory_space<vmem>> -> memref<1x128xi32, #tpu.memory_space<vmem>>
      %dma_start3A_427 = tpu.memref_squeeze %dma_start3A_426 : memref<1x128xi32, #tpu.memory_space<vmem>> -> memref<128xi32, #tpu.memory_space<vmem>>
      %dma_start3A_428 = arith.constant 0 : i32
      %dma_start3A_429 = arith.constant 0 : i32
      %dma_start3A_430 = tpu.memref_slice %arg2[%dma_start3A_428, %dma_start3A_429] : memref<10000x128xf32, #tpu.memory_space<hbm>> -> memref<10000x128xf32, #tpu.memory_space<hbm>>
      tpu.enqueue_indirect_dma source(%dma_start3A_430 : memref<10000x128xf32, #tpu.memory_space<hbm>>) target(%arg11 : memref<128x128xf32, #tpu.memory_space<vmem>>) offsets(%dma_start3A_427 : memref<128xi32, #tpu.memory_space<vmem>>) semaphore(%arg14 : memref<!tpu.dma_semaphore, #tpu.memory_space<semaphore_mem>>)
      %dma_wait3A_431 = arith.constant 2 : i32
      %dma_wait3A_432 = arith.constant 0 : i32
      %dma_wait3A_433 = tpu.memref_slice %arg8[%dma_wait3A_431, %dma_wait3A_432] : memref<8x128xi32, #tpu.memory_space<vmem>> -> memref<1x128xi32, #tpu.memory_space<vmem>>
      %dma_wait3A_434 = tpu.memref_squeeze %dma_wait3A_433 : memref<1x128xi32, #tpu.memory_space<vmem>> -> memref<128xi32, #tpu.memory_space<vmem>>
      %dma_wait3A_435 = arith.constant 0 : i32
      %dma_wait3A_436 = arith.constant 0 : i32
      %dma_wait3A_437 = tpu.memref_slice %arg2[%dma_wait3A_435, %dma_wait3A_436] : memref<10000x128xf32, #tpu.memory_space<hbm>> -> memref<10000x128xf32, #tpu.memory_space<hbm>>
      tpu.wait_indirect_dma semaphore(%arg13 : memref<!tpu.dma_semaphore, #tpu.memory_space<semaphore_mem>>) src(%dma_wait3A_437 : memref<10000x128xf32, #tpu.memory_space<hbm>>) dst(%arg10 : memref<128x128xf32, #tpu.memory_space<vmem>>)
      %dma_start3A_438 = arith.constant 2 : i32
      %dma_start3A_439 = arith.constant 0 : i32
      %dma_start3A_440 = tpu.memref_slice %arg9[%dma_start3A_438, %dma_start3A_439] : memref<8x128xi32, #tpu.memory_space<vmem>> -> memref<1x128xi32, #tpu.memory_space<vmem>>
      %dma_start3A_441 = tpu.memref_squeeze %dma_start3A_440 : memref<1x128xi32, #tpu.memory_space<vmem>> -> memref<128xi32, #tpu.memory_space<vmem>>
      %dma_start3A_442 = arith.constant 0 : i32
      %dma_start3A_443 = arith.constant 0 : i32
      %dma_start3A_444 = tpu.memref_slice %arg12[%dma_start3A_442, %dma_start3A_443] : memref<10240x128xf32, #tpu.memory_space<vmem_shared>> -> memref<10240x128xf32, #tpu.memory_space<vmem_shared>>
      tpu.enqueue_indirect_dma source(%arg10 : memref<128x128xf32, #tpu.memory_space<vmem>>) target(%dma_start3A_444 : memref<10240x128xf32, #tpu.memory_space<vmem_shared>>) offsets(%dma_start3A_441 : memref<128xi32, #tpu.memory_space<vmem>>) semaphore(%arg15 : memref<!tpu.dma_semaphore, #tpu.memory_space<semaphore_mem>>) {add = true}
      %dma_wait3A_445 = arith.constant 2 : i32
      %dma_wait3A_446 = arith.constant 0 : i32
      %dma_wait3A_447 = tpu.memref_slice %arg9[%dma_wait3A_445, %dma_wait3A_446] : memref<8x128xi32, #tpu.memory_space<vmem>> -> memref<1x128xi32, #tpu.memory_space<vmem>>
      %dma_wait3A_448 = tpu.memref_squeeze %dma_wait3A_447 : memref<1x128xi32, #tpu.memory_space<vmem>> -> memref<128xi32, #tpu.memory_space<vmem>>
      %dma_wait3A_449 = arith.constant 0 : i32
      %dma_wait3A_450 = arith.constant 0 : i32
      %dma_wait3A_451 = tpu.memref_slice %arg12[%dma_wait3A_449, %dma_wait3A_450] : memref<10240x128xf32, #tpu.memory_space<vmem_shared>> -> memref<10240x128xf32, #tpu.memory_space<vmem_shared>>
      tpu.wait_indirect_dma semaphore(%arg15 : memref<!tpu.dma_semaphore, #tpu.memory_space<semaphore_mem>>) src(%arg10 : memref<128x128xf32, #tpu.memory_space<vmem>>) dst(%dma_wait3A_451 : memref<10240x128xf32, #tpu.memory_space<vmem_shared>>)
      %dma_start3A_452 = arith.constant 4 : i32
      %dma_start3A_453 = arith.constant 0 : i32
      %dma_start3A_454 = tpu.memref_slice %arg8[%dma_start3A_452, %dma_start3A_453] : memref<8x128xi32, #tpu.memory_space<vmem>> -> memref<1x128xi32, #tpu.memory_space<vmem>>
      %dma_start3A_455 = tpu.memref_squeeze %dma_start3A_454 : memref<1x128xi32, #tpu.memory_space<vmem>> -> memref<128xi32, #tpu.memory_space<vmem>>
      %dma_start3A_456 = arith.constant 0 : i32
      %dma_start3A_457 = arith.constant 0 : i32
      %dma_start3A_458 = tpu.memref_slice %arg2[%dma_start3A_456, %dma_start3A_457] : memref<10000x128xf32, #tpu.memory_space<hbm>> -> memref<10000x128xf32, #tpu.memory_space<hbm>>
      tpu.enqueue_indirect_dma source(%dma_start3A_458 : memref<10000x128xf32, #tpu.memory_space<hbm>>) target(%arg10 : memref<128x128xf32, #tpu.memory_space<vmem>>) offsets(%dma_start3A_455 : memref<128xi32, #tpu.memory_space<vmem>>) semaphore(%arg13 : memref<!tpu.dma_semaphore, #tpu.memory_space<semaphore_mem>>)
      %dma_wait3A_459 = arith.constant 3 : i32
      %dma_wait3A_460 = arith.constant 0 : i32
      %dma_wait3A_461 = tpu.memref_slice %arg8[%dma_wait3A_459, %dma_wait3A_460] : memref<8x128xi32, #tpu.memory_space<vmem>> -> memref<1x128xi32, #tpu.memory_space<vmem>>
      %dma_wait3A_462 = tpu.memref_squeeze %dma_wait3A_461 : memref<1x128xi32, #tpu.memory_space<vmem>> -> memref<128xi32, #tpu.memory_space<vmem>>
      %dma_wait3A_463 = arith.constant 0 : i32
      %dma_wait3A_464 = arith.constant 0 : i32
      %dma_wait3A_465 = tpu.memref_slice %arg2[%dma_wait3A_463, %dma_wait3A_464] : memref<10000x128xf32, #tpu.memory_space<hbm>> -> memref<10000x128xf32, #tpu.memory_space<hbm>>
      tpu.wait_indirect_dma semaphore(%arg14 : memref<!tpu.dma_semaphore, #tpu.memory_space<semaphore_mem>>) src(%dma_wait3A_465 : memref<10000x128xf32, #tpu.memory_space<hbm>>) dst(%arg11 : memref<128x128xf32, #tpu.memory_space<vmem>>)
      %dma_start3A_466 = arith.constant 3 : i32
      %dma_start3A_467 = arith.constant 0 : i32
      %dma_start3A_468 = tpu.memref_slice %arg9[%dma_start3A_466, %dma_start3A_467] : memref<8x128xi32, #tpu.memory_space<vmem>> -> memref<1x128xi32, #tpu.memory_space<vmem>>
      %dma_start3A_469 = tpu.memref_squeeze %dma_start3A_468 : memref<1x128xi32, #tpu.memory_space<vmem>> -> memref<128xi32, #tpu.memory_space<vmem>>
      %dma_start3A_470 = arith.constant 0 : i32
      %dma_start3A_471 = arith.constant 0 : i32
      %dma_start3A_472 = tpu.memref_slice %arg12[%dma_start3A_470, %dma_start3A_471] : memref<10240x128xf32, #tpu.memory_space<vmem_shared>> -> memref<10240x128xf32, #tpu.memory_space<vmem_shared>>
      tpu.enqueue_indirect_dma source(%arg11 : memref<128x128xf32, #tpu.memory_space<vmem>>) target(%dma_start3A_472 : memref<10240x128xf32, #tpu.memory_space<vmem_shared>>) offsets(%dma_start3A_469 : memref<128xi32, #tpu.memory_space<vmem>>) semaphore(%arg16 : memref<!tpu.dma_semaphore, #tpu.memory_space<semaphore_mem>>) {add = true}
      %dma_wait3A_473 = arith.constant 3 : i32
      %dma_wait3A_474 = arith.constant 0 : i32
      %dma_wait3A_475 = tpu.memref_slice %arg9[%dma_wait3A_473, %dma_wait3A_474] : memref<8x128xi32, #tpu.memory_space<vmem>> -> memref<1x128xi32, #tpu.memory_space<vmem>>
      %dma_wait3A_476 = tpu.memref_squeeze %dma_wait3A_475 : memref<1x128xi32, #tpu.memory_space<vmem>> -> memref<128xi32, #tpu.memory_space<vmem>>
      %dma_wait3A_477 = arith.constant 0 : i32
      %dma_wait3A_478 = arith.constant 0 : i32
      %dma_wait3A_479 = tpu.memref_slice %arg12[%dma_wait3A_477, %dma_wait3A_478] : memref<10240x128xf32, #tpu.memory_space<vmem_shared>> -> memref<10240x128xf32, #tpu.memory_space<vmem_shared>>
      tpu.wait_indirect_dma semaphore(%arg16 : memref<!tpu.dma_semaphore, #tpu.memory_space<semaphore_mem>>) src(%arg11 : memref<128x128xf32, #tpu.memory_space<vmem>>) dst(%dma_wait3A_479 : memref<10240x128xf32, #tpu.memory_space<vmem_shared>>)
      %dma_start3A_480 = arith.constant 5 : i32
      %dma_start3A_481 = arith.constant 0 : i32
      %dma_start3A_482 = tpu.memref_slice %arg8[%dma_start3A_480, %dma_start3A_481] : memref<8x128xi32, #tpu.memory_space<vmem>> -> memref<1x128xi32, #tpu.memory_space<vmem>>
      %dma_start3A_483 = tpu.memref_squeeze %dma_start3A_482 : memref<1x128xi32, #tpu.memory_space<vmem>> -> memref<128xi32, #tpu.memory_space<vmem>>
      %dma_start3A_484 = arith.constant 0 : i32
      %dma_start3A_485 = arith.constant 0 : i32
      %dma_start3A_486 = tpu.memref_slice %arg2[%dma_start3A_484, %dma_start3A_485] : memref<10000x128xf32, #tpu.memory_space<hbm>> -> memref<10000x128xf32, #tpu.memory_space<hbm>>
      tpu.enqueue_indirect_dma source(%dma_start3A_486 : memref<10000x128xf32, #tpu.memory_space<hbm>>) target(%arg11 : memref<128x128xf32, #tpu.memory_space<vmem>>) offsets(%dma_start3A_483 : memref<128xi32, #tpu.memory_space<vmem>>) semaphore(%arg14 : memref<!tpu.dma_semaphore, #tpu.memory_space<semaphore_mem>>)
      %dma_wait3A_487 = arith.constant 4 : i32
      %dma_wait3A_488 = arith.constant 0 : i32
      %dma_wait3A_489 = tpu.memref_slice %arg8[%dma_wait3A_487, %dma_wait3A_488] : memref<8x128xi32, #tpu.memory_space<vmem>> -> memref<1x128xi32, #tpu.memory_space<vmem>>
      %dma_wait3A_490 = tpu.memref_squeeze %dma_wait3A_489 : memref<1x128xi32, #tpu.memory_space<vmem>> -> memref<128xi32, #tpu.memory_space<vmem>>
      %dma_wait3A_491 = arith.constant 0 : i32
      %dma_wait3A_492 = arith.constant 0 : i32
      %dma_wait3A_493 = tpu.memref_slice %arg2[%dma_wait3A_491, %dma_wait3A_492] : memref<10000x128xf32, #tpu.memory_space<hbm>> -> memref<10000x128xf32, #tpu.memory_space<hbm>>
      tpu.wait_indirect_dma semaphore(%arg13 : memref<!tpu.dma_semaphore, #tpu.memory_space<semaphore_mem>>) src(%dma_wait3A_493 : memref<10000x128xf32, #tpu.memory_space<hbm>>) dst(%arg10 : memref<128x128xf32, #tpu.memory_space<vmem>>)
      %dma_start3A_494 = arith.constant 4 : i32
      %dma_start3A_495 = arith.constant 0 : i32
      %dma_start3A_496 = tpu.memref_slice %arg9[%dma_start3A_494, %dma_start3A_495] : memref<8x128xi32, #tpu.memory_space<vmem>> -> memref<1x128xi32, #tpu.memory_space<vmem>>
      %dma_start3A_497 = tpu.memref_squeeze %dma_start3A_496 : memref<1x128xi32, #tpu.memory_space<vmem>> -> memref<128xi32, #tpu.memory_space<vmem>>
      %dma_start3A_498 = arith.constant 0 : i32
      %dma_start3A_499 = arith.constant 0 : i32
      %dma_start3A_500 = tpu.memref_slice %arg12[%dma_start3A_498, %dma_start3A_499] : memref<10240x128xf32, #tpu.memory_space<vmem_shared>> -> memref<10240x128xf32, #tpu.memory_space<vmem_shared>>
      tpu.enqueue_indirect_dma source(%arg10 : memref<128x128xf32, #tpu.memory_space<vmem>>) target(%dma_start3A_500 : memref<10240x128xf32, #tpu.memory_space<vmem_shared>>) offsets(%dma_start3A_497 : memref<128xi32, #tpu.memory_space<vmem>>) semaphore(%arg15 : memref<!tpu.dma_semaphore, #tpu.memory_space<semaphore_mem>>) {add = true}
      %dma_wait3A_501 = arith.constant 4 : i32
      %dma_wait3A_502 = arith.constant 0 : i32
      %dma_wait3A_503 = tpu.memref_slice %arg9[%dma_wait3A_501, %dma_wait3A_502] : memref<8x128xi32, #tpu.memory_space<vmem>> -> memref<1x128xi32, #tpu.memory_space<vmem>>
      %dma_wait3A_504 = tpu.memref_squeeze %dma_wait3A_503 : memref<1x128xi32, #tpu.memory_space<vmem>> -> memref<128xi32, #tpu.memory_space<vmem>>
      %dma_wait3A_505 = arith.constant 0 : i32
      %dma_wait3A_506 = arith.constant 0 : i32
      %dma_wait3A_507 = tpu.memref_slice %arg12[%dma_wait3A_505, %dma_wait3A_506] : memref<10240x128xf32, #tpu.memory_space<vmem_shared>> -> memref<10240x128xf32, #tpu.memory_space<vmem_shared>>
      tpu.wait_indirect_dma semaphore(%arg15 : memref<!tpu.dma_semaphore, #tpu.memory_space<semaphore_mem>>) src(%arg10 : memref<128x128xf32, #tpu.memory_space<vmem>>) dst(%dma_wait3A_507 : memref<10240x128xf32, #tpu.memory_space<vmem_shared>>)
      %dma_start3A_508 = arith.constant 6 : i32
      %dma_start3A_509 = arith.constant 0 : i32
      %dma_start3A_510 = tpu.memref_slice %arg8[%dma_start3A_508, %dma_start3A_509] : memref<8x128xi32, #tpu.memory_space<vmem>> -> memref<1x128xi32, #tpu.memory_space<vmem>>
      %dma_start3A_511 = tpu.memref_squeeze %dma_start3A_510 : memref<1x128xi32, #tpu.memory_space<vmem>> -> memref<128xi32, #tpu.memory_space<vmem>>
      %dma_start3A_512 = arith.constant 0 : i32
      %dma_start3A_513 = arith.constant 0 : i32
      %dma_start3A_514 = tpu.memref_slice %arg2[%dma_start3A_512, %dma_start3A_513] : memref<10000x128xf32, #tpu.memory_space<hbm>> -> memref<10000x128xf32, #tpu.memory_space<hbm>>
      tpu.enqueue_indirect_dma source(%dma_start3A_514 : memref<10000x128xf32, #tpu.memory_space<hbm>>) target(%arg10 : memref<128x128xf32, #tpu.memory_space<vmem>>) offsets(%dma_start3A_511 : memref<128xi32, #tpu.memory_space<vmem>>) semaphore(%arg13 : memref<!tpu.dma_semaphore, #tpu.memory_space<semaphore_mem>>)
      %dma_wait3A_515 = arith.constant 5 : i32
      %dma_wait3A_516 = arith.constant 0 : i32
      %dma_wait3A_517 = tpu.memref_slice %arg8[%dma_wait3A_515, %dma_wait3A_516] : memref<8x128xi32, #tpu.memory_space<vmem>> -> memref<1x128xi32, #tpu.memory_space<vmem>>
      %dma_wait3A_518 = tpu.memref_squeeze %dma_wait3A_517 : memref<1x128xi32, #tpu.memory_space<vmem>> -> memref<128xi32, #tpu.memory_space<vmem>>
      %dma_wait3A_519 = arith.constant 0 : i32
      %dma_wait3A_520 = arith.constant 0 : i32
      %dma_wait3A_521 = tpu.memref_slice %arg2[%dma_wait3A_519, %dma_wait3A_520] : memref<10000x128xf32, #tpu.memory_space<hbm>> -> memref<10000x128xf32, #tpu.memory_space<hbm>>
      tpu.wait_indirect_dma semaphore(%arg14 : memref<!tpu.dma_semaphore, #tpu.memory_space<semaphore_mem>>) src(%dma_wait3A_521 : memref<10000x128xf32, #tpu.memory_space<hbm>>) dst(%arg11 : memref<128x128xf32, #tpu.memory_space<vmem>>)
      %dma_start3A_522 = arith.constant 5 : i32
      %dma_start3A_523 = arith.constant 0 : i32
      %dma_start3A_524 = tpu.memref_slice %arg9[%dma_start3A_522, %dma_start3A_523] : memref<8x128xi32, #tpu.memory_space<vmem>> -> memref<1x128xi32, #tpu.memory_space<vmem>>
      %dma_start3A_525 = tpu.memref_squeeze %dma_start3A_524 : memref<1x128xi32, #tpu.memory_space<vmem>> -> memref<128xi32, #tpu.memory_space<vmem>>
      %dma_start3A_526 = arith.constant 0 : i32
      %dma_start3A_527 = arith.constant 0 : i32
      %dma_start3A_528 = tpu.memref_slice %arg12[%dma_start3A_526, %dma_start3A_527] : memref<10240x128xf32, #tpu.memory_space<vmem_shared>> -> memref<10240x128xf32, #tpu.memory_space<vmem_shared>>
      tpu.enqueue_indirect_dma source(%arg11 : memref<128x128xf32, #tpu.memory_space<vmem>>) target(%dma_start3A_528 : memref<10240x128xf32, #tpu.memory_space<vmem_shared>>) offsets(%dma_start3A_525 : memref<128xi32, #tpu.memory_space<vmem>>) semaphore(%arg16 : memref<!tpu.dma_semaphore, #tpu.memory_space<semaphore_mem>>) {add = true}
      %dma_wait3A_529 = arith.constant 5 : i32
      %dma_wait3A_530 = arith.constant 0 : i32
      %dma_wait3A_531 = tpu.memref_slice %arg9[%dma_wait3A_529, %dma_wait3A_530] : memref<8x128xi32, #tpu.memory_space<vmem>> -> memref<1x128xi32, #tpu.memory_space<vmem>>
      %dma_wait3A_532 = tpu.memref_squeeze %dma_wait3A_531 : memref<1x128xi32, #tpu.memory_space<vmem>> -> memref<128xi32, #tpu.memory_space<vmem>>
      %dma_wait3A_533 = arith.constant 0 : i32
      %dma_wait3A_534 = arith.constant 0 : i32
      %dma_wait3A_535 = tpu.memref_slice %arg12[%dma_wait3A_533, %dma_wait3A_534] : memref<10240x128xf32, #tpu.memory_space<vmem_shared>> -> memref<10240x128xf32, #tpu.memory_space<vmem_shared>>
      tpu.wait_indirect_dma semaphore(%arg16 : memref<!tpu.dma_semaphore, #tpu.memory_space<semaphore_mem>>) src(%arg11 : memref<128x128xf32, #tpu.memory_space<vmem>>) dst(%dma_wait3A_535 : memref<10240x128xf32, #tpu.memory_space<vmem_shared>>)
      %dma_start3A_536 = arith.constant 7 : i32
      %dma_start3A_537 = arith.constant 0 : i32
      %dma_start3A_538 = tpu.memref_slice %arg8[%dma_start3A_536, %dma_start3A_537] : memref<8x128xi32, #tpu.memory_space<vmem>> -> memref<1x128xi32, #tpu.memory_space<vmem>>
      %dma_start3A_539 = tpu.memref_squeeze %dma_start3A_538 : memref<1x128xi32, #tpu.memory_space<vmem>> -> memref<128xi32, #tpu.memory_space<vmem>>
      %dma_start3A_540 = arith.constant 0 : i32
      %dma_start3A_541 = arith.constant 0 : i32
      %dma_start3A_542 = tpu.memref_slice %arg2[%dma_start3A_540, %dma_start3A_541] : memref<10000x128xf32, #tpu.memory_space<hbm>> -> memref<10000x128xf32, #tpu.memory_space<hbm>>
      tpu.enqueue_indirect_dma source(%dma_start3A_542 : memref<10000x128xf32, #tpu.memory_space<hbm>>) target(%arg11 : memref<128x128xf32, #tpu.memory_space<vmem>>) offsets(%dma_start3A_539 : memref<128xi32, #tpu.memory_space<vmem>>) semaphore(%arg14 : memref<!tpu.dma_semaphore, #tpu.memory_space<semaphore_mem>>)
      %dma_wait3A_543 = arith.constant 6 : i32
      %dma_wait3A_544 = arith.constant 0 : i32
      %dma_wait3A_545 = tpu.memref_slice %arg8[%dma_wait3A_543, %dma_wait3A_544] : memref<8x128xi32, #tpu.memory_space<vmem>> -> memref<1x128xi32, #tpu.memory_space<vmem>>
      %dma_wait3A_546 = tpu.memref_squeeze %dma_wait3A_545 : memref<1x128xi32, #tpu.memory_space<vmem>> -> memref<128xi32, #tpu.memory_space<vmem>>
      %dma_wait3A_547 = arith.constant 0 : i32
      %dma_wait3A_548 = arith.constant 0 : i32
      %dma_wait3A_549 = tpu.memref_slice %arg2[%dma_wait3A_547, %dma_wait3A_548] : memref<10000x128xf32, #tpu.memory_space<hbm>> -> memref<10000x128xf32, #tpu.memory_space<hbm>>
      tpu.wait_indirect_dma semaphore(%arg13 : memref<!tpu.dma_semaphore, #tpu.memory_space<semaphore_mem>>) src(%dma_wait3A_549 : memref<10000x128xf32, #tpu.memory_space<hbm>>) dst(%arg10 : memref<128x128xf32, #tpu.memory_space<vmem>>)
      %dma_start3A_550 = arith.constant 6 : i32
      %dma_start3A_551 = arith.constant 0 : i32
      %dma_start3A_552 = tpu.memref_slice %arg9[%dma_start3A_550, %dma_start3A_551] : memref<8x128xi32, #tpu.memory_space<vmem>> -> memref<1x128xi32, #tpu.memory_space<vmem>>
      %dma_start3A_553 = tpu.memref_squeeze %dma_start3A_552 : memref<1x128xi32, #tpu.memory_space<vmem>> -> memref<128xi32, #tpu.memory_space<vmem>>
      %dma_start3A_554 = arith.constant 0 : i32
      %dma_start3A_555 = arith.constant 0 : i32
      %dma_start3A_556 = tpu.memref_slice %arg12[%dma_start3A_554, %dma_start3A_555] : memref<10240x128xf32, #tpu.memory_space<vmem_shared>> -> memref<10240x128xf32, #tpu.memory_space<vmem_shared>>
      tpu.enqueue_indirect_dma source(%arg10 : memref<128x128xf32, #tpu.memory_space<vmem>>) target(%dma_start3A_556 : memref<10240x128xf32, #tpu.memory_space<vmem_shared>>) offsets(%dma_start3A_553 : memref<128xi32, #tpu.memory_space<vmem>>) semaphore(%arg15 : memref<!tpu.dma_semaphore, #tpu.memory_space<semaphore_mem>>) {add = true}
      %dma_wait3A_557 = arith.constant 7 : i32
      %dma_wait3A_558 = arith.constant 0 : i32
      %dma_wait3A_559 = tpu.memref_slice %arg8[%dma_wait3A_557, %dma_wait3A_558] : memref<8x128xi32, #tpu.memory_space<vmem>> -> memref<1x128xi32, #tpu.memory_space<vmem>>
      %dma_wait3A_560 = tpu.memref_squeeze %dma_wait3A_559 : memref<1x128xi32, #tpu.memory_space<vmem>> -> memref<128xi32, #tpu.memory_space<vmem>>
      %dma_wait3A_561 = arith.constant 0 : i32
      %dma_wait3A_562 = arith.constant 0 : i32
      %dma_wait3A_563 = tpu.memref_slice %arg2[%dma_wait3A_561, %dma_wait3A_562] : memref<10000x128xf32, #tpu.memory_space<hbm>> -> memref<10000x128xf32, #tpu.memory_space<hbm>>
      tpu.wait_indirect_dma semaphore(%arg14 : memref<!tpu.dma_semaphore, #tpu.memory_space<semaphore_mem>>) src(%dma_wait3A_563 : memref<10000x128xf32, #tpu.memory_space<hbm>>) dst(%arg11 : memref<128x128xf32, #tpu.memory_space<vmem>>)
      %dma_start3A_564 = arith.constant 7 : i32
      %dma_start3A_565 = arith.constant 0 : i32
      %dma_start3A_566 = tpu.memref_slice %arg9[%dma_start3A_564, %dma_start3A_565] : memref<8x128xi32, #tpu.memory_space<vmem>> -> memref<1x128xi32, #tpu.memory_space<vmem>>
      %dma_start3A_567 = tpu.memref_squeeze %dma_start3A_566 : memref<1x128xi32, #tpu.memory_space<vmem>> -> memref<128xi32, #tpu.memory_space<vmem>>
      %dma_start3A_568 = arith.constant 0 : i32
      %dma_start3A_569 = arith.constant 0 : i32
      %dma_start3A_570 = tpu.memref_slice %arg12[%dma_start3A_568, %dma_start3A_569] : memref<10240x128xf32, #tpu.memory_space<vmem_shared>> -> memref<10240x128xf32, #tpu.memory_space<vmem_shared>>
      tpu.enqueue_indirect_dma source(%arg11 : memref<128x128xf32, #tpu.memory_space<vmem>>) target(%dma_start3A_570 : memref<10240x128xf32, #tpu.memory_space<vmem_shared>>) offsets(%dma_start3A_567 : memref<128xi32, #tpu.memory_space<vmem>>) semaphore(%arg16 : memref<!tpu.dma_semaphore, #tpu.memory_space<semaphore_mem>>) {add = true}
      %dma_wait3A_571 = arith.constant 6 : i32
      %dma_wait3A_572 = arith.constant 0 : i32
      %dma_wait3A_573 = tpu.memref_slice %arg9[%dma_wait3A_571, %dma_wait3A_572] : memref<8x128xi32, #tpu.memory_space<vmem>> -> memref<1x128xi32, #tpu.memory_space<vmem>>
      %dma_wait3A_574 = tpu.memref_squeeze %dma_wait3A_573 : memref<1x128xi32, #tpu.memory_space<vmem>> -> memref<128xi32, #tpu.memory_space<vmem>>
      %dma_wait3A_575 = arith.constant 0 : i32
      %dma_wait3A_576 = arith.constant 0 : i32
      %dma_wait3A_577 = tpu.memref_slice %arg12[%dma_wait3A_575, %dma_wait3A_576] : memref<10240x128xf32, #tpu.memory_space<vmem_shared>> -> memref<10240x128xf32, #tpu.memory_space<vmem_shared>>
      tpu.wait_indirect_dma semaphore(%arg15 : memref<!tpu.dma_semaphore, #tpu.memory_space<semaphore_mem>>) src(%arg10 : memref<128x128xf32, #tpu.memory_space<vmem>>) dst(%dma_wait3A_577 : memref<10240x128xf32, #tpu.memory_space<vmem_shared>>)
      %dma_wait3A_578 = arith.constant 7 : i32
      %dma_wait3A_579 = arith.constant 0 : i32
      %dma_wait3A_580 = tpu.memref_slice %arg9[%dma_wait3A_578, %dma_wait3A_579] : memref<8x128xi32, #tpu.memory_space<vmem>> -> memref<1x128xi32, #tpu.memory_space<vmem>>
      %dma_wait3A_581 = tpu.memref_squeeze %dma_wait3A_580 : memref<1x128xi32, #tpu.memory_space<vmem>> -> memref<128xi32, #tpu.memory_space<vmem>>
      %dma_wait3A_582 = arith.constant 0 : i32
      %dma_wait3A_583 = arith.constant 0 : i32
      %dma_wait3A_584 = tpu.memref_slice %arg12[%dma_wait3A_582, %dma_wait3A_583] : memref<10240x128xf32, #tpu.memory_space<vmem_shared>> -> memref<10240x128xf32, #tpu.memory_space<vmem_shared>>
      tpu.wait_indirect_dma semaphore(%arg16 : memref<!tpu.dma_semaphore, #tpu.memory_space<semaphore_mem>>) src(%arg11 : memref<128x128xf32, #tpu.memory_space<vmem>>) dst(%dma_wait3A_584 : memref<10240x128xf32, #tpu.memory_space<vmem_shared>>)
      %add3A_585 = arith.constant 3 : i32
      %add3A_586 = arith.addi %mul3A_86, %add3A_585 : i32
      %mul3A_587 = arith.constant 8 : i32
      %mul3A_588 = arith.muli %add3A_586, %mul3A_587 : i32
      %dma_start3A_589 = arith.constant 0 : i32
      %dma_start3A_590 = tpu.memref_slice %arg3[%add3A, %mul3A_588, %dma_start3A_589] : memref<32x96x128xi32, #tpu.memory_space<hbm>> -> memref<1x8x128xi32, #tpu.memory_space<hbm>>
      %dma_start3A_591 = tpu.memref_squeeze %dma_start3A_590 : memref<1x8x128xi32, #tpu.memory_space<hbm>> -> memref<8x128xi32, #tpu.memory_space<hbm>>
      %dma_start3A_592 = arith.constant 0 : i32
      %dma_start3A_593 = tpu.memref_slice %arg3[%add3A, %mul3A_588, %dma_start3A_592] : memref<32x96x128xi32, #tpu.memory_space<hbm>> -> memref<1x8x128xi32, #tpu.memory_space<hbm>>
      %dma_start3A_594 = tpu.memref_squeeze %dma_start3A_593 : memref<1x8x128xi32, #tpu.memory_space<hbm>> -> memref<8x128xi32, #tpu.memory_space<hbm>>
      tpu.enqueue_dma source(%dma_start3A_594 : memref<8x128xi32, #tpu.memory_space<hbm>>) target(%arg8 : memref<8x128xi32, #tpu.memory_space<vmem>>) target_semaphore(%arg18 : memref<!tpu.dma_semaphore, #tpu.memory_space<semaphore_mem>>)
      %mul3A_595 = arith.constant 8 : i32
      %mul3A_596 = arith.muli %add3A_586, %mul3A_595 : i32
      %dma_start3A_597 = arith.constant 0 : i32
      %dma_start3A_598 = tpu.memref_slice %arg4[%add3A, %mul3A_596, %dma_start3A_597] : memref<32x96x128xi32, #tpu.memory_space<hbm>> -> memref<1x8x128xi32, #tpu.memory_space<hbm>>
      %dma_start3A_599 = tpu.memref_squeeze %dma_start3A_598 : memref<1x8x128xi32, #tpu.memory_space<hbm>> -> memref<8x128xi32, #tpu.memory_space<hbm>>
      %dma_start3A_600 = arith.constant 0 : i32
      %dma_start3A_601 = tpu.memref_slice %arg4[%add3A, %mul3A_596, %dma_start3A_600] : memref<32x96x128xi32, #tpu.memory_space<hbm>> -> memref<1x8x128xi32, #tpu.memory_space<hbm>>
      %dma_start3A_602 = tpu.memref_squeeze %dma_start3A_601 : memref<1x8x128xi32, #tpu.memory_space<hbm>> -> memref<8x128xi32, #tpu.memory_space<hbm>>
      tpu.enqueue_dma source(%dma_start3A_602 : memref<8x128xi32, #tpu.memory_space<hbm>>) target(%arg9 : memref<8x128xi32, #tpu.memory_space<vmem>>) target_semaphore(%arg18 : memref<!tpu.dma_semaphore, #tpu.memory_space<semaphore_mem>>)
    }
    %scan3A_47 = arith.constant 5 : i32
    %dma_wait3A = arith.constant 0 : i32
    %dma_wait3A_48 = arith.constant 0 : i32
    %dma_wait3A_49 = tpu.memref_slice %arg3[%add3A, %dma_wait3A, %dma_wait3A_48] : memref<32x96x128xi32, #tpu.memory_space<hbm>> -> memref<1x8x128xi32, #tpu.memory_space<hbm>>
    %dma_wait3A_50 = tpu.memref_squeeze %dma_wait3A_49 : memref<1x8x128xi32, #tpu.memory_space<hbm>> -> memref<8x128xi32, #tpu.memory_space<hbm>>
    %dma_wait3A_51 = arith.constant 0 : i32
    %dma_wait3A_52 = arith.constant 0 : i32
    %dma_wait3A_53 = tpu.memref_slice %arg3[%add3A, %dma_wait3A_51, %dma_wait3A_52] : memref<32x96x128xi32, #tpu.memory_space<hbm>> -> memref<1x8x128xi32, #tpu.memory_space<hbm>>
    %dma_wait3A_54 = tpu.memref_squeeze %dma_wait3A_53 : memref<1x8x128xi32, #tpu.memory_space<hbm>> -> memref<8x128xi32, #tpu.memory_space<hbm>>
    tpu.wait_dma2 semaphore(%arg17 : memref<!tpu.dma_semaphore, #tpu.memory_space<semaphore_mem>>) src(%dma_wait3A_54 : memref<8x128xi32, #tpu.memory_space<hbm>>) dst(%arg6 : memref<8x128xi32, #tpu.memory_space<vmem>>)
    %dma_wait3A_55 = arith.constant 0 : i32
    %dma_wait3A_56 = arith.constant 0 : i32
    %dma_wait3A_57 = tpu.memref_slice %arg4[%add3A, %dma_wait3A_55, %dma_wait3A_56] : memref<32x96x128xi32, #tpu.memory_space<hbm>> -> memref<1x8x128xi32, #tpu.memory_space<hbm>>
    %dma_wait3A_58 = tpu.memref_squeeze %dma_wait3A_57 : memref<1x8x128xi32, #tpu.memory_space<hbm>> -> memref<8x128xi32, #tpu.memory_space<hbm>>
    %dma_wait3A_59 = arith.constant 0 : i32
    %dma_wait3A_60 = arith.constant 0 : i32
    %dma_wait3A_61 = tpu.memref_slice %arg4[%add3A, %dma_wait3A_59, %dma_wait3A_60] : memref<32x96x128xi32, #tpu.memory_space<hbm>> -> memref<1x8x128xi32, #tpu.memory_space<hbm>>
    %dma_wait3A_62 = tpu.memref_squeeze %dma_wait3A_61 : memref<1x8x128xi32, #tpu.memory_space<hbm>> -> memref<8x128xi32, #tpu.memory_space<hbm>>
    tpu.wait_dma2 semaphore(%arg17 : memref<!tpu.dma_semaphore, #tpu.memory_space<semaphore_mem>>) src(%dma_wait3A_62 : memref<8x128xi32, #tpu.memory_space<hbm>>) dst(%arg7 : memref<8x128xi32, #tpu.memory_space<vmem>>)
    %dma_wait3A_63 = arith.constant 0 : i32
    %dma_wait3A_64 = arith.constant 0 : i32
    %dma_wait3A_65 = tpu.memref_slice %arg3[%add3A, %dma_wait3A_63, %dma_wait3A_64] : memref<32x96x128xi32, #tpu.memory_space<hbm>> -> memref<1x8x128xi32, #tpu.memory_space<hbm>>
    %dma_wait3A_66 = tpu.memref_squeeze %dma_wait3A_65 : memref<1x8x128xi32, #tpu.memory_space<hbm>> -> memref<8x128xi32, #tpu.memory_space<hbm>>
    %dma_wait3A_67 = arith.constant 0 : i32
    %dma_wait3A_68 = arith.constant 0 : i32
    %dma_wait3A_69 = tpu.memref_slice %arg3[%add3A, %dma_wait3A_67, %dma_wait3A_68] : memref<32x96x128xi32, #tpu.memory_space<hbm>> -> memref<1x8x128xi32, #tpu.memory_space<hbm>>
    %dma_wait3A_70 = tpu.memref_squeeze %dma_wait3A_69 : memref<1x8x128xi32, #tpu.memory_space<hbm>> -> memref<8x128xi32, #tpu.memory_space<hbm>>
    tpu.wait_dma2 semaphore(%arg18 : memref<!tpu.dma_semaphore, #tpu.memory_space<semaphore_mem>>) src(%dma_wait3A_70 : memref<8x128xi32, #tpu.memory_space<hbm>>) dst(%arg8 : memref<8x128xi32, #tpu.memory_space<vmem>>)
    %dma_wait3A_71 = arith.constant 0 : i32
    %dma_wait3A_72 = arith.constant 0 : i32
    %dma_wait3A_73 = tpu.memref_slice %arg4[%add3A, %dma_wait3A_71, %dma_wait3A_72] : memref<32x96x128xi32, #tpu.memory_space<hbm>> -> memref<1x8x128xi32, #tpu.memory_space<hbm>>
    %dma_wait3A_74 = tpu.memref_squeeze %dma_wait3A_73 : memref<1x8x128xi32, #tpu.memory_space<hbm>> -> memref<8x128xi32, #tpu.memory_space<hbm>>
    %dma_wait3A_75 = arith.constant 0 : i32
    %dma_wait3A_76 = arith.constant 0 : i32
    %dma_wait3A_77 = tpu.memref_slice %arg4[%add3A, %dma_wait3A_75, %dma_wait3A_76] : memref<32x96x128xi32, #tpu.memory_space<hbm>> -> memref<1x8x128xi32, #tpu.memory_space<hbm>>
    %dma_wait3A_78 = tpu.memref_squeeze %dma_wait3A_77 : memref<1x8x128xi32, #tpu.memory_space<hbm>> -> memref<8x128xi32, #tpu.memory_space<hbm>>
    tpu.wait_dma2 semaphore(%arg18 : memref<!tpu.dma_semaphore, #tpu.memory_space<semaphore_mem>>) src(%dma_wait3A_78 : memref<8x128xi32, #tpu.memory_space<hbm>>) dst(%arg9 : memref<8x128xi32, #tpu.memory_space<vmem>>)
    %barrier3A_79 = arith.constant 0 : index
    tpu.barrier barrier_id(%barrier3A_79)
    "tpu.region"() ({
      %run_scoped3A = tpu.sem_alloc : memref<!tpu.dma_semaphore, #tpu.memory_space<semaphore_mem>>
      %dma_start3A_80 = arith.constant 0 : i32
      %dma_start3A_81 = tpu.memref_slice %arg5[%arg0, %mul3A_2, %dma_start3A_80] : memref<2x10240x128xf32, #tpu.memory_space<hbm>> -> memref<1x640x128xf32, #tpu.memory_space<hbm>>
      %dma_start3A_82 = tpu.memref_squeeze %dma_start3A_81 : memref<1x640x128xf32, #tpu.memory_space<hbm>> -> memref<640x128xf32, #tpu.memory_space<hbm>>
      %dma_start3A_83 = arith.constant 0 : i32
      %dma_start3A_84 = tpu.memref_slice %arg12[%mul3A_2, %dma_start3A_83] : memref<10240x128xf32, #tpu.memory_space<vmem_shared>> -> memref<640x128xf32, #tpu.memory_space<vmem_shared>>
      tpu.enqueue_dma source(%dma_start3A_84 : memref<640x128xf32, #tpu.memory_space<vmem_shared>>) target(%dma_start3A_82 : memref<640x128xf32, #tpu.memory_space<hbm>>) target_semaphore(%run_scoped3A : memref<!tpu.dma_semaphore, #tpu.memory_space<semaphore_mem>>)
      %dma_wait3A_85 = arith.constant 0 : i32
      %dma_wait3A_86 = tpu.memref_slice %arg5[%arg0, %mul3A_2, %dma_wait3A_85] : memref<2x10240x128xf32, #tpu.memory_space<hbm>> -> memref<1x640x128xf32, #tpu.memory_space<hbm>>
      %dma_wait3A_87 = tpu.memref_squeeze %dma_wait3A_86 : memref<1x640x128xf32, #tpu.memory_space<hbm>> -> memref<640x128xf32, #tpu.memory_space<hbm>>
      %dma_wait3A_88 = arith.constant 0 : i32
      %dma_wait3A_89 = tpu.memref_slice %arg12[%mul3A_2, %dma_wait3A_88] : memref<10240x128xf32, #tpu.memory_space<vmem_shared>> -> memref<640x128xf32, #tpu.memory_space<vmem_shared>>
      tpu.wait_dma2 semaphore(%run_scoped3A : memref<!tpu.dma_semaphore, #tpu.memory_space<semaphore_mem>>) src(%dma_wait3A_89 : memref<640x128xf32, #tpu.memory_space<vmem_shared>>) dst(%dma_wait3A_87 : memref<640x128xf32, #tpu.memory_space<hbm>>)
      tpu.yield
    }) : () -> ()
    return
  }
}

module attributes {stable_mosaic.version = 14 : i64} {
  func.func @body(%arg0: i32, %arg1: memref<1000x128xf32, #tpu.memory_space<vmem>>, %arg2: memref<128x128xf32, #tpu.memory_space<vmem>>, %arg3: memref<1000x128xf32, #tpu.memory_space<vmem>>) attributes {dimension_semantics = [#tpu.dimension_semantics<arbitrary>], iteration_bounds = array<i64: 10>, scalar_prefetch = 0 : i64, scratch_operands = 0 : i64, tpu.core_type = #tpu.core_type<tc>, window_params = [{transform_indices = @transform_0, window_bounds = array<i64: 1000, 128>}, {pipeline_mode = #tpu.pipeline_mode<synchronous>, transform_indices = @transform_1, window_bounds = array<i64: 128, 128>}, {transform_indices = @transform_2, window_bounds = array<i64: 1000, 128>}]} {
    %get3A = arith.constant 0 : index
    %get3A_0 = arith.constant 0 : index
    %get3A_1 = vector.load %arg1[%get3A, %get3A_0] : memref<1000x128xf32, #tpu.memory_space<vmem>>, vector<1000x128xf32>
    %get3A_2 = arith.constant 0 : index
    %get3A_3 = arith.constant 0 : index
    %get3A_4 = vector.load %arg2[%get3A_2, %get3A_3] : memref<128x128xf32, #tpu.memory_space<vmem>>, vector<128x128xf32>
    %dot_general3A = arith.constant dense<0.000000e+00> : vector<1000x128xf32>
    %dot_general3A_5 = tpu.matmul %get3A_1, %get3A_4, %dot_general3A {dimension_numbers = #tpu.dot_dimension_numbers<[1], [0], [0], [1], [0, 0, 1, 1], [], []>, transpose_lhs_hint = false} : vector<1000x128xf32>, vector<128x128xf32>, vector<1000x128xf32> -> vector<1000x128xf32>
    %swap3A = arith.constant 0 : index
    %swap3A_6 = arith.constant 0 : index
    %swap3A_7 = vector.load %arg3[%swap3A, %swap3A_6] : memref<1000x128xf32, #tpu.memory_space<vmem>>, vector<1000x128xf32>
    tpu.vector_store %arg3[%swap3A, %swap3A_6], %dot_general3A_5 {strides = array<i32>} : memref<1000x128xf32, #tpu.memory_space<vmem>>, vector<1000x128xf32>,
    return
  }
  func.func @transform_0(%arg0: i32) -> (i32, i32) {
    %c0_i32 = arith.constant 0 : i32
    %c0_i32_0 = arith.constant 0 : i32
    return %arg0, %c0_i32 : i32, i32
  }
  func.func @transform_1(%arg0: i32) -> (i32, i32) {
    %c0_i32 = arith.constant 0 : i32
    %c0_i32_0 = arith.constant 0 : i32
    %c0_i32_1 = arith.constant 0 : i32
    return %c0_i32, %c0_i32_0 : i32, i32
  }
  func.func @transform_2(%arg0: i32) -> (i32, i32) {
    %c0_i32 = arith.constant 0 : i32
    %c0_i32_0 = arith.constant 0 : i32
    return %arg0, %c0_i32 : i32, i32
  }
}

module attributes {stable_mosaic.version = 14 : i64} {
  func.func @body(%arg0: i32, %arg1: memref<1000x128xf32, #tpu.memory_space<vmem>>, %arg2: memref<2x1000x16xf32, #tpu.memory_space<vmem>>, %arg3: memref<1000x128xf32, #tpu.memory_space<vmem>>) attributes {dimension_semantics = [#tpu.dimension_semantics<arbitrary>], iteration_bounds = array<i64: 10>, scalar_prefetch = 0 : i64, scratch_operands = 0 : i64, tpu.core_type = #tpu.core_type<tc>, window_params = [{transform_indices = @transform_0, window_bounds = array<i64: 1000, 128>}, {transform_indices = @transform_1, window_bounds = array<i64: 2, 1000, 16>}, {transform_indices = @transform_2, window_bounds = array<i64: 1000, 128>}]} {
    %get3A = arith.constant 0 : index
    %get3A_0 = arith.constant 0 : index
    %get3A_1 = vector.load %arg1[%get3A, %get3A_0] : memref<1000x128xf32, #tpu.memory_space<vmem>>, vector<1000x128xf32>
    %get3A_2 = arith.constant 0 : index
    %get3A_3 = arith.constant 0 : index
    %get3A_4 = arith.constant 0 : index
    %get3A_5 = vector.load %arg2[%get3A_2, %get3A_3, %get3A_4] : memref<2x1000x16xf32, #tpu.memory_space<vmem>>, vector<1x1000x16xf32>
    %get3A_6 = vector.shape_cast %get3A_5 : vector<1x1000x16xf32> to vector<1000x16xf32>
    %slice3A = vector.extract_strided_slice %get3A_6 {offsets = [0, 0], sizes = [1000, 1], strides = [1, 1]} : vector<1000x16xf32> to vector<1000x1xf32>
    %get3A_7 = arith.constant 1 : index
    %get3A_8 = arith.constant 0 : index
    %get3A_9 = arith.constant 0 : index
    %get3A_10 = vector.load %arg2[%get3A_7, %get3A_8, %get3A_9] : memref<2x1000x16xf32, #tpu.memory_space<vmem>>, vector<1x1000x16xf32>
    %get3A_11 = vector.shape_cast %get3A_10 : vector<1x1000x16xf32> to vector<1000x16xf32>
    %slice3A_12 = vector.extract_strided_slice %get3A_11 {offsets = [0, 0], sizes = [1000, 1], strides = [1, 1]} : vector<1000x16xf32> to vector<1000x1xf32>
    %add3A = arith.addf %slice3A, %slice3A_12 : vector<1000x1xf32>
    %add3A_13 = arith.constant 1.000000e+00 : f32
    %add3A_14 = vector.broadcast %add3A_13 : f32 to vector<1000x1xf32>
    %add3A_15 = arith.addf %add3A, %add3A_14 : vector<1000x1xf32>
    %rsqrt3A = math.rsqrt %add3A_15 : vector<1000x1xf32>
    %mul3A = vector.broadcast %rsqrt3A : vector<1000x1xf32> to vector<1000x128xf32>
    %mul3A_16 = arith.mulf %get3A_1, %mul3A : vector<1000x128xf32>
    %swap3A = arith.constant 0 : index
    %swap3A_17 = arith.constant 0 : index
    %swap3A_18 = vector.load %arg3[%swap3A, %swap3A_17] : memref<1000x128xf32, #tpu.memory_space<vmem>>, vector<1000x128xf32>
    tpu.vector_store %arg3[%swap3A, %swap3A_17], %mul3A_16 {strides = array<i32>} : memref<1000x128xf32, #tpu.memory_space<vmem>>, vector<1000x128xf32>,
    return
  }
  func.func @transform_0(%arg0: i32) -> (i32, i32) {
    %c0_i32 = arith.constant 0 : i32
    %c0_i32_0 = arith.constant 0 : i32
    return %arg0, %c0_i32 : i32, i32
  }
  func.func @transform_1(%arg0: i32) -> (i32, i32, i32) {
    %c0_i32 = arith.constant 0 : i32
    %c0_i32_0 = arith.constant 0 : i32
    %c0_i32_1 = arith.constant 0 : i32
    return %c0_i32, %arg0, %c0_i32_0 : i32, i32, i32
  }
  func.func @transform_2(%arg0: i32) -> (i32, i32) {
    %c0_i32 = arith.constant 0 : i32
    %c0_i32_0 = arith.constant 0 : i32
    return %arg0, %c0_i32 : i32, i32
  }
}

module attributes {stable_mosaic.version = 14 : i64} {
  func.func @body(%arg0: i32, %arg1: memref<2x1000x128xf32, #tpu.memory_space<vmem>>, %arg2: memref<1000x128xf32, #tpu.memory_space<vmem>>, %arg3: memref<2x1000x16xf32, #tpu.memory_space<vmem>>, %arg4: memref<1x128xf32, #tpu.memory_space<vmem>>, %arg5: memref<128x128xf32, #tpu.memory_space<vmem>>, %arg6: memref<1000x128xf32, #tpu.memory_space<vmem>>) attributes {dimension_semantics = [#tpu.dimension_semantics<arbitrary>], iteration_bounds = array<i64: 10>, scalar_prefetch = 0 : i64, scratch_operands = 0 : i64, tpu.core_type = #tpu.core_type<tc>, window_params = [{transform_indices = @transform_0, window_bounds = array<i64: 2, 1000, 128>}, {transform_indices = @transform_1, window_bounds = array<i64: 1000, 128>}, {transform_indices = @transform_2, window_bounds = array<i64: 2, 1000, 16>}, {pipeline_mode = #tpu.pipeline_mode<synchronous>, transform_indices = @transform_3, window_bounds = array<i64: 1, 128>}, {pipeline_mode = #tpu.pipeline_mode<synchronous>, transform_indices = @transform_4, window_bounds = array<i64: 128, 128>}, {transform_indices = @transform_5, window_bounds = array<i64: 1000, 128>}]} {
    %get3A = arith.constant 0 : index
    %get3A_0 = arith.constant 0 : index
    %get3A_1 = arith.constant 0 : index
    %get3A_2 = vector.load %arg3[%get3A, %get3A_0, %get3A_1] : memref<2x1000x16xf32, #tpu.memory_space<vmem>>, vector<1x1000x16xf32>
    %get3A_3 = vector.shape_cast %get3A_2 : vector<1x1000x16xf32> to vector<1000x16xf32>
    %slice3A = vector.extract_strided_slice %get3A_3 {offsets = [0, 0], sizes = [1000, 1], strides = [1, 1]} : vector<1000x16xf32> to vector<1000x1xf32>
    %get3A_4 = arith.constant 1 : index
    %get3A_5 = arith.constant 0 : index
    %get3A_6 = arith.constant 0 : index
    %get3A_7 = vector.load %arg3[%get3A_4, %get3A_5, %get3A_6] : memref<2x1000x16xf32, #tpu.memory_space<vmem>>, vector<1x1000x16xf32>
    %get3A_8 = vector.shape_cast %get3A_7 : vector<1x1000x16xf32> to vector<1000x16xf32>
    %slice3A_9 = vector.extract_strided_slice %get3A_8 {offsets = [0, 0], sizes = [1000, 1], strides = [1, 1]} : vector<1000x16xf32> to vector<1000x1xf32>
    %add3A = arith.addf %slice3A, %slice3A_9 : vector<1000x1xf32>
    %add3A_10 = arith.constant 1.000000e+00 : f32
    %add3A_11 = vector.broadcast %add3A_10 : f32 to vector<1000x1xf32>
    %add3A_12 = arith.addf %add3A, %add3A_11 : vector<1000x1xf32>
    %rsqrt3A = math.rsqrt %add3A_12 : vector<1000x1xf32>
    %get3A_13 = arith.constant 0 : index
    %get3A_14 = arith.constant 0 : index
    %get3A_15 = arith.constant 0 : index
    %get3A_16 = vector.load %arg1[%get3A_13, %get3A_14, %get3A_15] : memref<2x1000x128xf32, #tpu.memory_space<vmem>>, vector<1x1000x128xf32>
    %get3A_17 = vector.shape_cast %get3A_16 : vector<1x1000x128xf32> to vector<1000x128xf32>
    %get3A_18 = arith.constant 1 : index
    %get3A_19 = arith.constant 0 : index
    %get3A_20 = arith.constant 0 : index
    %get3A_21 = vector.load %arg1[%get3A_18, %get3A_19, %get3A_20] : memref<2x1000x128xf32, #tpu.memory_space<vmem>>, vector<1x1000x128xf32>
    %get3A_22 = vector.shape_cast %get3A_21 : vector<1x1000x128xf32> to vector<1000x128xf32>
    %add3A_23 = arith.addf %get3A_17, %get3A_22 : vector<1000x128xf32>
    %get3A_24 = arith.constant 0 : index
    %get3A_25 = arith.constant 0 : index
    %get3A_26 = vector.load %arg2[%get3A_24, %get3A_25] : memref<1000x128xf32, #tpu.memory_space<vmem>>, vector<1000x128xf32>
    %add3A_27 = arith.addf %add3A_23, %get3A_26 : vector<1000x128xf32>
    %mul3A = vector.broadcast %rsqrt3A : vector<1000x1xf32> to vector<1000x128xf32>
    %mul3A_28 = arith.mulf %mul3A, %add3A_27 : vector<1000x128xf32>
    %get3A_29 = arith.constant 0 : index
    %get3A_30 = arith.constant 0 : index
    %get3A_31 = vector.load %arg4[%get3A_29, %get3A_30] : memref<1x128xf32, #tpu.memory_space<vmem>>, vector<1x128xf32>
    %add3A_32 = vector.broadcast %get3A_31 : vector<1x128xf32> to vector<1000x128xf32>
    %add3A_33 = arith.addf %mul3A_28, %add3A_32 : vector<1000x128xf32>
    %max3A = arith.constant 0.000000e+00 : f32
    %max3A_34 = vector.broadcast %max3A : f32 to vector<1000x128xf32>
    %max3A_35 = arith.maximumf %add3A_33, %max3A_34 : vector<1000x128xf32>
    %get3A_36 = arith.constant 0 : index
    %get3A_37 = arith.constant 0 : index
    %get3A_38 = vector.load %arg5[%get3A_36, %get3A_37] : memref<128x128xf32, #tpu.memory_space<vmem>>, vector<128x128xf32>
    %dot_general3A = arith.constant dense<0.000000e+00> : vector<1000x128xf32>
    %dot_general3A_39 = tpu.matmul %max3A_35, %get3A_38, %dot_general3A {dimension_numbers = #tpu.dot_dimension_numbers<[1], [0], [0], [1], [0, 0, 1, 1], [], []>, transpose_lhs_hint = false} : vector<1000x128xf32>, vector<128x128xf32>, vector<1000x128xf32> -> vector<1000x128xf32>
    %mul3A_40 = vector.broadcast %rsqrt3A : vector<1000x1xf32> to vector<1000x128xf32>
    %mul3A_41 = arith.mulf %dot_general3A_39, %mul3A_40 : vector<1000x128xf32>
    %swap3A = arith.constant 0 : index
    %swap3A_42 = arith.constant 0 : index
    %swap3A_43 = vector.load %arg6[%swap3A, %swap3A_42] : memref<1000x128xf32, #tpu.memory_space<vmem>>, vector<1000x128xf32>
    tpu.vector_store %arg6[%swap3A, %swap3A_42], %mul3A_41 {strides = array<i32>} : memref<1000x128xf32, #tpu.memory_space<vmem>>, vector<1000x128xf32>,
    return
  }
  func.func @transform_0(%arg0: i32) -> (i32, i32, i32) {
    %c0_i32 = arith.constant 0 : i32
    %c0_i32_0 = arith.constant 0 : i32
    %c0_i32_1 = arith.constant 0 : i32
    return %c0_i32, %arg0, %c0_i32_0 : i32, i32, i32
  }
  func.func @transform_1(%arg0: i32) -> (i32, i32) {
    %c0_i32 = arith.constant 0 : i32
    %c0_i32_0 = arith.constant 0 : i32
    return %arg0, %c0_i32 : i32, i32
  }
  func.func @transform_2(%arg0: i32) -> (i32, i32, i32) {
    %c0_i32 = arith.constant 0 : i32
    %c0_i32_0 = arith.constant 0 : i32
    %c0_i32_1 = arith.constant 0 : i32
    return %c0_i32, %arg0, %c0_i32_0 : i32, i32, i32
  }
  func.func @transform_3(%arg0: i32) -> (i32, i32) {
    %c0_i32 = arith.constant 0 : i32
    %c0_i32_0 = arith.constant 0 : i32
    %c0_i32_1 = arith.constant 0 : i32
    return %c0_i32, %c0_i32_0 : i32, i32
  }
  func.func @transform_4(%arg0: i32) -> (i32, i32) {
    %c0_i32 = arith.constant 0 : i32
    %c0_i32_0 = arith.constant 0 : i32
    %c0_i32_1 = arith.constant 0 : i32
    return %c0_i32, %c0_i32_0 : i32, i32
  }
  func.func @transform_5(%arg0: i32) -> (i32, i32) {
    %c0_i32 = arith.constant 0 : i32
    %c0_i32_0 = arith.constant 0 : i32
    return %arg0, %c0_i32 : i32, i32
  }
}

module attributes {stable_mosaic.version = 14 : i64} {
  func.func @body(%arg0: i32, %arg1: memref<2x1000x128xf32, #tpu.memory_space<vmem>>, %arg2: memref<1000x128xf32, #tpu.memory_space<vmem>>, %arg3: memref<2x1000x16xf32, #tpu.memory_space<vmem>>, %arg4: memref<1x128xf32, #tpu.memory_space<vmem>>, %arg5: memref<1000x128xf32, #tpu.memory_space<vmem>>) attributes {dimension_semantics = [#tpu.dimension_semantics<arbitrary>], iteration_bounds = array<i64: 10>, scalar_prefetch = 0 : i64, scratch_operands = 0 : i64, tpu.core_type = #tpu.core_type<tc>, window_params = [{transform_indices = @transform_0, window_bounds = array<i64: 2, 1000, 128>}, {transform_indices = @transform_1, window_bounds = array<i64: 1000, 128>}, {transform_indices = @transform_2, window_bounds = array<i64: 2, 1000, 16>}, {pipeline_mode = #tpu.pipeline_mode<synchronous>, transform_indices = @transform_3, window_bounds = array<i64: 1, 128>}, {transform_indices = @transform_4, window_bounds = array<i64: 1000, 128>}]} {
    %get3A = arith.constant 0 : index
    %get3A_0 = arith.constant 0 : index
    %get3A_1 = arith.constant 0 : index
    %get3A_2 = vector.load %arg3[%get3A, %get3A_0, %get3A_1] : memref<2x1000x16xf32, #tpu.memory_space<vmem>>, vector<1x1000x16xf32>
    %get3A_3 = vector.shape_cast %get3A_2 : vector<1x1000x16xf32> to vector<1000x16xf32>
    %slice3A = vector.extract_strided_slice %get3A_3 {offsets = [0, 0], sizes = [1000, 1], strides = [1, 1]} : vector<1000x16xf32> to vector<1000x1xf32>
    %get3A_4 = arith.constant 1 : index
    %get3A_5 = arith.constant 0 : index
    %get3A_6 = arith.constant 0 : index
    %get3A_7 = vector.load %arg3[%get3A_4, %get3A_5, %get3A_6] : memref<2x1000x16xf32, #tpu.memory_space<vmem>>, vector<1x1000x16xf32>
    %get3A_8 = vector.shape_cast %get3A_7 : vector<1x1000x16xf32> to vector<1000x16xf32>
    %slice3A_9 = vector.extract_strided_slice %get3A_8 {offsets = [0, 0], sizes = [1000, 1], strides = [1, 1]} : vector<1000x16xf32> to vector<1000x1xf32>
    %add3A = arith.addf %slice3A, %slice3A_9 : vector<1000x1xf32>
    %add3A_10 = arith.constant 1.000000e+00 : f32
    %add3A_11 = vector.broadcast %add3A_10 : f32 to vector<1000x1xf32>
    %add3A_12 = arith.addf %add3A, %add3A_11 : vector<1000x1xf32>
    %rsqrt3A = math.rsqrt %add3A_12 : vector<1000x1xf32>
    %get3A_13 = arith.constant 0 : index
    %get3A_14 = arith.constant 0 : index
    %get3A_15 = arith.constant 0 : index
    %get3A_16 = vector.load %arg1[%get3A_13, %get3A_14, %get3A_15] : memref<2x1000x128xf32, #tpu.memory_space<vmem>>, vector<1x1000x128xf32>
    %get3A_17 = vector.shape_cast %get3A_16 : vector<1x1000x128xf32> to vector<1000x128xf32>
    %get3A_18 = arith.constant 1 : index
    %get3A_19 = arith.constant 0 : index
    %get3A_20 = arith.constant 0 : index
    %get3A_21 = vector.load %arg1[%get3A_18, %get3A_19, %get3A_20] : memref<2x1000x128xf32, #tpu.memory_space<vmem>>, vector<1x1000x128xf32>
    %get3A_22 = vector.shape_cast %get3A_21 : vector<1x1000x128xf32> to vector<1000x128xf32>
    %add3A_23 = arith.addf %get3A_17, %get3A_22 : vector<1000x128xf32>
    %get3A_24 = arith.constant 0 : index
    %get3A_25 = arith.constant 0 : index
    %get3A_26 = vector.load %arg2[%get3A_24, %get3A_25] : memref<1000x128xf32, #tpu.memory_space<vmem>>, vector<1000x128xf32>
    %add3A_27 = arith.addf %add3A_23, %get3A_26 : vector<1000x128xf32>
    %mul3A = vector.broadcast %rsqrt3A : vector<1000x1xf32> to vector<1000x128xf32>
    %mul3A_28 = arith.mulf %mul3A, %add3A_27 : vector<1000x128xf32>
    %get3A_29 = arith.constant 0 : index
    %get3A_30 = arith.constant 0 : index
    %get3A_31 = vector.load %arg4[%get3A_29, %get3A_30] : memref<1x128xf32, #tpu.memory_space<vmem>>, vector<1x128xf32>
    %add3A_32 = vector.broadcast %get3A_31 : vector<1x128xf32> to vector<1000x128xf32>
    %add3A_33 = arith.addf %mul3A_28, %add3A_32 : vector<1000x128xf32>
    %max3A = arith.constant 0.000000e+00 : f32
    %max3A_34 = vector.broadcast %max3A : f32 to vector<1000x128xf32>
    %max3A_35 = arith.maximumf %add3A_33, %max3A_34 : vector<1000x128xf32>
    %swap3A = arith.constant 0 : index
    %swap3A_36 = arith.constant 0 : index
    %swap3A_37 = vector.load %arg5[%swap3A, %swap3A_36] : memref<1000x128xf32, #tpu.memory_space<vmem>>, vector<1000x128xf32>
    tpu.vector_store %arg5[%swap3A, %swap3A_36], %max3A_35 {strides = array<i32>} : memref<1000x128xf32, #tpu.memory_space<vmem>>, vector<1000x128xf32>,
    return
  }
  func.func @transform_0(%arg0: i32) -> (i32, i32, i32) {
    %c0_i32 = arith.constant 0 : i32
    %c0_i32_0 = arith.constant 0 : i32
    %c0_i32_1 = arith.constant 0 : i32
    return %c0_i32, %arg0, %c0_i32_0 : i32, i32, i32
  }
  func.func @transform_1(%arg0: i32) -> (i32, i32) {
    %c0_i32 = arith.constant 0 : i32
    %c0_i32_0 = arith.constant 0 : i32
    return %arg0, %c0_i32 : i32, i32
  }
  func.func @transform_2(%arg0: i32) -> (i32, i32, i32) {
    %c0_i32 = arith.constant 0 : i32
    %c0_i32_0 = arith.constant 0 : i32
    %c0_i32_1 = arith.constant 0 : i32
    return %c0_i32, %arg0, %c0_i32_0 : i32, i32, i32
  }
  func.func @transform_3(%arg0: i32) -> (i32, i32) {
    %c0_i32 = arith.constant 0 : i32
    %c0_i32_0 = arith.constant 0 : i32
    %c0_i32_1 = arith.constant 0 : i32
    return %c0_i32, %c0_i32_0 : i32, i32
  }
  func.func @transform_4(%arg0: i32) -> (i32, i32) {
    %c0_i32 = arith.constant 0 : i32
    %c0_i32_0 = arith.constant 0 : i32
    return %arg0, %c0_i32 : i32, i32
  }
}

</mosaic_0001>

<sc_bundles>
// kernel: kernel.12.cloned.1.call-start
scs
__scs_entry_jumppad:
0x0: {  	(pc) =	sbr.rel $0x88, $3  }
0x1: {  	(tag) =	ssettag $0x0;
	lr =	simm.s32 $0x1  }
0x2: {  	[smem:$0x3F9B] =	sst lr;
	_ =	strace $0xD0000000  }
0x3: {  	_ = 	snop  }
0x4: {  	_ = 	snop  }
0x5: {  	_ = 	snop  }
0x6: {  	_ = 	snop  }
0x7: {  	_ = 	snop  }
__scs_overlays_trampoline_lowered:
0x8: {  	[smem:$0x3FAA] =	sst s0  }
0x9: {  	[smem:$0x3FAB] =	sst s1  }
0xa: {  	[smem:$0x3FAC] =	sst s2  }
0xb: {  	[smem:$0x3FAD] =	sst s3  }
0xc: {  	[smem:$0x3FAE] =	sst s4  }
0xd: {  	[smem:$0x3FAF] =	sst s5  }
0xe: {  	[smem:$0x3FB0] =	sst s6  }
0xf: {  	[smem:$0x3FB1] =	sst s7  }
0x10: {  	[smem:$0x3FB2] =	sst s8  }
0x11: {  	[smem:$0x3FB3] =	sst s9;
	s0 =	simm.s32 @!p0 $0x0  }
0x12: {  	s1 =	sld [smem:$0x3F99];
	s0 =	simm.s32 @p0 $0x1  }
0x13: {  	[smem:$0x3FB4] =	sst s0;
	s0 =	simm.s32 @!p1 $0x0  }
0x14: {  	s2 =	sld [smem:$0x3F98];
	s0 =	simm.s32 @p1 $0x1  }
0x15: {  	[smem:$0x3FB5] =	sst s0;
	s0 =	simm.s32 @!p2 $0x0  }
0x16: {  	s3 =	sld [smem:$0x3FDB];
	s0 =	simm.s32 @p2 $0x1  }
0x17: {  	s4 =	simm.s32 $0x1BF5;
	[smem:$0x3FB7] =	sst s0  }
0x18: {  	s0 =	sld [smem:$0x3F9A];
	_ =	swait.ge [sflag:s4], $0x0  }
0x19: {  	s7 =	sld [smem:$0x3F9B]  }
0x1a: {  	s8 =	sadd.s32 $0xFFFFE003, lr  }
0x1b: {  	s9 =	sadd.s32 $0xFFFFFEF7, lr;
	s5 =	simm.s32 $0xFFFFFFFF;
	p2 =	slt.u32 s8, $0xFFFFF086  }
0x1c: {  	p1 =	slt.u32 s9, $0xF7A;
	s5 =	simm.s32 @!p2 $0x0  }
0x1d: {  	s5 =	simm.s32 @p1 $0x1;
	p0 =	seq.s32 s7, s2  }
0x1e: {  	s7 =	smul.u32 @!p0 $0xF7A, s2;
	p2 =	seq.s32 @!p0 s5, $0x0  }
0x1f: {  	s9 =	smul.u32 $0xF7A, s1;
	s8 =	simm.s32 @!p0 $0x1BF5;
	p2 =	por !p2, p0  }
0x20: {  	[sflag:s8] =	ssyncset.s32 @!p0 $0xFFFFF086;
	s6 =	sadd.s32 @!p0 s3, s7;
	s7 =	simm.s32 @!p0 $0x108  }
0x21: {  	s3 =	sadd.s32 s3, s9;
	s6 =	sadd.s32 @!p0 $0x88, s6;
	s7 =	simm.s32 @p2 $0x1082  }
0x22: {  	[simem:s7], [sflag:s8] =	dma.local @!p0 [hbm:s6], $0xF7A  }
0x23: {  	s9 =	sor.u32 $0xD0000000, s2;
	s6 =	simm.s32 $0x108;
	_ =	swait.ge @!p0 [sflag:s8], $0x0  }
0x24: {  	s3 =	sadd.s32 $0x88, s3;
	s6 =	simm.s32 @!p1 $0x1082;
	[sflag:s4] =	ssyncset.s32 $0xFFFFF086  }
0x25: {  	[simem:s6], [sflag:s4] =	dma.local [hbm:s3], $0xF7A  }
0x26: {  	[smem:$0x3F9B] =	sst s1;
	(tag) =	ssettag s2;
	_ =	strace s9  }
0x27: {  	s1 =	sld [smem:$0x3FAB]  }
0x28: {  	s2 =	sld [smem:$0x3FAC]  }
0x29: {  	s4 =	sld [smem:$0x3FAE]  }
0x2a: {  	p0 =	seq.s32 s5, $0x0;
	s5 =	sld [smem:$0x3FAF]  }
0x2b: {  	s6 =	sld [smem:$0x3FB0]  }
0x2c: {  	s7 =	sld [smem:$0x3FB1]  }
0x2d: {  	s3 =	simm.s32 $0x108;
	s8 =	sld [smem:$0x3FB2]  }
0x2e: {  	s3 =	simm.s32 @!p0 $0x1082;
	s9 =	sld [smem:$0x3FB3]  }
0x2f: {  	lr =	sadd.s32 s0, s3;
	s0 =	sld [smem:$0x3FAA]  }
0x30: {  	s3 =	sld [smem:$0x3FAD]  }
0x31: {  	[smem:$0x3FB6] =	sst s10  }
0x32: {  	s10 =	sld [smem:$0x3FB4];
	_ =	sdelay $0x3  }
0x33: {  	p0 =	seq.s32 s10, $0x1;
	s10 =	sld [smem:$0x3FB6];
	_ =	sdelay $0x3  }
0x34: {  	[smem:$0x3FB6] =	sst s10  }
0x35: {  	s10 =	sld [smem:$0x3FB5];
	_ =	sdelay $0x3  }
0x36: {  	p1 =	seq.s32 s10, $0x1;
	s10 =	sld [smem:$0x3FB6];
	_ =	sdelay $0x3  }
0x37: {  	[smem:$0x3FB6] =	sst s10  }
0x38: {  	s10 =	sld [smem:$0x3FB7]  }
0x39: {  	_ = 	snop;
	(pc) =	sbr.ind lr, $3  }
0x3a: {  	_ = 	snop  }
0x3b: {  	_ = 	snop  }
0x3c: {  	p2 =	seq.s32 s10, $0x1;
	s10 =	sld [smem:$0x3FB6]  }
0x3d: {  	_ =	shalt  }
0x3e: {  	_ =	shalt  }
0x3f: {  	_ =	shalt  }
0x40: {  	_ =	shalt  }
0x41: {  	_ =	shalt  }
0x42: {  	_ =	shalt  }
0x43: {  	_ =	shalt  }
0x44: {  	_ =	shalt  }
0x45: {  	_ =	shalt  }
0x46: {  	_ =	shalt  }
0x47: {  	_ =	shalt  }
0x48: {  	_ =	shalt  }
0x49: {  	_ =	shalt  }
0x4a: {  	_ =	shalt  }
0x4b: {  	_ =	shalt  }
0x4c: {  	_ =	shalt  }
0x4d: {  	_ =	shalt  }
0x4e: {  	_ =	shalt  }
0x4f: {  	_ =	shalt  }
0x50: {  	_ =	shalt  }
0x51: {  	_ =	shalt  }
0x52: {  	_ =	shalt  }
0x53: {  	_ =	shalt  }
0x54: {  	_ =	shalt  }
0x55: {  	_ =	shalt  }
0x56: {  	_ =	shalt  }
0x57: {  	_ =	shalt  }
0x58: {  	_ =	shalt  }
0x59: {  	_ =	shalt  }
0x5a: {  	_ =	shalt  }
0x5b: {  	_ =	shalt  }
0x5c: {  	_ =	shalt  }
0x5d: {  	_ =	shalt  }
0x5e: {  	_ =	shalt  }
0x5f: {  	_ =	shalt  }
0x60: {  	_ =	shalt  }
0x61: {  	_ =	shalt  }
0x62: {  	_ =	shalt  }
0x63: {  	_ =	shalt  }
0x64: {  	_ =	shalt  }
0x65: {  	_ =	shalt  }
0x66: {  	_ =	shalt  }
0x67: {  	_ =	shalt  }
0x68: {  	_ =	shalt  }
0x69: {  	_ =	shalt  }
0x6a: {  	_ =	shalt  }
0x6b: {  	_ =	shalt  }
0x6c: {  	_ =	shalt  }
0x6d: {  	_ =	shalt  }
0x6e: {  	_ =	shalt  }
0x6f: {  	_ =	shalt  }
0x70: {  	_ =	shalt  }
0x71: {  	_ =	shalt  }
0x72: {  	_ =	shalt  }
0x73: {  	_ =	shalt  }
0x74: {  	_ =	shalt  }
0x75: {  	_ =	shalt  }
0x76: {  	_ =	shalt  }
0x77: {  	_ =	shalt  }
0x78: {  	_ =	shalt  }
0x79: {  	_ =	shalt  }
0x7a: {  	_ =	shalt  }
0x7b: {  	_ =	shalt  }
0x7c: {  	_ =	shalt  }
0x7d: {  	_ =	shalt  }
0x7e: {  	_ =	shalt  }
0x7f: {  	_ =	shalt  }
0x80: {  	_ =	shalt  }
0x81: {  	_ =	shalt  }
0x82: {  	_ =	shalt  }
0x83: {  	_ =	shalt  }
0x84: {  	_ =	shalt  }
0x85: {  	_ =	shalt  }
0x86: {  	_ =	shalt  }
0x87: {  	_ =	shalt  }
.Lfunc_end0:
.L_simem_size_0:
called_computation.1_lowered:
.L_overlay_start_0:
0x88: {  	s2 =	sld [smem:$0x3FD9]  }
0x89: {  	s3 =	sld [smem:$0x3FFE];
	_ =	sdelay $0x1  }
0x8a: {  	s1 =	srdreg.scid  }
0x8b: {  	s0 =	sand.u32 $0x1, s1  }
0x8c: {  	s17 =	sshll.u32 s0, $0xA;
	s2 =	sadd.s32 s3, s2  }
0x8d: {  	s2 =	sadd.s32 s2, s17  }
0x8e: {  	[smem:$0x3FC2] =	sst s2  }
0x8f: {  	_ = 	snop  }
0x90: {  	s2 =	sld [smem:$0x3FD0];
	(tm) =	ssettm $0x1  }
0x91: {  	s18 =	sld [smem:$0x3FFB];
	_ =	sdelay $0x3  }
0x92: {  	_ =	strace s18  }
0x93: {  	s3 =	sld [smem:$0x3FFC];
	_ =	sdelay $0x3  }
0x94: {  	_ =	strace s3  }
0x95: {  	s3 =	sld [smem:$0x3FFD];
	_ =	sdelay $0x3  }
0x96: {  	_ =	strace s3  }
0x97: {  	_ =	strace $0x8FFFFFFF  }
0x98: {  	s19 =	sld [smem:$0x3FDB];
	_ =	sdelay $0x1  }
0x99: {  	s4 =	simm.s32 $_scs_section_size  }
0x9a: {  	s5 =	simm.s32 $_size__tile_overlayer_lowered;
	s6 =	simm.s32 $_tile_overlayer_lowered  }
0x9b: {  	s22 =	simm.s32 $0x1BFF;
	s21 =	sshll.u32 s6, $0x1;
	s3 =	sadd.s32 s4, s19  }
0x9c: {  	s7 =	simm.s32 $0x0;
	s20 =	sshll.u32 s5, $0x1;
	s5 =	sadd.s32 s21, s3  }
0x9d: {  	[timem:s7], [sflag:s22] =	dma.local [hbm:s5], s20  }
0x9e: {  	_ =	swait.ge [sflag:s22], s20  }
0x9f: {  	s4 =	ssub.s32 $0x0, s20;
	[sflag:s22] =	ssyncset.done $0x0  }
0xa0: {  	[sflag:s22] =	ssyncadd.s32 s4;
	_ =	sdelay $0x1  }
0xa1: {  	s23 =	simm.s32 $0x1B8B  }
0xa2: {  	_ =	swait.ge [sflag:s23], $0x1  }
0xa3: {  	[sflag:s23] =	ssyncset.done $0x0  }
0xa4: {  	s25 =	simm.s32 $0x1B8E;
	s24 =	sld [smem:$0x3FFE];
	[sflag:s23] =	ssyncadd.s32 $0xFFFFFFFF  }
0xa5: {  	s26 =	simm.s32 $execute0_lowered;
	[smem:$0x3FD2] =	sst s25  }
0xa6: {  	s5 =	sshll.u32 s26, $0x1;
	_ =	strace $0x80000049;
	[dreg:$0x1] =	wrdreg $0xFFFFFFFF  }
0xa7: {  	s28 =	simm.s32 $_size_execute0_lowered;
	s3 =	sadd.s32 s3, s5;
	[dreg:$0x0] =	wrdreg $0x0  }
0xa8: {  	s5 =	sshll.u32 s28, $0x1;
	[dreg:$0x2] =	wrdreg s3  }
0xa9: {  	[dreg:$0x3] =	wrdreg s5  }
0xaa: {  	[dreg:$0x4] =	wrdreg $0xC0  }
0xab: {  	_ =	task [dreg:s7], $0x5FFFF  }
0xac: {  	[dreg:$0x1] =	wrdreg $0xFFFFFFFF  }
0xad: {  	[dreg:$0x0] =	wrdreg $0x60  }
0xae: {  	[dreg:$0x2] =	wrdreg s2  }
0xaf: {  	[dreg:$0x3] =	wrdreg s24  }
0xb0: {  	[dreg:$0x4] =	wrdreg $0x90000  }
0xb1: {  	[dreg:$0x5] =	wrdreg $0x9  }
0xb2: {  	_ =	task.clear_ibuf [dreg:s7], $0x6FFFF;
	_ =	strace $0x90000049  }
0xb3: {  	s29 =	simm.s32 $0x9;
	_ =	strace $0x8000004B  }
0xb4: {  	_ =	swait.ge [sflag:s29], $0x1  }
0xb5: {  	[sflag:s29] =	ssyncadd.s32 $0xFFFFFFFF  }
0xb6: {  	_ =	strace $0x9000004B  }
0xb7: {  	_ =	sfence  }
0xb8: {  	s30 =	sld [smem:$0x0];
	_ =	sdelay $0x2  }
0xb9: {  	s31 =	sshll.u32 s1, $0xD;
	s1 =	sshrl.u32 s1, $0x2  }
0xba: {  	s3 =	sand.u32 $0x4000, s31;
	s1 =	sadd.s32 s1, s30  }
0xbb: {  	s0 =	sor.u32 s3, s0;
	s1 =	sshll.u32 s1, $0x11  }
0xbc: {  	s0 =	sor.u32 s1, s0  }
0xbd: {  	s0 =	sadd.s32 $0x8F2B, s0  }
0xbe: {  	[sflag:s0] =	ssyncadd.remote.s32 $0x1  }
0xbf: {  	_ =	sfence.sel $0xFFFF  }
0xc0: {  	[dreg:$0x0] =	wrdreg $0xFFFFFFFF;
	(pc) =	sbr.abs _section_cstart, $3  }
0xc1: {  	[dreg:$0x1] =	wrdreg $0xFFFFFFFF  }
0xc2: {  	_ =	task.clear_ibuf [dreg:s7], $0x2FFFF;
	_ =	strace $0x9FFFFFFF  }
0xc3: {  	(tm) =	ssettm $0x7FFFFFFF  }
tec
execute0_lowered:
.L_overlay_start_1:
0x0: {  	(tag) =	ssettag $0x1  }
0x1: {  	s1 =	rddreg [dreg:$0x0]  }
0x2: {  	s0 =	rddreg [dreg:$0x1]  }
0x3: {  	s2 =	rddreg [dreg:$0x2];
	s4 =	simm.s32 $0x0;
	s11 =	stileid.u32  }
0x4: {  	s3 =	srdreg.scid;
	s24 =	simm.s32 $0x100;
	s6 =	smul.u32 $0x14000, s11  }
0x5: {  	s25 =	simm.s32 $0x480;
	s12 =	simm.s32 $0x280;
	s14 =	smul.u32 $0x3000, s11  }
0x6: {  	[smem:$0x7FF] =	sst s4;
	s3 =	sand.u32 $0x1, s3;
	s23 =	smul.u32 $0x50000, s11  }
0x7: {  	s7 =	sadd.s32 $0x5E200, s0;
	s10 =	sadd.s32 $0x2200, s0;
	s5 =	smul.u32 $0x140000, s3  }
0x8: {  	_ =	strace $0x8000004A;
	s8 =	sshll.u32 s3, $0x4;
	[dreg:$0x8] =	wrdreg s24  }
0x9: {  	s9 =	smul.u32 $0x30000, s3;
	s3 =	ssub.s32 $0x2, s3;
	[dreg:$0x9] =	wrdreg s25  }
0xa: {  	[dreg:$0xe] =	wrdreg s12;
	s24 =	simm.s32 $0x900;
	s25 =	simm.s32 $0xC80  }
0xb: {  	s13 =	sor.u32 s11, s8;
	s16 =	sshrl.u32 s3, $0x1;
	[dreg:$0x16] =	wrdreg s24  }
0xc: {  	s26 =	sshrl.u32 s23, $0x2;
	s23 =	simm.s32 $0x880;
	[dreg:$0x17] =	wrdreg s25  }
0xd: {  	s5 =	sadd.s32 s6, s5;
	s6 =	smul.u32 $0x3000, s13;
	s15 =	sadd.s32 s14, s9  }
0xe: {  	s3 =	ssub.s32 s3, s16;
	s14 =	simm.s32 $0x600;
	[dreg:$0x15] =	wrdreg s23  }
0xf: {  	s5 =	sshrl.u32 s5, $0x3;
	s9 =	sor.u32 $0xC00, s15;
	s3 =	smax.u32 s3, $0x1  }
0x10: {  	[dreg:$0xf] =	wrdreg s14;
	s0 =	sadd.s32 s5, s0;
	s18 =	sshrl.u32 s9, $0x3  }
0x11: {  	s5 =	sor.u32 $0x800, s15;
	s9 =	simm.s32 $0x200;
	[dreg:$0x1f] =	wrdreg s3  }
0x12: {  	s15 =	sadd.s32 s26, s2;
	s26 =	simm.s32 $0x980;
	[dreg:$0xc] =	wrdreg s9  }
0x13: {  	s6 =	sshrl.u32 s6, $0x3;
	[dreg:$0x18] =	wrdreg s26  }
0x14: {  	s17 =	sadd.s32 s7, s6;
	[dreg:$0x1d] =	wrdreg s15  }
0x15: {  	s19 =	sadd.s32 s10, s6;
	[dreg:$0x19] =	wrdreg s17  }
0x16: {  	s20 =	sadd.s32 s18, s10;
	[dreg:$0x1a] =	wrdreg s19  }
0x17: {  	s28 =	simm.s32 $0x4;
	s8 =	sadd.s32 s18, s7;
	[dreg:$0x4] =	wrdreg s20  }
0x18: {  	s29 =	simm.s32 $0x6;
	s0 =	sadd.s32 $0x6A200, s0;
	[dreg:$0x5] =	wrdreg s8  }
0x19: {  	s30 =	simm.s32 $0xD00;
	s11 =	sadd.s32 $0x4000, s15;
	[dreg:$0x1e] =	wrdreg s0  }
0x1a: {  	s31 =	simm.s32 $0xA00;
	s13 =	sadd.s32 $0x8000, s15;
	[smem:$0x7FA] =	sst s11  }
0x1b: {  	s12 =	simm.s32 $0x0;
	s16 =	sadd.s32 $0xC000, s15;
	[smem:$0x7FB] =	sst s13  }
0x1c: {  	s6 =	sor.u32 $0x80, s6;
	s18 =	sadd.s32 $0x10000, s15;
	[smem:$0x7FC] =	sst s16  }
0x1d: {  	s5 =	sshrl.u32 s5, $0x3;
	s22 =	sadd.s32 s7, s6;
	[smem:$0x7FD] =	sst s18  }
0x1e: {  	s24 =	simm.s32 $0x1;
	s21 =	sadd.s32 s5, s10;
	[dreg:$0x1b] =	wrdreg s22  }
0x1f: {  	s25 =	simm.s32 $0x3;
	s5 =	sadd.s32 s5, s7;
	[dreg:$0x6] =	wrdreg s21  }
0x20: {  	s23 =	simm.s32 $0x5000;
	s6 =	sadd.s32 s10, s6;
	[dreg:$0x7] =	wrdreg s5  }
0x21: {  	s3 =	simm.s32 $0xA80;
	s7 =	simm.s32 $0x180;
	[dreg:$0x1c] =	wrdreg s6  }
0x22: {  	s26 =	simm.s32 $0x2;
	s8 =	simm.s32 $0x500;
	[dreg:$0xa] =	wrdreg s7  }
0x23: {  	s10 =	simm.s32 $0x580;
	s17 =	simm.s32 $0x300;
	[dreg:$0xb] =	wrdreg s8  }
0x24: {  	s19 =	simm.s32 $0x680;
	s16 =	simm.s32 $0x400;
	[dreg:$0xd] =	wrdreg s10  }
0x25: {  	s20 =	simm.s32 $0x380;
	s18 =	simm.s32 $0xC00;
	[dreg:$0x10] =	wrdreg s17  }
0x26: {  	s0 =	simm.s32 $0xD80;
	s11 =	simm.s32 $0xF80;
	[dreg:$0x11] =	wrdreg s19  }
0x27: {  	s17 =	simm.s32 $0x800;
	[dreg:$0x12] =	wrdreg s20;
	s21 =	simm.s32 $0x700  }
0x28: {  	s22 =	simm.s32 $0x780;
	s19 =	simm.s32 $0x1000;
	s20 =	simm.s32 $0x7  }
0x29: {  	s5 =	simm.s32 $0xE00;
	s6 =	simm.s32 $0xB00;
	s7 =	simm.s32 $0xE80  }
0x2a: {  	s8 =	simm.s32 $0xB80;
	s10 =	simm.s32 $0xF00;
	[dreg:$0x13] =	wrdreg s21  }
0x2b: {  	v0 =	vimm.f32 $0.0e+00;
	[dreg:$0x14] =	wrdreg s22;
	s21 =	simm.s32 $0x5;
	s22 =	simm.s32 $0x80  }
.LBB2_1:
0x2c: {  	s9 =	rddreg [dreg:$0x19]  }
0x2d: {  	[tilespmem:s4], [sflag:$0x5] =	stream.linear.gather [hbm4b:s9+s4], $0x400, $0x38;
	[tilespmem:$0x1D000] =	vst v63  }
0x2e: {  	s14 =	rddreg [dreg:$0x1a]  }
0x2f: {  	[tilespmem:s16], [sflag:$0x5] =	stream.linear.gather [hbm4b:s14+s4], $0x400, $0x38;
	[tilespmem:$0x1D000] =	vst v63  }
0x30: {  	s13 =	rddreg [dreg:$0x1b]  }
0x31: {  	[tilespmem:s17], [sflag:$0x6] =	stream.linear.gather [hbm4b:s13+s4], $0x400, $0x38;
	[tilespmem:$0x1D000] =	vst v63  }
0x32: {  	s14 =	rddreg [dreg:$0x1c]  }
0x33: {  	[tilespmem:s18], [sflag:$0x6] =	stream.linear.gather [hbm4b:s14+s4], $0x400, $0x38;
	[tilespmem:$0x1D000] =	vst v63  }
0x34: {  	s13 =	simm.s32 $0x0;
	s14 =	simm.s32 $0x200  }
.LBB2_2:
0x35: {  	p0 =	sne.s32 s14, $0xFE00;
	[tilespmem:s13+$0x1070] =	vst v0  }
0x36: {  	[tilespmem:s13+$0x1000] =	vst v0  }
0x37: {  	[tilespmem:s13+$0x1010] =	vst v0  }
.Ltmp0:
0x38: {  	[tilespmem:s13+$0x1020] =	vst v0;
	(pc) =	sbr.rel @p0 .LBB2_2-.Ltmp0, $4  }
0x39: {  	[tilespmem:s13+$0x1030] =	vst v0  }
0x3a: {  	[tilespmem:s13+$0x1040] =	vst v0  }
0x3b: {  	[tilespmem:s13+$0x1050] =	vst v0  }
0x3c: {  	[tilespmem:s13+$0x1060] =	vst v0;
	s13 =	sshra.s32 s14, $0x2;
	s14 =	sadd.s32 $0x200, s14  }
0x3d: {  	[tilespmem:s13+$0x1070] =	vst v0  }
0x3e: {  	[tilespmem:s13+$0x1000] =	vst v0  }
0x3f: {  	[tilespmem:s13+$0x1010] =	vst v0  }
0x40: {  	[tilespmem:s13+$0x1020] =	vst v0  }
0x41: {  	[tilespmem:s13+$0x1030] =	vst v0  }
0x42: {  	[tilespmem:s13+$0x1040] =	vst v0  }
0x43: {  	[tilespmem:s13+$0x1050] =	vst v0  }
0x44: {  	[tilespmem:s13+$0x1060] =	vst v0  }
0x45: {  	[spmem:s15] =	stream.linear.scatter [tilespmem:s19], [sflag:$0x7], $0x4000, $0x38;
	[tilespmem:$0x1D000] =	vst v63  }
0x46: {  	_ =	swait.ge [sflag:s20], $0x4000  }
0x47: {  	s9 =	sld [smem:$0x7FA]  }
0x48: {  	[sflag:s20] =	ssyncset.done $0x0  }
0x49: {  	[sflag:s20] =	ssyncadd.s32 $0xFFFFC000  }
0x4a: {  	[spmem:s9] =	stream.linear.scatter [tilespmem:s19], [sflag:$0x7], $0x4000, $0x38;
	[tilespmem:$0x1D000] =	vst v63  }
0x4b: {  	_ =	swait.ge [sflag:s20], $0x4000  }
0x4c: {  	s15 =	sld [smem:$0x7FB]  }
0x4d: {  	[sflag:s20] =	ssyncset.done $0x0  }
0x4e: {  	[sflag:s20] =	ssyncadd.s32 $0xFFFFC000  }
0x4f: {  	[spmem:s15] =	stream.linear.scatter [tilespmem:s19], [sflag:$0x7], $0x4000, $0x38;
	[tilespmem:$0x1D000] =	vst v63  }
0x50: {  	_ =	swait.ge [sflag:s20], $0x4000  }
0x51: {  	s13 =	sld [smem:$0x7FC]  }
0x52: {  	[sflag:s20] =	ssyncset.done $0x0  }
0x53: {  	[sflag:s20] =	ssyncadd.s32 $0xFFFFC000  }
0x54: {  	[spmem:s13] =	stream.linear.scatter [tilespmem:s19], [sflag:$0x7], $0x4000, $0x38;
	[tilespmem:$0x1D000] =	vst v63  }
0x55: {  	_ =	swait.ge [sflag:s20], $0x4000  }
0x56: {  	s14 =	sld [smem:$0x7FD]  }
0x57: {  	[sflag:s20] =	ssyncset.done $0x0  }
0x58: {  	[sflag:s20] =	ssyncadd.s32 $0xFFFFC000  }
0x59: {  	[spmem:s14] =	stream.linear.scatter [tilespmem:s19], [sflag:$0x7], $0x4000, $0x38;
	[tilespmem:$0x1D000] =	vst v63  }
0x5a: {  	_ =	swait.ge [sflag:s20], $0x4000  }
0x5b: {  	[sflag:s20] =	ssyncset.done $0x0  }
0x5c: {  	[sflag:s20] =	ssyncadd.s32 $0xFFFFC000  }
0x5d: {  	[bflag:$0x0] =	sbarrier.arrive $0xFFFF  }
0x5e: {  	_ =	swait.ge [sflag:s21], $0x400  }
0x5f: {  	[sflag:s21] =	ssyncset.done $0x0  }
0x60: {  	[sflag:s21] =	ssyncadd.s32 $0xFFFFFC00  }
0x61: {  	_ =	swait.ge [sflag:s21], $0x400  }
0x62: {  	[sflag:s21] =	ssyncset.done $0x0  }
0x63: {  	[sflag:s21] =	ssyncadd.s32 $0xFFFFFC00  }
0x64: {  	[tilespmem:s19], [sflag:$0x1] =	stream.indirect.gather [hbm4b:s1+s22], $0x80, s4, s22, $0xb8;
	[tilespmem:$0x1D000] =	vst v63  }
0x65: {  	_ = 	snop  }
0x66: {  	[tilespmem:s23], [sflag:$0x2] =	stream.indirect.gather [hbm4b:s1+s22], $0x80, s22, s22, $0xb8;
	[tilespmem:$0x1D000] =	vst v63  }
0x67: {  	_ =	swait.ge [sflag:s24], $0x4000  }
0x68: {  	[sflag:s24] =	ssyncset.done $0x0  }
0x69: {  	[sflag:s24] =	ssyncadd.s32 $0xFFFFC000  }
0x6a: {  	[spmem:s2] =	stream.indirect.scatter.add.f32 [tilespmem:s19], [sflag:$0x3], $0x80, s16, s22, $0xb8;
	[tilespmem:$0x1D000] =	vst v63  }
0x6b: {  	_ =	swait.ge [sflag:s25], $0x4000  }
0x6c: {  	[sflag:s25] =	ssyncset.done $0x0  }
0x6d: {  	s15 =	rddreg [dreg:$0x8];
	[sflag:s25] =	ssyncadd.s32 $0xFFFFC000  }
0x6e: {  	[tilespmem:s19], [sflag:$0x1] =	stream.indirect.gather [hbm4b:s1+s22], $0x80, s15, s22, $0xb8;
	[tilespmem:$0x1D000] =	vst v63  }
0x6f: {  	_ =	swait.ge [sflag:s26], $0x4000  }
0x70: {  	[sflag:s26] =	ssyncset.done $0x0  }
0x71: {  	s9 =	rddreg [dreg:$0x9];
	[sflag:s26] =	ssyncadd.s32 $0xFFFFC000  }
0x72: {  	[spmem:s2] =	stream.indirect.scatter.add.f32 [tilespmem:s23], [sflag:$0x4], $0x80, s9, s22, $0xb8;
	[tilespmem:$0x1D000] =	vst v63  }
0x73: {  	_ =	swait.ge [sflag:s28], $0x4000  }
0x74: {  	[sflag:s28] =	ssyncset.done $0x0  }
0x75: {  	s14 =	rddreg [dreg:$0xa];
	[sflag:s28] =	ssyncadd.s32 $0xFFFFC000  }
0x76: {  	[tilespmem:s23], [sflag:$0x2] =	stream.indirect.gather [hbm4b:s1+s22], $0x80, s14, s22, $0xb8;
	[tilespmem:$0x1D000] =	vst v63  }
0x77: {  	_ =	swait.ge [sflag:s24], $0x4000  }
0x78: {  	[sflag:s24] =	ssyncset.done $0x0  }
0x79: {  	s15 =	rddreg [dreg:$0xb];
	[sflag:s24] =	ssyncadd.s32 $0xFFFFC000  }
0x7a: {  	[spmem:s2] =	stream.indirect.scatter.add.f32 [tilespmem:s19], [sflag:$0x3], $0x80, s15, s22, $0xb8;
	[tilespmem:$0x1D000] =	vst v63  }
0x7b: {  	_ =	swait.ge [sflag:s25], $0x4000  }
0x7c: {  	[sflag:s25] =	ssyncset.done $0x0  }
0x7d: {  	s9 =	rddreg [dreg:$0xc];
	[sflag:s25] =	ssyncadd.s32 $0xFFFFC000  }
0x7e: {  	[tilespmem:s19], [sflag:$0x1] =	stream.indirect.gather [hbm4b:s1+s22], $0x80, s9, s22, $0xb8;
	[tilespmem:$0x1D000] =	vst v63  }
0x7f: {  	_ =	swait.ge [sflag:s26], $0x4000  }
0x80: {  	[sflag:s26] =	ssyncset.done $0x0  }
0x81: {  	s14 =	rddreg [dreg:$0xd];
	[sflag:s26] =	ssyncadd.s32 $0xFFFFC000  }
0x82: {  	[spmem:s2] =	stream.indirect.scatter.add.f32 [tilespmem:s23], [sflag:$0x4], $0x80, s14, s22, $0xb8;
	[tilespmem:$0x1D000] =	vst v63  }
0x83: {  	_ =	swait.ge [sflag:s28], $0x4000  }
0x84: {  	[sflag:s28] =	ssyncset.done $0x0  }
0x85: {  	s15 =	rddreg [dreg:$0xe];
	[sflag:s28] =	ssyncadd.s32 $0xFFFFC000  }
0x86: {  	[tilespmem:s23], [sflag:$0x2] =	stream.indirect.gather [hbm4b:s1+s22], $0x80, s15, s22, $0xb8;
	[tilespmem:$0x1D000] =	vst v63  }
0x87: {  	_ =	swait.ge [sflag:s24], $0x4000  }
0x88: {  	[sflag:s24] =	ssyncset.done $0x0  }
0x89: {  	s9 =	rddreg [dreg:$0xf];
	[sflag:s24] =	ssyncadd.s32 $0xFFFFC000  }
0x8a: {  	[spmem:s2] =	stream.indirect.scatter.add.f32 [tilespmem:s19], [sflag:$0x3], $0x80, s9, s22, $0xb8;
	[tilespmem:$0x1D000] =	vst v63  }
0x8b: {  	_ =	swait.ge [sflag:s25], $0x4000  }
0x8c: {  	[sflag:s25] =	ssyncset.done $0x0  }
0x8d: {  	s14 =	rddreg [dreg:$0x10];
	[sflag:s25] =	ssyncadd.s32 $0xFFFFC000  }
0x8e: {  	[tilespmem:s19], [sflag:$0x1] =	stream.indirect.gather [hbm4b:s1+s22], $0x80, s14, s22, $0xb8;
	[tilespmem:$0x1D000] =	vst v63  }
0x8f: {  	_ =	swait.ge [sflag:s26], $0x4000  }
0x90: {  	[sflag:s26] =	ssyncset.done $0x0  }
0x91: {  	s15 =	rddreg [dreg:$0x11];
	[sflag:s26] =	ssyncadd.s32 $0xFFFFC000  }
0x92: {  	[spmem:s2] =	stream.indirect.scatter.add.f32 [tilespmem:s23], [sflag:$0x4], $0x80, s15, s22, $0xb8;
	[tilespmem:$0x1D000] =	vst v63  }
0x93: {  	_ =	swait.ge [sflag:s28], $0x4000  }
0x94: {  	[sflag:s28] =	ssyncset.done $0x0  }
0x95: {  	s9 =	rddreg [dreg:$0x12];
	[sflag:s28] =	ssyncadd.s32 $0xFFFFC000  }
0x96: {  	[tilespmem:s23], [sflag:$0x2] =	stream.indirect.gather [hbm4b:s1+s22], $0x80, s9, s22, $0xb8;
	[tilespmem:$0x1D000] =	vst v63  }
0x97: {  	_ =	swait.ge [sflag:s24], $0x4000  }
0x98: {  	[sflag:s24] =	ssyncset.done $0x0  }
0x99: {  	s14 =	rddreg [dreg:$0x13];
	[sflag:s24] =	ssyncadd.s32 $0xFFFFC000  }
0x9a: {  	[spmem:s2] =	stream.indirect.scatter.add.f32 [tilespmem:s19], [sflag:$0x3], $0x80, s14, s22, $0xb8;
	[tilespmem:$0x1D000] =	vst v63  }
0x9b: {  	_ =	swait.ge [sflag:s26], $0x4000  }
0x9c: {  	[sflag:s26] =	ssyncset.done $0x0  }
0x9d: {  	s15 =	rddreg [dreg:$0x14];
	[sflag:s26] =	ssyncadd.s32 $0xFFFFC000  }
0x9e: {  	[spmem:s2] =	stream.indirect.scatter.add.f32 [tilespmem:s23], [sflag:$0x4], $0x80, s15, s22, $0xb8;
	[tilespmem:$0x1D000] =	vst v63  }
0x9f: {  	_ =	swait.ge [sflag:s25], $0x4000  }
0xa0: {  	[sflag:s25] =	ssyncset.done $0x0  }
0xa1: {  	[sflag:s25] =	ssyncadd.s32 $0xFFFFC000  }
0xa2: {  	_ =	swait.ge [sflag:s28], $0x4000  }
0xa3: {  	s9 =	rddreg [dreg:$0x7];
	[sflag:s28] =	ssyncset.done $0x0  }
0xa4: {  	s14 =	rddreg [dreg:$0x6];
	[sflag:s28] =	ssyncadd.s32 $0xFFFFC000;
	s13 =	sadd.s32 $0x0, s9  }
0xa5: {  	[tilespmem:s4], [sflag:$0x5] =	stream.linear.gather [hbm4b:s13+s4], $0x400, $0x38;
	[tilespmem:$0x1D000] =	vst v63  }
0xa6: {  	s15 =	sadd.s32 $0x0, s14  }
0xa7: {  	[tilespmem:s16], [sflag:$0x5] =	stream.linear.gather [hbm4b:s15+s4], $0x400, $0x38;
	[tilespmem:$0x1D000] =	vst v63  }
0xa8: {  	_ =	swait.ge [sflag:s29], $0x400  }
0xa9: {  	[sflag:s29] =	ssyncset.done $0x0  }
0xaa: {  	[sflag:s29] =	ssyncadd.s32 $0xFFFFFC00  }
0xab: {  	_ =	swait.ge [sflag:s29], $0x400  }
0xac: {  	[sflag:s29] =	ssyncset.done $0x0  }
0xad: {  	[sflag:s29] =	ssyncadd.s32 $0xFFFFFC00  }
0xae: {  	[tilespmem:s19], [sflag:$0x1] =	stream.indirect.gather [hbm4b:s1+s22], $0x80, s17, s22, $0xb8;
	[tilespmem:$0x1D000] =	vst v63  }
0xaf: {  	s9 =	rddreg [dreg:$0x15]  }
0xb0: {  	[tilespmem:s23], [sflag:$0x2] =	stream.indirect.gather [hbm4b:s1+s22], $0x80, s9, s22, $0xb8;
	[tilespmem:$0x1D000] =	vst v63  }
0xb1: {  	_ =	swait.ge [sflag:s24], $0x4000  }
0xb2: {  	[sflag:s24] =	ssyncset.done $0x0  }
0xb3: {  	[sflag:s24] =	ssyncadd.s32 $0xFFFFC000  }
0xb4: {  	[spmem:s2] =	stream.indirect.scatter.add.f32 [tilespmem:s19], [sflag:$0x3], $0x80, s18, s22, $0xb8;
	[tilespmem:$0x1D000] =	vst v63  }
0xb5: {  	_ =	swait.ge [sflag:s25], $0x4000  }
0xb6: {  	[sflag:s25] =	ssyncset.done $0x0  }
0xb7: {  	s14 =	rddreg [dreg:$0x16];
	[sflag:s25] =	ssyncadd.s32 $0xFFFFC000  }
0xb8: {  	[tilespmem:s19], [sflag:$0x1] =	stream.indirect.gather [hbm4b:s1+s22], $0x80, s14, s22, $0xb8;
	[tilespmem:$0x1D000] =	vst v63  }
0xb9: {  	_ =	swait.ge [sflag:s26], $0x4000  }
0xba: {  	[sflag:s26] =	ssyncset.done $0x0  }
0xbb: {  	s15 =	rddreg [dreg:$0x17];
	[sflag:s26] =	ssyncadd.s32 $0xFFFFC000  }
0xbc: {  	[spmem:s2] =	stream.indirect.scatter.add.f32 [tilespmem:s23], [sflag:$0x4], $0x80, s15, s22, $0xb8;
	[tilespmem:$0x1D000] =	vst v63  }
0xbd: {  	_ =	swait.ge [sflag:s28], $0x4000  }
0xbe: {  	[sflag:s28] =	ssyncset.done $0x0  }
0xbf: {  	s9 =	rddreg [dreg:$0x18];
	[sflag:s28] =	ssyncadd.s32 $0xFFFFC000  }
0xc0: {  	[tilespmem:s23], [sflag:$0x2] =	stream.indirect.gather [hbm4b:s1+s22], $0x80, s9, s22, $0xb8;
	[tilespmem:$0x1D000] =	vst v63  }
0xc1: {  	_ =	swait.ge [sflag:s24], $0x4000  }
0xc2: {  	[sflag:s24] =	ssyncset.done $0x0  }
0xc3: {  	[sflag:s24] =	ssyncadd.s32 $0xFFFFC000  }
0xc4: {  	[spmem:s2] =	stream.indirect.scatter.add.f32 [tilespmem:s19], [sflag:$0x3], $0x80, s30, s22, $0xb8;
	[tilespmem:$0x1D000] =	vst v63  }
0xc5: {  	_ =	swait.ge [sflag:s25], $0x4000  }
0xc6: {  	[sflag:s25] =	ssyncset.done $0x0  }
0xc7: {  	[sflag:s25] =	ssyncadd.s32 $0xFFFFC000  }
0xc8: {  	[tilespmem:s19], [sflag:$0x1] =	stream.indirect.gather [hbm4b:s1+s22], $0x80, s31, s22, $0xb8;
	[tilespmem:$0x1D000] =	vst v63  }
0xc9: {  	_ =	swait.ge [sflag:s26], $0x4000  }
0xca: {  	[sflag:s26] =	ssyncset.done $0x0  }
0xcb: {  	[sflag:s26] =	ssyncadd.s32 $0xFFFFC000  }
0xcc: {  	[spmem:s2] =	stream.indirect.scatter.add.f32 [tilespmem:s23], [sflag:$0x4], $0x80, s0, s22, $0xb8;
	[tilespmem:$0x1D000] =	vst v63  }
0xcd: {  	_ =	swait.ge [sflag:s28], $0x4000  }
0xce: {  	[sflag:s28] =	ssyncset.done $0x0  }
0xcf: {  	[sflag:s28] =	ssyncadd.s32 $0xFFFFC000  }
0xd0: {  	[tilespmem:s23], [sflag:$0x2] =	stream.indirect.gather [hbm4b:s1+s22], $0x80, s3, s22, $0xb8;
	[tilespmem:$0x1D000] =	vst v63  }
0xd1: {  	_ =	swait.ge [sflag:s24], $0x4000  }
0xd2: {  	[sflag:s24] =	ssyncset.done $0x0  }
0xd3: {  	[sflag:s24] =	ssyncadd.s32 $0xFFFFC000  }
0xd4: {  	[spmem:s2] =	stream.indirect.scatter.add.f32 [tilespmem:s19], [sflag:$0x3], $0x80, s5, s22, $0xb8;
	[tilespmem:$0x1D000] =	vst v63  }
0xd5: {  	_ =	swait.ge [sflag:s25], $0x4000  }
0xd6: {  	[sflag:s25] =	ssyncset.done $0x0  }
0xd7: {  	[sflag:s25] =	ssyncadd.s32 $0xFFFFC000  }
0xd8: {  	[tilespmem:s19], [sflag:$0x1] =	stream.indirect.gather [hbm4b:s1+s22], $0x80, s6, s22, $0xb8;
	[tilespmem:$0x1D000] =	vst v63  }
0xd9: {  	_ =	swait.ge [sflag:s26], $0x4000  }
0xda: {  	[sflag:s26] =	ssyncset.done $0x0  }
0xdb: {  	[sflag:s26] =	ssyncadd.s32 $0xFFFFC000  }
0xdc: {  	[spmem:s2] =	stream.indirect.scatter.add.f32 [tilespmem:s23], [sflag:$0x4], $0x80, s7, s22, $0xb8;
	[tilespmem:$0x1D000] =	vst v63  }
0xdd: {  	_ =	swait.ge [sflag:s28], $0x4000  }
0xde: {  	[sflag:s28] =	ssyncset.done $0x0  }
0xdf: {  	[sflag:s28] =	ssyncadd.s32 $0xFFFFC000  }
0xe0: {  	[tilespmem:s23], [sflag:$0x2] =	stream.indirect.gather [hbm4b:s1+s22], $0x80, s8, s22, $0xb8;
	[tilespmem:$0x1D000] =	vst v63  }
0xe1: {  	_ =	swait.ge [sflag:s24], $0x4000  }
0xe2: {  	[sflag:s24] =	ssyncset.done $0x0  }
0xe3: {  	[sflag:s24] =	ssyncadd.s32 $0xFFFFC000  }
0xe4: {  	[spmem:s2] =	stream.indirect.scatter.add.f32 [tilespmem:s19], [sflag:$0x3], $0x80, s10, s22, $0xb8;
	[tilespmem:$0x1D000] =	vst v63  }
0xe5: {  	_ =	swait.ge [sflag:s26], $0x4000  }
0xe6: {  	[sflag:s26] =	ssyncset.done $0x0  }
0xe7: {  	[sflag:s26] =	ssyncadd.s32 $0xFFFFC000  }
0xe8: {  	[spmem:s2] =	stream.indirect.scatter.add.f32 [tilespmem:s23], [sflag:$0x4], $0x80, s11, s22, $0xb8;
	[tilespmem:$0x1D000] =	vst v63  }
0xe9: {  	_ =	swait.ge [sflag:s25], $0x4000  }
0xea: {  	[sflag:s25] =	ssyncset.done $0x0  }
0xeb: {  	[sflag:s25] =	ssyncadd.s32 $0xFFFFC000  }
0xec: {  	_ =	swait.ge [sflag:s28], $0x4000  }
0xed: {  	s14 =	rddreg [dreg:$0x5];
	[sflag:s28] =	ssyncset.done $0x0  }
0xee: {  	s15 =	rddreg [dreg:$0x4];
	[sflag:s28] =	ssyncadd.s32 $0xFFFFC000;
	s13 =	sadd.s32 $0x0, s14  }
0xef: {  	[tilespmem:s17], [sflag:$0x6] =	stream.linear.gather [hbm4b:s13+s4], $0x400, $0x38;
	[tilespmem:$0x1D000] =	vst v63  }
0xf0: {  	s14 =	sadd.s32 $0x0, s15;
	s13 =	simm.s32 $0x100  }
.LBB2_4:
0xf1: {  	[tilespmem:s18], [sflag:$0x6] =	stream.linear.gather [hbm4b:s14+s4], $0x400, $0x38;
	[tilespmem:$0x1D000] =	vst v63  }
0xf2: {  	_ =	swait.ge [sflag:s21], $0x400  }
0xf3: {  	[sflag:s21] =	ssyncset.done $0x0  }
0xf4: {  	[sflag:s21] =	ssyncadd.s32 $0xFFFFFC00  }
0xf5: {  	_ =	swait.ge [sflag:s21], $0x400  }
0xf6: {  	[sflag:s21] =	ssyncset.done $0x0  }
0xf7: {  	[sflag:s21] =	ssyncadd.s32 $0xFFFFFC00  }
0xf8: {  	[tilespmem:s19], [sflag:$0x1] =	stream.indirect.gather [hbm4b:s1+s22], $0x80, s4, s22, $0xb8;
	[tilespmem:$0x1D000] =	vst v63  }
0xf9: {  	_ = 	snop  }
0xfa: {  	[tilespmem:s23], [sflag:$0x2] =	stream.indirect.gather [hbm4b:s1+s22], $0x80, s22, s22, $0xb8;
	[tilespmem:$0x1D000] =	vst v63  }
0xfb: {  	_ =	swait.ge [sflag:s24], $0x4000  }
0xfc: {  	[sflag:s24] =	ssyncset.done $0x0  }
0xfd: {  	[sflag:s24] =	ssyncadd.s32 $0xFFFFC000  }
0xfe: {  	[spmem:s2] =	stream.indirect.scatter.add.f32 [tilespmem:s19], [sflag:$0x3], $0x80, s16, s22, $0xb8;
	[tilespmem:$0x1D000] =	vst v63  }
0xff: {  	_ =	swait.ge [sflag:s25], $0x4000  }
0x100: {  	[sflag:s25] =	ssyncset.done $0x0  }
0x101: {  	s15 =	rddreg [dreg:$0x8];
	[sflag:s25] =	ssyncadd.s32 $0xFFFFC000  }
0x102: {  	[tilespmem:s19], [sflag:$0x1] =	stream.indirect.gather [hbm4b:s1+s22], $0x80, s15, s22, $0xb8;
	[tilespmem:$0x1D000] =	vst v63  }
0x103: {  	_ =	swait.ge [sflag:s26], $0x4000  }
0x104: {  	[sflag:s26] =	ssyncset.done $0x0  }
0x105: {  	s9 =	rddreg [dreg:$0x9];
	[sflag:s26] =	ssyncadd.s32 $0xFFFFC000  }
0x106: {  	[spmem:s2] =	stream.indirect.scatter.add.f32 [tilespmem:s23], [sflag:$0x4], $0x80, s9, s22, $0xb8;
	[tilespmem:$0x1D000] =	vst v63  }
0x107: {  	_ =	swait.ge [sflag:s28], $0x4000  }
0x108: {  	[sflag:s28] =	ssyncset.done $0x0  }
0x109: {  	s9 =	rddreg [dreg:$0xa];
	[sflag:s28] =	ssyncadd.s32 $0xFFFFC000  }
0x10a: {  	[tilespmem:s23], [sflag:$0x2] =	stream.indirect.gather [hbm4b:s1+s22], $0x80, s9, s22, $0xb8;
	[tilespmem:$0x1D000] =	vst v63  }
0x10b: {  	_ =	swait.ge [sflag:s24], $0x4000  }
0x10c: {  	[sflag:s24] =	ssyncset.done $0x0  }
0x10d: {  	s9 =	rddreg [dreg:$0xb];
	[sflag:s24] =	ssyncadd.s32 $0xFFFFC000  }
0x10e: {  	[spmem:s2] =	stream.indirect.scatter.add.f32 [tilespmem:s19], [sflag:$0x3], $0x80, s9, s22, $0xb8;
	[tilespmem:$0x1D000] =	vst v63  }
0x10f: {  	_ =	swait.ge [sflag:s25], $0x4000  }
0x110: {  	[sflag:s25] =	ssyncset.done $0x0  }
0x111: {  	s9 =	rddreg [dreg:$0xc];
	[sflag:s25] =	ssyncadd.s32 $0xFFFFC000  }
0x112: {  	[tilespmem:s19], [sflag:$0x1] =	stream.indirect.gather [hbm4b:s1+s22], $0x80, s9, s22, $0xb8;
	[tilespmem:$0x1D000] =	vst v63  }
0x113: {  	_ =	swait.ge [sflag:s26], $0x4000  }
0x114: {  	[sflag:s26] =	ssyncset.done $0x0  }
0x115: {  	s9 =	rddreg [dreg:$0xd];
	[sflag:s26] =	ssyncadd.s32 $0xFFFFC000  }
0x116: {  	[spmem:s2] =	stream.indirect.scatter.add.f32 [tilespmem:s23], [sflag:$0x4], $0x80, s9, s22, $0xb8;
	[tilespmem:$0x1D000] =	vst v63  }
0x117: {  	_ =	swait.ge [sflag:s28], $0x4000  }
0x118: {  	[sflag:s28] =	ssyncset.done $0x0  }
0x119: {  	s9 =	rddreg [dreg:$0xe];
	[sflag:s28] =	ssyncadd.s32 $0xFFFFC000  }
0x11a: {  	[tilespmem:s23], [sflag:$0x2] =	stream.indirect.gather [hbm4b:s1+s22], $0x80, s9, s22, $0xb8;
	[tilespmem:$0x1D000] =	vst v63  }
0x11b: {  	_ =	swait.ge [sflag:s24], $0x4000  }
0x11c: {  	[sflag:s24] =	ssyncset.done $0x0  }
0x11d: {  	s9 =	rddreg [dreg:$0xf];
	[sflag:s24] =	ssyncadd.s32 $0xFFFFC000  }
0x11e: {  	[spmem:s2] =	stream.indirect.scatter.add.f32 [tilespmem:s19], [sflag:$0x3], $0x80, s9, s22, $0xb8;
	[tilespmem:$0x1D000] =	vst v63  }
0x11f: {  	_ =	swait.ge [sflag:s25], $0x4000  }
0x120: {  	[sflag:s25] =	ssyncset.done $0x0  }
0x121: {  	s9 =	rddreg [dreg:$0x10];
	[sflag:s25] =	ssyncadd.s32 $0xFFFFC000  }
0x122: {  	[tilespmem:s19], [sflag:$0x1] =	stream.indirect.gather [hbm4b:s1+s22], $0x80, s9, s22, $0xb8;
	[tilespmem:$0x1D000] =	vst v63  }
0x123: {  	_ =	swait.ge [sflag:s26], $0x4000  }
0x124: {  	[sflag:s26] =	ssyncset.done $0x0  }
0x125: {  	s9 =	rddreg [dreg:$0x11];
	[sflag:s26] =	ssyncadd.s32 $0xFFFFC000  }
0x126: {  	[spmem:s2] =	stream.indirect.scatter.add.f32 [tilespmem:s23], [sflag:$0x4], $0x80, s9, s22, $0xb8;
	[tilespmem:$0x1D000] =	vst v63  }
0x127: {  	_ =	swait.ge [sflag:s28], $0x4000  }
0x128: {  	[sflag:s28] =	ssyncset.done $0x0  }
0x129: {  	s9 =	rddreg [dreg:$0x12];
	[sflag:s28] =	ssyncadd.s32 $0xFFFFC000  }
0x12a: {  	[tilespmem:s23], [sflag:$0x2] =	stream.indirect.gather [hbm4b:s1+s22], $0x80, s9, s22, $0xb8;
	[tilespmem:$0x1D000] =	vst v63  }
0x12b: {  	_ =	swait.ge [sflag:s24], $0x4000  }
0x12c: {  	[sflag:s24] =	ssyncset.done $0x0  }
0x12d: {  	s9 =	rddreg [dreg:$0x13];
	[sflag:s24] =	ssyncadd.s32 $0xFFFFC000  }
0x12e: {  	[spmem:s2] =	stream.indirect.scatter.add.f32 [tilespmem:s19], [sflag:$0x3], $0x80, s9, s22, $0xb8;
	[tilespmem:$0x1D000] =	vst v63  }
0x12f: {  	_ =	swait.ge [sflag:s26], $0x4000  }
0x130: {  	[sflag:s26] =	ssyncset.done $0x0  }
0x131: {  	s9 =	rddreg [dreg:$0x14];
	[sflag:s26] =	ssyncadd.s32 $0xFFFFC000  }
0x132: {  	[spmem:s2] =	stream.indirect.scatter.add.f32 [tilespmem:s23], [sflag:$0x4], $0x80, s9, s22, $0xb8;
	[tilespmem:$0x1D000] =	vst v63  }
0x133: {  	_ =	swait.ge [sflag:s25], $0x4000  }
0x134: {  	[sflag:s25] =	ssyncset.done $0x0  }
0x135: {  	[sflag:s25] =	ssyncadd.s32 $0xFFFFC000  }
0x136: {  	_ =	swait.ge [sflag:s28], $0x4000  }
0x137: {  	s14 =	smov.u32 s13;
	s15 =	rddreg [dreg:$0x7];
	[sflag:s28] =	ssyncset.done $0x0  }
0x138: {  	s9 =	rddreg [dreg:$0x6];
	[sflag:s28] =	ssyncadd.s32 $0xFFFFC000;
	s15 =	sadd.s32 s14, s15  }
0x139: {  	[tilespmem:s4], [sflag:$0x5] =	stream.linear.gather [hbm4b:s15+s4], $0x400, $0x38;
	[tilespmem:$0x1D000] =	vst v63  }
0x13a: {  	s9 =	sadd.s32 s14, s9  }
0x13b: {  	[tilespmem:s16], [sflag:$0x5] =	stream.linear.gather [hbm4b:s9+s4], $0x400, $0x38;
	[tilespmem:$0x1D000] =	vst v63  }
0x13c: {  	_ =	swait.ge [sflag:s29], $0x400  }
0x13d: {  	[sflag:s29] =	ssyncset.done $0x0  }
0x13e: {  	[sflag:s29] =	ssyncadd.s32 $0xFFFFFC00  }
0x13f: {  	_ =	swait.ge [sflag:s29], $0x400  }
0x140: {  	[sflag:s29] =	ssyncset.done $0x0  }
0x141: {  	[sflag:s29] =	ssyncadd.s32 $0xFFFFFC00  }
0x142: {  	[tilespmem:s19], [sflag:$0x1] =	stream.indirect.gather [hbm4b:s1+s22], $0x80, s17, s22, $0xb8;
	[tilespmem:$0x1D000] =	vst v63  }
0x143: {  	s15 =	rddreg [dreg:$0x15]  }
0x144: {  	[tilespmem:s23], [sflag:$0x2] =	stream.indirect.gather [hbm4b:s1+s22], $0x80, s15, s22, $0xb8;
	[tilespmem:$0x1D000] =	vst v63  }
0x145: {  	_ =	swait.ge [sflag:s24], $0x4000  }
0x146: {  	[sflag:s24] =	ssyncset.done $0x0  }
0x147: {  	[sflag:s24] =	ssyncadd.s32 $0xFFFFC000  }
0x148: {  	[spmem:s2] =	stream.indirect.scatter.add.f32 [tilespmem:s19], [sflag:$0x3], $0x80, s18, s22, $0xb8;
	[tilespmem:$0x1D000] =	vst v63  }
0x149: {  	_ =	swait.ge [sflag:s25], $0x4000  }
0x14a: {  	[sflag:s25] =	ssyncset.done $0x0  }
0x14b: {  	s15 =	rddreg [dreg:$0x16];
	[sflag:s25] =	ssyncadd.s32 $0xFFFFC000  }
0x14c: {  	[tilespmem:s19], [sflag:$0x1] =	stream.indirect.gather [hbm4b:s1+s22], $0x80, s15, s22, $0xb8;
	[tilespmem:$0x1D000] =	vst v63  }
0x14d: {  	_ =	swait.ge [sflag:s26], $0x4000  }
0x14e: {  	[sflag:s26] =	ssyncset.done $0x0  }
0x14f: {  	s15 =	rddreg [dreg:$0x17];
	[sflag:s26] =	ssyncadd.s32 $0xFFFFC000  }
0x150: {  	[spmem:s2] =	stream.indirect.scatter.add.f32 [tilespmem:s23], [sflag:$0x4], $0x80, s15, s22, $0xb8;
	[tilespmem:$0x1D000] =	vst v63  }
0x151: {  	_ =	swait.ge [sflag:s28], $0x4000  }
0x152: {  	[sflag:s28] =	ssyncset.done $0x0  }
0x153: {  	s15 =	rddreg [dreg:$0x18];
	[sflag:s28] =	ssyncadd.s32 $0xFFFFC000  }
0x154: {  	[tilespmem:s23], [sflag:$0x2] =	stream.indirect.gather [hbm4b:s1+s22], $0x80, s15, s22, $0xb8;
	[tilespmem:$0x1D000] =	vst v63  }
0x155: {  	_ =	swait.ge [sflag:s24], $0x4000  }
0x156: {  	[sflag:s24] =	ssyncset.done $0x0  }
0x157: {  	[sflag:s24] =	ssyncadd.s32 $0xFFFFC000  }
0x158: {  	[spmem:s2] =	stream.indirect.scatter.add.f32 [tilespmem:s19], [sflag:$0x3], $0x80, s30, s22, $0xb8;
	[tilespmem:$0x1D000] =	vst v63  }
0x159: {  	_ =	swait.ge [sflag:s25], $0x4000  }
0x15a: {  	[sflag:s25] =	ssyncset.done $0x0  }
0x15b: {  	[sflag:s25] =	ssyncadd.s32 $0xFFFFC000  }
0x15c: {  	[tilespmem:s19], [sflag:$0x1] =	stream.indirect.gather [hbm4b:s1+s22], $0x80, s31, s22, $0xb8;
	[tilespmem:$0x1D000] =	vst v63  }
0x15d: {  	_ =	swait.ge [sflag:s26], $0x4000  }
0x15e: {  	[sflag:s26] =	ssyncset.done $0x0  }
0x15f: {  	[sflag:s26] =	ssyncadd.s32 $0xFFFFC000  }
0x160: {  	[spmem:s2] =	stream.indirect.scatter.add.f32 [tilespmem:s23], [sflag:$0x4], $0x80, s0, s22, $0xb8;
	[tilespmem:$0x1D000] =	vst v63  }
0x161: {  	_ =	swait.ge [sflag:s28], $0x4000  }
0x162: {  	[sflag:s28] =	ssyncset.done $0x0  }
0x163: {  	[sflag:s28] =	ssyncadd.s32 $0xFFFFC000  }
0x164: {  	[tilespmem:s23], [sflag:$0x2] =	stream.indirect.gather [hbm4b:s1+s22], $0x80, s3, s22, $0xb8;
	[tilespmem:$0x1D000] =	vst v63  }
0x165: {  	_ =	swait.ge [sflag:s24], $0x4000  }
0x166: {  	[sflag:s24] =	ssyncset.done $0x0  }
0x167: {  	[sflag:s24] =	ssyncadd.s32 $0xFFFFC000  }
0x168: {  	[spmem:s2] =	stream.indirect.scatter.add.f32 [tilespmem:s19], [sflag:$0x3], $0x80, s5, s22, $0xb8;
	[tilespmem:$0x1D000] =	vst v63  }
0x169: {  	_ =	swait.ge [sflag:s25], $0x4000  }
0x16a: {  	[sflag:s25] =	ssyncset.done $0x0  }
0x16b: {  	[sflag:s25] =	ssyncadd.s32 $0xFFFFC000  }
0x16c: {  	[tilespmem:s19], [sflag:$0x1] =	stream.indirect.gather [hbm4b:s1+s22], $0x80, s6, s22, $0xb8;
	[tilespmem:$0x1D000] =	vst v63  }
0x16d: {  	_ =	swait.ge [sflag:s26], $0x4000  }
0x16e: {  	[sflag:s26] =	ssyncset.done $0x0  }
0x16f: {  	[sflag:s26] =	ssyncadd.s32 $0xFFFFC000  }
0x170: {  	[spmem:s2] =	stream.indirect.scatter.add.f32 [tilespmem:s23], [sflag:$0x4], $0x80, s7, s22, $0xb8;
	[tilespmem:$0x1D000] =	vst v63  }
0x171: {  	_ =	swait.ge [sflag:s28], $0x4000  }
0x172: {  	[sflag:s28] =	ssyncset.done $0x0  }
0x173: {  	[sflag:s28] =	ssyncadd.s32 $0xFFFFC000  }
0x174: {  	[tilespmem:s23], [sflag:$0x2] =	stream.indirect.gather [hbm4b:s1+s22], $0x80, s8, s22, $0xb8;
	[tilespmem:$0x1D000] =	vst v63  }
0x175: {  	_ =	swait.ge [sflag:s24], $0x4000  }
0x176: {  	[sflag:s24] =	ssyncset.done $0x0  }
0x177: {  	[sflag:s24] =	ssyncadd.s32 $0xFFFFC000  }
0x178: {  	[spmem:s2] =	stream.indirect.scatter.add.f32 [tilespmem:s19], [sflag:$0x3], $0x80, s10, s22, $0xb8;
	[tilespmem:$0x1D000] =	vst v63  }
0x179: {  	_ =	swait.ge [sflag:s26], $0x4000  }
0x17a: {  	[sflag:s26] =	ssyncset.done $0x0  }
0x17b: {  	[sflag:s26] =	ssyncadd.s32 $0xFFFFC000  }
0x17c: {  	[spmem:s2] =	stream.indirect.scatter.add.f32 [tilespmem:s23], [sflag:$0x4], $0x80, s11, s22, $0xb8;
	[tilespmem:$0x1D000] =	vst v63  }
0x17d: {  	_ =	swait.ge [sflag:s25], $0x4000  }
0x17e: {  	[sflag:s25] =	ssyncset.done $0x0  }
0x17f: {  	p0 =	sne.s32 s13, $0x400;
	[sflag:s25] =	ssyncadd.s32 $0xFFFFC000  }
.Ltmp1:
0x180: {  	_ =	swait.ge [sflag:s28], $0x4000;
	(pc) =	sbr.rel @p0 .LBB2_4-.Ltmp1, $4  }
0x181: {  	s9 =	rddreg [dreg:$0x5]  }
0x182: {  	s13 =	sadd.s32 $0x100, s13;
	s15 =	rddreg [dreg:$0x4];
	[sflag:s28] =	ssyncset.done $0x0  }
0x183: {  	[sflag:s28] =	ssyncadd.s32 $0xFFFFC000;
	s9 =	sadd.s32 s14, s9;
	s14 =	sadd.s32 s14, s15  }
0x184: {  	[tilespmem:s17], [sflag:$0x6] =	stream.linear.gather [hbm4b:s9+s4], $0x400, $0x38;
	[tilespmem:$0x1D000] =	vst v63  }
0x185: {  	[tilespmem:s18], [sflag:$0x6] =	stream.linear.gather [hbm4b:s14+s4], $0x400, $0x38;
	[tilespmem:$0x1D000] =	vst v63  }
0x186: {  	_ =	swait.ge [sflag:s21], $0x400  }
0x187: {  	[sflag:s21] =	ssyncset.done $0x0  }
0x188: {  	[sflag:s21] =	ssyncadd.s32 $0xFFFFFC00  }
0x189: {  	_ =	swait.ge [sflag:s21], $0x400  }
0x18a: {  	[sflag:s21] =	ssyncset.done $0x0  }
0x18b: {  	[sflag:s21] =	ssyncadd.s32 $0xFFFFFC00  }
0x18c: {  	_ =	swait.ge [sflag:s29], $0x400  }
0x18d: {  	[sflag:s29] =	ssyncset.done $0x0  }
0x18e: {  	[sflag:s29] =	ssyncadd.s32 $0xFFFFFC00  }
0x18f: {  	_ =	swait.ge [sflag:s29], $0x400  }
0x190: {  	[sflag:s29] =	ssyncset.done $0x0  }
0x191: {  	[sflag:s29] =	ssyncadd.s32 $0xFFFFFC00  }
0x192: {  	s9 =	stileid.u32;
	[bflag:$0x0] =	sbarrier.arrive $0xFFFF  }
0x193: {  	s9 =	sshll.u32 s9, $0x6;
	s15 =	rddreg [dreg:$0x1d]  }
0x194: {  	s9 =	sor.u32 $0x1C07, s9;
	s14 =	rddreg [dreg:$0x1e];
	s13 =	sshrl.u32 s15, $0x3  }
0x195: {  	[hbm:s14], [sflag:s9] =	dma.local [spmem:s13], $0x2800  }
0x196: {  	_ =	swait.ge [sflag:s20], $0x2800  }
0x197: {  	s12 =	sadd.s32 $0x1, s12;
	s14 =	rddreg [dreg:$0x1f]  }
0x198: {  	p0 =	sne.s32 s12, s14  }
.Ltmp2:
0x199: {  	_ = 	snop;
	(pc) =	sbr.rel @p0 .LBB2_1-.Ltmp2, $3  }
0x19a: {  	_ =	sdelay $0x1  }
0x19b: {  	[sflag:s20] =	ssyncset.done $0x0  }
0x19c: {  	[sflag:s20] =	ssyncadd.s32 $0xFFFFD800  }
0x19d: {  	_ =	sfence.sel $0x180000  }
0x19e: {  	[bflag:$0x0] =	sbarrier.arrive $0xFFFF  }
0x19f: {  	_ =	strace $0x9000004A  }
0x1a0: {  	s0 =	stileid.u32;
	[bflag:$0x2] =	sbarrier.arrive $0xFFFF  }
0x1a1: {  	p0 =	sne.s32 s0, $0x0;
	s0 =	rddreg [dreg:$0x3]  }
0x1a2: {  	s0 =	sadd.s32 @!p0 $0x100000, s0  }
0x1a3: {  	[sflag:s0] =	ssyncadd.tile.s32 @!p0 $0x1;
	_ =	shalt  }
.Lfunc_end2:
_tile_overlayer_lowered:
.L_overlay_start_2:
0x1a4: {  	(tag) =	ssettag $0x2  }
0x1a5: {  	s0 =	rddreg [dreg:$0x0];
	s2 =	stileid.u32  }
0x1a6: {  	s1 =	rddreg [dreg:$0x1];
	p0 =	sne.s32 s2, $0x0  }
0x1a7: {  	s3 =	rddreg [dreg:$0x2];
	[bflag:$0x3] =	sbarrier.arrive $0xFFFF;
	s2 =	simm.s32 @!p0 $0x1C07  }
0x1a8: {  	[timem:s3], [sflag:s2] =	dma.local @!p0 [hbm:s0], s1  }
0x1a9: {  	s0 =	simm.s32 @!p0 $0x7  }
0x1aa: {  	_ =	swait.ge @!p0 [sflag:s0], s1  }
0x1ab: {  	s1 =	ssub.s32 @!p0 $0x0, s1;
	[sflag:s0] =	ssyncset.done @!p0 $0x0  }
0x1ac: {  	[sflag:s0] =	ssyncadd.s32 @!p0 s1  }
0x1ad: {  	[bflag:$0x3] =	sbarrier.arrive $0xFFFF  }
0x1ae: {  	_ =	shalt  }

// kernel: kernel.15.cloned.1.call-start
scs
__scs_entry_jumppad:
0x0: {  	(pc) =	sbr.rel $0x88, $3  }
0x1: {  	(tag) =	ssettag $0x0;
	lr =	simm.s32 $0x1  }
0x2: {  	[smem:$0x3F9B] =	sst lr;
	_ =	strace $0xD0000000  }
0x3: {  	_ = 	snop  }
0x4: {  	_ = 	snop  }
0x5: {  	_ = 	snop  }
0x6: {  	_ = 	snop  }
0x7: {  	_ = 	snop  }
__scs_overlays_trampoline_lowered:
0x8: {  	[smem:$0x3FAA] =	sst s0  }
0x9: {  	[smem:$0x3FAB] =	sst s1  }
0xa: {  	[smem:$0x3FAC] =	sst s2  }
0xb: {  	[smem:$0x3FAD] =	sst s3  }
0xc: {  	[smem:$0x3FAE] =	sst s4  }
0xd: {  	[smem:$0x3FAF] =	sst s5  }
0xe: {  	[smem:$0x3FB0] =	sst s6  }
0xf: {  	[smem:$0x3FB1] =	sst s7  }
0x10: {  	[smem:$0x3FB2] =	sst s8  }
0x11: {  	[smem:$0x3FB3] =	sst s9;
	s0 =	simm.s32 @!p0 $0x0  }
0x12: {  	s1 =	sld [smem:$0x3F99];
	s0 =	simm.s32 @p0 $0x1  }
0x13: {  	[smem:$0x3FB4] =	sst s0;
	s0 =	simm.s32 @!p1 $0x0  }
0x14: {  	s2 =	sld [smem:$0x3F98];
	s0 =	simm.s32 @p1 $0x1  }
0x15: {  	[smem:$0x3FB5] =	sst s0;
	s0 =	simm.s32 @!p2 $0x0  }
0x16: {  	s3 =	sld [smem:$0x3FDB];
	s0 =	simm.s32 @p2 $0x1  }
0x17: {  	s4 =	simm.s32 $0x1BF5;
	[smem:$0x3FB7] =	sst s0  }
0x18: {  	s0 =	sld [smem:$0x3F9A];
	_ =	swait.ge [sflag:s4], $0x0  }
0x19: {  	s7 =	sld [smem:$0x3F9B]  }
0x1a: {  	s8 =	sadd.s32 $0xFFFFE003, lr  }
0x1b: {  	s9 =	sadd.s32 $0xFFFFFEF7, lr;
	s5 =	simm.s32 $0xFFFFFFFF;
	p2 =	slt.u32 s8, $0xFFFFF086  }
0x1c: {  	p1 =	slt.u32 s9, $0xF7A;
	s5 =	simm.s32 @!p2 $0x0  }
0x1d: {  	s5 =	simm.s32 @p1 $0x1;
	p0 =	seq.s32 s7, s2  }
0x1e: {  	s7 =	smul.u32 @!p0 $0xF7A, s2;
	p2 =	seq.s32 @!p0 s5, $0x0  }
0x1f: {  	s9 =	smul.u32 $0xF7A, s1;
	s8 =	simm.s32 @!p0 $0x1BF5;
	p2 =	por !p2, p0  }
0x20: {  	[sflag:s8] =	ssyncset.s32 @!p0 $0xFFFFF086;
	s6 =	sadd.s32 @!p0 s3, s7;
	s7 =	simm.s32 @!p0 $0x108  }
0x21: {  	s3 =	sadd.s32 s3, s9;
	s6 =	sadd.s32 @!p0 $0x88, s6;
	s7 =	simm.s32 @p2 $0x1082  }
0x22: {  	[simem:s7], [sflag:s8] =	dma.local @!p0 [hbm:s6], $0xF7A  }
0x23: {  	s9 =	sor.u32 $0xD0000000, s2;
	s6 =	simm.s32 $0x108;
	_ =	swait.ge @!p0 [sflag:s8], $0x0  }
0x24: {  	s3 =	sadd.s32 $0x88, s3;
	s6 =	simm.s32 @!p1 $0x1082;
	[sflag:s4] =	ssyncset.s32 $0xFFFFF086  }
0x25: {  	[simem:s6], [sflag:s4] =	dma.local [hbm:s3], $0xF7A  }
0x26: {  	[smem:$0x3F9B] =	sst s1;
	(tag) =	ssettag s2;
	_ =	strace s9  }
0x27: {  	s1 =	sld [smem:$0x3FAB]  }
0x28: {  	s2 =	sld [smem:$0x3FAC]  }
0x29: {  	s4 =	sld [smem:$0x3FAE]  }
0x2a: {  	p0 =	seq.s32 s5, $0x0;
	s5 =	sld [smem:$0x3FAF]  }
0x2b: {  	s6 =	sld [smem:$0x3FB0]  }
0x2c: {  	s7 =	sld [smem:$0x3FB1]  }
0x2d: {  	s3 =	simm.s32 $0x108;
	s8 =	sld [smem:$0x3FB2]  }
0x2e: {  	s3 =	simm.s32 @!p0 $0x1082;
	s9 =	sld [smem:$0x3FB3]  }
0x2f: {  	lr =	sadd.s32 s0, s3;
	s0 =	sld [smem:$0x3FAA]  }
0x30: {  	s3 =	sld [smem:$0x3FAD]  }
0x31: {  	[smem:$0x3FB6] =	sst s10  }
0x32: {  	s10 =	sld [smem:$0x3FB4];
	_ =	sdelay $0x3  }
0x33: {  	p0 =	seq.s32 s10, $0x1;
	s10 =	sld [smem:$0x3FB6];
	_ =	sdelay $0x3  }
0x34: {  	[smem:$0x3FB6] =	sst s10  }
0x35: {  	s10 =	sld [smem:$0x3FB5];
	_ =	sdelay $0x3  }
0x36: {  	p1 =	seq.s32 s10, $0x1;
	s10 =	sld [smem:$0x3FB6];
	_ =	sdelay $0x3  }
0x37: {  	[smem:$0x3FB6] =	sst s10  }
0x38: {  	s10 =	sld [smem:$0x3FB7]  }
0x39: {  	_ = 	snop;
	(pc) =	sbr.ind lr, $3  }
0x3a: {  	_ = 	snop  }
0x3b: {  	_ = 	snop  }
0x3c: {  	p2 =	seq.s32 s10, $0x1;
	s10 =	sld [smem:$0x3FB6]  }
0x3d: {  	_ =	shalt  }
0x3e: {  	_ =	shalt  }
0x3f: {  	_ =	shalt  }
0x40: {  	_ =	shalt  }
0x41: {  	_ =	shalt  }
0x42: {  	_ =	shalt  }
0x43: {  	_ =	shalt  }
0x44: {  	_ =	shalt  }
0x45: {  	_ =	shalt  }
0x46: {  	_ =	shalt  }
0x47: {  	_ =	shalt  }
0x48: {  	_ =	shalt  }
0x49: {  	_ =	shalt  }
0x4a: {  	_ =	shalt  }
0x4b: {  	_ =	shalt  }
0x4c: {  	_ =	shalt  }
0x4d: {  	_ =	shalt  }
0x4e: {  	_ =	shalt  }
0x4f: {  	_ =	shalt  }
0x50: {  	_ =	shalt  }
0x51: {  	_ =	shalt  }
0x52: {  	_ =	shalt  }
0x53: {  	_ =	shalt  }
0x54: {  	_ =	shalt  }
0x55: {  	_ =	shalt  }
0x56: {  	_ =	shalt  }
0x57: {  	_ =	shalt  }
0x58: {  	_ =	shalt  }
0x59: {  	_ =	shalt  }
0x5a: {  	_ =	shalt  }
0x5b: {  	_ =	shalt  }
0x5c: {  	_ =	shalt  }
0x5d: {  	_ =	shalt  }
0x5e: {  	_ =	shalt  }
0x5f: {  	_ =	shalt  }
0x60: {  	_ =	shalt  }
0x61: {  	_ =	shalt  }
0x62: {  	_ =	shalt  }
0x63: {  	_ =	shalt  }
0x64: {  	_ =	shalt  }
0x65: {  	_ =	shalt  }
0x66: {  	_ =	shalt  }
0x67: {  	_ =	shalt  }
0x68: {  	_ =	shalt  }
0x69: {  	_ =	shalt  }
0x6a: {  	_ =	shalt  }
0x6b: {  	_ =	shalt  }
0x6c: {  	_ =	shalt  }
0x6d: {  	_ =	shalt  }
0x6e: {  	_ =	shalt  }
0x6f: {  	_ =	shalt  }
0x70: {  	_ =	shalt  }
0x71: {  	_ =	shalt  }
0x72: {  	_ =	shalt  }
0x73: {  	_ =	shalt  }
0x74: {  	_ =	shalt  }
0x75: {  	_ =	shalt  }
0x76: {  	_ =	shalt  }
0x77: {  	_ =	shalt  }
0x78: {  	_ =	shalt  }
0x79: {  	_ =	shalt  }
0x7a: {  	_ =	shalt  }
0x7b: {  	_ =	shalt  }
0x7c: {  	_ =	shalt  }
0x7d: {  	_ =	shalt  }
0x7e: {  	_ =	shalt  }
0x7f: {  	_ =	shalt  }
0x80: {  	_ =	shalt  }
0x81: {  	_ =	shalt  }
0x82: {  	_ =	shalt  }
0x83: {  	_ =	shalt  }
0x84: {  	_ =	shalt  }
0x85: {  	_ =	shalt  }
0x86: {  	_ =	shalt  }
0x87: {  	_ =	shalt  }
.Lfunc_end0:
.L_simem_size_0:
called_computation.2_lowered:
.L_overlay_start_0:
0x88: {  	s2 =	sld [smem:$0x3FD9]  }
0x89: {  	s3 =	sld [smem:$0x3FFE];
	_ =	sdelay $0x1  }
0x8a: {  	s1 =	srdreg.scid  }
0x8b: {  	s0 =	sand.u32 $0x1, s1  }
0x8c: {  	s17 =	sshll.u32 s0, $0xA;
	s2 =	sadd.s32 s3, s2  }
0x8d: {  	s2 =	sadd.s32 s2, s17  }
0x8e: {  	[smem:$0x3FC2] =	sst s2  }
0x8f: {  	_ = 	snop  }
0x90: {  	s2 =	sld [smem:$0x3FD0];
	(tm) =	ssettm $0x1  }
0x91: {  	s18 =	sld [smem:$0x3FFB];
	_ =	sdelay $0x3  }
0x92: {  	_ =	strace s18  }
0x93: {  	s3 =	sld [smem:$0x3FFC];
	_ =	sdelay $0x3  }
0x94: {  	_ =	strace s3  }
0x95: {  	s3 =	sld [smem:$0x3FFD];
	_ =	sdelay $0x3  }
0x96: {  	_ =	strace s3  }
0x97: {  	_ =	strace $0x8FFFFFFF  }
0x98: {  	s19 =	sld [smem:$0x3FDB];
	_ =	sdelay $0x1  }
0x99: {  	s4 =	simm.s32 $_scs_section_size  }
0x9a: {  	s5 =	simm.s32 $_size__tile_overlayer_lowered;
	s6 =	simm.s32 $_tile_overlayer_lowered  }
0x9b: {  	s22 =	simm.s32 $0x1BFF;
	s21 =	sshll.u32 s6, $0x1;
	s3 =	sadd.s32 s4, s19  }
0x9c: {  	s7 =	simm.s32 $0x0;
	s20 =	sshll.u32 s5, $0x1;
	s5 =	sadd.s32 s21, s3  }
0x9d: {  	[timem:s7], [sflag:s22] =	dma.local [hbm:s5], s20  }
0x9e: {  	_ =	swait.ge [sflag:s22], s20  }
0x9f: {  	s4 =	ssub.s32 $0x0, s20;
	[sflag:s22] =	ssyncset.done $0x0  }
0xa0: {  	[sflag:s22] =	ssyncadd.s32 s4;
	_ =	sdelay $0x1  }
0xa1: {  	s23 =	simm.s32 $0x1B8B  }
0xa2: {  	_ =	swait.ge [sflag:s23], $0x1  }
0xa3: {  	[sflag:s23] =	ssyncset.done $0x0  }
0xa4: {  	s25 =	simm.s32 $0x1B8E;
	s24 =	sld [smem:$0x3FFE];
	[sflag:s23] =	ssyncadd.s32 $0xFFFFFFFF  }
0xa5: {  	s26 =	simm.s32 $execute0_lowered;
	[smem:$0x3FD2] =	sst s25  }
0xa6: {  	s5 =	sshll.u32 s26, $0x1;
	_ =	strace $0x8000004C;
	[dreg:$0x1] =	wrdreg $0xFFFFFFFF  }
0xa7: {  	s28 =	simm.s32 $_size_execute0_lowered;
	s3 =	sadd.s32 s3, s5;
	[dreg:$0x0] =	wrdreg $0x0  }
0xa8: {  	s5 =	sshll.u32 s28, $0x1;
	[dreg:$0x2] =	wrdreg s3  }
0xa9: {  	[dreg:$0x3] =	wrdreg s5  }
0xaa: {  	[dreg:$0x4] =	wrdreg $0xC0  }
0xab: {  	_ =	task [dreg:s7], $0x5FFFF  }
0xac: {  	[dreg:$0x1] =	wrdreg $0xFFFFFFFF  }
0xad: {  	[dreg:$0x0] =	wrdreg $0x60  }
0xae: {  	[dreg:$0x2] =	wrdreg s2  }
0xaf: {  	[dreg:$0x3] =	wrdreg s24  }
0xb0: {  	[dreg:$0x4] =	wrdreg $0x90000  }
0xb1: {  	[dreg:$0x5] =	wrdreg $0x9  }
0xb2: {  	_ =	task.clear_ibuf [dreg:s7], $0x6FFFF;
	_ =	strace $0x9000004C  }
0xb3: {  	s29 =	simm.s32 $0x9;
	_ =	strace $0x8000004E  }
0xb4: {  	_ =	swait.ge [sflag:s29], $0x1  }
0xb5: {  	[sflag:s29] =	ssyncadd.s32 $0xFFFFFFFF  }
0xb6: {  	_ =	strace $0x9000004E  }
0xb7: {  	_ =	sfence  }
0xb8: {  	s30 =	sld [smem:$0x0];
	_ =	sdelay $0x2  }
0xb9: {  	s31 =	sshll.u32 s1, $0xD;
	s1 =	sshrl.u32 s1, $0x2  }
0xba: {  	s3 =	sand.u32 $0x4000, s31;
	s1 =	sadd.s32 s1, s30  }
0xbb: {  	s0 =	sor.u32 s3, s0;
	s1 =	sshll.u32 s1, $0x11  }
0xbc: {  	s0 =	sor.u32 s1, s0  }
0xbd: {  	s0 =	sadd.s32 $0x8F2B, s0  }
0xbe: {  	[sflag:s0] =	ssyncadd.remote.s32 $0x1  }
0xbf: {  	_ =	sfence.sel $0xFFFF  }
0xc0: {  	[dreg:$0x0] =	wrdreg $0xFFFFFFFF;
	(pc) =	sbr.abs _section_cstart, $3  }
0xc1: {  	[dreg:$0x1] =	wrdreg $0xFFFFFFFF  }
0xc2: {  	_ =	task.clear_ibuf [dreg:s7], $0x2FFFF;
	_ =	strace $0x9FFFFFFF  }
0xc3: {  	(tm) =	ssettm $0x7FFFFFFF  }
tec
execute0_lowered:
.L_overlay_start_1:
0x0: {  	(tag) =	ssettag $0x1  }
0x1: {  	s1 =	rddreg [dreg:$0x0]  }
0x2: {  	s0 =	rddreg [dreg:$0x1]  }
0x3: {  	s2 =	rddreg [dreg:$0x2];
	s4 =	simm.s32 $0x0;
	s11 =	stileid.u32  }
0x4: {  	s3 =	srdreg.scid;
	s24 =	simm.s32 $0x100;
	s6 =	smul.u32 $0x14000, s11  }
0x5: {  	s25 =	simm.s32 $0x480;
	s12 =	simm.s32 $0x280;
	s14 =	smul.u32 $0x3000, s11  }
0x6: {  	[smem:$0x7FF] =	sst s4;
	s3 =	sand.u32 $0x1, s3;
	s23 =	smul.u32 $0x50000, s11  }
0x7: {  	s7 =	sadd.s32 $0x5E200, s0;
	s10 =	sadd.s32 $0x2200, s0;
	s5 =	smul.u32 $0x140000, s3  }
0x8: {  	_ =	strace $0x8000004D;
	s8 =	sshll.u32 s3, $0x4;
	[dreg:$0x8] =	wrdreg s24  }
0x9: {  	s9 =	smul.u32 $0x30000, s3;
	s3 =	ssub.s32 $0x2, s3;
	[dreg:$0x9] =	wrdreg s25  }
0xa: {  	[dreg:$0xe] =	wrdreg s12;
	s24 =	simm.s32 $0x900;
	s25 =	simm.s32 $0xC80  }
0xb: {  	s13 =	sor.u32 s11, s8;
	s16 =	sshrl.u32 s3, $0x1;
	[dreg:$0x16] =	wrdreg s24  }
0xc: {  	s26 =	sshrl.u32 s23, $0x2;
	s23 =	simm.s32 $0x880;
	[dreg:$0x17] =	wrdreg s25  }
0xd: {  	s5 =	sadd.s32 s6, s5;
	s6 =	smul.u32 $0x3000, s13;
	s15 =	sadd.s32 s14, s9  }
0xe: {  	s3 =	ssub.s32 s3, s16;
	s14 =	simm.s32 $0x600;
	[dreg:$0x15] =	wrdreg s23  }
0xf: {  	s5 =	sshrl.u32 s5, $0x3;
	s9 =	sor.u32 $0xC00, s15;
	s3 =	smax.u32 s3, $0x1  }
0x10: {  	[dreg:$0xf] =	wrdreg s14;
	s0 =	sadd.s32 s5, s0;
	s18 =	sshrl.u32 s9, $0x3  }
0x11: {  	s5 =	sor.u32 $0x800, s15;
	s9 =	simm.s32 $0x200;
	[dreg:$0x1f] =	wrdreg s3  }
0x12: {  	s15 =	sadd.s32 s26, s2;
	s26 =	simm.s32 $0x980;
	[dreg:$0xc] =	wrdreg s9  }
0x13: {  	s6 =	sshrl.u32 s6, $0x3;
	[dreg:$0x18] =	wrdreg s26  }
0x14: {  	s17 =	sadd.s32 s7, s6;
	[dreg:$0x1d] =	wrdreg s15  }
0x15: {  	s19 =	sadd.s32 s10, s6;
	[dreg:$0x19] =	wrdreg s17  }
0x16: {  	s20 =	sadd.s32 s18, s10;
	[dreg:$0x1a] =	wrdreg s19  }
0x17: {  	s28 =	simm.s32 $0x4;
	s8 =	sadd.s32 s18, s7;
	[dreg:$0x4] =	wrdreg s20  }
0x18: {  	s29 =	simm.s32 $0x6;
	s0 =	sadd.s32 $0x6A200, s0;
	[dreg:$0x5] =	wrdreg s8  }
0x19: {  	s30 =	simm.s32 $0xD00;
	s11 =	sadd.s32 $0x4000, s15;
	[dreg:$0x1e] =	wrdreg s0  }
0x1a: {  	s31 =	simm.s32 $0xA00;
	s13 =	sadd.s32 $0x8000, s15;
	[smem:$0x7FA] =	sst s11  }
0x1b: {  	s12 =	simm.s32 $0x0;
	s16 =	sadd.s32 $0xC000, s15;
	[smem:$0x7FB] =	sst s13  }
0x1c: {  	s6 =	sor.u32 $0x80, s6;
	s18 =	sadd.s32 $0x10000, s15;
	[smem:$0x7FC] =	sst s16  }
0x1d: {  	s5 =	sshrl.u32 s5, $0x3;
	s22 =	sadd.s32 s7, s6;
	[smem:$0x7FD] =	sst s18  }
0x1e: {  	s24 =	simm.s32 $0x1;
	s21 =	sadd.s32 s5, s10;
	[dreg:$0x1b] =	wrdreg s22  }
0x1f: {  	s25 =	simm.s32 $0x3;
	s5 =	sadd.s32 s5, s7;
	[dreg:$0x6] =	wrdreg s21  }
0x20: {  	s23 =	simm.s32 $0x5000;
	s6 =	sadd.s32 s10, s6;
	[dreg:$0x7] =	wrdreg s5  }
0x21: {  	s3 =	simm.s32 $0xA80;
	s7 =	simm.s32 $0x180;
	[dreg:$0x1c] =	wrdreg s6  }
0x22: {  	s26 =	simm.s32 $0x2;
	s8 =	simm.s32 $0x500;
	[dreg:$0xa] =	wrdreg s7  }
0x23: {  	s10 =	simm.s32 $0x580;
	s17 =	simm.s32 $0x300;
	[dreg:$0xb] =	wrdreg s8  }
0x24: {  	s19 =	simm.s32 $0x680;
	s16 =	simm.s32 $0x400;
	[dreg:$0xd] =	wrdreg s10  }
0x25: {  	s20 =	simm.s32 $0x380;
	s18 =	simm.s32 $0xC00;
	[dreg:$0x10] =	wrdreg s17  }
0x26: {  	s0 =	simm.s32 $0xD80;
	s11 =	simm.s32 $0xF80;
	[dreg:$0x11] =	wrdreg s19  }
0x27: {  	s17 =	simm.s32 $0x800;
	[dreg:$0x12] =	wrdreg s20;
	s21 =	simm.s32 $0x700  }
0x28: {  	s22 =	simm.s32 $0x780;
	s19 =	simm.s32 $0x1000;
	s20 =	simm.s32 $0x7  }
0x29: {  	s5 =	simm.s32 $0xE00;
	s6 =	simm.s32 $0xB00;
	s7 =	simm.s32 $0xE80  }
0x2a: {  	s8 =	simm.s32 $0xB80;
	s10 =	simm.s32 $0xF00;
	[dreg:$0x13] =	wrdreg s21  }
0x2b: {  	v0 =	vimm.f32 $0.0e+00;
	[dreg:$0x14] =	wrdreg s22;
	s21 =	simm.s32 $0x5;
	s22 =	simm.s32 $0x80  }
.LBB2_1:
0x2c: {  	s9 =	rddreg [dreg:$0x19]  }
0x2d: {  	[tilespmem:s4], [sflag:$0x5] =	stream.linear.gather [hbm4b:s9+s4], $0x400, $0x38;
	[tilespmem:$0x1D000] =	vst v63  }
0x2e: {  	s14 =	rddreg [dreg:$0x1a]  }
0x2f: {  	[tilespmem:s16], [sflag:$0x5] =	stream.linear.gather [hbm4b:s14+s4], $0x400, $0x38;
	[tilespmem:$0x1D000] =	vst v63  }
0x30: {  	s13 =	rddreg [dreg:$0x1b]  }
0x31: {  	[tilespmem:s17], [sflag:$0x6] =	stream.linear.gather [hbm4b:s13+s4], $0x400, $0x38;
	[tilespmem:$0x1D000] =	vst v63  }
0x32: {  	s14 =	rddreg [dreg:$0x1c]  }
0x33: {  	[tilespmem:s18], [sflag:$0x6] =	stream.linear.gather [hbm4b:s14+s4], $0x400, $0x38;
	[tilespmem:$0x1D000] =	vst v63  }
0x34: {  	s13 =	simm.s32 $0x0;
	s14 =	simm.s32 $0x200  }
.LBB2_2:
0x35: {  	p0 =	sne.s32 s14, $0xFE00;
	[tilespmem:s13+$0x1070] =	vst v0  }
0x36: {  	[tilespmem:s13+$0x1000] =	vst v0  }
0x37: {  	[tilespmem:s13+$0x1010] =	vst v0  }
.Ltmp0:
0x38: {  	[tilespmem:s13+$0x1020] =	vst v0;
	(pc) =	sbr.rel @p0 .LBB2_2-.Ltmp0, $4  }
0x39: {  	[tilespmem:s13+$0x1030] =	vst v0  }
0x3a: {  	[tilespmem:s13+$0x1040] =	vst v0  }
0x3b: {  	[tilespmem:s13+$0x1050] =	vst v0  }
0x3c: {  	[tilespmem:s13+$0x1060] =	vst v0;
	s13 =	sshra.s32 s14, $0x2;
	s14 =	sadd.s32 $0x200, s14  }
0x3d: {  	[tilespmem:s13+$0x1070] =	vst v0  }
0x3e: {  	[tilespmem:s13+$0x1000] =	vst v0  }
0x3f: {  	[tilespmem:s13+$0x1010] =	vst v0  }
0x40: {  	[tilespmem:s13+$0x1020] =	vst v0  }
0x41: {  	[tilespmem:s13+$0x1030] =	vst v0  }
0x42: {  	[tilespmem:s13+$0x1040] =	vst v0  }
0x43: {  	[tilespmem:s13+$0x1050] =	vst v0  }
0x44: {  	[tilespmem:s13+$0x1060] =	vst v0  }
0x45: {  	[spmem:s15] =	stream.linear.scatter [tilespmem:s19], [sflag:$0x7], $0x4000, $0x38;
	[tilespmem:$0x1D000] =	vst v63  }
0x46: {  	_ =	swait.ge [sflag:s20], $0x4000  }
0x47: {  	s9 =	sld [smem:$0x7FA]  }
0x48: {  	[sflag:s20] =	ssyncset.done $0x0  }
0x49: {  	[sflag:s20] =	ssyncadd.s32 $0xFFFFC000  }
0x4a: {  	[spmem:s9] =	stream.linear.scatter [tilespmem:s19], [sflag:$0x7], $0x4000, $0x38;
	[tilespmem:$0x1D000] =	vst v63  }
0x4b: {  	_ =	swait.ge [sflag:s20], $0x4000  }
0x4c: {  	s15 =	sld [smem:$0x7FB]  }
0x4d: {  	[sflag:s20] =	ssyncset.done $0x0  }
0x4e: {  	[sflag:s20] =	ssyncadd.s32 $0xFFFFC000  }
0x4f: {  	[spmem:s15] =	stream.linear.scatter [tilespmem:s19], [sflag:$0x7], $0x4000, $0x38;
	[tilespmem:$0x1D000] =	vst v63  }
0x50: {  	_ =	swait.ge [sflag:s20], $0x4000  }
0x51: {  	s13 =	sld [smem:$0x7FC]  }
0x52: {  	[sflag:s20] =	ssyncset.done $0x0  }
0x53: {  	[sflag:s20] =	ssyncadd.s32 $0xFFFFC000  }
0x54: {  	[spmem:s13] =	stream.linear.scatter [tilespmem:s19], [sflag:$0x7], $0x4000, $0x38;
	[tilespmem:$0x1D000] =	vst v63  }
0x55: {  	_ =	swait.ge [sflag:s20], $0x4000  }
0x56: {  	s14 =	sld [smem:$0x7FD]  }
0x57: {  	[sflag:s20] =	ssyncset.done $0x0  }
0x58: {  	[sflag:s20] =	ssyncadd.s32 $0xFFFFC000  }
0x59: {  	[spmem:s14] =	stream.linear.scatter [tilespmem:s19], [sflag:$0x7], $0x4000, $0x38;
	[tilespmem:$0x1D000] =	vst v63  }
0x5a: {  	_ =	swait.ge [sflag:s20], $0x4000  }
0x5b: {  	[sflag:s20] =	ssyncset.done $0x0  }
0x5c: {  	[sflag:s20] =	ssyncadd.s32 $0xFFFFC000  }
0x5d: {  	[bflag:$0x0] =	sbarrier.arrive $0xFFFF  }
0x5e: {  	_ =	swait.ge [sflag:s21], $0x400  }
0x5f: {  	[sflag:s21] =	ssyncset.done $0x0  }
0x60: {  	[sflag:s21] =	ssyncadd.s32 $0xFFFFFC00  }
0x61: {  	_ =	swait.ge [sflag:s21], $0x400  }
0x62: {  	[sflag:s21] =	ssyncset.done $0x0  }
0x63: {  	[sflag:s21] =	ssyncadd.s32 $0xFFFFFC00  }
0x64: {  	[tilespmem:s19], [sflag:$0x1] =	stream.indirect.gather [hbm4b:s1+s22], $0x80, s4, s22, $0xb8;
	[tilespmem:$0x1D000] =	vst v63  }
0x65: {  	_ = 	snop  }
0x66: {  	[tilespmem:s23], [sflag:$0x2] =	stream.indirect.gather [hbm4b:s1+s22], $0x80, s22, s22, $0xb8;
	[tilespmem:$0x1D000] =	vst v63  }
0x67: {  	_ =	swait.ge [sflag:s24], $0x4000  }
0x68: {  	[sflag:s24] =	ssyncset.done $0x0  }
0x69: {  	[sflag:s24] =	ssyncadd.s32 $0xFFFFC000  }
0x6a: {  	[spmem:s2] =	stream.indirect.scatter.add.f32 [tilespmem:s19], [sflag:$0x3], $0x80, s16, s22, $0xb8;
	[tilespmem:$0x1D000] =	vst v63  }
0x6b: {  	_ =	swait.ge [sflag:s25], $0x4000  }
0x6c: {  	[sflag:s25] =	ssyncset.done $0x0  }
0x6d: {  	s15 =	rddreg [dreg:$0x8];
	[sflag:s25] =	ssyncadd.s32 $0xFFFFC000  }
0x6e: {  	[tilespmem:s19], [sflag:$0x1] =	stream.indirect.gather [hbm4b:s1+s22], $0x80, s15, s22, $0xb8;
	[tilespmem:$0x1D000] =	vst v63  }
0x6f: {  	_ =	swait.ge [sflag:s26], $0x4000  }
0x70: {  	[sflag:s26] =	ssyncset.done $0x0  }
0x71: {  	s9 =	rddreg [dreg:$0x9];
	[sflag:s26] =	ssyncadd.s32 $0xFFFFC000  }
0x72: {  	[spmem:s2] =	stream.indirect.scatter.add.f32 [tilespmem:s23], [sflag:$0x4], $0x80, s9, s22, $0xb8;
	[tilespmem:$0x1D000] =	vst v63  }
0x73: {  	_ =	swait.ge [sflag:s28], $0x4000  }
0x74: {  	[sflag:s28] =	ssyncset.done $0x0  }
0x75: {  	s14 =	rddreg [dreg:$0xa];
	[sflag:s28] =	ssyncadd.s32 $0xFFFFC000  }
0x76: {  	[tilespmem:s23], [sflag:$0x2] =	stream.indirect.gather [hbm4b:s1+s22], $0x80, s14, s22, $0xb8;
	[tilespmem:$0x1D000] =	vst v63  }
0x77: {  	_ =	swait.ge [sflag:s24], $0x4000  }
0x78: {  	[sflag:s24] =	ssyncset.done $0x0  }
0x79: {  	s15 =	rddreg [dreg:$0xb];
	[sflag:s24] =	ssyncadd.s32 $0xFFFFC000  }
0x7a: {  	[spmem:s2] =	stream.indirect.scatter.add.f32 [tilespmem:s19], [sflag:$0x3], $0x80, s15, s22, $0xb8;
	[tilespmem:$0x1D000] =	vst v63  }
0x7b: {  	_ =	swait.ge [sflag:s25], $0x4000  }
0x7c: {  	[sflag:s25] =	ssyncset.done $0x0  }
0x7d: {  	s9 =	rddreg [dreg:$0xc];
	[sflag:s25] =	ssyncadd.s32 $0xFFFFC000  }
0x7e: {  	[tilespmem:s19], [sflag:$0x1] =	stream.indirect.gather [hbm4b:s1+s22], $0x80, s9, s22, $0xb8;
	[tilespmem:$0x1D000] =	vst v63  }
0x7f: {  	_ =	swait.ge [sflag:s26], $0x4000  }
0x80: {  	[sflag:s26] =	ssyncset.done $0x0  }
0x81: {  	s14 =	rddreg [dreg:$0xd];
	[sflag:s26] =	ssyncadd.s32 $0xFFFFC000  }
0x82: {  	[spmem:s2] =	stream.indirect.scatter.add.f32 [tilespmem:s23], [sflag:$0x4], $0x80, s14, s22, $0xb8;
	[tilespmem:$0x1D000] =	vst v63  }
0x83: {  	_ =	swait.ge [sflag:s28], $0x4000  }
0x84: {  	[sflag:s28] =	ssyncset.done $0x0  }
0x85: {  	s15 =	rddreg [dreg:$0xe];
	[sflag:s28] =	ssyncadd.s32 $0xFFFFC000  }
0x86: {  	[tilespmem:s23], [sflag:$0x2] =	stream.indirect.gather [hbm4b:s1+s22], $0x80, s15, s22, $0xb8;
	[tilespmem:$0x1D000] =	vst v63  }
0x87: {  	_ =	swait.ge [sflag:s24], $0x4000  }
0x88: {  	[sflag:s24] =	ssyncset.done $0x0  }
0x89: {  	s9 =	rddreg [dreg:$0xf];
	[sflag:s24] =	ssyncadd.s32 $0xFFFFC000  }
0x8a: {  	[spmem:s2] =	stream.indirect.scatter.add.f32 [tilespmem:s19], [sflag:$0x3], $0x80, s9, s22, $0xb8;
	[tilespmem:$0x1D000] =	vst v63  }
0x8b: {  	_ =	swait.ge [sflag:s25], $0x4000  }
0x8c: {  	[sflag:s25] =	ssyncset.done $0x0  }
0x8d: {  	s14 =	rddreg [dreg:$0x10];
	[sflag:s25] =	ssyncadd.s32 $0xFFFFC000  }
0x8e: {  	[tilespmem:s19], [sflag:$0x1] =	stream.indirect.gather [hbm4b:s1+s22], $0x80, s14, s22, $0xb8;
	[tilespmem:$0x1D000] =	vst v63  }
0x8f: {  	_ =	swait.ge [sflag:s26], $0x4000  }
0x90: {  	[sflag:s26] =	ssyncset.done $0x0  }
0x91: {  	s15 =	rddreg [dreg:$0x11];
	[sflag:s26] =	ssyncadd.s32 $0xFFFFC000  }
0x92: {  	[spmem:s2] =	stream.indirect.scatter.add.f32 [tilespmem:s23], [sflag:$0x4], $0x80, s15, s22, $0xb8;
	[tilespmem:$0x1D000] =	vst v63  }
0x93: {  	_ =	swait.ge [sflag:s28], $0x4000  }
0x94: {  	[sflag:s28] =	ssyncset.done $0x0  }
0x95: {  	s9 =	rddreg [dreg:$0x12];
	[sflag:s28] =	ssyncadd.s32 $0xFFFFC000  }
0x96: {  	[tilespmem:s23], [sflag:$0x2] =	stream.indirect.gather [hbm4b:s1+s22], $0x80, s9, s22, $0xb8;
	[tilespmem:$0x1D000] =	vst v63  }
0x97: {  	_ =	swait.ge [sflag:s24], $0x4000  }
0x98: {  	[sflag:s24] =	ssyncset.done $0x0  }
0x99: {  	s14 =	rddreg [dreg:$0x13];
	[sflag:s24] =	ssyncadd.s32 $0xFFFFC000  }
0x9a: {  	[spmem:s2] =	stream.indirect.scatter.add.f32 [tilespmem:s19], [sflag:$0x3], $0x80, s14, s22, $0xb8;
	[tilespmem:$0x1D000] =	vst v63  }
0x9b: {  	_ =	swait.ge [sflag:s26], $0x4000  }
0x9c: {  	[sflag:s26] =	ssyncset.done $0x0  }
0x9d: {  	s15 =	rddreg [dreg:$0x14];
	[sflag:s26] =	ssyncadd.s32 $0xFFFFC000  }
0x9e: {  	[spmem:s2] =	stream.indirect.scatter.add.f32 [tilespmem:s23], [sflag:$0x4], $0x80, s15, s22, $0xb8;
	[tilespmem:$0x1D000] =	vst v63  }
0x9f: {  	_ =	swait.ge [sflag:s25], $0x4000  }
0xa0: {  	[sflag:s25] =	ssyncset.done $0x0  }
0xa1: {  	[sflag:s25] =	ssyncadd.s32 $0xFFFFC000  }
0xa2: {  	_ =	swait.ge [sflag:s28], $0x4000  }
0xa3: {  	s9 =	rddreg [dreg:$0x7];
	[sflag:s28] =	ssyncset.done $0x0  }
0xa4: {  	s14 =	rddreg [dreg:$0x6];
	[sflag:s28] =	ssyncadd.s32 $0xFFFFC000;
	s13 =	sadd.s32 $0x0, s9  }
0xa5: {  	[tilespmem:s4], [sflag:$0x5] =	stream.linear.gather [hbm4b:s13+s4], $0x400, $0x38;
	[tilespmem:$0x1D000] =	vst v63  }
0xa6: {  	s15 =	sadd.s32 $0x0, s14  }
0xa7: {  	[tilespmem:s16], [sflag:$0x5] =	stream.linear.gather [hbm4b:s15+s4], $0x400, $0x38;
	[tilespmem:$0x1D000] =	vst v63  }
0xa8: {  	_ =	swait.ge [sflag:s29], $0x400  }
0xa9: {  	[sflag:s29] =	ssyncset.done $0x0  }
0xaa: {  	[sflag:s29] =	ssyncadd.s32 $0xFFFFFC00  }
0xab: {  	_ =	swait.ge [sflag:s29], $0x400  }
0xac: {  	[sflag:s29] =	ssyncset.done $0x0  }
0xad: {  	[sflag:s29] =	ssyncadd.s32 $0xFFFFFC00  }
0xae: {  	[tilespmem:s19], [sflag:$0x1] =	stream.indirect.gather [hbm4b:s1+s22], $0x80, s17, s22, $0xb8;
	[tilespmem:$0x1D000] =	vst v63  }
0xaf: {  	s9 =	rddreg [dreg:$0x15]  }
0xb0: {  	[tilespmem:s23], [sflag:$0x2] =	stream.indirect.gather [hbm4b:s1+s22], $0x80, s9, s22, $0xb8;
	[tilespmem:$0x1D000] =	vst v63  }
0xb1: {  	_ =	swait.ge [sflag:s24], $0x4000  }
0xb2: {  	[sflag:s24] =	ssyncset.done $0x0  }
0xb3: {  	[sflag:s24] =	ssyncadd.s32 $0xFFFFC000  }
0xb4: {  	[spmem:s2] =	stream.indirect.scatter.add.f32 [tilespmem:s19], [sflag:$0x3], $0x80, s18, s22, $0xb8;
	[tilespmem:$0x1D000] =	vst v63  }
0xb5: {  	_ =	swait.ge [sflag:s25], $0x4000  }
0xb6: {  	[sflag:s25] =	ssyncset.done $0x0  }
0xb7: {  	s14 =	rddreg [dreg:$0x16];
	[sflag:s25] =	ssyncadd.s32 $0xFFFFC000  }
0xb8: {  	[tilespmem:s19], [sflag:$0x1] =	stream.indirect.gather [hbm4b:s1+s22], $0x80, s14, s22, $0xb8;
	[tilespmem:$0x1D000] =	vst v63  }
0xb9: {  	_ =	swait.ge [sflag:s26], $0x4000  }
0xba: {  	[sflag:s26] =	ssyncset.done $0x0  }
0xbb: {  	s15 =	rddreg [dreg:$0x17];
	[sflag:s26] =	ssyncadd.s32 $0xFFFFC000  }
0xbc: {  	[spmem:s2] =	stream.indirect.scatter.add.f32 [tilespmem:s23], [sflag:$0x4], $0x80, s15, s22, $0xb8;
	[tilespmem:$0x1D000] =	vst v63  }
0xbd: {  	_ =	swait.ge [sflag:s28], $0x4000  }
0xbe: {  	[sflag:s28] =	ssyncset.done $0x0  }
0xbf: {  	s9 =	rddreg [dreg:$0x18];
	[sflag:s28] =	ssyncadd.s32 $0xFFFFC000  }
0xc0: {  	[tilespmem:s23], [sflag:$0x2] =	stream.indirect.gather [hbm4b:s1+s22], $0x80, s9, s22, $0xb8;
	[tilespmem:$0x1D000] =	vst v63  }
0xc1: {  	_ =	swait.ge [sflag:s24], $0x4000  }
0xc2: {  	[sflag:s24] =	ssyncset.done $0x0  }
0xc3: {  	[sflag:s24] =	ssyncadd.s32 $0xFFFFC000  }
0xc4: {  	[spmem:s2] =	stream.indirect.scatter.add.f32 [tilespmem:s19], [sflag:$0x3], $0x80, s30, s22, $0xb8;
	[tilespmem:$0x1D000] =	vst v63  }
0xc5: {  	_ =	swait.ge [sflag:s25], $0x4000  }
0xc6: {  	[sflag:s25] =	ssyncset.done $0x0  }
0xc7: {  	[sflag:s25] =	ssyncadd.s32 $0xFFFFC000  }
0xc8: {  	[tilespmem:s19], [sflag:$0x1] =	stream.indirect.gather [hbm4b:s1+s22], $0x80, s31, s22, $0xb8;
	[tilespmem:$0x1D000] =	vst v63  }
0xc9: {  	_ =	swait.ge [sflag:s26], $0x4000  }
0xca: {  	[sflag:s26] =	ssyncset.done $0x0  }
0xcb: {  	[sflag:s26] =	ssyncadd.s32 $0xFFFFC000  }
0xcc: {  	[spmem:s2] =	stream.indirect.scatter.add.f32 [tilespmem:s23], [sflag:$0x4], $0x80, s0, s22, $0xb8;
	[tilespmem:$0x1D000] =	vst v63  }
0xcd: {  	_ =	swait.ge [sflag:s28], $0x4000  }
0xce: {  	[sflag:s28] =	ssyncset.done $0x0  }
0xcf: {  	[sflag:s28] =	ssyncadd.s32 $0xFFFFC000  }
0xd0: {  	[tilespmem:s23], [sflag:$0x2] =	stream.indirect.gather [hbm4b:s1+s22], $0x80, s3, s22, $0xb8;
	[tilespmem:$0x1D000] =	vst v63  }
0xd1: {  	_ =	swait.ge [sflag:s24], $0x4000  }
0xd2: {  	[sflag:s24] =	ssyncset.done $0x0  }
0xd3: {  	[sflag:s24] =	ssyncadd.s32 $0xFFFFC000  }
0xd4: {  	[spmem:s2] =	stream.indirect.scatter.add.f32 [tilespmem:s19], [sflag:$0x3], $0x80, s5, s22, $0xb8;
	[tilespmem:$0x1D000] =	vst v63  }
0xd5: {  	_ =	swait.ge [sflag:s25], $0x4000  }
0xd6: {  	[sflag:s25] =	ssyncset.done $0x0  }
0xd7: {  	[sflag:s25] =	ssyncadd.s32 $0xFFFFC000  }
0xd8: {  	[tilespmem:s19], [sflag:$0x1] =	stream.indirect.gather [hbm4b:s1+s22], $0x80, s6, s22, $0xb8;
	[tilespmem:$0x1D000] =	vst v63  }
0xd9: {  	_ =	swait.ge [sflag:s26], $0x4000  }
0xda: {  	[sflag:s26] =	ssyncset.done $0x0  }
0xdb: {  	[sflag:s26] =	ssyncadd.s32 $0xFFFFC000  }
0xdc: {  	[spmem:s2] =	stream.indirect.scatter.add.f32 [tilespmem:s23], [sflag:$0x4], $0x80, s7, s22, $0xb8;
	[tilespmem:$0x1D000] =	vst v63  }
0xdd: {  	_ =	swait.ge [sflag:s28], $0x4000  }
0xde: {  	[sflag:s28] =	ssyncset.done $0x0  }
0xdf: {  	[sflag:s28] =	ssyncadd.s32 $0xFFFFC000  }
0xe0: {  	[tilespmem:s23], [sflag:$0x2] =	stream.indirect.gather [hbm4b:s1+s22], $0x80, s8, s22, $0xb8;
	[tilespmem:$0x1D000] =	vst v63  }
0xe1: {  	_ =	swait.ge [sflag:s24], $0x4000  }
0xe2: {  	[sflag:s24] =	ssyncset.done $0x0  }
0xe3: {  	[sflag:s24] =	ssyncadd.s32 $0xFFFFC000  }
0xe4: {  	[spmem:s2] =	stream.indirect.scatter.add.f32 [tilespmem:s19], [sflag:$0x3], $0x80, s10, s22, $0xb8;
	[tilespmem:$0x1D000] =	vst v63  }
0xe5: {  	_ =	swait.ge [sflag:s26], $0x4000  }
0xe6: {  	[sflag:s26] =	ssyncset.done $0x0  }
0xe7: {  	[sflag:s26] =	ssyncadd.s32 $0xFFFFC000  }
0xe8: {  	[spmem:s2] =	stream.indirect.scatter.add.f32 [tilespmem:s23], [sflag:$0x4], $0x80, s11, s22, $0xb8;
	[tilespmem:$0x1D000] =	vst v63  }
0xe9: {  	_ =	swait.ge [sflag:s25], $0x4000  }
0xea: {  	[sflag:s25] =	ssyncset.done $0x0  }
0xeb: {  	[sflag:s25] =	ssyncadd.s32 $0xFFFFC000  }
0xec: {  	_ =	swait.ge [sflag:s28], $0x4000  }
0xed: {  	s14 =	rddreg [dreg:$0x5];
	[sflag:s28] =	ssyncset.done $0x0  }
0xee: {  	s15 =	rddreg [dreg:$0x4];
	[sflag:s28] =	ssyncadd.s32 $0xFFFFC000;
	s13 =	sadd.s32 $0x0, s14  }
0xef: {  	[tilespmem:s17], [sflag:$0x6] =	stream.linear.gather [hbm4b:s13+s4], $0x400, $0x38;
	[tilespmem:$0x1D000] =	vst v63  }
0xf0: {  	s14 =	sadd.s32 $0x0, s15;
	s13 =	simm.s32 $0x100  }
.LBB2_4:
0xf1: {  	[tilespmem:s18], [sflag:$0x6] =	stream.linear.gather [hbm4b:s14+s4], $0x400, $0x38;
	[tilespmem:$0x1D000] =	vst v63  }
0xf2: {  	_ =	swait.ge [sflag:s21], $0x400  }
0xf3: {  	[sflag:s21] =	ssyncset.done $0x0  }
0xf4: {  	[sflag:s21] =	ssyncadd.s32 $0xFFFFFC00  }
0xf5: {  	_ =	swait.ge [sflag:s21], $0x400  }
0xf6: {  	[sflag:s21] =	ssyncset.done $0x0  }
0xf7: {  	[sflag:s21] =	ssyncadd.s32 $0xFFFFFC00  }
0xf8: {  	[tilespmem:s19], [sflag:$0x1] =	stream.indirect.gather [hbm4b:s1+s22], $0x80, s4, s22, $0xb8;
	[tilespmem:$0x1D000] =	vst v63  }
0xf9: {  	_ = 	snop  }
0xfa: {  	[tilespmem:s23], [sflag:$0x2] =	stream.indirect.gather [hbm4b:s1+s22], $0x80, s22, s22, $0xb8;
	[tilespmem:$0x1D000] =	vst v63  }
0xfb: {  	_ =	swait.ge [sflag:s24], $0x4000  }
0xfc: {  	[sflag:s24] =	ssyncset.done $0x0  }
0xfd: {  	[sflag:s24] =	ssyncadd.s32 $0xFFFFC000  }
0xfe: {  	[spmem:s2] =	stream.indirect.scatter.add.f32 [tilespmem:s19], [sflag:$0x3], $0x80, s16, s22, $0xb8;
	[tilespmem:$0x1D000] =	vst v63  }
0xff: {  	_ =	swait.ge [sflag:s25], $0x4000  }
0x100: {  	[sflag:s25] =	ssyncset.done $0x0  }
0x101: {  	s15 =	rddreg [dreg:$0x8];
	[sflag:s25] =	ssyncadd.s32 $0xFFFFC000  }
0x102: {  	[tilespmem:s19], [sflag:$0x1] =	stream.indirect.gather [hbm4b:s1+s22], $0x80, s15, s22, $0xb8;
	[tilespmem:$0x1D000] =	vst v63  }
0x103: {  	_ =	swait.ge [sflag:s26], $0x4000  }
0x104: {  	[sflag:s26] =	ssyncset.done $0x0  }
0x105: {  	s9 =	rddreg [dreg:$0x9];
	[sflag:s26] =	ssyncadd.s32 $0xFFFFC000  }
0x106: {  	[spmem:s2] =	stream.indirect.scatter.add.f32 [tilespmem:s23], [sflag:$0x4], $0x80, s9, s22, $0xb8;
	[tilespmem:$0x1D000] =	vst v63  }
0x107: {  	_ =	swait.ge [sflag:s28], $0x4000  }
0x108: {  	[sflag:s28] =	ssyncset.done $0x0  }
0x109: {  	s9 =	rddreg [dreg:$0xa];
	[sflag:s28] =	ssyncadd.s32 $0xFFFFC000  }
0x10a: {  	[tilespmem:s23], [sflag:$0x2] =	stream.indirect.gather [hbm4b:s1+s22], $0x80, s9, s22, $0xb8;
	[tilespmem:$0x1D000] =	vst v63  }
0x10b: {  	_ =	swait.ge [sflag:s24], $0x4000  }
0x10c: {  	[sflag:s24] =	ssyncset.done $0x0  }
0x10d: {  	s9 =	rddreg [dreg:$0xb];
	[sflag:s24] =	ssyncadd.s32 $0xFFFFC000  }
0x10e: {  	[spmem:s2] =	stream.indirect.scatter.add.f32 [tilespmem:s19], [sflag:$0x3], $0x80, s9, s22, $0xb8;
	[tilespmem:$0x1D000] =	vst v63  }
0x10f: {  	_ =	swait.ge [sflag:s25], $0x4000  }
0x110: {  	[sflag:s25] =	ssyncset.done $0x0  }
0x111: {  	s9 =	rddreg [dreg:$0xc];
	[sflag:s25] =	ssyncadd.s32 $0xFFFFC000  }
0x112: {  	[tilespmem:s19], [sflag:$0x1] =	stream.indirect.gather [hbm4b:s1+s22], $0x80, s9, s22, $0xb8;
	[tilespmem:$0x1D000] =	vst v63  }
0x113: {  	_ =	swait.ge [sflag:s26], $0x4000  }
0x114: {  	[sflag:s26] =	ssyncset.done $0x0  }
0x115: {  	s9 =	rddreg [dreg:$0xd];
	[sflag:s26] =	ssyncadd.s32 $0xFFFFC000  }
0x116: {  	[spmem:s2] =	stream.indirect.scatter.add.f32 [tilespmem:s23], [sflag:$0x4], $0x80, s9, s22, $0xb8;
	[tilespmem:$0x1D000] =	vst v63  }
0x117: {  	_ =	swait.ge [sflag:s28], $0x4000  }
0x118: {  	[sflag:s28] =	ssyncset.done $0x0  }
0x119: {  	s9 =	rddreg [dreg:$0xe];
	[sflag:s28] =	ssyncadd.s32 $0xFFFFC000  }
0x11a: {  	[tilespmem:s23], [sflag:$0x2] =	stream.indirect.gather [hbm4b:s1+s22], $0x80, s9, s22, $0xb8;
	[tilespmem:$0x1D000] =	vst v63  }
0x11b: {  	_ =	swait.ge [sflag:s24], $0x4000  }
0x11c: {  	[sflag:s24] =	ssyncset.done $0x0  }
0x11d: {  	s9 =	rddreg [dreg:$0xf];
	[sflag:s24] =	ssyncadd.s32 $0xFFFFC000  }
0x11e: {  	[spmem:s2] =	stream.indirect.scatter.add.f32 [tilespmem:s19], [sflag:$0x3], $0x80, s9, s22, $0xb8;
	[tilespmem:$0x1D000] =	vst v63  }
0x11f: {  	_ =	swait.ge [sflag:s25], $0x4000  }
0x120: {  	[sflag:s25] =	ssyncset.done $0x0  }
0x121: {  	s9 =	rddreg [dreg:$0x10];
	[sflag:s25] =	ssyncadd.s32 $0xFFFFC000  }
0x122: {  	[tilespmem:s19], [sflag:$0x1] =	stream.indirect.gather [hbm4b:s1+s22], $0x80, s9, s22, $0xb8;
	[tilespmem:$0x1D000] =	vst v63  }
0x123: {  	_ =	swait.ge [sflag:s26], $0x4000  }
0x124: {  	[sflag:s26] =	ssyncset.done $0x0  }
0x125: {  	s9 =	rddreg [dreg:$0x11];
	[sflag:s26] =	ssyncadd.s32 $0xFFFFC000  }
0x126: {  	[spmem:s2] =	stream.indirect.scatter.add.f32 [tilespmem:s23], [sflag:$0x4], $0x80, s9, s22, $0xb8;
	[tilespmem:$0x1D000] =	vst v63  }
0x127: {  	_ =	swait.ge [sflag:s28], $0x4000  }
0x128: {  	[sflag:s28] =	ssyncset.done $0x0  }
0x129: {  	s9 =	rddreg [dreg:$0x12];
	[sflag:s28] =	ssyncadd.s32 $0xFFFFC000  }
0x12a: {  	[tilespmem:s23], [sflag:$0x2] =	stream.indirect.gather [hbm4b:s1+s22], $0x80, s9, s22, $0xb8;
	[tilespmem:$0x1D000] =	vst v63  }
0x12b: {  	_ =	swait.ge [sflag:s24], $0x4000  }
0x12c: {  	[sflag:s24] =	ssyncset.done $0x0  }
0x12d: {  	s9 =	rddreg [dreg:$0x13];
	[sflag:s24] =	ssyncadd.s32 $0xFFFFC000  }
0x12e: {  	[spmem:s2] =	stream.indirect.scatter.add.f32 [tilespmem:s19], [sflag:$0x3], $0x80, s9, s22, $0xb8;
	[tilespmem:$0x1D000] =	vst v63  }
0x12f: {  	_ =	swait.ge [sflag:s26], $0x4000  }
0x130: {  	[sflag:s26] =	ssyncset.done $0x0  }
0x131: {  	s9 =	rddreg [dreg:$0x14];
	[sflag:s26] =	ssyncadd.s32 $0xFFFFC000  }
0x132: {  	[spmem:s2] =	stream.indirect.scatter.add.f32 [tilespmem:s23], [sflag:$0x4], $0x80, s9, s22, $0xb8;
	[tilespmem:$0x1D000] =	vst v63  }
0x133: {  	_ =	swait.ge [sflag:s25], $0x4000  }
0x134: {  	[sflag:s25] =	ssyncset.done $0x0  }
0x135: {  	[sflag:s25] =	ssyncadd.s32 $0xFFFFC000  }
0x136: {  	_ =	swait.ge [sflag:s28], $0x4000  }
0x137: {  	s14 =	smov.u32 s13;
	s15 =	rddreg [dreg:$0x7];
	[sflag:s28] =	ssyncset.done $0x0  }
0x138: {  	s9 =	rddreg [dreg:$0x6];
	[sflag:s28] =	ssyncadd.s32 $0xFFFFC000;
	s15 =	sadd.s32 s14, s15  }
0x139: {  	[tilespmem:s4], [sflag:$0x5] =	stream.linear.gather [hbm4b:s15+s4], $0x400, $0x38;
	[tilespmem:$0x1D000] =	vst v63  }
0x13a: {  	s9 =	sadd.s32 s14, s9  }
0x13b: {  	[tilespmem:s16], [sflag:$0x5] =	stream.linear.gather [hbm4b:s9+s4], $0x400, $0x38;
	[tilespmem:$0x1D000] =	vst v63  }
0x13c: {  	_ =	swait.ge [sflag:s29], $0x400  }
0x13d: {  	[sflag:s29] =	ssyncset.done $0x0  }
0x13e: {  	[sflag:s29] =	ssyncadd.s32 $0xFFFFFC00  }
0x13f: {  	_ =	swait.ge [sflag:s29], $0x400  }
0x140: {  	[sflag:s29] =	ssyncset.done $0x0  }
0x141: {  	[sflag:s29] =	ssyncadd.s32 $0xFFFFFC00  }
0x142: {  	[tilespmem:s19], [sflag:$0x1] =	stream.indirect.gather [hbm4b:s1+s22], $0x80, s17, s22, $0xb8;
	[tilespmem:$0x1D000] =	vst v63  }
0x143: {  	s15 =	rddreg [dreg:$0x15]  }
0x144: {  	[tilespmem:s23], [sflag:$0x2] =	stream.indirect.gather [hbm4b:s1+s22], $0x80, s15, s22, $0xb8;
	[tilespmem:$0x1D000] =	vst v63  }
0x145: {  	_ =	swait.ge [sflag:s24], $0x4000  }
0x146: {  	[sflag:s24] =	ssyncset.done $0x0  }
0x147: {  	[sflag:s24] =	ssyncadd.s32 $0xFFFFC000  }
0x148: {  	[spmem:s2] =	stream.indirect.scatter.add.f32 [tilespmem:s19], [sflag:$0x3], $0x80, s18, s22, $0xb8;
	[tilespmem:$0x1D000] =	vst v63  }
0x149: {  	_ =	swait.ge [sflag:s25], $0x4000  }
0x14a: {  	[sflag:s25] =	ssyncset.done $0x0  }
0x14b: {  	s15 =	rddreg [dreg:$0x16];
	[sflag:s25] =	ssyncadd.s32 $0xFFFFC000  }
0x14c: {  	[tilespmem:s19], [sflag:$0x1] =	stream.indirect.gather [hbm4b:s1+s22], $0x80, s15, s22, $0xb8;
	[tilespmem:$0x1D000] =	vst v63  }
0x14d: {  	_ =	swait.ge [sflag:s26], $0x4000  }
0x14e: {  	[sflag:s26] =	ssyncset.done $0x0  }
0x14f: {  	s15 =	rddreg [dreg:$0x17];
	[sflag:s26] =	ssyncadd.s32 $0xFFFFC000  }
0x150: {  	[spmem:s2] =	stream.indirect.scatter.add.f32 [tilespmem:s23], [sflag:$0x4], $0x80, s15, s22, $0xb8;
	[tilespmem:$0x1D000] =	vst v63  }
0x151: {  	_ =	swait.ge [sflag:s28], $0x4000  }
0x152: {  	[sflag:s28] =	ssyncset.done $0x0  }
0x153: {  	s15 =	rddreg [dreg:$0x18];
	[sflag:s28] =	ssyncadd.s32 $0xFFFFC000  }
0x154: {  	[tilespmem:s23], [sflag:$0x2] =	stream.indirect.gather [hbm4b:s1+s22], $0x80, s15, s22, $0xb8;
	[tilespmem:$0x1D000] =	vst v63  }
0x155: {  	_ =	swait.ge [sflag:s24], $0x4000  }
0x156: {  	[sflag:s24] =	ssyncset.done $0x0  }
0x157: {  	[sflag:s24] =	ssyncadd.s32 $0xFFFFC000  }
0x158: {  	[spmem:s2] =	stream.indirect.scatter.add.f32 [tilespmem:s19], [sflag:$0x3], $0x80, s30, s22, $0xb8;
	[tilespmem:$0x1D000] =	vst v63  }
0x159: {  	_ =	swait.ge [sflag:s25], $0x4000  }
0x15a: {  	[sflag:s25] =	ssyncset.done $0x0  }
0x15b: {  	[sflag:s25] =	ssyncadd.s32 $0xFFFFC000  }
0x15c: {  	[tilespmem:s19], [sflag:$0x1] =	stream.indirect.gather [hbm4b:s1+s22], $0x80, s31, s22, $0xb8;
	[tilespmem:$0x1D000] =	vst v63  }
0x15d: {  	_ =	swait.ge [sflag:s26], $0x4000  }
0x15e: {  	[sflag:s26] =	ssyncset.done $0x0  }
0x15f: {  	[sflag:s26] =	ssyncadd.s32 $0xFFFFC000  }
0x160: {  	[spmem:s2] =	stream.indirect.scatter.add.f32 [tilespmem:s23], [sflag:$0x4], $0x80, s0, s22, $0xb8;
	[tilespmem:$0x1D000] =	vst v63  }
0x161: {  	_ =	swait.ge [sflag:s28], $0x4000  }
0x162: {  	[sflag:s28] =	ssyncset.done $0x0  }
0x163: {  	[sflag:s28] =	ssyncadd.s32 $0xFFFFC000  }
0x164: {  	[tilespmem:s23], [sflag:$0x2] =	stream.indirect.gather [hbm4b:s1+s22], $0x80, s3, s22, $0xb8;
	[tilespmem:$0x1D000] =	vst v63  }
0x165: {  	_ =	swait.ge [sflag:s24], $0x4000  }
0x166: {  	[sflag:s24] =	ssyncset.done $0x0  }
0x167: {  	[sflag:s24] =	ssyncadd.s32 $0xFFFFC000  }
0x168: {  	[spmem:s2] =	stream.indirect.scatter.add.f32 [tilespmem:s19], [sflag:$0x3], $0x80, s5, s22, $0xb8;
	[tilespmem:$0x1D000] =	vst v63  }
0x169: {  	_ =	swait.ge [sflag:s25], $0x4000  }
0x16a: {  	[sflag:s25] =	ssyncset.done $0x0  }
0x16b: {  	[sflag:s25] =	ssyncadd.s32 $0xFFFFC000  }
0x16c: {  	[tilespmem:s19], [sflag:$0x1] =	stream.indirect.gather [hbm4b:s1+s22], $0x80, s6, s22, $0xb8;
	[tilespmem:$0x1D000] =	vst v63  }
0x16d: {  	_ =	swait.ge [sflag:s26], $0x4000  }
0x16e: {  	[sflag:s26] =	ssyncset.done $0x0  }
0x16f: {  	[sflag:s26] =	ssyncadd.s32 $0xFFFFC000  }
0x170: {  	[spmem:s2] =	stream.indirect.scatter.add.f32 [tilespmem:s23], [sflag:$0x4], $0x80, s7, s22, $0xb8;
	[tilespmem:$0x1D000] =	vst v63  }
0x171: {  	_ =	swait.ge [sflag:s28], $0x4000  }
0x172: {  	[sflag:s28] =	ssyncset.done $0x0  }
0x173: {  	[sflag:s28] =	ssyncadd.s32 $0xFFFFC000  }
0x174: {  	[tilespmem:s23], [sflag:$0x2] =	stream.indirect.gather [hbm4b:s1+s22], $0x80, s8, s22, $0xb8;
	[tilespmem:$0x1D000] =	vst v63  }
0x175: {  	_ =	swait.ge [sflag:s24], $0x4000  }
0x176: {  	[sflag:s24] =	ssyncset.done $0x0  }
0x177: {  	[sflag:s24] =	ssyncadd.s32 $0xFFFFC000  }
0x178: {  	[spmem:s2] =	stream.indirect.scatter.add.f32 [tilespmem:s19], [sflag:$0x3], $0x80, s10, s22, $0xb8;
	[tilespmem:$0x1D000] =	vst v63  }
0x179: {  	_ =	swait.ge [sflag:s26], $0x4000  }
0x17a: {  	[sflag:s26] =	ssyncset.done $0x0  }
0x17b: {  	[sflag:s26] =	ssyncadd.s32 $0xFFFFC000  }
0x17c: {  	[spmem:s2] =	stream.indirect.scatter.add.f32 [tilespmem:s23], [sflag:$0x4], $0x80, s11, s22, $0xb8;
	[tilespmem:$0x1D000] =	vst v63  }
0x17d: {  	_ =	swait.ge [sflag:s25], $0x4000  }
0x17e: {  	[sflag:s25] =	ssyncset.done $0x0  }
0x17f: {  	p0 =	sne.s32 s13, $0x400;
	[sflag:s25] =	ssyncadd.s32 $0xFFFFC000  }
.Ltmp1:
0x180: {  	_ =	swait.ge [sflag:s28], $0x4000;
	(pc) =	sbr.rel @p0 .LBB2_4-.Ltmp1, $4  }
0x181: {  	s9 =	rddreg [dreg:$0x5]  }
0x182: {  	s13 =	sadd.s32 $0x100, s13;
	s15 =	rddreg [dreg:$0x4];
	[sflag:s28] =	ssyncset.done $0x0  }
0x183: {  	[sflag:s28] =	ssyncadd.s32 $0xFFFFC000;
	s9 =	sadd.s32 s14, s9;
	s14 =	sadd.s32 s14, s15  }
0x184: {  	[tilespmem:s17], [sflag:$0x6] =	stream.linear.gather [hbm4b:s9+s4], $0x400, $0x38;
	[tilespmem:$0x1D000] =	vst v63  }
0x185: {  	[tilespmem:s18], [sflag:$0x6] =	stream.linear.gather [hbm4b:s14+s4], $0x400, $0x38;
	[tilespmem:$0x1D000] =	vst v63  }
0x186: {  	_ =	swait.ge [sflag:s21], $0x400  }
0x187: {  	[sflag:s21] =	ssyncset.done $0x0  }
0x188: {  	[sflag:s21] =	ssyncadd.s32 $0xFFFFFC00  }
0x189: {  	_ =	swait.ge [sflag:s21], $0x400  }
0x18a: {  	[sflag:s21] =	ssyncset.done $0x0  }
0x18b: {  	[sflag:s21] =	ssyncadd.s32 $0xFFFFFC00  }
0x18c: {  	_ =	swait.ge [sflag:s29], $0x400  }
0x18d: {  	[sflag:s29] =	ssyncset.done $0x0  }
0x18e: {  	[sflag:s29] =	ssyncadd.s32 $0xFFFFFC00  }
0x18f: {  	_ =	swait.ge [sflag:s29], $0x400  }
0x190: {  	[sflag:s29] =	ssyncset.done $0x0  }
0x191: {  	[sflag:s29] =	ssyncadd.s32 $0xFFFFFC00  }
0x192: {  	s9 =	stileid.u32;
	[bflag:$0x0] =	sbarrier.arrive $0xFFFF  }
0x193: {  	s9 =	sshll.u32 s9, $0x6;
	s15 =	rddreg [dreg:$0x1d]  }
0x194: {  	s9 =	sor.u32 $0x1C07, s9;
	s14 =	rddreg [dreg:$0x1e];
	s13 =	sshrl.u32 s15, $0x3  }
0x195: {  	[hbm:s14], [sflag:s9] =	dma.local [spmem:s13], $0x2800  }
0x196: {  	_ =	swait.ge [sflag:s20], $0x2800  }
0x197: {  	s12 =	sadd.s32 $0x1, s12;
	s14 =	rddreg [dreg:$0x1f]  }
0x198: {  	p0 =	sne.s32 s12, s14  }
.Ltmp2:
0x199: {  	_ = 	snop;
	(pc) =	sbr.rel @p0 .LBB2_1-.Ltmp2, $3  }
0x19a: {  	_ =	sdelay $0x1  }
0x19b: {  	[sflag:s20] =	ssyncset.done $0x0  }
0x19c: {  	[sflag:s20] =	ssyncadd.s32 $0xFFFFD800  }
0x19d: {  	_ =	sfence.sel $0x180000  }
0x19e: {  	[bflag:$0x0] =	sbarrier.arrive $0xFFFF  }
0x19f: {  	_ =	strace $0x9000004D  }
0x1a0: {  	s0 =	stileid.u32;
	[bflag:$0x2] =	sbarrier.arrive $0xFFFF  }
0x1a1: {  	p0 =	sne.s32 s0, $0x0;
	s0 =	rddreg [dreg:$0x3]  }
0x1a2: {  	s0 =	sadd.s32 @!p0 $0x100000, s0  }
0x1a3: {  	[sflag:s0] =	ssyncadd.tile.s32 @!p0 $0x1;
	_ =	shalt  }
.Lfunc_end2:
_tile_overlayer_lowered:
.L_overlay_start_2:
0x1a4: {  	(tag) =	ssettag $0x2  }
0x1a5: {  	s0 =	rddreg [dreg:$0x0];
	s2 =	stileid.u32  }
0x1a6: {  	s1 =	rddreg [dreg:$0x1];
	p0 =	sne.s32 s2, $0x0  }
0x1a7: {  	s3 =	rddreg [dreg:$0x2];
	[bflag:$0x3] =	sbarrier.arrive $0xFFFF;
	s2 =	simm.s32 @!p0 $0x1C07  }
0x1a8: {  	[timem:s3], [sflag:s2] =	dma.local @!p0 [hbm:s0], s1  }
0x1a9: {  	s0 =	simm.s32 @!p0 $0x7  }
0x1aa: {  	_ =	swait.ge @!p0 [sflag:s0], s1  }
0x1ab: {  	s1 =	ssub.s32 @!p0 $0x0, s1;
	[sflag:s0] =	ssyncset.done @!p0 $0x0  }
0x1ac: {  	[sflag:s0] =	ssyncadd.s32 @!p0 s1  }
0x1ad: {  	[bflag:$0x3] =	sbarrier.arrive $0xFFFF  }
0x1ae: {  	_ =	shalt  }

// kernel: kernel.9.cloned.1.call-start
scs
__scs_entry_jumppad:
0x0: {  	(pc) =	sbr.rel $0x88, $3  }
0x1: {  	(tag) =	ssettag $0x0;
	lr =	simm.s32 $0x1  }
0x2: {  	[smem:$0x3F9B] =	sst lr;
	_ =	strace $0xD0000000  }
0x3: {  	_ = 	snop  }
0x4: {  	_ = 	snop  }
0x5: {  	_ = 	snop  }
0x6: {  	_ = 	snop  }
0x7: {  	_ = 	snop  }
__scs_overlays_trampoline_lowered:
0x8: {  	[smem:$0x3FAA] =	sst s0  }
0x9: {  	[smem:$0x3FAB] =	sst s1  }
0xa: {  	[smem:$0x3FAC] =	sst s2  }
0xb: {  	[smem:$0x3FAD] =	sst s3  }
0xc: {  	[smem:$0x3FAE] =	sst s4  }
0xd: {  	[smem:$0x3FAF] =	sst s5  }
0xe: {  	[smem:$0x3FB0] =	sst s6  }
0xf: {  	[smem:$0x3FB1] =	sst s7  }
0x10: {  	[smem:$0x3FB2] =	sst s8  }
0x11: {  	[smem:$0x3FB3] =	sst s9;
	s0 =	simm.s32 @!p0 $0x0  }
0x12: {  	s1 =	sld [smem:$0x3F99];
	s0 =	simm.s32 @p0 $0x1  }
0x13: {  	[smem:$0x3FB4] =	sst s0;
	s0 =	simm.s32 @!p1 $0x0  }
0x14: {  	s2 =	sld [smem:$0x3F98];
	s0 =	simm.s32 @p1 $0x1  }
0x15: {  	[smem:$0x3FB5] =	sst s0;
	s0 =	simm.s32 @!p2 $0x0  }
0x16: {  	s3 =	sld [smem:$0x3FDB];
	s0 =	simm.s32 @p2 $0x1  }
0x17: {  	s4 =	simm.s32 $0x1BF5;
	[smem:$0x3FB7] =	sst s0  }
0x18: {  	s0 =	sld [smem:$0x3F9A];
	_ =	swait.ge [sflag:s4], $0x0  }
0x19: {  	s7 =	sld [smem:$0x3F9B]  }
0x1a: {  	s8 =	sadd.s32 $0xFFFFE003, lr  }
0x1b: {  	s9 =	sadd.s32 $0xFFFFFEF7, lr;
	s5 =	simm.s32 $0xFFFFFFFF;
	p2 =	slt.u32 s8, $0xFFFFF086  }
0x1c: {  	p1 =	slt.u32 s9, $0xF7A;
	s5 =	simm.s32 @!p2 $0x0  }
0x1d: {  	s5 =	simm.s32 @p1 $0x1;
	p0 =	seq.s32 s7, s2  }
0x1e: {  	s7 =	smul.u32 @!p0 $0xF7A, s2;
	p2 =	seq.s32 @!p0 s5, $0x0  }
0x1f: {  	s9 =	smul.u32 $0xF7A, s1;
	s8 =	simm.s32 @!p0 $0x1BF5;
	p2 =	por !p2, p0  }
0x20: {  	[sflag:s8] =	ssyncset.s32 @!p0 $0xFFFFF086;
	s6 =	sadd.s32 @!p0 s3, s7;
	s7 =	simm.s32 @!p0 $0x108  }
0x21: {  	s3 =	sadd.s32 s3, s9;
	s6 =	sadd.s32 @!p0 $0x88, s6;
	s7 =	simm.s32 @p2 $0x1082  }
0x22: {  	[simem:s7], [sflag:s8] =	dma.local @!p0 [hbm:s6], $0xF7A  }
0x23: {  	s9 =	sor.u32 $0xD0000000, s2;
	s6 =	simm.s32 $0x108;
	_ =	swait.ge @!p0 [sflag:s8], $0x0  }
0x24: {  	s3 =	sadd.s32 $0x88, s3;
	s6 =	simm.s32 @!p1 $0x1082;
	[sflag:s4] =	ssyncset.s32 $0xFFFFF086  }
0x25: {  	[simem:s6], [sflag:s4] =	dma.local [hbm:s3], $0xF7A  }
0x26: {  	[smem:$0x3F9B] =	sst s1;
	(tag) =	ssettag s2;
	_ =	strace s9  }
0x27: {  	s1 =	sld [smem:$0x3FAB]  }
0x28: {  	s2 =	sld [smem:$0x3FAC]  }
0x29: {  	s4 =	sld [smem:$0x3FAE]  }
0x2a: {  	p0 =	seq.s32 s5, $0x0;
	s5 =	sld [smem:$0x3FAF]  }
0x2b: {  	s6 =	sld [smem:$0x3FB0]  }
0x2c: {  	s7 =	sld [smem:$0x3FB1]  }
0x2d: {  	s3 =	simm.s32 $0x108;
	s8 =	sld [smem:$0x3FB2]  }
0x2e: {  	s3 =	simm.s32 @!p0 $0x1082;
	s9 =	sld [smem:$0x3FB3]  }
0x2f: {  	lr =	sadd.s32 s0, s3;
	s0 =	sld [smem:$0x3FAA]  }
0x30: {  	s3 =	sld [smem:$0x3FAD]  }
0x31: {  	[smem:$0x3FB6] =	sst s10  }
0x32: {  	s10 =	sld [smem:$0x3FB4];
	_ =	sdelay $0x3  }
0x33: {  	p0 =	seq.s32 s10, $0x1;
	s10 =	sld [smem:$0x3FB6];
	_ =	sdelay $0x3  }
0x34: {  	[smem:$0x3FB6] =	sst s10  }
0x35: {  	s10 =	sld [smem:$0x3FB5];
	_ =	sdelay $0x3  }
0x36: {  	p1 =	seq.s32 s10, $0x1;
	s10 =	sld [smem:$0x3FB6];
	_ =	sdelay $0x3  }
0x37: {  	[smem:$0x3FB6] =	sst s10  }
0x38: {  	s10 =	sld [smem:$0x3FB7]  }
0x39: {  	_ = 	snop;
	(pc) =	sbr.ind lr, $3  }
0x3a: {  	_ = 	snop  }
0x3b: {  	_ = 	snop  }
0x3c: {  	p2 =	seq.s32 s10, $0x1;
	s10 =	sld [smem:$0x3FB6]  }
0x3d: {  	_ =	shalt  }
0x3e: {  	_ =	shalt  }
0x3f: {  	_ =	shalt  }
0x40: {  	_ =	shalt  }
0x41: {  	_ =	shalt  }
0x42: {  	_ =	shalt  }
0x43: {  	_ =	shalt  }
0x44: {  	_ =	shalt  }
0x45: {  	_ =	shalt  }
0x46: {  	_ =	shalt  }
0x47: {  	_ =	shalt  }
0x48: {  	_ =	shalt  }
0x49: {  	_ =	shalt  }
0x4a: {  	_ =	shalt  }
0x4b: {  	_ =	shalt  }
0x4c: {  	_ =	shalt  }
0x4d: {  	_ =	shalt  }
0x4e: {  	_ =	shalt  }
0x4f: {  	_ =	shalt  }
0x50: {  	_ =	shalt  }
0x51: {  	_ =	shalt  }
0x52: {  	_ =	shalt  }
0x53: {  	_ =	shalt  }
0x54: {  	_ =	shalt  }
0x55: {  	_ =	shalt  }
0x56: {  	_ =	shalt  }
0x57: {  	_ =	shalt  }
0x58: {  	_ =	shalt  }
0x59: {  	_ =	shalt  }
0x5a: {  	_ =	shalt  }
0x5b: {  	_ =	shalt  }
0x5c: {  	_ =	shalt  }
0x5d: {  	_ =	shalt  }
0x5e: {  	_ =	shalt  }
0x5f: {  	_ =	shalt  }
0x60: {  	_ =	shalt  }
0x61: {  	_ =	shalt  }
0x62: {  	_ =	shalt  }
0x63: {  	_ =	shalt  }
0x64: {  	_ =	shalt  }
0x65: {  	_ =	shalt  }
0x66: {  	_ =	shalt  }
0x67: {  	_ =	shalt  }
0x68: {  	_ =	shalt  }
0x69: {  	_ =	shalt  }
0x6a: {  	_ =	shalt  }
0x6b: {  	_ =	shalt  }
0x6c: {  	_ =	shalt  }
0x6d: {  	_ =	shalt  }
0x6e: {  	_ =	shalt  }
0x6f: {  	_ =	shalt  }
0x70: {  	_ =	shalt  }
0x71: {  	_ =	shalt  }
0x72: {  	_ =	shalt  }
0x73: {  	_ =	shalt  }
0x74: {  	_ =	shalt  }
0x75: {  	_ =	shalt  }
0x76: {  	_ =	shalt  }
0x77: {  	_ =	shalt  }
0x78: {  	_ =	shalt  }
0x79: {  	_ =	shalt  }
0x7a: {  	_ =	shalt  }
0x7b: {  	_ =	shalt  }
0x7c: {  	_ =	shalt  }
0x7d: {  	_ =	shalt  }
0x7e: {  	_ =	shalt  }
0x7f: {  	_ =	shalt  }
0x80: {  	_ =	shalt  }
0x81: {  	_ =	shalt  }
0x82: {  	_ =	shalt  }
0x83: {  	_ =	shalt  }
0x84: {  	_ =	shalt  }
0x85: {  	_ =	shalt  }
0x86: {  	_ =	shalt  }
0x87: {  	_ =	shalt  }
.Lfunc_end0:
.L_simem_size_0:
called_computation_lowered:
.L_overlay_start_0:
0x88: {  	s2 =	sld [smem:$0x3FD9]  }
0x89: {  	s3 =	sld [smem:$0x3FFE];
	_ =	sdelay $0x1  }
0x8a: {  	s1 =	srdreg.scid  }
0x8b: {  	s0 =	sand.u32 $0x1, s1  }
0x8c: {  	s16 =	sshll.u32 s0, $0xA;
	s2 =	sadd.s32 s3, s2  }
0x8d: {  	s2 =	sadd.s32 s2, s16  }
0x8e: {  	[smem:$0x3FC2] =	sst s2  }
0x8f: {  	_ = 	snop  }
0x90: {  	(tm) =	ssettm $0x1  }
0x91: {  	s17 =	sld [smem:$0x3FFB];
	_ =	sdelay $0x3  }
0x92: {  	_ =	strace s17  }
0x93: {  	s2 =	sld [smem:$0x3FFC];
	_ =	sdelay $0x3  }
0x94: {  	_ =	strace s2  }
0x95: {  	s2 =	sld [smem:$0x3FFD];
	_ =	sdelay $0x3  }
0x96: {  	_ =	strace s2  }
0x97: {  	_ =	strace $0x8FFFFFFF  }
0x98: {  	s18 =	sld [smem:$0x3FDB];
	_ =	sdelay $0x1  }
0x99: {  	s19 =	simm.s32 $_scs_section_size  }
0x9a: {  	s4 =	simm.s32 $_size__tile_overlayer_lowered;
	s5 =	simm.s32 $_tile_overlayer_lowered  }
0x9b: {  	s22 =	simm.s32 $0x1BFF;
	s21 =	sshll.u32 s5, $0x1;
	s2 =	sadd.s32 s19, s18  }
0x9c: {  	s6 =	simm.s32 $0x0;
	s20 =	sshll.u32 s4, $0x1;
	s4 =	sadd.s32 s21, s2  }
0x9d: {  	[timem:s6], [sflag:s22] =	dma.local [hbm:s4], s20  }
0x9e: {  	_ =	swait.ge [sflag:s22], s20  }
0x9f: {  	s3 =	ssub.s32 $0x0, s20;
	[sflag:s22] =	ssyncset.done $0x0  }
0xa0: {  	[sflag:s22] =	ssyncadd.s32 s3;
	_ =	sdelay $0x1  }
0xa1: {  	s23 =	simm.s32 $0x1B8B  }
0xa2: {  	_ =	swait.ge [sflag:s23], $0x1  }
0xa3: {  	[sflag:s23] =	ssyncset.done $0x0  }
0xa4: {  	s25 =	simm.s32 $0x1B8E;
	s24 =	sld [smem:$0x3FFE];
	[sflag:s23] =	ssyncadd.s32 $0xFFFFFFFF  }
0xa5: {  	s26 =	simm.s32 $execute0_lowered;
	[smem:$0x3FD2] =	sst s25  }
0xa6: {  	s4 =	sshll.u32 s26, $0x1;
	_ =	strace $0x80000046;
	[dreg:$0x1] =	wrdreg $0xFFFFFFFF  }
0xa7: {  	s28 =	simm.s32 $_size_execute0_lowered;
	s2 =	sadd.s32 s2, s4;
	[dreg:$0x0] =	wrdreg $0x0  }
0xa8: {  	s4 =	sshll.u32 s28, $0x1;
	[dreg:$0x2] =	wrdreg s2  }
0xa9: {  	[dreg:$0x3] =	wrdreg s4  }
0xaa: {  	[dreg:$0x4] =	wrdreg $0xC0  }
0xab: {  	_ =	task [dreg:s6], $0x5FFFF  }
0xac: {  	[dreg:$0x1] =	wrdreg $0xFFFFFFFF  }
0xad: {  	[dreg:$0x0] =	wrdreg $0x60  }
0xae: {  	[dreg:$0x2] =	wrdreg s24  }
0xaf: {  	[dreg:$0x3] =	wrdreg $0x68000  }
0xb0: {  	[dreg:$0x4] =	wrdreg $0x9  }
0xb1: {  	_ =	task.clear_ibuf [dreg:s6], $0x5FFFF;
	_ =	strace $0x90000046  }
0xb2: {  	s29 =	simm.s32 $0x9;
	_ =	strace $0x80000048  }
0xb3: {  	_ =	swait.ge [sflag:s29], $0x1  }
0xb4: {  	[sflag:s29] =	ssyncadd.s32 $0xFFFFFFFF  }
0xb5: {  	_ =	strace $0x90000048  }
0xb6: {  	_ =	sfence  }
0xb7: {  	s30 =	sld [smem:$0x0];
	_ =	sdelay $0x2  }
0xb8: {  	s31 =	sshll.u32 s1, $0xD;
	s1 =	sshrl.u32 s1, $0x2  }
0xb9: {  	s3 =	sand.u32 $0x4000, s31;
	s1 =	sadd.s32 s1, s30  }
0xba: {  	s0 =	sor.u32 s3, s0;
	s1 =	sshll.u32 s1, $0x11  }
0xbb: {  	s0 =	sor.u32 s1, s0  }
0xbc: {  	s0 =	sadd.s32 $0x8F2B, s0  }
0xbd: {  	[sflag:s0] =	ssyncadd.remote.s32 $0x1  }
0xbe: {  	_ =	sfence.sel $0xFFFF  }
0xbf: {  	[dreg:$0x0] =	wrdreg $0xFFFFFFFF;
	(pc) =	sbr.abs _section_cstart, $3  }
0xc0: {  	[dreg:$0x1] =	wrdreg $0xFFFFFFFF  }
0xc1: {  	_ =	task.clear_ibuf [dreg:s6], $0x2FFFF;
	_ =	strace $0x9FFFFFFF  }
0xc2: {  	(tm) =	ssettm $0x7FFFFFFF  }
0xc3: {  	_ =	shalt  }
tec
execute0_lowered:
.L_overlay_start_1:
0x0: {  	(tag) =	ssettag $0x1  }
0x1: {  	s4 =	rddreg [dreg:$0x0]  }
0x2: {  	s1 =	rddreg [dreg:$0x1]  }
0x3: {  	s2 =	srdreg.scid;
	s0 =	rddreg [dreg:$0x2];
	s3 =	simm.s32 $0x0  }
0x4: {  	s12 =	simm.s32 $0x1;
	s13 =	simm.s32 $0x2800;
	s14 =	simm.s32 $0x80  }
0x5: {  	s17 =	simm.s32 $0x0;
	s5 =	sand.u32 $0x1, s2;
	s2 =	stileid.u32  }
0x6: {  	[smem:$0x7FF] =	sst s3;
	s6 =	sshll.u32 s5, $0x4;
	s7 =	smul.u32 $0x140000, s5  }
0x7: {  	s8 =	smul.u32 $0x14000, s2;
	_ =	strace $0x80000047;
	s5 =	ssub.s32 $0x2, s5  }
0x8: {  	s30 =	smul.u32 $0x50000, s2;
	s15 =	sshll.u32 s2, $0x6;
	s6 =	sor.u32 s2, s6  }
0x9: {  	s9 =	sshrl.u32 s5, $0x1;
	s15 =	sor.u32 $0x1C01, s15;
	s6 =	smul.u32 $0x600, s6  }
0xa: {  	s7 =	sadd.s32 s8, s7;
	s9 =	ssub.s32 s5, s9;
	s31 =	sshrl.u32 s30, $0x2  }
0xb: {  	s7 =	sshrl.u32 s7, $0x3;
	s5 =	sadd.s32 s31, s1;
	s6 =	sadd.s32 s6, s4  }
0xc: {  	s7 =	sadd.s32 s7, s4;
	s8 =	sadd.s32 $0x4000, s5;
	s10 =	sadd.s32 $0xC000, s5  }
0xd: {  	s11 =	sadd.s32 $0x10000, s5;
	s16 =	sshrl.u32 s5, $0x3;
	s4 =	sadd.s32 $0x2200, s6  }
0xe: {  	v0 =	vimm.f32 $0.0e+00;
	v1 =	vimm.f32 $1.000000000e+00;
	s6 =	sadd.s32 $0xE200, s7;
	s7 =	smax.u32 s9, $0x1;
	s9 =	sadd.s32 $0x8000, s5  }
.LBB2_1:
0xf: {  	[tilespmem:s3], [sflag:$0x1] =	stream.linear.gather [hbm4b:s4+s3], $0x2800, $0x38;
	[tilespmem:$0x9000] =	vst v63  }
0x10: {  	_ =	swait.ge [sflag:s12], $0x2800  }
0x11: {  	[sflag:s12] =	ssyncset.done $0x0  }
0x12: {  	s18 =	simm.s32 $0x200;
	s19 =	simm.s32 $0x0;
	[sflag:s12] =	ssyncadd.s32 $0xFFFFD800  }
.LBB2_2:
0x13: {  	p0 =	sne.s32 s18, $0xFE00;
	[tilespmem:s19+$0x2800] =	vst v0;
	s19 =	smov.u32 s18;
	s18 =	sadd.s32 $0x200, s18  }
.Ltmp0:
0x14: {  	(pc) =	sbr.rel @p0 .LBB2_2-.Ltmp0, $2  }
0x15: {  	_ =	sdelay $0x2  }
0x16: {  	s19 =	sshra.s32 s19, $0x2  }
0x17: {  	[tilespmem:s19+$0x2800] =	vst v0  }
0x18: {  	[spmem:s5] =	stream.linear.scatter [tilespmem:s13], [sflag:$0x1], $0x4000, $0x38;
	[tilespmem:$0x9000] =	vst v63  }
0x19: {  	_ =	swait.ge [sflag:s12], $0x4000  }
0x1a: {  	[sflag:s12] =	ssyncset.done $0x0  }
0x1b: {  	[sflag:s12] =	ssyncadd.s32 $0xFFFFC000  }
0x1c: {  	[spmem:s8] =	stream.linear.scatter [tilespmem:s13], [sflag:$0x1], $0x4000, $0x38;
	[tilespmem:$0x9000] =	vst v63  }
0x1d: {  	_ =	swait.ge [sflag:s12], $0x4000  }
0x1e: {  	[sflag:s12] =	ssyncset.done $0x0  }
0x1f: {  	[sflag:s12] =	ssyncadd.s32 $0xFFFFC000  }
0x20: {  	[spmem:s9] =	stream.linear.scatter [tilespmem:s13], [sflag:$0x1], $0x4000, $0x38;
	[tilespmem:$0x9000] =	vst v63  }
0x21: {  	_ =	swait.ge [sflag:s12], $0x4000  }
0x22: {  	[sflag:s12] =	ssyncset.done $0x0  }
0x23: {  	[sflag:s12] =	ssyncadd.s32 $0xFFFFC000  }
0x24: {  	[spmem:s10] =	stream.linear.scatter [tilespmem:s13], [sflag:$0x1], $0x4000, $0x38;
	[tilespmem:$0x9000] =	vst v63  }
0x25: {  	_ =	swait.ge [sflag:s12], $0x4000  }
0x26: {  	[sflag:s12] =	ssyncset.done $0x0  }
0x27: {  	[sflag:s12] =	ssyncadd.s32 $0xFFFFC000  }
0x28: {  	[spmem:s11] =	stream.linear.scatter [tilespmem:s13], [sflag:$0x1], $0x4000, $0x38;
	[tilespmem:$0x9000] =	vst v63  }
0x29: {  	_ =	swait.ge [sflag:s12], $0x4000  }
0x2a: {  	[sflag:s12] =	ssyncset.done $0x0  }
0x2b: {  	s18 =	simm.s32 $0x200;
	s19 =	simm.s32 $0x0;
	[sflag:s12] =	ssyncadd.s32 $0xFFFFC000  }
.LBB2_4:
0x2c: {  	p0 =	sne.s32 s18, $0xFE00;
	[tilespmem:s19+$0x2800] =	vst v1;
	s19 =	smov.u32 s18;
	s18 =	sadd.s32 $0x200, s18  }
.Ltmp1:
0x2d: {  	(pc) =	sbr.rel @p0 .LBB2_4-.Ltmp1, $2  }
0x2e: {  	_ =	sdelay $0x2  }
0x2f: {  	s19 =	sshra.s32 s19, $0x2  }
0x30: {  	[tilespmem:s19+$0x2800] =	vst v1  }
0x31: {  	s18 =	simm.s32 $0x0;
	[bflag:$0x0] =	sbarrier.arrive $0xFFFF  }
0x32: {  	[spmem:s1] =	stream.indirect.scatter.add.f32 [tilespmem:s13], [sflag:$0x1], $0x10, s18, s14, $0xb8;
	[tilespmem:$0x9000] =	vst v63  }
0x33: {  	_ =	swait.ge [sflag:s12], $0x800  }
0x34: {  	s18 =	simm.s32 $0x200;
	[sflag:s12] =	ssyncset.done $0x0  }
.LBB2_6:
0x35: {  	s19 =	sshra.s32 s18, $0x2;
	[sflag:s12] =	ssyncadd.s32 $0xFFFFF800;
	p0 =	sne.s32 s18, $0x9E00  }
0x36: {  	[spmem:s1] =	stream.indirect.scatter.add.f32 [tilespmem:s13], [sflag:$0x1], $0x10, s19, s14, $0xb8;
	[tilespmem:$0x9000] =	vst v63  }
.Ltmp2:
0x37: {  	_ = 	snop;
	(pc) =	sbr.rel @p0 .LBB2_6-.Ltmp2, $4  }
0x38: {  	_ = 	snop  }
0x39: {  	s18 =	sadd.s32 $0x200, s18  }
0x3a: {  	_ =	swait.ge [sflag:s12], $0x800  }
0x3b: {  	[sflag:s12] =	ssyncset.done $0x0  }
0x3c: {  	s17 =	sadd.s32 $0x1, s17  }
0x3d: {  	[sflag:s12] =	ssyncadd.s32 $0xFFFFF800;
	p0 =	sne.s32 s17, s7  }
.Ltmp3:
0x3e: {  	[bflag:$0x0] =	sbarrier.arrive $0xFFFF;
	(pc) =	sbr.rel @p0 .LBB2_1-.Ltmp3, $4  }
0x3f: {  	[hbm:s6], [sflag:s15] =	dma.local [spmem:s16], $0x2800  }
0x40: {  	_ =	swait.ge [sflag:s12], $0x2800  }
0x41: {  	[sflag:s12] =	ssyncset.done $0x0  }
0x42: {  	[sflag:s12] =	ssyncadd.s32 $0xFFFFD800  }
0x43: {  	_ =	sfence.sel $0x180000  }
0x44: {  	[bflag:$0x0] =	sbarrier.arrive $0xFFFF  }
0x45: {  	p0 =	sne.s32 s2, $0x0;
	_ =	strace $0x90000047  }
0x46: {  	s0 =	sadd.s32 @!p0 $0x100000, s0;
	[bflag:$0x2] =	sbarrier.arrive $0xFFFF  }
0x47: {  	[sflag:s0] =	ssyncadd.tile.s32 @!p0 $0x1;
	_ =	shalt  }
.Lfunc_end2:
_tile_overlayer_lowered:
.L_overlay_start_2:
0x48: {  	(tag) =	ssettag $0x2  }
0x49: {  	s0 =	rddreg [dreg:$0x0];
	s2 =	stileid.u32  }
0x4a: {  	s1 =	rddreg [dreg:$0x1];
	p0 =	sne.s32 s2, $0x0  }
0x4b: {  	s3 =	rddreg [dreg:$0x2];
	[bflag:$0x3] =	sbarrier.arrive $0xFFFF;
	s2 =	simm.s32 @!p0 $0x1C01  }
0x4c: {  	[timem:s3], [sflag:s2] =	dma.local @!p0 [hbm:s0], s1  }
0x4d: {  	s0 =	simm.s32 @!p0 $0x1  }
0x4e: {  	_ =	swait.ge @!p0 [sflag:s0], s1  }
0x4f: {  	s1 =	ssub.s32 @!p0 $0x0, s1;
	[sflag:s0] =	ssyncset.done @!p0 $0x0  }
0x50: {  	[sflag:s0] =	ssyncadd.s32 @!p0 s1  }
0x51: {  	[bflag:$0x3] =	sbarrier.arrive $0xFFFF  }
0x52: {  	_ =	shalt  }

</sc_bundles>
